<compile_context>
chip_gen: v7x
topology: tpu7x:2x2x1
jax: 0.10.2.dev20260603
libtpu: 0.0.44.dev20260713+nightly
codegen_flags: <defaults>
</compile_context>

<pallas_src>
import functools

import jax
import jax.numpy as jnp
from jax import lax
from jax.experimental import pallas as pl
from jax.experimental.pallas import tpu as pltpu
from jax.experimental.pallas import tpu_sc as plsc

N = 10000
E = 320000
D = 128

NC, NS = 2, 16
NW = NC * NS
K = 128
NCHUNK = 80
EPW = K * NCHUNK
EPAD = NW * EPW
NP = 10112
RPS = NP // NS
PAD_ROW = N
ZROWS = 64

_f32 = jnp.float32


NBUF = 3
NG = -(-NCHUNK // NBUF)
KA, KB = 138, 22



def _zero_accum(buf, accum, s):
    z16 = jnp.zeros((16,), _f32)

    def _zb(i, _):
        for j in range(8):
            buf[i, pl.ds(j * 16, 16)] = z16
        return 0
    lax.fori_loop(0, K, _zb, 0)

    def _za(i, _):
        pltpu.sync_copy(buf, accum.at[pl.ds(s * RPS + i * K, K)])
        return 0
    lax.fori_loop(0, RPS // K, _za, 0)
    pltpu.sync_copy(buf, accum.at[pl.ds(s * RPS + RPS - K, K)])


def _sc_agg_body(h_hbm, srcf, dstf, agg0, agg1,
                 sidx, didx, rows0, rows1, rows2, accum, sem0, sem1, sem2):
    c = lax.axis_index("c")
    s = lax.axis_index("s")
    nchunk = jnp.where(c == 0, KA, KB)
    base = jnp.where(c == 0, s * (KA * K), (NS * KA + s * KB) * K)
    rows = [rows0, rows1, rows2]
    sems = [sem0, sem1, sem2]

    _zero_accum(rows0, accum, s)
    plsc.subcore_barrier()

    def _ld(slot, j):
        off = pl.multiple_of(base + j * K, K)
        pltpu.sync_copy(srcf.at[pl.ds(off, K)], sidx.at[slot])
        pltpu.sync_copy(dstf.at[pl.ds(off, K)], didx.at[slot])

    def _gather(slot):
        pltpu.async_copy(h_hbm.at[sidx.at[slot]], rows[slot], sems[slot])

    def _gwait(slot):
        pltpu.make_async_copy(
            h_hbm.at[sidx.at[slot]], rows[slot], sems[slot]).wait()

    _ld(0, 0)
    _gather(0)
    _ld(1, 1)
    _gather(1)

    def _group(p, _):
        for b in range(NBUF):
            q = NBUF * p + b
            qn = q + 2
            nb = (b + 2) % NBUF

            @pl.when(qn < nchunk)
            def _():
                _ld(nb, qn)

            @pl.when(q < nchunk)
            def _():
                _gwait(b)

                @pl.when(qn < nchunk)
                def _():
                    _gather(nb)
                pltpu.sync_copy(rows[b], accum.at[didx.at[b]], add=True)
        return 0
    lax.fori_loop(0, (nchunk + NBUF - 1) // NBUF, _group, 0)

    plsc.subcore_barrier()

    @pl.when(c == 0)
    def _():
        pltpu.sync_copy(accum.at[pl.ds(s * RPS, RPS)],
                        agg0.at[pl.ds(s * RPS, RPS)])

    @pl.when(c == 1)
    def _():
        pltpu.sync_copy(accum.at[pl.ds(s * RPS, RPS)],
                        agg1.at[pl.ds(s * RPS, RPS)])


def _sc_deg_body(dstf, deg0, deg1, didx, ones, zbuf, accum):
    c = lax.axis_index("c")
    s = lax.axis_index("s")
    wid = s * NC + c
    base = wid * EPW

    o16 = jnp.ones((16,), _f32)

    def _fill(i, _):
        for j in range(8):
            ones[i, pl.ds(j * 16, 16)] = o16
        return 0
    lax.fori_loop(0, K, _fill, 0)

    _zero_accum(zbuf, accum, s)
    plsc.subcore_barrier()

    def _chunk(j, _):
        off = pl.multiple_of(base + j * K, K)
        pltpu.sync_copy(dstf.at[pl.ds(off, K)], didx.at[0])
        pltpu.sync_copy(ones, accum.at[didx.at[0]], add=True)
        return 0
    lax.fori_loop(0, NCHUNK, _chunk, 0)

    plsc.subcore_barrier()

    @pl.when(c == 0)
    def _():
        pltpu.sync_copy(accum.at[pl.ds(s * RPS, RPS)],
                        deg0.at[pl.ds(s * RPS, RPS)])

    @pl.when(c == 1)
    def _():
        pltpu.sync_copy(accum.at[pl.ds(s * RPS, RPS)],
                        deg1.at[pl.ds(s * RPS, RPS)])


@functools.lru_cache(maxsize=None)
def _make_sc_kernels():
    mesh = plsc.VectorSubcoreMesh(
        core_axis_name="c", subcore_axis_name="s",
        num_cores=NC, num_subcores=NS)
    agg = pl.kernel(
        _sc_agg_body,
        out_type=(jax.ShapeDtypeStruct((NP, D), _f32),
                  jax.ShapeDtypeStruct((NP, D), _f32)),
        mesh=mesh,
        scratch_types=(
            pltpu.VMEM((NBUF, K), jnp.int32),
            pltpu.VMEM((NBUF, K), jnp.int32),
            pltpu.VMEM((K, D), _f32),
            pltpu.VMEM((K, D), _f32),
            pltpu.VMEM((K, D), _f32),
            pltpu.VMEM_SHARED((NP, D), _f32),
            pltpu.SemaphoreType.DMA,
            pltpu.SemaphoreType.DMA,
            pltpu.SemaphoreType.DMA,
        ))
    deg = pl.kernel(
        _sc_deg_body,
        out_type=(jax.ShapeDtypeStruct((NP, D), _f32),
                  jax.ShapeDtypeStruct((NP, D), _f32)),
        mesh=mesh,
        scratch_types=(
            pltpu.VMEM((1, K), jnp.int32),
            pltpu.VMEM((K, D), _f32),
            pltpu.VMEM((K, D), _f32),
            pltpu.VMEM_SHARED((NP, D), _f32),
        ))
    return agg, deg


def _lrelu(z):
    return jnp.where(z > 0, z, 0.01 * z)


def _dotT(a, w):
    return lax.dot_general(a, w, (((1,), (1,)), ((), ())),
                           preferred_element_type=_f32)


def _tc_sage_body(a0, a1, d0, d1, h, wl, bl, wr, z, ssum, ssq):
    deg = jnp.clip(d0[...][:, :1] + d1[...][:, :1], 1.0, None)
    m = (a0[...] + a1[...]) / deg
    zb = _lrelu(_dotT(m, wl[...]) + bl[0:1, :] + _dotT(h[...], wr[...]))
    z[...] = zb
    sb = jnp.broadcast_to(jnp.sum(zb, 0, keepdims=True), (8, D))
    qb = jnp.broadcast_to(jnp.sum(zb * zb, 0, keepdims=True), (8, D))

    @pl.when(pl.program_id(0) == 0)
    def _():
        ssum[...] = sb
        ssq[...] = qb

    @pl.when(pl.program_id(0) != 0)
    def _():
        ssum[...] += sb
        ssq[...] += qb


def _tc_bn_body(z, ssum, ssq, g, be, out):
    mu = ssum[0:1, :] * (1.0 / N)
    var = ssq[0:1, :] * (1.0 / N) - mu * mu
    inv = g[0:1, :] * lax.rsqrt(var + 1e-5)
    out[...] = (z[...] - mu) * inv + be[0:1, :]


def _tc_final_body(a0, a1, d0, d1, h, wl, bl, wr, wfc, bfc, out):
    deg = jnp.clip(d0[...][:, :1] + d1[...][:, :1], 1.0, None)
    m = (a0[...] + a1[...]) / deg
    zb = _lrelu(_dotT(m, wl[...]) + bl[0:1, :] + _dotT(h[...], wr[...]))
    out[...] = _dotT(zb, wfc[...]) + bfc[0:1, :]


_B = 1000
_GRID = N // _B

_spec_rows = pl.BlockSpec((_B, D), lambda i: (i, 0))
_spec_deg = pl.BlockSpec((_B, D), lambda i: (i, 0))
_spec_w = pl.BlockSpec((D, D), lambda i: (0, 0))
_spec_b = pl.BlockSpec((8, D), lambda i: (0, 0))

_tc_sage = pl.pallas_call(
    _tc_sage_body,
    grid=(_GRID,),
    in_specs=[_spec_rows, _spec_rows, _spec_deg, _spec_deg, _spec_rows,
              _spec_w, _spec_b, _spec_w],
    out_specs=[_spec_rows, _spec_b, _spec_b],
    out_shape=[jax.ShapeDtypeStruct((N, D), _f32),
               jax.ShapeDtypeStruct((8, D), _f32),
               jax.ShapeDtypeStruct((8, D), _f32)],
)

_tc_bn = pl.pallas_call(
    _tc_bn_body,
    grid=(_GRID,),
    in_specs=[_spec_rows, _spec_b, _spec_b, _spec_b, _spec_b],
    out_specs=_spec_rows,
    out_shape=jax.ShapeDtypeStruct((N, D), _f32),
)

_tc_final = pl.pallas_call(
    _tc_final_body,
    grid=(_GRID,),
    in_specs=[_spec_rows, _spec_rows, _spec_deg, _spec_deg, _spec_rows,
              _spec_w, _spec_b, _spec_w, _spec_w, _spec_b],
    out_specs=_spec_rows,
    out_shape=jax.ShapeDtypeStruct((N, D), _f32),
)


def _b8(v):
    return jnp.broadcast_to(v.reshape(1, D), (8, D))


def kernel(x, edge_index, Wl1, bl1, Wr1, Wl2, bl2, Wr2, Wl3, bl3, Wr3,
           g1, be1, g2, be2, Wfc, bfc):
    src = edge_index[0].astype(jnp.int32)
    dst = edge_index[1].astype(jnp.int32)
    pad = EPAD - E
    srcf = jnp.concatenate([src, jnp.zeros((pad,), jnp.int32)])
    pad_dst = PAD_ROW + jnp.arange(pad, dtype=jnp.int32) % (NP - N)
    dstf = jnp.concatenate([dst, pad_dst])

    _sc_agg, _sc_deg = _make_sc_kernels()

    d0, d1 = _sc_deg(dstf)
    d0, d1 = d0[:N], d1[:N]

    a0, a1 = _sc_agg(x, srcf, dstf)
    z1, s1, q1 = _tc_sage(a0[:N], a1[:N], d0, d1, x, Wl1, _b8(bl1), Wr1)
    h1 = _tc_bn(z1, s1, q1, _b8(g1), _b8(be1))

    a0, a1 = _sc_agg(h1, srcf, dstf)
    z2, s2, q2 = _tc_sage(a0[:N], a1[:N], d0, d1, h1, Wl2, _b8(bl2), Wr2)
    h2 = _tc_bn(z2, s2, q2, _b8(g2), _b8(be2))

    a0, a1 = _sc_agg(h2, srcf, dstf)
    out = _tc_final(a0[:N], a1[:N], d0, d1, h2, Wl3, _b8(bl3), Wr3,
                    Wfc, _b8(bfc))
    return out

# --- scband reference (transcript-rebuilt; emitter-appended) ---
"""Pipeline reference for scband-gcn-70300024701664 (READ-ONLY COPY).

The authoritative reference and input builder live on the scoring server;
editing this copy changes nothing except your own understanding.
"""

import jax, jax.numpy as jnp
import numpy as np

N = 10000
E = 320000
D = 128

def setup_inputs(seed: int = 0) -> dict:
    key = jax.random.key(seed)
    ks = jax.random.split(key, 32)
    x = jax.random.normal(ks[0], (N, D), dtype=jnp.float32)
    edge_index = jax.random.randint(ks[1], (2, E), 0, N, dtype=jnp.int64)
    def w(k, shape):
        return jax.random.normal(k, shape, dtype=jnp.float32) * 0.05
    inp = {"x": x, "edge_index": edge_index}
    # 3 SAGEConv layers: lin_l (applied to aggregated neighbors, with bias) and lin_r (root)
    inp["Wl1"] = w(ks[2], (D, D)); inp["bl1"] = jnp.zeros((D,), jnp.float32); inp["Wr1"] = w(ks[3], (D, D))
    inp["Wl2"] = w(ks[4], (D, D)); inp["bl2"] = jnp.zeros((D,), jnp.float32); inp["Wr2"] = w(ks[5], (D, D))
    inp["Wl3"] = w(ks[6], (D, D)); inp["bl3"] = jnp.zeros((D,), jnp.float32); inp["Wr3"] = w(ks[7], (D, D))
    # 2 BatchNorm1d layers (affine params)
    inp["g1"] = jnp.ones((D,), jnp.float32); inp["be1"] = jnp.zeros((D,), jnp.float32)
    inp["g2"] = jnp.ones((D,), jnp.float32); inp["be2"] = jnp.zeros((D,), jnp.float32)
    # final Linear
    inp["Wfc"] = w(ks[8], (D, D)); inp["bfc"] = jnp.zeros((D,), jnp.float32)
    return inp

def _sage(x, src, dst, Wl, bl, Wr):
    msg = x[src]  # gather over edges
    agg = jax.ops.segment_sum(msg, dst, num_segments=N)
    deg = jax.ops.segment_sum(jnp.ones((src.shape[0],), jnp.float32), dst, num_segments=N)
    agg = agg / jnp.clip(deg, 1.0, None)[:, None]
    return agg @ Wl.T + bl + x @ Wr.T

def _bn(x, gamma, beta, eps=1e-5):
    mu = jnp.mean(x, axis=0)
    var = jnp.var(x, axis=0)
    return gamma * (x - mu) / jnp.sqrt(var + eps) + beta

def _lrelu(x):
    return jax.nn.leaky_relu(x, negative_slope=0.01)

def reference(x, edge_index, Wl1, bl1, Wr1, Wl2, bl2, Wr2, Wl3, bl3, Wr3, g1, be1, g2, be2, Wfc, bfc):
    src = edge_index[0]
    dst = edge_index[1]
    h = _sage(x, src, dst, Wl1, bl1, Wr1)
    h = _lrelu(h)
    h = _bn(h, g1, be1)
    h = _sage(h, src, dst, Wl2, bl2, Wr2)
    h = _lrelu(h)
    h = _bn(h, g2, be2)
    h = _sage(h, src, dst, Wl3, bl3, Wr3)
    h = _lrelu(h)
    out = h @ Wfc.T + bfc
    return out

if __name__ == "__main__":
    import jax
    _d = setup_inputs()
    print(jax.jit(kernel)(*tuple(_d.values())))

</pallas_src>

<mosaic_0001>
#map = affine_map<(d0, d1) -> (0, 0)>
#map1 = affine_map<(d0, d1) -> (0)>
module attributes {stable_mosaic.version = 14 : i64} {
  func.func @_sc_agg_body(%arg0: i32, %arg1: i32, %arg2: memref<10000x128xf32, #tpu.memory_space<hbm>>, %arg3: memref<327680xi32, #tpu.memory_space<hbm>>, %arg4: memref<327680xi32, #tpu.memory_space<hbm>>, %arg5: memref<10112x128xf32, #tpu.memory_space<hbm>>, %arg6: memref<10112x128xf32, #tpu.memory_space<hbm>>, %arg7: memref<3x128xi32, #tpu.memory_space<vmem>>, %arg8: memref<3x128xi32, #tpu.memory_space<vmem>>, %arg9: memref<128x128xf32, #tpu.memory_space<vmem>>, %arg10: memref<128x128xf32, #tpu.memory_space<vmem>>, %arg11: memref<128x128xf32, #tpu.memory_space<vmem>>, %arg12: memref<10112x128xf32, #tpu.memory_space<vmem_shared>>, %arg13: memref<!tpu.dma_semaphore, #tpu.memory_space<semaphore_mem>>, %arg14: memref<!tpu.dma_semaphore, #tpu.memory_space<semaphore_mem>>, %arg15: memref<!tpu.dma_semaphore, #tpu.memory_space<semaphore_mem>>) attributes {dimension_semantics = [#tpu.dimension_semantics<core_parallel>, #tpu.dimension_semantics<subcore_parallel>], iteration_bounds = array<i64: 2, 16>, scalar_prefetch = 0 : i64, scratch_operands = 9 : i64, tpu.core_type = #tpu.core_type<sc_vector_subcore>, window_params = [{transform_indices = #map}, {transform_indices = #map1}, {transform_indices = #map1}, {transform_indices = #map}, {transform_indices = #map}]} {
    %eq3A = arith.constant 0 : i32
    %eq3A_0 = arith.cmpi eq, %arg0, %eq3A : i32
    %jit3A = arith.constant 138 : i32
    %jit3A_1 = arith.constant 22 : i32
    %select_n3A = arith.select %eq3A_0, %jit3A, %jit3A_1 : i32
    %eq3A_2 = arith.constant 0 : i32
    %eq3A_3 = arith.cmpi eq, %arg0, %eq3A_2 : i32
    %mul3A = arith.constant 17664 : i32
    %mul3A_4 = arith.muli %arg1, %mul3A : i32
    %mul3A_5 = arith.constant 22 : i32
    %mul3A_6 = arith.muli %arg1, %mul3A_5 : i32
    %add3A = arith.constant 2208 : i32
    %add3A_7 = arith.addi %add3A, %mul3A_6 : i32
    %mul3A_8 = arith.constant 128 : i32
    %mul3A_9 = arith.muli %add3A_7, %mul3A_8 : i32
    %select_n3A_10 = arith.select %eq3A_3, %mul3A_4, %mul3A_9 : i32
    %broadcast_in_dim3A = arith.constant 0.000000e+00 : f32
    %broadcast_in_dim3A_11 = vector.broadcast %broadcast_in_dim3A : f32 to vector<16xf32>
    %scan3A = arith.constant 0 : i32
    %scan3A_12 = arith.constant 0 : i32
    %scan3A_13 = arith.constant 128 : i32
    %scan3A_14 = arith.addi %scan3A_12, %scan3A_13 : i32
    %scan3A_15 = arith.constant 1 : i32
    %scan3A_16 = scf.for %scan3A_94 = %scan3A_12 to %scan3A_14 step %scan3A_15 iter_args(%scan3A_95 = %scan3A) -> (i32)  : i32 {
      %swap3A = arith.index_cast %scan3A_94 : i32 to index
      %swap3A_96 = arith.constant 0 : index
      %swap3A_97 = tpu.vector_load %arg9[%swap3A, %swap3A_96] {strides = array<i32>} : memref<128x128xf32, #tpu.memory_space<vmem>>, vector<1x16xf32>,
      %swap3A_98 = vector.shape_cast %swap3A_97 : vector<1x16xf32> to vector<16xf32>
      %swap3A_99 = vector.shape_cast %broadcast_in_dim3A_11 : vector<16xf32> to vector<1x16xf32>
      tpu.vector_store %arg9[%swap3A, %swap3A_96], %swap3A_99 {strides = array<i32>} : memref<128x128xf32, #tpu.memory_space<vmem>>, vector<1x16xf32>,
      %swap3A_100 = arith.index_cast %scan3A_94 : i32 to index
      %swap3A_101 = arith.constant 16 : index
      %swap3A_102 = tpu.vector_load %arg9[%swap3A_100, %swap3A_101] {strides = array<i32>} : memref<128x128xf32, #tpu.memory_space<vmem>>, vector<1x16xf32>,
      %swap3A_103 = vector.shape_cast %swap3A_102 : vector<1x16xf32> to vector<16xf32>
      %swap3A_104 = vector.shape_cast %broadcast_in_dim3A_11 : vector<16xf32> to vector<1x16xf32>
      tpu.vector_store %arg9[%swap3A_100, %swap3A_101], %swap3A_104 {strides = array<i32>} : memref<128x128xf32, #tpu.memory_space<vmem>>, vector<1x16xf32>,
      %swap3A_105 = arith.index_cast %scan3A_94 : i32 to index
      %swap3A_106 = arith.constant 32 : index
      %swap3A_107 = tpu.vector_load %arg9[%swap3A_105, %swap3A_106] {strides = array<i32>} : memref<128x128xf32, #tpu.memory_space<vmem>>, vector<1x16xf32>,
      %swap3A_108 = vector.shape_cast %swap3A_107 : vector<1x16xf32> to vector<16xf32>
      %swap3A_109 = vector.shape_cast %broadcast_in_dim3A_11 : vector<16xf32> to vector<1x16xf32>
      tpu.vector_store %arg9[%swap3A_105, %swap3A_106], %swap3A_109 {strides = array<i32>} : memref<128x128xf32, #tpu.memory_space<vmem>>, vector<1x16xf32>,
      %swap3A_110 = arith.index_cast %scan3A_94 : i32 to index
      %swap3A_111 = arith.constant 48 : index
      %swap3A_112 = tpu.vector_load %arg9[%swap3A_110, %swap3A_111] {strides = array<i32>} : memref<128x128xf32, #tpu.memory_space<vmem>>, vector<1x16xf32>,
      %swap3A_113 = vector.shape_cast %swap3A_112 : vector<1x16xf32> to vector<16xf32>
      %swap3A_114 = vector.shape_cast %broadcast_in_dim3A_11 : vector<16xf32> to vector<1x16xf32>
      tpu.vector_store %arg9[%swap3A_110, %swap3A_111], %swap3A_114 {strides = array<i32>} : memref<128x128xf32, #tpu.memory_space<vmem>>, vector<1x16xf32>,
      %swap3A_115 = arith.index_cast %scan3A_94 : i32 to index
      %swap3A_116 = arith.constant 64 : index
      %swap3A_117 = tpu.vector_load %arg9[%swap3A_115, %swap3A_116] {strides = array<i32>} : memref<128x128xf32, #tpu.memory_space<vmem>>, vector<1x16xf32>,
      %swap3A_118 = vector.shape_cast %swap3A_117 : vector<1x16xf32> to vector<16xf32>
      %swap3A_119 = vector.shape_cast %broadcast_in_dim3A_11 : vector<16xf32> to vector<1x16xf32>
      tpu.vector_store %arg9[%swap3A_115, %swap3A_116], %swap3A_119 {strides = array<i32>} : memref<128x128xf32, #tpu.memory_space<vmem>>, vector<1x16xf32>,
      %swap3A_120 = arith.index_cast %scan3A_94 : i32 to index
      %swap3A_121 = arith.constant 80 : index
      %swap3A_122 = tpu.vector_load %arg9[%swap3A_120, %swap3A_121] {strides = array<i32>} : memref<128x128xf32, #tpu.memory_space<vmem>>, vector<1x16xf32>,
      %swap3A_123 = vector.shape_cast %swap3A_122 : vector<1x16xf32> to vector<16xf32>
      %swap3A_124 = vector.shape_cast %broadcast_in_dim3A_11 : vector<16xf32> to vector<1x16xf32>
      tpu.vector_store %arg9[%swap3A_120, %swap3A_121], %swap3A_124 {strides = array<i32>} : memref<128x128xf32, #tpu.memory_space<vmem>>, vector<1x16xf32>,
      %swap3A_125 = arith.index_cast %scan3A_94 : i32 to index
      %swap3A_126 = arith.constant 96 : index
      %swap3A_127 = tpu.vector_load %arg9[%swap3A_125, %swap3A_126] {strides = array<i32>} : memref<128x128xf32, #tpu.memory_space<vmem>>, vector<1x16xf32>,
      %swap3A_128 = vector.shape_cast %swap3A_127 : vector<1x16xf32> to vector<16xf32>
      %swap3A_129 = vector.shape_cast %broadcast_in_dim3A_11 : vector<16xf32> to vector<1x16xf32>
      tpu.vector_store %arg9[%swap3A_125, %swap3A_126], %swap3A_129 {strides = array<i32>} : memref<128x128xf32, #tpu.memory_space<vmem>>, vector<1x16xf32>,
      %swap3A_130 = arith.index_cast %scan3A_94 : i32 to index
      %swap3A_131 = arith.constant 112 : index
      %swap3A_132 = tpu.vector_load %arg9[%swap3A_130, %swap3A_131] {strides = array<i32>} : memref<128x128xf32, #tpu.memory_space<vmem>>, vector<1x16xf32>,
      %swap3A_133 = vector.shape_cast %swap3A_132 : vector<1x16xf32> to vector<16xf32>
      %swap3A_134 = vector.shape_cast %broadcast_in_dim3A_11 : vector<16xf32> to vector<1x16xf32>
      tpu.vector_store %arg9[%swap3A_130, %swap3A_131], %swap3A_134 {strides = array<i32>} : memref<128x128xf32, #tpu.memory_space<vmem>>, vector<1x16xf32>,
      %scan3A_135 = arith.constant 0 : i32
      scf.yield %scan3A_135 : i32
    }
    %scan3A_17 = arith.constant 128 : i32
    %scan3A_18 = arith.constant 0 : i32
    %scan3A_19 = arith.constant 0 : i32
    %scan3A_20 = arith.constant 4 : i32
    %scan3A_21 = arith.addi %scan3A_19, %scan3A_20 : i32
    %scan3A_22 = arith.constant 1 : i32
    %scan3A_23 = scf.for %scan3A_94 = %scan3A_19 to %scan3A_21 step %scan3A_22 iter_args(%scan3A_95 = %scan3A_18) -> (i32)  : i32 {
      %mul3A_96 = arith.constant 632 : i32
      %mul3A_97 = arith.muli %arg1, %mul3A_96 : i32
      %mul3A_98 = arith.constant 128 : i32
      %mul3A_99 = arith.muli %scan3A_94, %mul3A_98 : i32
      %add3A_100 = arith.addi %mul3A_97, %mul3A_99 : i32
      "tpu.region"() ({
        %run_scoped3A_102 = tpu.sem_alloc : memref<!tpu.dma_semaphore, #tpu.memory_space<semaphore_mem>>
        %dma_start3A_103 = arith.constant 0 : i32
        %dma_start3A_104 = tpu.memref_slice %arg12[%add3A_100, %dma_start3A_103] : memref<10112x128xf32, #tpu.memory_space<vmem_shared>> -> memref<128x128xf32, #tpu.memory_space<vmem_shared>>
        %dma_start3A_105 = arith.constant 0 : i32
        %dma_start3A_106 = tpu.memref_slice %arg12[%add3A_100, %dma_start3A_105] : memref<10112x128xf32, #tpu.memory_space<vmem_shared>> -> memref<128x128xf32, #tpu.memory_space<vmem_shared>>
        tpu.enqueue_dma source(%arg9 : memref<128x128xf32, #tpu.memory_space<vmem>>) target(%dma_start3A_106 : memref<128x128xf32, #tpu.memory_space<vmem_shared>>) target_semaphore(%run_scoped3A_102 : memref<!tpu.dma_semaphore, #tpu.memory_space<semaphore_mem>>)
        %dma_wait3A = arith.constant 0 : i32
        %dma_wait3A_107 = tpu.memref_slice %arg12[%add3A_100, %dma_wait3A] : memref<10112x128xf32, #tpu.memory_space<vmem_shared>> -> memref<128x128xf32, #tpu.memory_space<vmem_shared>>
        %dma_wait3A_108 = arith.constant 0 : i32
        %dma_wait3A_109 = tpu.memref_slice %arg12[%add3A_100, %dma_wait3A_108] : memref<10112x128xf32, #tpu.memory_space<vmem_shared>> -> memref<128x128xf32, #tpu.memory_space<vmem_shared>>
        tpu.wait_dma2 semaphore(%run_scoped3A_102 : memref<!tpu.dma_semaphore, #tpu.memory_space<semaphore_mem>>) src(%arg9 : memref<128x128xf32, #tpu.memory_space<vmem>>) dst(%dma_wait3A_109 : memref<128x128xf32, #tpu.memory_space<vmem_shared>>)
        tpu.yield
      }) : () -> ()
      %scan3A_101 = arith.constant 0 : i32
      scf.yield %scan3A_101 : i32
    }
    %scan3A_24 = arith.constant 4 : i32
    %mul3A_25 = arith.constant 632 : i32
    %mul3A_26 = arith.muli %arg1, %mul3A_25 : i32
    %add3A_27 = arith.constant 632 : i32
    %add3A_28 = arith.addi %mul3A_26, %add3A_27 : i32
    %sub3A = arith.constant 128 : i32
    %sub3A_29 = arith.subi %add3A_28, %sub3A : i32
    "tpu.region"() ({
      %run_scoped3A_94 = tpu.sem_alloc : memref<!tpu.dma_semaphore, #tpu.memory_space<semaphore_mem>>
      %dma_start3A_95 = arith.constant 0 : i32
      %dma_start3A_96 = tpu.memref_slice %arg12[%sub3A_29, %dma_start3A_95] : memref<10112x128xf32, #tpu.memory_space<vmem_shared>> -> memref<128x128xf32, #tpu.memory_space<vmem_shared>>
      %dma_start3A_97 = arith.constant 0 : i32
      %dma_start3A_98 = tpu.memref_slice %arg12[%sub3A_29, %dma_start3A_97] : memref<10112x128xf32, #tpu.memory_space<vmem_shared>> -> memref<128x128xf32, #tpu.memory_space<vmem_shared>>
      tpu.enqueue_dma source(%arg9 : memref<128x128xf32, #tpu.memory_space<vmem>>) target(%dma_start3A_98 : memref<128x128xf32, #tpu.memory_space<vmem_shared>>) target_semaphore(%run_scoped3A_94 : memref<!tpu.dma_semaphore, #tpu.memory_space<semaphore_mem>>)
      %dma_wait3A = arith.constant 0 : i32
      %dma_wait3A_99 = tpu.memref_slice %arg12[%sub3A_29, %dma_wait3A] : memref<10112x128xf32, #tpu.memory_space<vmem_shared>> -> memref<128x128xf32, #tpu.memory_space<vmem_shared>>
      %dma_wait3A_100 = arith.constant 0 : i32
      %dma_wait3A_101 = tpu.memref_slice %arg12[%sub3A_29, %dma_wait3A_100] : memref<10112x128xf32, #tpu.memory_space<vmem_shared>> -> memref<128x128xf32, #tpu.memory_space<vmem_shared>>
      tpu.wait_dma2 semaphore(%run_scoped3A_94 : memref<!tpu.dma_semaphore, #tpu.memory_space<semaphore_mem>>) src(%arg9 : memref<128x128xf32, #tpu.memory_space<vmem>>) dst(%dma_wait3A_101 : memref<128x128xf32, #tpu.memory_space<vmem_shared>>)
      tpu.yield
    }) : () -> ()
    %barrier3A = arith.constant 0 : index
    tpu.barrier barrier_id(%barrier3A)
    %add3A_30 = arith.constant 0 : i32
    %add3A_31 = arith.addi %select_n3A_10, %add3A_30 : i32
    %multiple_of3A = tpu.assume_multiple %add3A_31, 128 : i32
    %run_scoped3A = arith.constant 0 : i32
    "tpu.region"() ({
      %run_scoped3A_94 = tpu.sem_alloc : memref<!tpu.dma_semaphore, #tpu.memory_space<semaphore_mem>>
      %dma_start3A_95 = arith.constant 0 : i32
      %dma_start3A_96 = tpu.memref_slice %arg7[%run_scoped3A, %dma_start3A_95] : memref<3x128xi32, #tpu.memory_space<vmem>> -> memref<1x128xi32, #tpu.memory_space<vmem>>
      %dma_start3A_97 = tpu.memref_squeeze %dma_start3A_96 : memref<1x128xi32, #tpu.memory_space<vmem>> -> memref<128xi32, #tpu.memory_space<vmem>>
      %dma_start3A_98 = tpu.memref_slice %arg3[%multiple_of3A] : memref<327680xi32, #tpu.memory_space<hbm>> -> memref<128xi32, #tpu.memory_space<hbm>>
      %dma_start3A_99 = arith.constant 0 : i32
      %dma_start3A_100 = tpu.memref_slice %arg7[%run_scoped3A, %dma_start3A_99] : memref<3x128xi32, #tpu.memory_space<vmem>> -> memref<1x128xi32, #tpu.memory_space<vmem>>
      %dma_start3A_101 = tpu.memref_squeeze %dma_start3A_100 : memref<1x128xi32, #tpu.memory_space<vmem>> -> memref<128xi32, #tpu.memory_space<vmem>>
      %dma_start3A_102 = tpu.memref_slice %arg3[%multiple_of3A] : memref<327680xi32, #tpu.memory_space<hbm>> -> memref<128xi32, #tpu.memory_space<hbm>>
      tpu.enqueue_dma source(%dma_start3A_102 : memref<128xi32, #tpu.memory_space<hbm>>) target(%dma_start3A_101 : memref<128xi32, #tpu.memory_space<vmem>>) target_semaphore(%run_scoped3A_94 : memref<!tpu.dma_semaphore, #tpu.memory_space<semaphore_mem>>)
      %dma_wait3A = arith.constant 0 : i32
      %dma_wait3A_103 = tpu.memref_slice %arg7[%run_scoped3A, %dma_wait3A] : memref<3x128xi32, #tpu.memory_space<vmem>> -> memref<1x128xi32, #tpu.memory_space<vmem>>
      %dma_wait3A_104 = tpu.memref_squeeze %dma_wait3A_103 : memref<1x128xi32, #tpu.memory_space<vmem>> -> memref<128xi32, #tpu.memory_space<vmem>>
      %dma_wait3A_105 = tpu.memref_slice %arg3[%multiple_of3A] : memref<327680xi32, #tpu.memory_space<hbm>> -> memref<128xi32, #tpu.memory_space<hbm>>
      %dma_wait3A_106 = arith.constant 0 : i32
      %dma_wait3A_107 = tpu.memref_slice %arg7[%run_scoped3A, %dma_wait3A_106] : memref<3x128xi32, #tpu.memory_space<vmem>> -> memref<1x128xi32, #tpu.memory_space<vmem>>
      %dma_wait3A_108 = tpu.memref_squeeze %dma_wait3A_107 : memref<1x128xi32, #tpu.memory_space<vmem>> -> memref<128xi32, #tpu.memory_space<vmem>>
      %dma_wait3A_109 = tpu.memref_slice %arg3[%multiple_of3A] : memref<327680xi32, #tpu.memory_space<hbm>> -> memref<128xi32, #tpu.memory_space<hbm>>
      tpu.wait_dma2 semaphore(%run_scoped3A_94 : memref<!tpu.dma_semaphore, #tpu.memory_space<semaphore_mem>>) src(%dma_wait3A_109 : memref<128xi32, #tpu.memory_space<hbm>>) dst(%dma_wait3A_108 : memref<128xi32, #tpu.memory_space<vmem>>)
      tpu.yield
    }) : () -> ()
    %run_scoped3A_32 = arith.constant 0 : i32
    "tpu.region"() ({
      %run_scoped3A_94 = tpu.sem_alloc : memref<!tpu.dma_semaphore, #tpu.memory_space<semaphore_mem>>
      %dma_start3A_95 = arith.constant 0 : i32
      %dma_start3A_96 = tpu.memref_slice %arg8[%run_scoped3A_32, %dma_start3A_95] : memref<3x128xi32, #tpu.memory_space<vmem>> -> memref<1x128xi32, #tpu.memory_space<vmem>>
      %dma_start3A_97 = tpu.memref_squeeze %dma_start3A_96 : memref<1x128xi32, #tpu.memory_space<vmem>> -> memref<128xi32, #tpu.memory_space<vmem>>
      %dma_start3A_98 = tpu.memref_slice %arg4[%multiple_of3A] : memref<327680xi32, #tpu.memory_space<hbm>> -> memref<128xi32, #tpu.memory_space<hbm>>
      %dma_start3A_99 = arith.constant 0 : i32
      %dma_start3A_100 = tpu.memref_slice %arg8[%run_scoped3A_32, %dma_start3A_99] : memref<3x128xi32, #tpu.memory_space<vmem>> -> memref<1x128xi32, #tpu.memory_space<vmem>>
      %dma_start3A_101 = tpu.memref_squeeze %dma_start3A_100 : memref<1x128xi32, #tpu.memory_space<vmem>> -> memref<128xi32, #tpu.memory_space<vmem>>
      %dma_start3A_102 = tpu.memref_slice %arg4[%multiple_of3A] : memref<327680xi32, #tpu.memory_space<hbm>> -> memref<128xi32, #tpu.memory_space<hbm>>
      tpu.enqueue_dma source(%dma_start3A_102 : memref<128xi32, #tpu.memory_space<hbm>>) target(%dma_start3A_101 : memref<128xi32, #tpu.memory_space<vmem>>) target_semaphore(%run_scoped3A_94 : memref<!tpu.dma_semaphore, #tpu.memory_space<semaphore_mem>>)
      %dma_wait3A = arith.constant 0 : i32
      %dma_wait3A_103 = tpu.memref_slice %arg8[%run_scoped3A_32, %dma_wait3A] : memref<3x128xi32, #tpu.memory_space<vmem>> -> memref<1x128xi32, #tpu.memory_space<vmem>>
      %dma_wait3A_104 = tpu.memref_squeeze %dma_wait3A_103 : memref<1x128xi32, #tpu.memory_space<vmem>> -> memref<128xi32, #tpu.memory_space<vmem>>
      %dma_wait3A_105 = tpu.memref_slice %arg4[%multiple_of3A] : memref<327680xi32, #tpu.memory_space<hbm>> -> memref<128xi32, #tpu.memory_space<hbm>>
      %dma_wait3A_106 = arith.constant 0 : i32
      %dma_wait3A_107 = tpu.memref_slice %arg8[%run_scoped3A_32, %dma_wait3A_106] : memref<3x128xi32, #tpu.memory_space<vmem>> -> memref<1x128xi32, #tpu.memory_space<vmem>>
      %dma_wait3A_108 = tpu.memref_squeeze %dma_wait3A_107 : memref<1x128xi32, #tpu.memory_space<vmem>> -> memref<128xi32, #tpu.memory_space<vmem>>
      %dma_wait3A_109 = tpu.memref_slice %arg4[%multiple_of3A] : memref<327680xi32, #tpu.memory_space<hbm>> -> memref<128xi32, #tpu.memory_space<hbm>>
      tpu.wait_dma2 semaphore(%run_scoped3A_94 : memref<!tpu.dma_semaphore, #tpu.memory_space<semaphore_mem>>) src(%dma_wait3A_109 : memref<128xi32, #tpu.memory_space<hbm>>) dst(%dma_wait3A_108 : memref<128xi32, #tpu.memory_space<vmem>>)
      tpu.yield
    }) : () -> ()
    %dma_start3A = arith.constant 0 : i32
    %dma_start3A_33 = arith.constant 0 : i32
    %dma_start3A_34 = tpu.memref_slice %arg7[%dma_start3A, %dma_start3A_33] : memref<3x128xi32, #tpu.memory_space<vmem>> -> memref<1x128xi32, #tpu.memory_space<vmem>>
    %dma_start3A_35 = tpu.memref_squeeze %dma_start3A_34 : memref<1x128xi32, #tpu.memory_space<vmem>> -> memref<128xi32, #tpu.memory_space<vmem>>
    %dma_start3A_36 = arith.constant 0 : i32
    %dma_start3A_37 = arith.constant 0 : i32
    %dma_start3A_38 = tpu.memref_slice %arg2[%dma_start3A_36, %dma_start3A_37] : memref<10000x128xf32, #tpu.memory_space<hbm>> -> memref<10000x128xf32, #tpu.memory_space<hbm>>
    tpu.enqueue_indirect_dma source(%dma_start3A_38 : memref<10000x128xf32, #tpu.memory_space<hbm>>) target(%arg9 : memref<128x128xf32, #tpu.memory_space<vmem>>) offsets(%dma_start3A_35 : memref<128xi32, #tpu.memory_space<vmem>>) semaphore(%arg13 : memref<!tpu.dma_semaphore, #tpu.memory_space<semaphore_mem>>)
    %add3A_39 = arith.constant 128 : i32
    %add3A_40 = arith.addi %select_n3A_10, %add3A_39 : i32
    %multiple_of3A_41 = tpu.assume_multiple %add3A_40, 128 : i32
    %run_scoped3A_42 = arith.constant 1 : i32
    "tpu.region"() ({
      %run_scoped3A_94 = tpu.sem_alloc : memref<!tpu.dma_semaphore, #tpu.memory_space<semaphore_mem>>
      %dma_start3A_95 = arith.constant 0 : i32
      %dma_start3A_96 = tpu.memref_slice %arg7[%run_scoped3A_42, %dma_start3A_95] : memref<3x128xi32, #tpu.memory_space<vmem>> -> memref<1x128xi32, #tpu.memory_space<vmem>>
      %dma_start3A_97 = tpu.memref_squeeze %dma_start3A_96 : memref<1x128xi32, #tpu.memory_space<vmem>> -> memref<128xi32, #tpu.memory_space<vmem>>
      %dma_start3A_98 = tpu.memref_slice %arg3[%multiple_of3A_41] : memref<327680xi32, #tpu.memory_space<hbm>> -> memref<128xi32, #tpu.memory_space<hbm>>
      %dma_start3A_99 = arith.constant 0 : i32
      %dma_start3A_100 = tpu.memref_slice %arg7[%run_scoped3A_42, %dma_start3A_99] : memref<3x128xi32, #tpu.memory_space<vmem>> -> memref<1x128xi32, #tpu.memory_space<vmem>>
      %dma_start3A_101 = tpu.memref_squeeze %dma_start3A_100 : memref<1x128xi32, #tpu.memory_space<vmem>> -> memref<128xi32, #tpu.memory_space<vmem>>
      %dma_start3A_102 = tpu.memref_slice %arg3[%multiple_of3A_41] : memref<327680xi32, #tpu.memory_space<hbm>> -> memref<128xi32, #tpu.memory_space<hbm>>
      tpu.enqueue_dma source(%dma_start3A_102 : memref<128xi32, #tpu.memory_space<hbm>>) target(%dma_start3A_101 : memref<128xi32, #tpu.memory_space<vmem>>) target_semaphore(%run_scoped3A_94 : memref<!tpu.dma_semaphore, #tpu.memory_space<semaphore_mem>>)
      %dma_wait3A = arith.constant 0 : i32
      %dma_wait3A_103 = tpu.memref_slice %arg7[%run_scoped3A_42, %dma_wait3A] : memref<3x128xi32, #tpu.memory_space<vmem>> -> memref<1x128xi32, #tpu.memory_space<vmem>>
      %dma_wait3A_104 = tpu.memref_squeeze %dma_wait3A_103 : memref<1x128xi32, #tpu.memory_space<vmem>> -> memref<128xi32, #tpu.memory_space<vmem>>
      %dma_wait3A_105 = tpu.memref_slice %arg3[%multiple_of3A_41] : memref<327680xi32, #tpu.memory_space<hbm>> -> memref<128xi32, #tpu.memory_space<hbm>>
      %dma_wait3A_106 = arith.constant 0 : i32
      %dma_wait3A_107 = tpu.memref_slice %arg7[%run_scoped3A_42, %dma_wait3A_106] : memref<3x128xi32, #tpu.memory_space<vmem>> -> memref<1x128xi32, #tpu.memory_space<vmem>>
      %dma_wait3A_108 = tpu.memref_squeeze %dma_wait3A_107 : memref<1x128xi32, #tpu.memory_space<vmem>> -> memref<128xi32, #tpu.memory_space<vmem>>
      %dma_wait3A_109 = tpu.memref_slice %arg3[%multiple_of3A_41] : memref<327680xi32, #tpu.memory_space<hbm>> -> memref<128xi32, #tpu.memory_space<hbm>>
      tpu.wait_dma2 semaphore(%run_scoped3A_94 : memref<!tpu.dma_semaphore, #tpu.memory_space<semaphore_mem>>) src(%dma_wait3A_109 : memref<128xi32, #tpu.memory_space<hbm>>) dst(%dma_wait3A_108 : memref<128xi32, #tpu.memory_space<vmem>>)
      tpu.yield
    }) : () -> ()
    %run_scoped3A_43 = arith.constant 1 : i32
    "tpu.region"() ({
      %run_scoped3A_94 = tpu.sem_alloc : memref<!tpu.dma_semaphore, #tpu.memory_space<semaphore_mem>>
      %dma_start3A_95 = arith.constant 0 : i32
      %dma_start3A_96 = tpu.memref_slice %arg8[%run_scoped3A_43, %dma_start3A_95] : memref<3x128xi32, #tpu.memory_space<vmem>> -> memref<1x128xi32, #tpu.memory_space<vmem>>
      %dma_start3A_97 = tpu.memref_squeeze %dma_start3A_96 : memref<1x128xi32, #tpu.memory_space<vmem>> -> memref<128xi32, #tpu.memory_space<vmem>>
      %dma_start3A_98 = tpu.memref_slice %arg4[%multiple_of3A_41] : memref<327680xi32, #tpu.memory_space<hbm>> -> memref<128xi32, #tpu.memory_space<hbm>>
      %dma_start3A_99 = arith.constant 0 : i32
      %dma_start3A_100 = tpu.memref_slice %arg8[%run_scoped3A_43, %dma_start3A_99] : memref<3x128xi32, #tpu.memory_space<vmem>> -> memref<1x128xi32, #tpu.memory_space<vmem>>
      %dma_start3A_101 = tpu.memref_squeeze %dma_start3A_100 : memref<1x128xi32, #tpu.memory_space<vmem>> -> memref<128xi32, #tpu.memory_space<vmem>>
      %dma_start3A_102 = tpu.memref_slice %arg4[%multiple_of3A_41] : memref<327680xi32, #tpu.memory_space<hbm>> -> memref<128xi32, #tpu.memory_space<hbm>>
      tpu.enqueue_dma source(%dma_start3A_102 : memref<128xi32, #tpu.memory_space<hbm>>) target(%dma_start3A_101 : memref<128xi32, #tpu.memory_space<vmem>>) target_semaphore(%run_scoped3A_94 : memref<!tpu.dma_semaphore, #tpu.memory_space<semaphore_mem>>)
      %dma_wait3A = arith.constant 0 : i32
      %dma_wait3A_103 = tpu.memref_slice %arg8[%run_scoped3A_43, %dma_wait3A] : memref<3x128xi32, #tpu.memory_space<vmem>> -> memref<1x128xi32, #tpu.memory_space<vmem>>
      %dma_wait3A_104 = tpu.memref_squeeze %dma_wait3A_103 : memref<1x128xi32, #tpu.memory_space<vmem>> -> memref<128xi32, #tpu.memory_space<vmem>>
      %dma_wait3A_105 = tpu.memref_slice %arg4[%multiple_of3A_41] : memref<327680xi32, #tpu.memory_space<hbm>> -> memref<128xi32, #tpu.memory_space<hbm>>
      %dma_wait3A_106 = arith.constant 0 : i32
      %dma_wait3A_107 = tpu.memref_slice %arg8[%run_scoped3A_43, %dma_wait3A_106] : memref<3x128xi32, #tpu.memory_space<vmem>> -> memref<1x128xi32, #tpu.memory_space<vmem>>
      %dma_wait3A_108 = tpu.memref_squeeze %dma_wait3A_107 : memref<1x128xi32, #tpu.memory_space<vmem>> -> memref<128xi32, #tpu.memory_space<vmem>>
      %dma_wait3A_109 = tpu.memref_slice %arg4[%multiple_of3A_41] : memref<327680xi32, #tpu.memory_space<hbm>> -> memref<128xi32, #tpu.memory_space<hbm>>
      tpu.wait_dma2 semaphore(%run_scoped3A_94 : memref<!tpu.dma_semaphore, #tpu.memory_space<semaphore_mem>>) src(%dma_wait3A_109 : memref<128xi32, #tpu.memory_space<hbm>>) dst(%dma_wait3A_108 : memref<128xi32, #tpu.memory_space<vmem>>)
      tpu.yield
    }) : () -> ()
    %dma_start3A_44 = arith.constant 1 : i32
    %dma_start3A_45 = arith.constant 0 : i32
    %dma_start3A_46 = tpu.memref_slice %arg7[%dma_start3A_44, %dma_start3A_45] : memref<3x128xi32, #tpu.memory_space<vmem>> -> memref<1x128xi32, #tpu.memory_space<vmem>>
    %dma_start3A_47 = tpu.memref_squeeze %dma_start3A_46 : memref<1x128xi32, #tpu.memory_space<vmem>> -> memref<128xi32, #tpu.memory_space<vmem>>
    %dma_start3A_48 = arith.constant 0 : i32
    %dma_start3A_49 = arith.constant 0 : i32
    %dma_start3A_50 = tpu.memref_slice %arg2[%dma_start3A_48, %dma_start3A_49] : memref<10000x128xf32, #tpu.memory_space<hbm>> -> memref<10000x128xf32, #tpu.memory_space<hbm>>
    tpu.enqueue_indirect_dma source(%dma_start3A_50 : memref<10000x128xf32, #tpu.memory_space<hbm>>) target(%arg10 : memref<128x128xf32, #tpu.memory_space<vmem>>) offsets(%dma_start3A_47 : memref<128xi32, #tpu.memory_space<vmem>>) semaphore(%arg14 : memref<!tpu.dma_semaphore, #tpu.memory_space<semaphore_mem>>)
    %add3A_51 = arith.constant 3 : i32
    %add3A_52 = arith.addi %select_n3A, %add3A_51 : i32
    %sub3A_53 = arith.constant 1 : i32
    %sub3A_54 = arith.subi %add3A_52, %sub3A_53 : i32
    %jit3A_55 = arith.constant 3 : i32
    %div3A = arith.divsi %sub3A_54, %jit3A_55 : i32
    %sign3A = arith.constant 0 : i32
    %sign3A_56 = arith.cmpi sgt, %sub3A_54, %sign3A : i32
    %sign3A_57 = arith.extui %sign3A_56 : i1 to i32
    %sign3A_58 = arith.constant 0 : i32
    %sign3A_59 = arith.cmpi slt, %sub3A_54, %sign3A_58 : i32
    %sign3A_60 = arith.extui %sign3A_59 : i1 to i32
    %sign3A_61 = arith.subi %sign3A_57, %sign3A_60 : i32
    %sign3A_62 = arith.constant 0 : i32
    %sign3A_63 = arith.cmpi sgt, %jit3A_55, %sign3A_62 : i32
    %sign3A_64 = arith.extui %sign3A_63 : i1 to i32
    %sign3A_65 = arith.constant 0 : i32
    %sign3A_66 = arith.cmpi slt, %jit3A_55, %sign3A_65 : i32
    %sign3A_67 = arith.extui %sign3A_66 : i1 to i32
    %sign3A_68 = arith.subi %sign3A_64, %sign3A_67 : i32
    %ne3A = arith.cmpi ne, %sign3A_61, %sign3A_68 : i32
    %rem3A = arith.remsi %sub3A_54, %jit3A_55 : i32
    %ne3A_69 = arith.constant 0 : i32
    %ne3A_70 = arith.cmpi ne, %rem3A, %ne3A_69 : i32
    %and3A = arith.andi %ne3A, %ne3A_70 : i1
    %sub3A_71 = arith.constant 1 : i32
    %sub3A_72 = arith.subi %div3A, %sub3A_71 : i32
    %select_n3A_73 = arith.select %and3A, %sub3A_72, %div3A : i32
    %while3A = arith.constant 0 : i32
    %while3A_74 = arith.constant 0 : i32
    %while3A_75 = arith.subi %select_n3A_73, %while3A : i32
    %while3A_76 = arith.addi %while3A, %while3A_75 : i32
    %while3A_77 = arith.constant 1 : i32
    %while3A_78 = arith.divsi %while3A_75, %while3A_77 : i32
    %while3A_79 = arith.muli %while3A_78, %while3A_77 : i32
    %while3A_80 = arith.addi %while3A, %while3A_79 : i32
    %while3A_81 = arith.constant 1 : i32
    %while3A_82 = scf.for %while3A_94 = %while3A to %while3A_80 step %while3A_81 iter_args(%while3A_95 = %while3A_74) -> (i32)  : i32 {
      %mul3A_96 = arith.constant 3 : i32
      %mul3A_97 = arith.muli %mul3A_96, %while3A_94 : i32
      %add3A_98 = arith.constant 0 : i32
      %add3A_99 = arith.addi %mul3A_97, %add3A_98 : i32
      %add3A_100 = arith.constant 2 : i32
      %add3A_101 = arith.addi %add3A_99, %add3A_100 : i32
      %lt3A = arith.cmpi slt, %add3A_101, %select_n3A : i32
      %convert_element_type3A_102 = arith.extui %lt3A : i1 to i32
      %cond3A_103 = arith.constant 0 : i32
      %cond3A_104 = arith.cmpi ne, %convert_element_type3A_102, %cond3A_103 : i32
      scf.if %cond3A_104 {
        %mul3A_138 = arith.constant 128 : i32
        %mul3A_139 = arith.muli %add3A_101, %mul3A_138 : i32
        %add3A_140 = arith.addi %select_n3A_10, %mul3A_139 : i32
        %multiple_of3A_141 = tpu.assume_multiple %add3A_140, 128 : i32
        %run_scoped3A_142 = arith.constant 2 : i32
        "tpu.region"() ({
          %run_scoped3A_144 = tpu.sem_alloc : memref<!tpu.dma_semaphore, #tpu.memory_space<semaphore_mem>>
          %dma_start3A_145 = arith.constant 0 : i32
          %dma_start3A_146 = tpu.memref_slice %arg7[%run_scoped3A_142, %dma_start3A_145] : memref<3x128xi32, #tpu.memory_space<vmem>> -> memref<1x128xi32, #tpu.memory_space<vmem>>
          %dma_start3A_147 = tpu.memref_squeeze %dma_start3A_146 : memref<1x128xi32, #tpu.memory_space<vmem>> -> memref<128xi32, #tpu.memory_space<vmem>>
          %dma_start3A_148 = tpu.memref_slice %arg3[%multiple_of3A_141] : memref<327680xi32, #tpu.memory_space<hbm>> -> memref<128xi32, #tpu.memory_space<hbm>>
          %dma_start3A_149 = arith.constant 0 : i32
          %dma_start3A_150 = tpu.memref_slice %arg7[%run_scoped3A_142, %dma_start3A_149] : memref<3x128xi32, #tpu.memory_space<vmem>> -> memref<1x128xi32, #tpu.memory_space<vmem>>
          %dma_start3A_151 = tpu.memref_squeeze %dma_start3A_150 : memref<1x128xi32, #tpu.memory_space<vmem>> -> memref<128xi32, #tpu.memory_space<vmem>>
          %dma_start3A_152 = tpu.memref_slice %arg3[%multiple_of3A_141] : memref<327680xi32, #tpu.memory_space<hbm>> -> memref<128xi32, #tpu.memory_space<hbm>>
          tpu.enqueue_dma source(%dma_start3A_152 : memref<128xi32, #tpu.memory_space<hbm>>) target(%dma_start3A_151 : memref<128xi32, #tpu.memory_space<vmem>>) target_semaphore(%run_scoped3A_144 : memref<!tpu.dma_semaphore, #tpu.memory_space<semaphore_mem>>)
          %dma_wait3A = arith.constant 0 : i32
          %dma_wait3A_153 = tpu.memref_slice %arg7[%run_scoped3A_142, %dma_wait3A] : memref<3x128xi32, #tpu.memory_space<vmem>> -> memref<1x128xi32, #tpu.memory_space<vmem>>
          %dma_wait3A_154 = tpu.memref_squeeze %dma_wait3A_153 : memref<1x128xi32, #tpu.memory_space<vmem>> -> memref<128xi32, #tpu.memory_space<vmem>>
          %dma_wait3A_155 = tpu.memref_slice %arg3[%multiple_of3A_141] : memref<327680xi32, #tpu.memory_space<hbm>> -> memref<128xi32, #tpu.memory_space<hbm>>
          %dma_wait3A_156 = arith.constant 0 : i32
          %dma_wait3A_157 = tpu.memref_slice %arg7[%run_scoped3A_142, %dma_wait3A_156] : memref<3x128xi32, #tpu.memory_space<vmem>> -> memref<1x128xi32, #tpu.memory_space<vmem>>
          %dma_wait3A_158 = tpu.memref_squeeze %dma_wait3A_157 : memref<1x128xi32, #tpu.memory_space<vmem>> -> memref<128xi32, #tpu.memory_space<vmem>>
          %dma_wait3A_159 = tpu.memref_slice %arg3[%multiple_of3A_141] : memref<327680xi32, #tpu.memory_space<hbm>> -> memref<128xi32, #tpu.memory_space<hbm>>
          tpu.wait_dma2 semaphore(%run_scoped3A_144 : memref<!tpu.dma_semaphore, #tpu.memory_space<semaphore_mem>>) src(%dma_wait3A_159 : memref<128xi32, #tpu.memory_space<hbm>>) dst(%dma_wait3A_158 : memref<128xi32, #tpu.memory_space<vmem>>)
          tpu.yield
        }) : () -> ()
        %run_scoped3A_143 = arith.constant 2 : i32
        "tpu.region"() ({
          %run_scoped3A_144 = tpu.sem_alloc : memref<!tpu.dma_semaphore, #tpu.memory_space<semaphore_mem>>
          %dma_start3A_145 = arith.constant 0 : i32
          %dma_start3A_146 = tpu.memref_slice %arg8[%run_scoped3A_143, %dma_start3A_145] : memref<3x128xi32, #tpu.memory_space<vmem>> -> memref<1x128xi32, #tpu.memory_space<vmem>>
          %dma_start3A_147 = tpu.memref_squeeze %dma_start3A_146 : memref<1x128xi32, #tpu.memory_space<vmem>> -> memref<128xi32, #tpu.memory_space<vmem>>
          %dma_start3A_148 = tpu.memref_slice %arg4[%multiple_of3A_141] : memref<327680xi32, #tpu.memory_space<hbm>> -> memref<128xi32, #tpu.memory_space<hbm>>
          %dma_start3A_149 = arith.constant 0 : i32
          %dma_start3A_150 = tpu.memref_slice %arg8[%run_scoped3A_143, %dma_start3A_149] : memref<3x128xi32, #tpu.memory_space<vmem>> -> memref<1x128xi32, #tpu.memory_space<vmem>>
          %dma_start3A_151 = tpu.memref_squeeze %dma_start3A_150 : memref<1x128xi32, #tpu.memory_space<vmem>> -> memref<128xi32, #tpu.memory_space<vmem>>
          %dma_start3A_152 = tpu.memref_slice %arg4[%multiple_of3A_141] : memref<327680xi32, #tpu.memory_space<hbm>> -> memref<128xi32, #tpu.memory_space<hbm>>
          tpu.enqueue_dma source(%dma_start3A_152 : memref<128xi32, #tpu.memory_space<hbm>>) target(%dma_start3A_151 : memref<128xi32, #tpu.memory_space<vmem>>) target_semaphore(%run_scoped3A_144 : memref<!tpu.dma_semaphore, #tpu.memory_space<semaphore_mem>>)
          %dma_wait3A = arith.constant 0 : i32
          %dma_wait3A_153 = tpu.memref_slice %arg8[%run_scoped3A_143, %dma_wait3A] : memref<3x128xi32, #tpu.memory_space<vmem>> -> memref<1x128xi32, #tpu.memory_space<vmem>>
          %dma_wait3A_154 = tpu.memref_squeeze %dma_wait3A_153 : memref<1x128xi32, #tpu.memory_space<vmem>> -> memref<128xi32, #tpu.memory_space<vmem>>
          %dma_wait3A_155 = tpu.memref_slice %arg4[%multiple_of3A_141] : memref<327680xi32, #tpu.memory_space<hbm>> -> memref<128xi32, #tpu.memory_space<hbm>>
          %dma_wait3A_156 = arith.constant 0 : i32
          %dma_wait3A_157 = tpu.memref_slice %arg8[%run_scoped3A_143, %dma_wait3A_156] : memref<3x128xi32, #tpu.memory_space<vmem>> -> memref<1x128xi32, #tpu.memory_space<vmem>>
          %dma_wait3A_158 = tpu.memref_squeeze %dma_wait3A_157 : memref<1x128xi32, #tpu.memory_space<vmem>> -> memref<128xi32, #tpu.memory_space<vmem>>
          %dma_wait3A_159 = tpu.memref_slice %arg4[%multiple_of3A_141] : memref<327680xi32, #tpu.memory_space<hbm>> -> memref<128xi32, #tpu.memory_space<hbm>>
          tpu.wait_dma2 semaphore(%run_scoped3A_144 : memref<!tpu.dma_semaphore, #tpu.memory_space<semaphore_mem>>) src(%dma_wait3A_159 : memref<128xi32, #tpu.memory_space<hbm>>) dst(%dma_wait3A_158 : memref<128xi32, #tpu.memory_space<vmem>>)
          tpu.yield
        }) : () -> ()
      } else {
      }
      %lt3A_105 = arith.cmpi slt, %add3A_99, %select_n3A : i32
      %convert_element_type3A_106 = arith.extui %lt3A_105 : i1 to i32
      %cond3A_107 = arith.constant 0 : i32
      %cond3A_108 = arith.cmpi ne, %convert_element_type3A_106, %cond3A_107 : i32
      scf.if %cond3A_108 {
        %dma_wait3A = arith.constant 0 : i32
        %dma_wait3A_138 = arith.constant 0 : i32
        %dma_wait3A_139 = tpu.memref_slice %arg7[%dma_wait3A, %dma_wait3A_138] : memref<3x128xi32, #tpu.memory_space<vmem>> -> memref<1x128xi32, #tpu.memory_space<vmem>>
        %dma_wait3A_140 = tpu.memref_squeeze %dma_wait3A_139 : memref<1x128xi32, #tpu.memory_space<vmem>> -> memref<128xi32, #tpu.memory_space<vmem>>
        %dma_wait3A_141 = arith.constant 0 : i32
        %dma_wait3A_142 = arith.constant 0 : i32
        %dma_wait3A_143 = tpu.memref_slice %arg2[%dma_wait3A_141, %dma_wait3A_142] : memref<10000x128xf32, #tpu.memory_space<hbm>> -> memref<10000x128xf32, #tpu.memory_space<hbm>>
        tpu.wait_indirect_dma semaphore(%arg13 : memref<!tpu.dma_semaphore, #tpu.memory_space<semaphore_mem>>) src(%dma_wait3A_143 : memref<10000x128xf32, #tpu.memory_space<hbm>>) dst(%arg9 : memref<128x128xf32, #tpu.memory_space<vmem>>)
        %lt3A_144 = arith.cmpi slt, %add3A_101, %select_n3A : i32
        %convert_element_type3A_145 = arith.extui %lt3A_144 : i1 to i32
        %cond3A_146 = arith.constant 0 : i32
        %cond3A_147 = arith.cmpi ne, %convert_element_type3A_145, %cond3A_146 : i32
        scf.if %cond3A_147 {
          %dma_start3A_149 = arith.constant 2 : i32
          %dma_start3A_150 = arith.constant 0 : i32
          %dma_start3A_151 = tpu.memref_slice %arg7[%dma_start3A_149, %dma_start3A_150] : memref<3x128xi32, #tpu.memory_space<vmem>> -> memref<1x128xi32, #tpu.memory_space<vmem>>
          %dma_start3A_152 = tpu.memref_squeeze %dma_start3A_151 : memref<1x128xi32, #tpu.memory_space<vmem>> -> memref<128xi32, #tpu.memory_space<vmem>>
          %dma_start3A_153 = arith.constant 0 : i32
          %dma_start3A_154 = arith.constant 0 : i32
          %dma_start3A_155 = tpu.memref_slice %arg2[%dma_start3A_153, %dma_start3A_154] : memref<10000x128xf32, #tpu.memory_space<hbm>> -> memref<10000x128xf32, #tpu.memory_space<hbm>>
          tpu.enqueue_indirect_dma source(%dma_start3A_155 : memref<10000x128xf32, #tpu.memory_space<hbm>>) target(%arg11 : memref<128x128xf32, #tpu.memory_space<vmem>>) offsets(%dma_start3A_152 : memref<128xi32, #tpu.memory_space<vmem>>) semaphore(%arg15 : memref<!tpu.dma_semaphore, #tpu.memory_space<semaphore_mem>>)
        } else {
        }
        %run_scoped3A_148 = arith.constant 0 : i32
        "tpu.region"() ({
          %run_scoped3A_149 = tpu.sem_alloc : memref<!tpu.dma_semaphore, #tpu.memory_space<semaphore_mem>>
          %dma_start3A_150 = arith.constant 0 : i32
          %dma_start3A_151 = tpu.memref_slice %arg8[%run_scoped3A_148, %dma_start3A_150] : memref<3x128xi32, #tpu.memory_space<vmem>> -> memref<1x128xi32, #tpu.memory_space<vmem>>
          %dma_start3A_152 = tpu.memref_squeeze %dma_start3A_151 : memref<1x128xi32, #tpu.memory_space<vmem>> -> memref<128xi32, #tpu.memory_space<vmem>>
          %dma_start3A_153 = arith.constant 0 : i32
          %dma_start3A_154 = arith.constant 0 : i32
          %dma_start3A_155 = tpu.memref_slice %arg12[%dma_start3A_153, %dma_start3A_154] : memref<10112x128xf32, #tpu.memory_space<vmem_shared>> -> memref<10112x128xf32, #tpu.memory_space<vmem_shared>>
          tpu.enqueue_indirect_dma source(%arg9 : memref<128x128xf32, #tpu.memory_space<vmem>>) target(%dma_start3A_155 : memref<10112x128xf32, #tpu.memory_space<vmem_shared>>) offsets(%dma_start3A_152 : memref<128xi32, #tpu.memory_space<vmem>>) semaphore(%run_scoped3A_149 : memref<!tpu.dma_semaphore, #tpu.memory_space<semaphore_mem>>) {add = true}
          %dma_wait3A_156 = arith.constant 0 : i32
          %dma_wait3A_157 = tpu.memref_slice %arg8[%run_scoped3A_148, %dma_wait3A_156] : memref<3x128xi32, #tpu.memory_space<vmem>> -> memref<1x128xi32, #tpu.memory_space<vmem>>
          %dma_wait3A_158 = tpu.memref_squeeze %dma_wait3A_157 : memref<1x128xi32, #tpu.memory_space<vmem>> -> memref<128xi32, #tpu.memory_space<vmem>>
          %dma_wait3A_159 = arith.constant 0 : i32
          %dma_wait3A_160 = arith.constant 0 : i32
          %dma_wait3A_161 = tpu.memref_slice %arg12[%dma_wait3A_159, %dma_wait3A_160] : memref<10112x128xf32, #tpu.memory_space<vmem_shared>> -> memref<10112x128xf32, #tpu.memory_space<vmem_shared>>
          tpu.wait_indirect_dma semaphore(%run_scoped3A_149 : memref<!tpu.dma_semaphore, #tpu.memory_space<semaphore_mem>>) src(%arg9 : memref<128x128xf32, #tpu.memory_space<vmem>>) dst(%dma_wait3A_161 : memref<10112x128xf32, #tpu.memory_space<vmem_shared>>)
          tpu.yield
        }) : () -> ()
      } else {
      }
      %mul3A_109 = arith.constant 3 : i32
      %mul3A_110 = arith.muli %mul3A_109, %while3A_94 : i32
      %add3A_111 = arith.constant 1 : i32
      %add3A_112 = arith.addi %mul3A_110, %add3A_111 : i32
      %add3A_113 = arith.constant 2 : i32
      %add3A_114 = arith.addi %add3A_112, %add3A_113 : i32
      %lt3A_115 = arith.cmpi slt, %add3A_114, %select_n3A : i32
      %convert_element_type3A_116 = arith.extui %lt3A_115 : i1 to i32
      %cond3A_117 = arith.constant 0 : i32
      %cond3A_118 = arith.cmpi ne, %convert_element_type3A_116, %cond3A_117 : i32
      scf.if %cond3A_118 {
        %mul3A_138 = arith.constant 128 : i32
        %mul3A_139 = arith.muli %add3A_114, %mul3A_138 : i32
        %add3A_140 = arith.addi %select_n3A_10, %mul3A_139 : i32
        %multiple_of3A_141 = tpu.assume_multiple %add3A_140, 128 : i32
        %run_scoped3A_142 = arith.constant 0 : i32
        "tpu.region"() ({
          %run_scoped3A_144 = tpu.sem_alloc : memref<!tpu.dma_semaphore, #tpu.memory_space<semaphore_mem>>
          %dma_start3A_145 = arith.constant 0 : i32
          %dma_start3A_146 = tpu.memref_slice %arg7[%run_scoped3A_142, %dma_start3A_145] : memref<3x128xi32, #tpu.memory_space<vmem>> -> memref<1x128xi32, #tpu.memory_space<vmem>>
          %dma_start3A_147 = tpu.memref_squeeze %dma_start3A_146 : memref<1x128xi32, #tpu.memory_space<vmem>> -> memref<128xi32, #tpu.memory_space<vmem>>
          %dma_start3A_148 = tpu.memref_slice %arg3[%multiple_of3A_141] : memref<327680xi32, #tpu.memory_space<hbm>> -> memref<128xi32, #tpu.memory_space<hbm>>
          %dma_start3A_149 = arith.constant 0 : i32
          %dma_start3A_150 = tpu.memref_slice %arg7[%run_scoped3A_142, %dma_start3A_149] : memref<3x128xi32, #tpu.memory_space<vmem>> -> memref<1x128xi32, #tpu.memory_space<vmem>>
          %dma_start3A_151 = tpu.memref_squeeze %dma_start3A_150 : memref<1x128xi32, #tpu.memory_space<vmem>> -> memref<128xi32, #tpu.memory_space<vmem>>
          %dma_start3A_152 = tpu.memref_slice %arg3[%multiple_of3A_141] : memref<327680xi32, #tpu.memory_space<hbm>> -> memref<128xi32, #tpu.memory_space<hbm>>
          tpu.enqueue_dma source(%dma_start3A_152 : memref<128xi32, #tpu.memory_space<hbm>>) target(%dma_start3A_151 : memref<128xi32, #tpu.memory_space<vmem>>) target_semaphore(%run_scoped3A_144 : memref<!tpu.dma_semaphore, #tpu.memory_space<semaphore_mem>>)
          %dma_wait3A = arith.constant 0 : i32
          %dma_wait3A_153 = tpu.memref_slice %arg7[%run_scoped3A_142, %dma_wait3A] : memref<3x128xi32, #tpu.memory_space<vmem>> -> memref<1x128xi32, #tpu.memory_space<vmem>>
          %dma_wait3A_154 = tpu.memref_squeeze %dma_wait3A_153 : memref<1x128xi32, #tpu.memory_space<vmem>> -> memref<128xi32, #tpu.memory_space<vmem>>
          %dma_wait3A_155 = tpu.memref_slice %arg3[%multiple_of3A_141] : memref<327680xi32, #tpu.memory_space<hbm>> -> memref<128xi32, #tpu.memory_space<hbm>>
          %dma_wait3A_156 = arith.constant 0 : i32
          %dma_wait3A_157 = tpu.memref_slice %arg7[%run_scoped3A_142, %dma_wait3A_156] : memref<3x128xi32, #tpu.memory_space<vmem>> -> memref<1x128xi32, #tpu.memory_space<vmem>>
          %dma_wait3A_158 = tpu.memref_squeeze %dma_wait3A_157 : memref<1x128xi32, #tpu.memory_space<vmem>> -> memref<128xi32, #tpu.memory_space<vmem>>
          %dma_wait3A_159 = tpu.memref_slice %arg3[%multiple_of3A_141] : memref<327680xi32, #tpu.memory_space<hbm>> -> memref<128xi32, #tpu.memory_space<hbm>>
          tpu.wait_dma2 semaphore(%run_scoped3A_144 : memref<!tpu.dma_semaphore, #tpu.memory_space<semaphore_mem>>) src(%dma_wait3A_159 : memref<128xi32, #tpu.memory_space<hbm>>) dst(%dma_wait3A_158 : memref<128xi32, #tpu.memory_space<vmem>>)
          tpu.yield
        }) : () -> ()
        %run_scoped3A_143 = arith.constant 0 : i32
        "tpu.region"() ({
          %run_scoped3A_144 = tpu.sem_alloc : memref<!tpu.dma_semaphore, #tpu.memory_space<semaphore_mem>>
          %dma_start3A_145 = arith.constant 0 : i32
          %dma_start3A_146 = tpu.memref_slice %arg8[%run_scoped3A_143, %dma_start3A_145] : memref<3x128xi32, #tpu.memory_space<vmem>> -> memref<1x128xi32, #tpu.memory_space<vmem>>
          %dma_start3A_147 = tpu.memref_squeeze %dma_start3A_146 : memref<1x128xi32, #tpu.memory_space<vmem>> -> memref<128xi32, #tpu.memory_space<vmem>>
          %dma_start3A_148 = tpu.memref_slice %arg4[%multiple_of3A_141] : memref<327680xi32, #tpu.memory_space<hbm>> -> memref<128xi32, #tpu.memory_space<hbm>>
          %dma_start3A_149 = arith.constant 0 : i32
          %dma_start3A_150 = tpu.memref_slice %arg8[%run_scoped3A_143, %dma_start3A_149] : memref<3x128xi32, #tpu.memory_space<vmem>> -> memref<1x128xi32, #tpu.memory_space<vmem>>
          %dma_start3A_151 = tpu.memref_squeeze %dma_start3A_150 : memref<1x128xi32, #tpu.memory_space<vmem>> -> memref<128xi32, #tpu.memory_space<vmem>>
          %dma_start3A_152 = tpu.memref_slice %arg4[%multiple_of3A_141] : memref<327680xi32, #tpu.memory_space<hbm>> -> memref<128xi32, #tpu.memory_space<hbm>>
          tpu.enqueue_dma source(%dma_start3A_152 : memref<128xi32, #tpu.memory_space<hbm>>) target(%dma_start3A_151 : memref<128xi32, #tpu.memory_space<vmem>>) target_semaphore(%run_scoped3A_144 : memref<!tpu.dma_semaphore, #tpu.memory_space<semaphore_mem>>)
          %dma_wait3A = arith.constant 0 : i32
          %dma_wait3A_153 = tpu.memref_slice %arg8[%run_scoped3A_143, %dma_wait3A] : memref<3x128xi32, #tpu.memory_space<vmem>> -> memref<1x128xi32, #tpu.memory_space<vmem>>
          %dma_wait3A_154 = tpu.memref_squeeze %dma_wait3A_153 : memref<1x128xi32, #tpu.memory_space<vmem>> -> memref<128xi32, #tpu.memory_space<vmem>>
          %dma_wait3A_155 = tpu.memref_slice %arg4[%multiple_of3A_141] : memref<327680xi32, #tpu.memory_space<hbm>> -> memref<128xi32, #tpu.memory_space<hbm>>
          %dma_wait3A_156 = arith.constant 0 : i32
          %dma_wait3A_157 = tpu.memref_slice %arg8[%run_scoped3A_143, %dma_wait3A_156] : memref<3x128xi32, #tpu.memory_space<vmem>> -> memref<1x128xi32, #tpu.memory_space<vmem>>
          %dma_wait3A_158 = tpu.memref_squeeze %dma_wait3A_157 : memref<1x128xi32, #tpu.memory_space<vmem>> -> memref<128xi32, #tpu.memory_space<vmem>>
          %dma_wait3A_159 = tpu.memref_slice %arg4[%multiple_of3A_141] : memref<327680xi32, #tpu.memory_space<hbm>> -> memref<128xi32, #tpu.memory_space<hbm>>
          tpu.wait_dma2 semaphore(%run_scoped3A_144 : memref<!tpu.dma_semaphore, #tpu.memory_space<semaphore_mem>>) src(%dma_wait3A_159 : memref<128xi32, #tpu.memory_space<hbm>>) dst(%dma_wait3A_158 : memref<128xi32, #tpu.memory_space<vmem>>)
          tpu.yield
        }) : () -> ()
      } else {
      }
      %lt3A_119 = arith.cmpi slt, %add3A_112, %select_n3A : i32
      %convert_element_type3A_120 = arith.extui %lt3A_119 : i1 to i32
      %cond3A_121 = arith.constant 0 : i32
      %cond3A_122 = arith.cmpi ne, %convert_element_type3A_120, %cond3A_121 : i32
      scf.if %cond3A_122 {
        %dma_wait3A = arith.constant 1 : i32
        %dma_wait3A_138 = arith.constant 0 : i32
        %dma_wait3A_139 = tpu.memref_slice %arg7[%dma_wait3A, %dma_wait3A_138] : memref<3x128xi32, #tpu.memory_space<vmem>> -> memref<1x128xi32, #tpu.memory_space<vmem>>
        %dma_wait3A_140 = tpu.memref_squeeze %dma_wait3A_139 : memref<1x128xi32, #tpu.memory_space<vmem>> -> memref<128xi32, #tpu.memory_space<vmem>>
        %dma_wait3A_141 = arith.constant 0 : i32
        %dma_wait3A_142 = arith.constant 0 : i32
        %dma_wait3A_143 = tpu.memref_slice %arg2[%dma_wait3A_141, %dma_wait3A_142] : memref<10000x128xf32, #tpu.memory_space<hbm>> -> memref<10000x128xf32, #tpu.memory_space<hbm>>
        tpu.wait_indirect_dma semaphore(%arg14 : memref<!tpu.dma_semaphore, #tpu.memory_space<semaphore_mem>>) src(%dma_wait3A_143 : memref<10000x128xf32, #tpu.memory_space<hbm>>) dst(%arg10 : memref<128x128xf32, #tpu.memory_space<vmem>>)
        %lt3A_144 = arith.cmpi slt, %add3A_114, %select_n3A : i32
        %convert_element_type3A_145 = arith.extui %lt3A_144 : i1 to i32
        %cond3A_146 = arith.constant 0 : i32
        %cond3A_147 = arith.cmpi ne, %convert_element_type3A_145, %cond3A_146 : i32
        scf.if %cond3A_147 {
          %dma_start3A_149 = arith.constant 0 : i32
          %dma_start3A_150 = arith.constant 0 : i32
          %dma_start3A_151 = tpu.memref_slice %arg7[%dma_start3A_149, %dma_start3A_150] : memref<3x128xi32, #tpu.memory_space<vmem>> -> memref<1x128xi32, #tpu.memory_space<vmem>>
          %dma_start3A_152 = tpu.memref_squeeze %dma_start3A_151 : memref<1x128xi32, #tpu.memory_space<vmem>> -> memref<128xi32, #tpu.memory_space<vmem>>
          %dma_start3A_153 = arith.constant 0 : i32
          %dma_start3A_154 = arith.constant 0 : i32
          %dma_start3A_155 = tpu.memref_slice %arg2[%dma_start3A_153, %dma_start3A_154] : memref<10000x128xf32, #tpu.memory_space<hbm>> -> memref<10000x128xf32, #tpu.memory_space<hbm>>
          tpu.enqueue_indirect_dma source(%dma_start3A_155 : memref<10000x128xf32, #tpu.memory_space<hbm>>) target(%arg9 : memref<128x128xf32, #tpu.memory_space<vmem>>) offsets(%dma_start3A_152 : memref<128xi32, #tpu.memory_space<vmem>>) semaphore(%arg13 : memref<!tpu.dma_semaphore, #tpu.memory_space<semaphore_mem>>)
        } else {
        }
        %run_scoped3A_148 = arith.constant 1 : i32
        "tpu.region"() ({
          %run_scoped3A_149 = tpu.sem_alloc : memref<!tpu.dma_semaphore, #tpu.memory_space<semaphore_mem>>
          %dma_start3A_150 = arith.constant 0 : i32
          %dma_start3A_151 = tpu.memref_slice %arg8[%run_scoped3A_148, %dma_start3A_150] : memref<3x128xi32, #tpu.memory_space<vmem>> -> memref<1x128xi32, #tpu.memory_space<vmem>>
          %dma_start3A_152 = tpu.memref_squeeze %dma_start3A_151 : memref<1x128xi32, #tpu.memory_space<vmem>> -> memref<128xi32, #tpu.memory_space<vmem>>
          %dma_start3A_153 = arith.constant 0 : i32
          %dma_start3A_154 = arith.constant 0 : i32
          %dma_start3A_155 = tpu.memref_slice %arg12[%dma_start3A_153, %dma_start3A_154] : memref<10112x128xf32, #tpu.memory_space<vmem_shared>> -> memref<10112x128xf32, #tpu.memory_space<vmem_shared>>
          tpu.enqueue_indirect_dma source(%arg10 : memref<128x128xf32, #tpu.memory_space<vmem>>) target(%dma_start3A_155 : memref<10112x128xf32, #tpu.memory_space<vmem_shared>>) offsets(%dma_start3A_152 : memref<128xi32, #tpu.memory_space<vmem>>) semaphore(%run_scoped3A_149 : memref<!tpu.dma_semaphore, #tpu.memory_space<semaphore_mem>>) {add = true}
          %dma_wait3A_156 = arith.constant 0 : i32
          %dma_wait3A_157 = tpu.memref_slice %arg8[%run_scoped3A_148, %dma_wait3A_156] : memref<3x128xi32, #tpu.memory_space<vmem>> -> memref<1x128xi32, #tpu.memory_space<vmem>>
          %dma_wait3A_158 = tpu.memref_squeeze %dma_wait3A_157 : memref<1x128xi32, #tpu.memory_space<vmem>> -> memref<128xi32, #tpu.memory_space<vmem>>
          %dma_wait3A_159 = arith.constant 0 : i32
          %dma_wait3A_160 = arith.constant 0 : i32
          %dma_wait3A_161 = tpu.memref_slice %arg12[%dma_wait3A_159, %dma_wait3A_160] : memref<10112x128xf32, #tpu.memory_space<vmem_shared>> -> memref<10112x128xf32, #tpu.memory_space<vmem_shared>>
          tpu.wait_indirect_dma semaphore(%run_scoped3A_149 : memref<!tpu.dma_semaphore, #tpu.memory_space<semaphore_mem>>) src(%arg10 : memref<128x128xf32, #tpu.memory_space<vmem>>) dst(%dma_wait3A_161 : memref<10112x128xf32, #tpu.memory_space<vmem_shared>>)
          tpu.yield
        }) : () -> ()
      } else {
      }
      %mul3A_123 = arith.constant 3 : i32
      %mul3A_124 = arith.muli %mul3A_123, %while3A_94 : i32
      %add3A_125 = arith.constant 2 : i32
      %add3A_126 = arith.addi %mul3A_124, %add3A_125 : i32
      %add3A_127 = arith.constant 2 : i32
      %add3A_128 = arith.addi %add3A_126, %add3A_127 : i32
      %lt3A_129 = arith.cmpi slt, %add3A_128, %select_n3A : i32
      %convert_element_type3A_130 = arith.extui %lt3A_129 : i1 to i32
      %cond3A_131 = arith.constant 0 : i32
      %cond3A_132 = arith.cmpi ne, %convert_element_type3A_130, %cond3A_131 : i32
      scf.if %cond3A_132 {
        %mul3A_138 = arith.constant 128 : i32
        %mul3A_139 = arith.muli %add3A_128, %mul3A_138 : i32
        %add3A_140 = arith.addi %select_n3A_10, %mul3A_139 : i32
        %multiple_of3A_141 = tpu.assume_multiple %add3A_140, 128 : i32
        %run_scoped3A_142 = arith.constant 1 : i32
        "tpu.region"() ({
          %run_scoped3A_144 = tpu.sem_alloc : memref<!tpu.dma_semaphore, #tpu.memory_space<semaphore_mem>>
          %dma_start3A_145 = arith.constant 0 : i32
          %dma_start3A_146 = tpu.memref_slice %arg7[%run_scoped3A_142, %dma_start3A_145] : memref<3x128xi32, #tpu.memory_space<vmem>> -> memref<1x128xi32, #tpu.memory_space<vmem>>
          %dma_start3A_147 = tpu.memref_squeeze %dma_start3A_146 : memref<1x128xi32, #tpu.memory_space<vmem>> -> memref<128xi32, #tpu.memory_space<vmem>>
          %dma_start3A_148 = tpu.memref_slice %arg3[%multiple_of3A_141] : memref<327680xi32, #tpu.memory_space<hbm>> -> memref<128xi32, #tpu.memory_space<hbm>>
          %dma_start3A_149 = arith.constant 0 : i32
          %dma_start3A_150 = tpu.memref_slice %arg7[%run_scoped3A_142, %dma_start3A_149] : memref<3x128xi32, #tpu.memory_space<vmem>> -> memref<1x128xi32, #tpu.memory_space<vmem>>
          %dma_start3A_151 = tpu.memref_squeeze %dma_start3A_150 : memref<1x128xi32, #tpu.memory_space<vmem>> -> memref<128xi32, #tpu.memory_space<vmem>>
          %dma_start3A_152 = tpu.memref_slice %arg3[%multiple_of3A_141] : memref<327680xi32, #tpu.memory_space<hbm>> -> memref<128xi32, #tpu.memory_space<hbm>>
          tpu.enqueue_dma source(%dma_start3A_152 : memref<128xi32, #tpu.memory_space<hbm>>) target(%dma_start3A_151 : memref<128xi32, #tpu.memory_space<vmem>>) target_semaphore(%run_scoped3A_144 : memref<!tpu.dma_semaphore, #tpu.memory_space<semaphore_mem>>)
          %dma_wait3A = arith.constant 0 : i32
          %dma_wait3A_153 = tpu.memref_slice %arg7[%run_scoped3A_142, %dma_wait3A] : memref<3x128xi32, #tpu.memory_space<vmem>> -> memref<1x128xi32, #tpu.memory_space<vmem>>
          %dma_wait3A_154 = tpu.memref_squeeze %dma_wait3A_153 : memref<1x128xi32, #tpu.memory_space<vmem>> -> memref<128xi32, #tpu.memory_space<vmem>>
          %dma_wait3A_155 = tpu.memref_slice %arg3[%multiple_of3A_141] : memref<327680xi32, #tpu.memory_space<hbm>> -> memref<128xi32, #tpu.memory_space<hbm>>
          %dma_wait3A_156 = arith.constant 0 : i32
          %dma_wait3A_157 = tpu.memref_slice %arg7[%run_scoped3A_142, %dma_wait3A_156] : memref<3x128xi32, #tpu.memory_space<vmem>> -> memref<1x128xi32, #tpu.memory_space<vmem>>
          %dma_wait3A_158 = tpu.memref_squeeze %dma_wait3A_157 : memref<1x128xi32, #tpu.memory_space<vmem>> -> memref<128xi32, #tpu.memory_space<vmem>>
          %dma_wait3A_159 = tpu.memref_slice %arg3[%multiple_of3A_141] : memref<327680xi32, #tpu.memory_space<hbm>> -> memref<128xi32, #tpu.memory_space<hbm>>
          tpu.wait_dma2 semaphore(%run_scoped3A_144 : memref<!tpu.dma_semaphore, #tpu.memory_space<semaphore_mem>>) src(%dma_wait3A_159 : memref<128xi32, #tpu.memory_space<hbm>>) dst(%dma_wait3A_158 : memref<128xi32, #tpu.memory_space<vmem>>)
          tpu.yield
        }) : () -> ()
        %run_scoped3A_143 = arith.constant 1 : i32
        "tpu.region"() ({
          %run_scoped3A_144 = tpu.sem_alloc : memref<!tpu.dma_semaphore, #tpu.memory_space<semaphore_mem>>
          %dma_start3A_145 = arith.constant 0 : i32
          %dma_start3A_146 = tpu.memref_slice %arg8[%run_scoped3A_143, %dma_start3A_145] : memref<3x128xi32, #tpu.memory_space<vmem>> -> memref<1x128xi32, #tpu.memory_space<vmem>>
          %dma_start3A_147 = tpu.memref_squeeze %dma_start3A_146 : memref<1x128xi32, #tpu.memory_space<vmem>> -> memref<128xi32, #tpu.memory_space<vmem>>
          %dma_start3A_148 = tpu.memref_slice %arg4[%multiple_of3A_141] : memref<327680xi32, #tpu.memory_space<hbm>> -> memref<128xi32, #tpu.memory_space<hbm>>
          %dma_start3A_149 = arith.constant 0 : i32
          %dma_start3A_150 = tpu.memref_slice %arg8[%run_scoped3A_143, %dma_start3A_149] : memref<3x128xi32, #tpu.memory_space<vmem>> -> memref<1x128xi32, #tpu.memory_space<vmem>>
          %dma_start3A_151 = tpu.memref_squeeze %dma_start3A_150 : memref<1x128xi32, #tpu.memory_space<vmem>> -> memref<128xi32, #tpu.memory_space<vmem>>
          %dma_start3A_152 = tpu.memref_slice %arg4[%multiple_of3A_141] : memref<327680xi32, #tpu.memory_space<hbm>> -> memref<128xi32, #tpu.memory_space<hbm>>
          tpu.enqueue_dma source(%dma_start3A_152 : memref<128xi32, #tpu.memory_space<hbm>>) target(%dma_start3A_151 : memref<128xi32, #tpu.memory_space<vmem>>) target_semaphore(%run_scoped3A_144 : memref<!tpu.dma_semaphore, #tpu.memory_space<semaphore_mem>>)
          %dma_wait3A = arith.constant 0 : i32
          %dma_wait3A_153 = tpu.memref_slice %arg8[%run_scoped3A_143, %dma_wait3A] : memref<3x128xi32, #tpu.memory_space<vmem>> -> memref<1x128xi32, #tpu.memory_space<vmem>>
          %dma_wait3A_154 = tpu.memref_squeeze %dma_wait3A_153 : memref<1x128xi32, #tpu.memory_space<vmem>> -> memref<128xi32, #tpu.memory_space<vmem>>
          %dma_wait3A_155 = tpu.memref_slice %arg4[%multiple_of3A_141] : memref<327680xi32, #tpu.memory_space<hbm>> -> memref<128xi32, #tpu.memory_space<hbm>>
          %dma_wait3A_156 = arith.constant 0 : i32
          %dma_wait3A_157 = tpu.memref_slice %arg8[%run_scoped3A_143, %dma_wait3A_156] : memref<3x128xi32, #tpu.memory_space<vmem>> -> memref<1x128xi32, #tpu.memory_space<vmem>>
          %dma_wait3A_158 = tpu.memref_squeeze %dma_wait3A_157 : memref<1x128xi32, #tpu.memory_space<vmem>> -> memref<128xi32, #tpu.memory_space<vmem>>
          %dma_wait3A_159 = tpu.memref_slice %arg4[%multiple_of3A_141] : memref<327680xi32, #tpu.memory_space<hbm>> -> memref<128xi32, #tpu.memory_space<hbm>>
          tpu.wait_dma2 semaphore(%run_scoped3A_144 : memref<!tpu.dma_semaphore, #tpu.memory_space<semaphore_mem>>) src(%dma_wait3A_159 : memref<128xi32, #tpu.memory_space<hbm>>) dst(%dma_wait3A_158 : memref<128xi32, #tpu.memory_space<vmem>>)
          tpu.yield
        }) : () -> ()
      } else {
      }
      %lt3A_133 = arith.cmpi slt, %add3A_126, %select_n3A : i32
      %convert_element_type3A_134 = arith.extui %lt3A_133 : i1 to i32
      %cond3A_135 = arith.constant 0 : i32
      %cond3A_136 = arith.cmpi ne, %convert_element_type3A_134, %cond3A_135 : i32
      scf.if %cond3A_136 {
        %dma_wait3A = arith.constant 2 : i32
        %dma_wait3A_138 = arith.constant 0 : i32
        %dma_wait3A_139 = tpu.memref_slice %arg7[%dma_wait3A, %dma_wait3A_138] : memref<3x128xi32, #tpu.memory_space<vmem>> -> memref<1x128xi32, #tpu.memory_space<vmem>>
        %dma_wait3A_140 = tpu.memref_squeeze %dma_wait3A_139 : memref<1x128xi32, #tpu.memory_space<vmem>> -> memref<128xi32, #tpu.memory_space<vmem>>
        %dma_wait3A_141 = arith.constant 0 : i32
        %dma_wait3A_142 = arith.constant 0 : i32
        %dma_wait3A_143 = tpu.memref_slice %arg2[%dma_wait3A_141, %dma_wait3A_142] : memref<10000x128xf32, #tpu.memory_space<hbm>> -> memref<10000x128xf32, #tpu.memory_space<hbm>>
        tpu.wait_indirect_dma semaphore(%arg15 : memref<!tpu.dma_semaphore, #tpu.memory_space<semaphore_mem>>) src(%dma_wait3A_143 : memref<10000x128xf32, #tpu.memory_space<hbm>>) dst(%arg11 : memref<128x128xf32, #tpu.memory_space<vmem>>)
        %lt3A_144 = arith.cmpi slt, %add3A_128, %select_n3A : i32
        %convert_element_type3A_145 = arith.extui %lt3A_144 : i1 to i32
        %cond3A_146 = arith.constant 0 : i32
        %cond3A_147 = arith.cmpi ne, %convert_element_type3A_145, %cond3A_146 : i32
        scf.if %cond3A_147 {
          %dma_start3A_149 = arith.constant 1 : i32
          %dma_start3A_150 = arith.constant 0 : i32
          %dma_start3A_151 = tpu.memref_slice %arg7[%dma_start3A_149, %dma_start3A_150] : memref<3x128xi32, #tpu.memory_space<vmem>> -> memref<1x128xi32, #tpu.memory_space<vmem>>
          %dma_start3A_152 = tpu.memref_squeeze %dma_start3A_151 : memref<1x128xi32, #tpu.memory_space<vmem>> -> memref<128xi32, #tpu.memory_space<vmem>>
          %dma_start3A_153 = arith.constant 0 : i32
          %dma_start3A_154 = arith.constant 0 : i32
          %dma_start3A_155 = tpu.memref_slice %arg2[%dma_start3A_153, %dma_start3A_154] : memref<10000x128xf32, #tpu.memory_space<hbm>> -> memref<10000x128xf32, #tpu.memory_space<hbm>>
          tpu.enqueue_indirect_dma source(%dma_start3A_155 : memref<10000x128xf32, #tpu.memory_space<hbm>>) target(%arg10 : memref<128x128xf32, #tpu.memory_space<vmem>>) offsets(%dma_start3A_152 : memref<128xi32, #tpu.memory_space<vmem>>) semaphore(%arg14 : memref<!tpu.dma_semaphore, #tpu.memory_space<semaphore_mem>>)
        } else {
        }
        %run_scoped3A_148 = arith.constant 2 : i32
        "tpu.region"() ({
          %run_scoped3A_149 = tpu.sem_alloc : memref<!tpu.dma_semaphore, #tpu.memory_space<semaphore_mem>>
          %dma_start3A_150 = arith.constant 0 : i32
          %dma_start3A_151 = tpu.memref_slice %arg8[%run_scoped3A_148, %dma_start3A_150] : memref<3x128xi32, #tpu.memory_space<vmem>> -> memref<1x128xi32, #tpu.memory_space<vmem>>
          %dma_start3A_152 = tpu.memref_squeeze %dma_start3A_151 : memref<1x128xi32, #tpu.memory_space<vmem>> -> memref<128xi32, #tpu.memory_space<vmem>>
          %dma_start3A_153 = arith.constant 0 : i32
          %dma_start3A_154 = arith.constant 0 : i32
          %dma_start3A_155 = tpu.memref_slice %arg12[%dma_start3A_153, %dma_start3A_154] : memref<10112x128xf32, #tpu.memory_space<vmem_shared>> -> memref<10112x128xf32, #tpu.memory_space<vmem_shared>>
          tpu.enqueue_indirect_dma source(%arg11 : memref<128x128xf32, #tpu.memory_space<vmem>>) target(%dma_start3A_155 : memref<10112x128xf32, #tpu.memory_space<vmem_shared>>) offsets(%dma_start3A_152 : memref<128xi32, #tpu.memory_space<vmem>>) semaphore(%run_scoped3A_149 : memref<!tpu.dma_semaphore, #tpu.memory_space<semaphore_mem>>) {add = true}
          %dma_wait3A_156 = arith.constant 0 : i32
          %dma_wait3A_157 = tpu.memref_slice %arg8[%run_scoped3A_148, %dma_wait3A_156] : memref<3x128xi32, #tpu.memory_space<vmem>> -> memref<1x128xi32, #tpu.memory_space<vmem>>
          %dma_wait3A_158 = tpu.memref_squeeze %dma_wait3A_157 : memref<1x128xi32, #tpu.memory_space<vmem>> -> memref<128xi32, #tpu.memory_space<vmem>>
          %dma_wait3A_159 = arith.constant 0 : i32
          %dma_wait3A_160 = arith.constant 0 : i32
          %dma_wait3A_161 = tpu.memref_slice %arg12[%dma_wait3A_159, %dma_wait3A_160] : memref<10112x128xf32, #tpu.memory_space<vmem_shared>> -> memref<10112x128xf32, #tpu.memory_space<vmem_shared>>
          tpu.wait_indirect_dma semaphore(%run_scoped3A_149 : memref<!tpu.dma_semaphore, #tpu.memory_space<semaphore_mem>>) src(%arg11 : memref<128x128xf32, #tpu.memory_space<vmem>>) dst(%dma_wait3A_161 : memref<10112x128xf32, #tpu.memory_space<vmem_shared>>)
          tpu.yield
        }) : () -> ()
      } else {
      }
      %while3A_137 = arith.constant 0 : i32
      scf.yield %while3A_137 : i32
    }
    %while3A_83 = arith.constant 1 : i32
    %while3A_84 = scf.for %while3A_94 = %while3A_80 to %while3A_76 step %while3A_83 iter_args(%while3A_95 = %while3A_82) -> (i32)  : i32 {
      %mul3A_96 = arith.constant 3 : i32
      %mul3A_97 = arith.muli %mul3A_96, %while3A_94 : i32
      %add3A_98 = arith.constant 0 : i32
      %add3A_99 = arith.addi %mul3A_97, %add3A_98 : i32
      %add3A_100 = arith.constant 2 : i32
      %add3A_101 = arith.addi %add3A_99, %add3A_100 : i32
      %lt3A = arith.cmpi slt, %add3A_101, %select_n3A : i32
      %convert_element_type3A_102 = arith.extui %lt3A : i1 to i32
      %cond3A_103 = arith.constant 0 : i32
      %cond3A_104 = arith.cmpi ne, %convert_element_type3A_102, %cond3A_103 : i32
      scf.if %cond3A_104 {
        %mul3A_138 = arith.constant 128 : i32
        %mul3A_139 = arith.muli %add3A_101, %mul3A_138 : i32
        %add3A_140 = arith.addi %select_n3A_10, %mul3A_139 : i32
        %multiple_of3A_141 = tpu.assume_multiple %add3A_140, 128 : i32
        %run_scoped3A_142 = arith.constant 2 : i32
        "tpu.region"() ({
          %run_scoped3A_144 = tpu.sem_alloc : memref<!tpu.dma_semaphore, #tpu.memory_space<semaphore_mem>>
          %dma_start3A_145 = arith.constant 0 : i32
          %dma_start3A_146 = tpu.memref_slice %arg7[%run_scoped3A_142, %dma_start3A_145] : memref<3x128xi32, #tpu.memory_space<vmem>> -> memref<1x128xi32, #tpu.memory_space<vmem>>
          %dma_start3A_147 = tpu.memref_squeeze %dma_start3A_146 : memref<1x128xi32, #tpu.memory_space<vmem>> -> memref<128xi32, #tpu.memory_space<vmem>>
          %dma_start3A_148 = tpu.memref_slice %arg3[%multiple_of3A_141] : memref<327680xi32, #tpu.memory_space<hbm>> -> memref<128xi32, #tpu.memory_space<hbm>>
          %dma_start3A_149 = arith.constant 0 : i32
          %dma_start3A_150 = tpu.memref_slice %arg7[%run_scoped3A_142, %dma_start3A_149] : memref<3x128xi32, #tpu.memory_space<vmem>> -> memref<1x128xi32, #tpu.memory_space<vmem>>
          %dma_start3A_151 = tpu.memref_squeeze %dma_start3A_150 : memref<1x128xi32, #tpu.memory_space<vmem>> -> memref<128xi32, #tpu.memory_space<vmem>>
          %dma_start3A_152 = tpu.memref_slice %arg3[%multiple_of3A_141] : memref<327680xi32, #tpu.memory_space<hbm>> -> memref<128xi32, #tpu.memory_space<hbm>>
          tpu.enqueue_dma source(%dma_start3A_152 : memref<128xi32, #tpu.memory_space<hbm>>) target(%dma_start3A_151 : memref<128xi32, #tpu.memory_space<vmem>>) target_semaphore(%run_scoped3A_144 : memref<!tpu.dma_semaphore, #tpu.memory_space<semaphore_mem>>)
          %dma_wait3A = arith.constant 0 : i32
          %dma_wait3A_153 = tpu.memref_slice %arg7[%run_scoped3A_142, %dma_wait3A] : memref<3x128xi32, #tpu.memory_space<vmem>> -> memref<1x128xi32, #tpu.memory_space<vmem>>
          %dma_wait3A_154 = tpu.memref_squeeze %dma_wait3A_153 : memref<1x128xi32, #tpu.memory_space<vmem>> -> memref<128xi32, #tpu.memory_space<vmem>>
          %dma_wait3A_155 = tpu.memref_slice %arg3[%multiple_of3A_141] : memref<327680xi32, #tpu.memory_space<hbm>> -> memref<128xi32, #tpu.memory_space<hbm>>
          %dma_wait3A_156 = arith.constant 0 : i32
          %dma_wait3A_157 = tpu.memref_slice %arg7[%run_scoped3A_142, %dma_wait3A_156] : memref<3x128xi32, #tpu.memory_space<vmem>> -> memref<1x128xi32, #tpu.memory_space<vmem>>
          %dma_wait3A_158 = tpu.memref_squeeze %dma_wait3A_157 : memref<1x128xi32, #tpu.memory_space<vmem>> -> memref<128xi32, #tpu.memory_space<vmem>>
          %dma_wait3A_159 = tpu.memref_slice %arg3[%multiple_of3A_141] : memref<327680xi32, #tpu.memory_space<hbm>> -> memref<128xi32, #tpu.memory_space<hbm>>
          tpu.wait_dma2 semaphore(%run_scoped3A_144 : memref<!tpu.dma_semaphore, #tpu.memory_space<semaphore_mem>>) src(%dma_wait3A_159 : memref<128xi32, #tpu.memory_space<hbm>>) dst(%dma_wait3A_158 : memref<128xi32, #tpu.memory_space<vmem>>)
          tpu.yield
        }) : () -> ()
        %run_scoped3A_143 = arith.constant 2 : i32
        "tpu.region"() ({
          %run_scoped3A_144 = tpu.sem_alloc : memref<!tpu.dma_semaphore, #tpu.memory_space<semaphore_mem>>
          %dma_start3A_145 = arith.constant 0 : i32
          %dma_start3A_146 = tpu.memref_slice %arg8[%run_scoped3A_143, %dma_start3A_145] : memref<3x128xi32, #tpu.memory_space<vmem>> -> memref<1x128xi32, #tpu.memory_space<vmem>>
          %dma_start3A_147 = tpu.memref_squeeze %dma_start3A_146 : memref<1x128xi32, #tpu.memory_space<vmem>> -> memref<128xi32, #tpu.memory_space<vmem>>
          %dma_start3A_148 = tpu.memref_slice %arg4[%multiple_of3A_141] : memref<327680xi32, #tpu.memory_space<hbm>> -> memref<128xi32, #tpu.memory_space<hbm>>
          %dma_start3A_149 = arith.constant 0 : i32
          %dma_start3A_150 = tpu.memref_slice %arg8[%run_scoped3A_143, %dma_start3A_149] : memref<3x128xi32, #tpu.memory_space<vmem>> -> memref<1x128xi32, #tpu.memory_space<vmem>>
          %dma_start3A_151 = tpu.memref_squeeze %dma_start3A_150 : memref<1x128xi32, #tpu.memory_space<vmem>> -> memref<128xi32, #tpu.memory_space<vmem>>
          %dma_start3A_152 = tpu.memref_slice %arg4[%multiple_of3A_141] : memref<327680xi32, #tpu.memory_space<hbm>> -> memref<128xi32, #tpu.memory_space<hbm>>
          tpu.enqueue_dma source(%dma_start3A_152 : memref<128xi32, #tpu.memory_space<hbm>>) target(%dma_start3A_151 : memref<128xi32, #tpu.memory_space<vmem>>) target_semaphore(%run_scoped3A_144 : memref<!tpu.dma_semaphore, #tpu.memory_space<semaphore_mem>>)
          %dma_wait3A = arith.constant 0 : i32
          %dma_wait3A_153 = tpu.memref_slice %arg8[%run_scoped3A_143, %dma_wait3A] : memref<3x128xi32, #tpu.memory_space<vmem>> -> memref<1x128xi32, #tpu.memory_space<vmem>>
          %dma_wait3A_154 = tpu.memref_squeeze %dma_wait3A_153 : memref<1x128xi32, #tpu.memory_space<vmem>> -> memref<128xi32, #tpu.memory_space<vmem>>
          %dma_wait3A_155 = tpu.memref_slice %arg4[%multiple_of3A_141] : memref<327680xi32, #tpu.memory_space<hbm>> -> memref<128xi32, #tpu.memory_space<hbm>>
          %dma_wait3A_156 = arith.constant 0 : i32
          %dma_wait3A_157 = tpu.memref_slice %arg8[%run_scoped3A_143, %dma_wait3A_156] : memref<3x128xi32, #tpu.memory_space<vmem>> -> memref<1x128xi32, #tpu.memory_space<vmem>>
          %dma_wait3A_158 = tpu.memref_squeeze %dma_wait3A_157 : memref<1x128xi32, #tpu.memory_space<vmem>> -> memref<128xi32, #tpu.memory_space<vmem>>
          %dma_wait3A_159 = tpu.memref_slice %arg4[%multiple_of3A_141] : memref<327680xi32, #tpu.memory_space<hbm>> -> memref<128xi32, #tpu.memory_space<hbm>>
          tpu.wait_dma2 semaphore(%run_scoped3A_144 : memref<!tpu.dma_semaphore, #tpu.memory_space<semaphore_mem>>) src(%dma_wait3A_159 : memref<128xi32, #tpu.memory_space<hbm>>) dst(%dma_wait3A_158 : memref<128xi32, #tpu.memory_space<vmem>>)
          tpu.yield
        }) : () -> ()
      } else {
      }
      %lt3A_105 = arith.cmpi slt, %add3A_99, %select_n3A : i32
      %convert_element_type3A_106 = arith.extui %lt3A_105 : i1 to i32
      %cond3A_107 = arith.constant 0 : i32
      %cond3A_108 = arith.cmpi ne, %convert_element_type3A_106, %cond3A_107 : i32
      scf.if %cond3A_108 {
        %dma_wait3A = arith.constant 0 : i32
        %dma_wait3A_138 = arith.constant 0 : i32
        %dma_wait3A_139 = tpu.memref_slice %arg7[%dma_wait3A, %dma_wait3A_138] : memref<3x128xi32, #tpu.memory_space<vmem>> -> memref<1x128xi32, #tpu.memory_space<vmem>>
        %dma_wait3A_140 = tpu.memref_squeeze %dma_wait3A_139 : memref<1x128xi32, #tpu.memory_space<vmem>> -> memref<128xi32, #tpu.memory_space<vmem>>
        %dma_wait3A_141 = arith.constant 0 : i32
        %dma_wait3A_142 = arith.constant 0 : i32
        %dma_wait3A_143 = tpu.memref_slice %arg2[%dma_wait3A_141, %dma_wait3A_142] : memref<10000x128xf32, #tpu.memory_space<hbm>> -> memref<10000x128xf32, #tpu.memory_space<hbm>>
        tpu.wait_indirect_dma semaphore(%arg13 : memref<!tpu.dma_semaphore, #tpu.memory_space<semaphore_mem>>) src(%dma_wait3A_143 : memref<10000x128xf32, #tpu.memory_space<hbm>>) dst(%arg9 : memref<128x128xf32, #tpu.memory_space<vmem>>)
        %lt3A_144 = arith.cmpi slt, %add3A_101, %select_n3A : i32
        %convert_element_type3A_145 = arith.extui %lt3A_144 : i1 to i32
        %cond3A_146 = arith.constant 0 : i32
        %cond3A_147 = arith.cmpi ne, %convert_element_type3A_145, %cond3A_146 : i32
        scf.if %cond3A_147 {
          %dma_start3A_149 = arith.constant 2 : i32
          %dma_start3A_150 = arith.constant 0 : i32
          %dma_start3A_151 = tpu.memref_slice %arg7[%dma_start3A_149, %dma_start3A_150] : memref<3x128xi32, #tpu.memory_space<vmem>> -> memref<1x128xi32, #tpu.memory_space<vmem>>
          %dma_start3A_152 = tpu.memref_squeeze %dma_start3A_151 : memref<1x128xi32, #tpu.memory_space<vmem>> -> memref<128xi32, #tpu.memory_space<vmem>>
          %dma_start3A_153 = arith.constant 0 : i32
          %dma_start3A_154 = arith.constant 0 : i32
          %dma_start3A_155 = tpu.memref_slice %arg2[%dma_start3A_153, %dma_start3A_154] : memref<10000x128xf32, #tpu.memory_space<hbm>> -> memref<10000x128xf32, #tpu.memory_space<hbm>>
          tpu.enqueue_indirect_dma source(%dma_start3A_155 : memref<10000x128xf32, #tpu.memory_space<hbm>>) target(%arg11 : memref<128x128xf32, #tpu.memory_space<vmem>>) offsets(%dma_start3A_152 : memref<128xi32, #tpu.memory_space<vmem>>) semaphore(%arg15 : memref<!tpu.dma_semaphore, #tpu.memory_space<semaphore_mem>>)
        } else {
        }
        %run_scoped3A_148 = arith.constant 0 : i32
        "tpu.region"() ({
          %run_scoped3A_149 = tpu.sem_alloc : memref<!tpu.dma_semaphore, #tpu.memory_space<semaphore_mem>>
          %dma_start3A_150 = arith.constant 0 : i32
          %dma_start3A_151 = tpu.memref_slice %arg8[%run_scoped3A_148, %dma_start3A_150] : memref<3x128xi32, #tpu.memory_space<vmem>> -> memref<1x128xi32, #tpu.memory_space<vmem>>
          %dma_start3A_152 = tpu.memref_squeeze %dma_start3A_151 : memref<1x128xi32, #tpu.memory_space<vmem>> -> memref<128xi32, #tpu.memory_space<vmem>>
          %dma_start3A_153 = arith.constant 0 : i32
          %dma_start3A_154 = arith.constant 0 : i32
          %dma_start3A_155 = tpu.memref_slice %arg12[%dma_start3A_153, %dma_start3A_154] : memref<10112x128xf32, #tpu.memory_space<vmem_shared>> -> memref<10112x128xf32, #tpu.memory_space<vmem_shared>>
          tpu.enqueue_indirect_dma source(%arg9 : memref<128x128xf32, #tpu.memory_space<vmem>>) target(%dma_start3A_155 : memref<10112x128xf32, #tpu.memory_space<vmem_shared>>) offsets(%dma_start3A_152 : memref<128xi32, #tpu.memory_space<vmem>>) semaphore(%run_scoped3A_149 : memref<!tpu.dma_semaphore, #tpu.memory_space<semaphore_mem>>) {add = true}
          %dma_wait3A_156 = arith.constant 0 : i32
          %dma_wait3A_157 = tpu.memref_slice %arg8[%run_scoped3A_148, %dma_wait3A_156] : memref<3x128xi32, #tpu.memory_space<vmem>> -> memref<1x128xi32, #tpu.memory_space<vmem>>
          %dma_wait3A_158 = tpu.memref_squeeze %dma_wait3A_157 : memref<1x128xi32, #tpu.memory_space<vmem>> -> memref<128xi32, #tpu.memory_space<vmem>>
          %dma_wait3A_159 = arith.constant 0 : i32
          %dma_wait3A_160 = arith.constant 0 : i32
          %dma_wait3A_161 = tpu.memref_slice %arg12[%dma_wait3A_159, %dma_wait3A_160] : memref<10112x128xf32, #tpu.memory_space<vmem_shared>> -> memref<10112x128xf32, #tpu.memory_space<vmem_shared>>
          tpu.wait_indirect_dma semaphore(%run_scoped3A_149 : memref<!tpu.dma_semaphore, #tpu.memory_space<semaphore_mem>>) src(%arg9 : memref<128x128xf32, #tpu.memory_space<vmem>>) dst(%dma_wait3A_161 : memref<10112x128xf32, #tpu.memory_space<vmem_shared>>)
          tpu.yield
        }) : () -> ()
      } else {
      }
      %mul3A_109 = arith.constant 3 : i32
      %mul3A_110 = arith.muli %mul3A_109, %while3A_94 : i32
      %add3A_111 = arith.constant 1 : i32
      %add3A_112 = arith.addi %mul3A_110, %add3A_111 : i32
      %add3A_113 = arith.constant 2 : i32
      %add3A_114 = arith.addi %add3A_112, %add3A_113 : i32
      %lt3A_115 = arith.cmpi slt, %add3A_114, %select_n3A : i32
      %convert_element_type3A_116 = arith.extui %lt3A_115 : i1 to i32
      %cond3A_117 = arith.constant 0 : i32
      %cond3A_118 = arith.cmpi ne, %convert_element_type3A_116, %cond3A_117 : i32
      scf.if %cond3A_118 {
        %mul3A_138 = arith.constant 128 : i32
        %mul3A_139 = arith.muli %add3A_114, %mul3A_138 : i32
        %add3A_140 = arith.addi %select_n3A_10, %mul3A_139 : i32
        %multiple_of3A_141 = tpu.assume_multiple %add3A_140, 128 : i32
        %run_scoped3A_142 = arith.constant 0 : i32
        "tpu.region"() ({
          %run_scoped3A_144 = tpu.sem_alloc : memref<!tpu.dma_semaphore, #tpu.memory_space<semaphore_mem>>
          %dma_start3A_145 = arith.constant 0 : i32
          %dma_start3A_146 = tpu.memref_slice %arg7[%run_scoped3A_142, %dma_start3A_145] : memref<3x128xi32, #tpu.memory_space<vmem>> -> memref<1x128xi32, #tpu.memory_space<vmem>>
          %dma_start3A_147 = tpu.memref_squeeze %dma_start3A_146 : memref<1x128xi32, #tpu.memory_space<vmem>> -> memref<128xi32, #tpu.memory_space<vmem>>
          %dma_start3A_148 = tpu.memref_slice %arg3[%multiple_of3A_141] : memref<327680xi32, #tpu.memory_space<hbm>> -> memref<128xi32, #tpu.memory_space<hbm>>
          %dma_start3A_149 = arith.constant 0 : i32
          %dma_start3A_150 = tpu.memref_slice %arg7[%run_scoped3A_142, %dma_start3A_149] : memref<3x128xi32, #tpu.memory_space<vmem>> -> memref<1x128xi32, #tpu.memory_space<vmem>>
          %dma_start3A_151 = tpu.memref_squeeze %dma_start3A_150 : memref<1x128xi32, #tpu.memory_space<vmem>> -> memref<128xi32, #tpu.memory_space<vmem>>
          %dma_start3A_152 = tpu.memref_slice %arg3[%multiple_of3A_141] : memref<327680xi32, #tpu.memory_space<hbm>> -> memref<128xi32, #tpu.memory_space<hbm>>
          tpu.enqueue_dma source(%dma_start3A_152 : memref<128xi32, #tpu.memory_space<hbm>>) target(%dma_start3A_151 : memref<128xi32, #tpu.memory_space<vmem>>) target_semaphore(%run_scoped3A_144 : memref<!tpu.dma_semaphore, #tpu.memory_space<semaphore_mem>>)
          %dma_wait3A = arith.constant 0 : i32
          %dma_wait3A_153 = tpu.memref_slice %arg7[%run_scoped3A_142, %dma_wait3A] : memref<3x128xi32, #tpu.memory_space<vmem>> -> memref<1x128xi32, #tpu.memory_space<vmem>>
          %dma_wait3A_154 = tpu.memref_squeeze %dma_wait3A_153 : memref<1x128xi32, #tpu.memory_space<vmem>> -> memref<128xi32, #tpu.memory_space<vmem>>
          %dma_wait3A_155 = tpu.memref_slice %arg3[%multiple_of3A_141] : memref<327680xi32, #tpu.memory_space<hbm>> -> memref<128xi32, #tpu.memory_space<hbm>>
          %dma_wait3A_156 = arith.constant 0 : i32
          %dma_wait3A_157 = tpu.memref_slice %arg7[%run_scoped3A_142, %dma_wait3A_156] : memref<3x128xi32, #tpu.memory_space<vmem>> -> memref<1x128xi32, #tpu.memory_space<vmem>>
          %dma_wait3A_158 = tpu.memref_squeeze %dma_wait3A_157 : memref<1x128xi32, #tpu.memory_space<vmem>> -> memref<128xi32, #tpu.memory_space<vmem>>
          %dma_wait3A_159 = tpu.memref_slice %arg3[%multiple_of3A_141] : memref<327680xi32, #tpu.memory_space<hbm>> -> memref<128xi32, #tpu.memory_space<hbm>>
          tpu.wait_dma2 semaphore(%run_scoped3A_144 : memref<!tpu.dma_semaphore, #tpu.memory_space<semaphore_mem>>) src(%dma_wait3A_159 : memref<128xi32, #tpu.memory_space<hbm>>) dst(%dma_wait3A_158 : memref<128xi32, #tpu.memory_space<vmem>>)
          tpu.yield
        }) : () -> ()
        %run_scoped3A_143 = arith.constant 0 : i32
        "tpu.region"() ({
          %run_scoped3A_144 = tpu.sem_alloc : memref<!tpu.dma_semaphore, #tpu.memory_space<semaphore_mem>>
          %dma_start3A_145 = arith.constant 0 : i32
          %dma_start3A_146 = tpu.memref_slice %arg8[%run_scoped3A_143, %dma_start3A_145] : memref<3x128xi32, #tpu.memory_space<vmem>> -> memref<1x128xi32, #tpu.memory_space<vmem>>
          %dma_start3A_147 = tpu.memref_squeeze %dma_start3A_146 : memref<1x128xi32, #tpu.memory_space<vmem>> -> memref<128xi32, #tpu.memory_space<vmem>>
          %dma_start3A_148 = tpu.memref_slice %arg4[%multiple_of3A_141] : memref<327680xi32, #tpu.memory_space<hbm>> -> memref<128xi32, #tpu.memory_space<hbm>>
          %dma_start3A_149 = arith.constant 0 : i32
          %dma_start3A_150 = tpu.memref_slice %arg8[%run_scoped3A_143, %dma_start3A_149] : memref<3x128xi32, #tpu.memory_space<vmem>> -> memref<1x128xi32, #tpu.memory_space<vmem>>
          %dma_start3A_151 = tpu.memref_squeeze %dma_start3A_150 : memref<1x128xi32, #tpu.memory_space<vmem>> -> memref<128xi32, #tpu.memory_space<vmem>>
          %dma_start3A_152 = tpu.memref_slice %arg4[%multiple_of3A_141] : memref<327680xi32, #tpu.memory_space<hbm>> -> memref<128xi32, #tpu.memory_space<hbm>>
          tpu.enqueue_dma source(%dma_start3A_152 : memref<128xi32, #tpu.memory_space<hbm>>) target(%dma_start3A_151 : memref<128xi32, #tpu.memory_space<vmem>>) target_semaphore(%run_scoped3A_144 : memref<!tpu.dma_semaphore, #tpu.memory_space<semaphore_mem>>)
          %dma_wait3A = arith.constant 0 : i32
          %dma_wait3A_153 = tpu.memref_slice %arg8[%run_scoped3A_143, %dma_wait3A] : memref<3x128xi32, #tpu.memory_space<vmem>> -> memref<1x128xi32, #tpu.memory_space<vmem>>
          %dma_wait3A_154 = tpu.memref_squeeze %dma_wait3A_153 : memref<1x128xi32, #tpu.memory_space<vmem>> -> memref<128xi32, #tpu.memory_space<vmem>>
          %dma_wait3A_155 = tpu.memref_slice %arg4[%multiple_of3A_141] : memref<327680xi32, #tpu.memory_space<hbm>> -> memref<128xi32, #tpu.memory_space<hbm>>
          %dma_wait3A_156 = arith.constant 0 : i32
          %dma_wait3A_157 = tpu.memref_slice %arg8[%run_scoped3A_143, %dma_wait3A_156] : memref<3x128xi32, #tpu.memory_space<vmem>> -> memref<1x128xi32, #tpu.memory_space<vmem>>
          %dma_wait3A_158 = tpu.memref_squeeze %dma_wait3A_157 : memref<1x128xi32, #tpu.memory_space<vmem>> -> memref<128xi32, #tpu.memory_space<vmem>>
          %dma_wait3A_159 = tpu.memref_slice %arg4[%multiple_of3A_141] : memref<327680xi32, #tpu.memory_space<hbm>> -> memref<128xi32, #tpu.memory_space<hbm>>
          tpu.wait_dma2 semaphore(%run_scoped3A_144 : memref<!tpu.dma_semaphore, #tpu.memory_space<semaphore_mem>>) src(%dma_wait3A_159 : memref<128xi32, #tpu.memory_space<hbm>>) dst(%dma_wait3A_158 : memref<128xi32, #tpu.memory_space<vmem>>)
          tpu.yield
        }) : () -> ()
      } else {
      }
      %lt3A_119 = arith.cmpi slt, %add3A_112, %select_n3A : i32
      %convert_element_type3A_120 = arith.extui %lt3A_119 : i1 to i32
      %cond3A_121 = arith.constant 0 : i32
      %cond3A_122 = arith.cmpi ne, %convert_element_type3A_120, %cond3A_121 : i32
      scf.if %cond3A_122 {
        %dma_wait3A = arith.constant 1 : i32
        %dma_wait3A_138 = arith.constant 0 : i32
        %dma_wait3A_139 = tpu.memref_slice %arg7[%dma_wait3A, %dma_wait3A_138] : memref<3x128xi32, #tpu.memory_space<vmem>> -> memref<1x128xi32, #tpu.memory_space<vmem>>
        %dma_wait3A_140 = tpu.memref_squeeze %dma_wait3A_139 : memref<1x128xi32, #tpu.memory_space<vmem>> -> memref<128xi32, #tpu.memory_space<vmem>>
        %dma_wait3A_141 = arith.constant 0 : i32
        %dma_wait3A_142 = arith.constant 0 : i32
        %dma_wait3A_143 = tpu.memref_slice %arg2[%dma_wait3A_141, %dma_wait3A_142] : memref<10000x128xf32, #tpu.memory_space<hbm>> -> memref<10000x128xf32, #tpu.memory_space<hbm>>
        tpu.wait_indirect_dma semaphore(%arg14 : memref<!tpu.dma_semaphore, #tpu.memory_space<semaphore_mem>>) src(%dma_wait3A_143 : memref<10000x128xf32, #tpu.memory_space<hbm>>) dst(%arg10 : memref<128x128xf32, #tpu.memory_space<vmem>>)
        %lt3A_144 = arith.cmpi slt, %add3A_114, %select_n3A : i32
        %convert_element_type3A_145 = arith.extui %lt3A_144 : i1 to i32
        %cond3A_146 = arith.constant 0 : i32
        %cond3A_147 = arith.cmpi ne, %convert_element_type3A_145, %cond3A_146 : i32
        scf.if %cond3A_147 {
          %dma_start3A_149 = arith.constant 0 : i32
          %dma_start3A_150 = arith.constant 0 : i32
          %dma_start3A_151 = tpu.memref_slice %arg7[%dma_start3A_149, %dma_start3A_150] : memref<3x128xi32, #tpu.memory_space<vmem>> -> memref<1x128xi32, #tpu.memory_space<vmem>>
          %dma_start3A_152 = tpu.memref_squeeze %dma_start3A_151 : memref<1x128xi32, #tpu.memory_space<vmem>> -> memref<128xi32, #tpu.memory_space<vmem>>
          %dma_start3A_153 = arith.constant 0 : i32
          %dma_start3A_154 = arith.constant 0 : i32
          %dma_start3A_155 = tpu.memref_slice %arg2[%dma_start3A_153, %dma_start3A_154] : memref<10000x128xf32, #tpu.memory_space<hbm>> -> memref<10000x128xf32, #tpu.memory_space<hbm>>
          tpu.enqueue_indirect_dma source(%dma_start3A_155 : memref<10000x128xf32, #tpu.memory_space<hbm>>) target(%arg9 : memref<128x128xf32, #tpu.memory_space<vmem>>) offsets(%dma_start3A_152 : memref<128xi32, #tpu.memory_space<vmem>>) semaphore(%arg13 : memref<!tpu.dma_semaphore, #tpu.memory_space<semaphore_mem>>)
        } else {
        }
        %run_scoped3A_148 = arith.constant 1 : i32
        "tpu.region"() ({
          %run_scoped3A_149 = tpu.sem_alloc : memref<!tpu.dma_semaphore, #tpu.memory_space<semaphore_mem>>
          %dma_start3A_150 = arith.constant 0 : i32
          %dma_start3A_151 = tpu.memref_slice %arg8[%run_scoped3A_148, %dma_start3A_150] : memref<3x128xi32, #tpu.memory_space<vmem>> -> memref<1x128xi32, #tpu.memory_space<vmem>>
          %dma_start3A_152 = tpu.memref_squeeze %dma_start3A_151 : memref<1x128xi32, #tpu.memory_space<vmem>> -> memref<128xi32, #tpu.memory_space<vmem>>
          %dma_start3A_153 = arith.constant 0 : i32
          %dma_start3A_154 = arith.constant 0 : i32
          %dma_start3A_155 = tpu.memref_slice %arg12[%dma_start3A_153, %dma_start3A_154] : memref<10112x128xf32, #tpu.memory_space<vmem_shared>> -> memref<10112x128xf32, #tpu.memory_space<vmem_shared>>
          tpu.enqueue_indirect_dma source(%arg10 : memref<128x128xf32, #tpu.memory_space<vmem>>) target(%dma_start3A_155 : memref<10112x128xf32, #tpu.memory_space<vmem_shared>>) offsets(%dma_start3A_152 : memref<128xi32, #tpu.memory_space<vmem>>) semaphore(%run_scoped3A_149 : memref<!tpu.dma_semaphore, #tpu.memory_space<semaphore_mem>>) {add = true}
          %dma_wait3A_156 = arith.constant 0 : i32
          %dma_wait3A_157 = tpu.memref_slice %arg8[%run_scoped3A_148, %dma_wait3A_156] : memref<3x128xi32, #tpu.memory_space<vmem>> -> memref<1x128xi32, #tpu.memory_space<vmem>>
          %dma_wait3A_158 = tpu.memref_squeeze %dma_wait3A_157 : memref<1x128xi32, #tpu.memory_space<vmem>> -> memref<128xi32, #tpu.memory_space<vmem>>
          %dma_wait3A_159 = arith.constant 0 : i32
          %dma_wait3A_160 = arith.constant 0 : i32
          %dma_wait3A_161 = tpu.memref_slice %arg12[%dma_wait3A_159, %dma_wait3A_160] : memref<10112x128xf32, #tpu.memory_space<vmem_shared>> -> memref<10112x128xf32, #tpu.memory_space<vmem_shared>>
          tpu.wait_indirect_dma semaphore(%run_scoped3A_149 : memref<!tpu.dma_semaphore, #tpu.memory_space<semaphore_mem>>) src(%arg10 : memref<128x128xf32, #tpu.memory_space<vmem>>) dst(%dma_wait3A_161 : memref<10112x128xf32, #tpu.memory_space<vmem_shared>>)
          tpu.yield
        }) : () -> ()
      } else {
      }
      %mul3A_123 = arith.constant 3 : i32
      %mul3A_124 = arith.muli %mul3A_123, %while3A_94 : i32
      %add3A_125 = arith.constant 2 : i32
      %add3A_126 = arith.addi %mul3A_124, %add3A_125 : i32
      %add3A_127 = arith.constant 2 : i32
      %add3A_128 = arith.addi %add3A_126, %add3A_127 : i32
      %lt3A_129 = arith.cmpi slt, %add3A_128, %select_n3A : i32
      %convert_element_type3A_130 = arith.extui %lt3A_129 : i1 to i32
      %cond3A_131 = arith.constant 0 : i32
      %cond3A_132 = arith.cmpi ne, %convert_element_type3A_130, %cond3A_131 : i32
      scf.if %cond3A_132 {
        %mul3A_138 = arith.constant 128 : i32
        %mul3A_139 = arith.muli %add3A_128, %mul3A_138 : i32
        %add3A_140 = arith.addi %select_n3A_10, %mul3A_139 : i32
        %multiple_of3A_141 = tpu.assume_multiple %add3A_140, 128 : i32
        %run_scoped3A_142 = arith.constant 1 : i32
        "tpu.region"() ({
          %run_scoped3A_144 = tpu.sem_alloc : memref<!tpu.dma_semaphore, #tpu.memory_space<semaphore_mem>>
          %dma_start3A_145 = arith.constant 0 : i32
          %dma_start3A_146 = tpu.memref_slice %arg7[%run_scoped3A_142, %dma_start3A_145] : memref<3x128xi32, #tpu.memory_space<vmem>> -> memref<1x128xi32, #tpu.memory_space<vmem>>
          %dma_start3A_147 = tpu.memref_squeeze %dma_start3A_146 : memref<1x128xi32, #tpu.memory_space<vmem>> -> memref<128xi32, #tpu.memory_space<vmem>>
          %dma_start3A_148 = tpu.memref_slice %arg3[%multiple_of3A_141] : memref<327680xi32, #tpu.memory_space<hbm>> -> memref<128xi32, #tpu.memory_space<hbm>>
          %dma_start3A_149 = arith.constant 0 : i32
          %dma_start3A_150 = tpu.memref_slice %arg7[%run_scoped3A_142, %dma_start3A_149] : memref<3x128xi32, #tpu.memory_space<vmem>> -> memref<1x128xi32, #tpu.memory_space<vmem>>
          %dma_start3A_151 = tpu.memref_squeeze %dma_start3A_150 : memref<1x128xi32, #tpu.memory_space<vmem>> -> memref<128xi32, #tpu.memory_space<vmem>>
          %dma_start3A_152 = tpu.memref_slice %arg3[%multiple_of3A_141] : memref<327680xi32, #tpu.memory_space<hbm>> -> memref<128xi32, #tpu.memory_space<hbm>>
          tpu.enqueue_dma source(%dma_start3A_152 : memref<128xi32, #tpu.memory_space<hbm>>) target(%dma_start3A_151 : memref<128xi32, #tpu.memory_space<vmem>>) target_semaphore(%run_scoped3A_144 : memref<!tpu.dma_semaphore, #tpu.memory_space<semaphore_mem>>)
          %dma_wait3A = arith.constant 0 : i32
          %dma_wait3A_153 = tpu.memref_slice %arg7[%run_scoped3A_142, %dma_wait3A] : memref<3x128xi32, #tpu.memory_space<vmem>> -> memref<1x128xi32, #tpu.memory_space<vmem>>
          %dma_wait3A_154 = tpu.memref_squeeze %dma_wait3A_153 : memref<1x128xi32, #tpu.memory_space<vmem>> -> memref<128xi32, #tpu.memory_space<vmem>>
          %dma_wait3A_155 = tpu.memref_slice %arg3[%multiple_of3A_141] : memref<327680xi32, #tpu.memory_space<hbm>> -> memref<128xi32, #tpu.memory_space<hbm>>
          %dma_wait3A_156 = arith.constant 0 : i32
          %dma_wait3A_157 = tpu.memref_slice %arg7[%run_scoped3A_142, %dma_wait3A_156] : memref<3x128xi32, #tpu.memory_space<vmem>> -> memref<1x128xi32, #tpu.memory_space<vmem>>
          %dma_wait3A_158 = tpu.memref_squeeze %dma_wait3A_157 : memref<1x128xi32, #tpu.memory_space<vmem>> -> memref<128xi32, #tpu.memory_space<vmem>>
          %dma_wait3A_159 = tpu.memref_slice %arg3[%multiple_of3A_141] : memref<327680xi32, #tpu.memory_space<hbm>> -> memref<128xi32, #tpu.memory_space<hbm>>
          tpu.wait_dma2 semaphore(%run_scoped3A_144 : memref<!tpu.dma_semaphore, #tpu.memory_space<semaphore_mem>>) src(%dma_wait3A_159 : memref<128xi32, #tpu.memory_space<hbm>>) dst(%dma_wait3A_158 : memref<128xi32, #tpu.memory_space<vmem>>)
          tpu.yield
        }) : () -> ()
        %run_scoped3A_143 = arith.constant 1 : i32
        "tpu.region"() ({
          %run_scoped3A_144 = tpu.sem_alloc : memref<!tpu.dma_semaphore, #tpu.memory_space<semaphore_mem>>
          %dma_start3A_145 = arith.constant 0 : i32
          %dma_start3A_146 = tpu.memref_slice %arg8[%run_scoped3A_143, %dma_start3A_145] : memref<3x128xi32, #tpu.memory_space<vmem>> -> memref<1x128xi32, #tpu.memory_space<vmem>>
          %dma_start3A_147 = tpu.memref_squeeze %dma_start3A_146 : memref<1x128xi32, #tpu.memory_space<vmem>> -> memref<128xi32, #tpu.memory_space<vmem>>
          %dma_start3A_148 = tpu.memref_slice %arg4[%multiple_of3A_141] : memref<327680xi32, #tpu.memory_space<hbm>> -> memref<128xi32, #tpu.memory_space<hbm>>
          %dma_start3A_149 = arith.constant 0 : i32
          %dma_start3A_150 = tpu.memref_slice %arg8[%run_scoped3A_143, %dma_start3A_149] : memref<3x128xi32, #tpu.memory_space<vmem>> -> memref<1x128xi32, #tpu.memory_space<vmem>>
          %dma_start3A_151 = tpu.memref_squeeze %dma_start3A_150 : memref<1x128xi32, #tpu.memory_space<vmem>> -> memref<128xi32, #tpu.memory_space<vmem>>
          %dma_start3A_152 = tpu.memref_slice %arg4[%multiple_of3A_141] : memref<327680xi32, #tpu.memory_space<hbm>> -> memref<128xi32, #tpu.memory_space<hbm>>
          tpu.enqueue_dma source(%dma_start3A_152 : memref<128xi32, #tpu.memory_space<hbm>>) target(%dma_start3A_151 : memref<128xi32, #tpu.memory_space<vmem>>) target_semaphore(%run_scoped3A_144 : memref<!tpu.dma_semaphore, #tpu.memory_space<semaphore_mem>>)
          %dma_wait3A = arith.constant 0 : i32
          %dma_wait3A_153 = tpu.memref_slice %arg8[%run_scoped3A_143, %dma_wait3A] : memref<3x128xi32, #tpu.memory_space<vmem>> -> memref<1x128xi32, #tpu.memory_space<vmem>>
          %dma_wait3A_154 = tpu.memref_squeeze %dma_wait3A_153 : memref<1x128xi32, #tpu.memory_space<vmem>> -> memref<128xi32, #tpu.memory_space<vmem>>
          %dma_wait3A_155 = tpu.memref_slice %arg4[%multiple_of3A_141] : memref<327680xi32, #tpu.memory_space<hbm>> -> memref<128xi32, #tpu.memory_space<hbm>>
          %dma_wait3A_156 = arith.constant 0 : i32
          %dma_wait3A_157 = tpu.memref_slice %arg8[%run_scoped3A_143, %dma_wait3A_156] : memref<3x128xi32, #tpu.memory_space<vmem>> -> memref<1x128xi32, #tpu.memory_space<vmem>>
          %dma_wait3A_158 = tpu.memref_squeeze %dma_wait3A_157 : memref<1x128xi32, #tpu.memory_space<vmem>> -> memref<128xi32, #tpu.memory_space<vmem>>
          %dma_wait3A_159 = tpu.memref_slice %arg4[%multiple_of3A_141] : memref<327680xi32, #tpu.memory_space<hbm>> -> memref<128xi32, #tpu.memory_space<hbm>>
          tpu.wait_dma2 semaphore(%run_scoped3A_144 : memref<!tpu.dma_semaphore, #tpu.memory_space<semaphore_mem>>) src(%dma_wait3A_159 : memref<128xi32, #tpu.memory_space<hbm>>) dst(%dma_wait3A_158 : memref<128xi32, #tpu.memory_space<vmem>>)
          tpu.yield
        }) : () -> ()
      } else {
      }
      %lt3A_133 = arith.cmpi slt, %add3A_126, %select_n3A : i32
      %convert_element_type3A_134 = arith.extui %lt3A_133 : i1 to i32
      %cond3A_135 = arith.constant 0 : i32
      %cond3A_136 = arith.cmpi ne, %convert_element_type3A_134, %cond3A_135 : i32
      scf.if %cond3A_136 {
        %dma_wait3A = arith.constant 2 : i32
        %dma_wait3A_138 = arith.constant 0 : i32
        %dma_wait3A_139 = tpu.memref_slice %arg7[%dma_wait3A, %dma_wait3A_138] : memref<3x128xi32, #tpu.memory_space<vmem>> -> memref<1x128xi32, #tpu.memory_space<vmem>>
        %dma_wait3A_140 = tpu.memref_squeeze %dma_wait3A_139 : memref<1x128xi32, #tpu.memory_space<vmem>> -> memref<128xi32, #tpu.memory_space<vmem>>
        %dma_wait3A_141 = arith.constant 0 : i32
        %dma_wait3A_142 = arith.constant 0 : i32
        %dma_wait3A_143 = tpu.memref_slice %arg2[%dma_wait3A_141, %dma_wait3A_142] : memref<10000x128xf32, #tpu.memory_space<hbm>> -> memref<10000x128xf32, #tpu.memory_space<hbm>>
        tpu.wait_indirect_dma semaphore(%arg15 : memref<!tpu.dma_semaphore, #tpu.memory_space<semaphore_mem>>) src(%dma_wait3A_143 : memref<10000x128xf32, #tpu.memory_space<hbm>>) dst(%arg11 : memref<128x128xf32, #tpu.memory_space<vmem>>)
        %lt3A_144 = arith.cmpi slt, %add3A_128, %select_n3A : i32
        %convert_element_type3A_145 = arith.extui %lt3A_144 : i1 to i32
        %cond3A_146 = arith.constant 0 : i32
        %cond3A_147 = arith.cmpi ne, %convert_element_type3A_145, %cond3A_146 : i32
        scf.if %cond3A_147 {
          %dma_start3A_149 = arith.constant 1 : i32
          %dma_start3A_150 = arith.constant 0 : i32
          %dma_start3A_151 = tpu.memref_slice %arg7[%dma_start3A_149, %dma_start3A_150] : memref<3x128xi32, #tpu.memory_space<vmem>> -> memref<1x128xi32, #tpu.memory_space<vmem>>
          %dma_start3A_152 = tpu.memref_squeeze %dma_start3A_151 : memref<1x128xi32, #tpu.memory_space<vmem>> -> memref<128xi32, #tpu.memory_space<vmem>>
          %dma_start3A_153 = arith.constant 0 : i32
          %dma_start3A_154 = arith.constant 0 : i32
          %dma_start3A_155 = tpu.memref_slice %arg2[%dma_start3A_153, %dma_start3A_154] : memref<10000x128xf32, #tpu.memory_space<hbm>> -> memref<10000x128xf32, #tpu.memory_space<hbm>>
          tpu.enqueue_indirect_dma source(%dma_start3A_155 : memref<10000x128xf32, #tpu.memory_space<hbm>>) target(%arg10 : memref<128x128xf32, #tpu.memory_space<vmem>>) offsets(%dma_start3A_152 : memref<128xi32, #tpu.memory_space<vmem>>) semaphore(%arg14 : memref<!tpu.dma_semaphore, #tpu.memory_space<semaphore_mem>>)
        } else {
        }
        %run_scoped3A_148 = arith.constant 2 : i32
        "tpu.region"() ({
          %run_scoped3A_149 = tpu.sem_alloc : memref<!tpu.dma_semaphore, #tpu.memory_space<semaphore_mem>>
          %dma_start3A_150 = arith.constant 0 : i32
          %dma_start3A_151 = tpu.memref_slice %arg8[%run_scoped3A_148, %dma_start3A_150] : memref<3x128xi32, #tpu.memory_space<vmem>> -> memref<1x128xi32, #tpu.memory_space<vmem>>
          %dma_start3A_152 = tpu.memref_squeeze %dma_start3A_151 : memref<1x128xi32, #tpu.memory_space<vmem>> -> memref<128xi32, #tpu.memory_space<vmem>>
          %dma_start3A_153 = arith.constant 0 : i32
          %dma_start3A_154 = arith.constant 0 : i32
          %dma_start3A_155 = tpu.memref_slice %arg12[%dma_start3A_153, %dma_start3A_154] : memref<10112x128xf32, #tpu.memory_space<vmem_shared>> -> memref<10112x128xf32, #tpu.memory_space<vmem_shared>>
          tpu.enqueue_indirect_dma source(%arg11 : memref<128x128xf32, #tpu.memory_space<vmem>>) target(%dma_start3A_155 : memref<10112x128xf32, #tpu.memory_space<vmem_shared>>) offsets(%dma_start3A_152 : memref<128xi32, #tpu.memory_space<vmem>>) semaphore(%run_scoped3A_149 : memref<!tpu.dma_semaphore, #tpu.memory_space<semaphore_mem>>) {add = true}
          %dma_wait3A_156 = arith.constant 0 : i32
          %dma_wait3A_157 = tpu.memref_slice %arg8[%run_scoped3A_148, %dma_wait3A_156] : memref<3x128xi32, #tpu.memory_space<vmem>> -> memref<1x128xi32, #tpu.memory_space<vmem>>
          %dma_wait3A_158 = tpu.memref_squeeze %dma_wait3A_157 : memref<1x128xi32, #tpu.memory_space<vmem>> -> memref<128xi32, #tpu.memory_space<vmem>>
          %dma_wait3A_159 = arith.constant 0 : i32
          %dma_wait3A_160 = arith.constant 0 : i32
          %dma_wait3A_161 = tpu.memref_slice %arg12[%dma_wait3A_159, %dma_wait3A_160] : memref<10112x128xf32, #tpu.memory_space<vmem_shared>> -> memref<10112x128xf32, #tpu.memory_space<vmem_shared>>
          tpu.wait_indirect_dma semaphore(%run_scoped3A_149 : memref<!tpu.dma_semaphore, #tpu.memory_space<semaphore_mem>>) src(%arg11 : memref<128x128xf32, #tpu.memory_space<vmem>>) dst(%dma_wait3A_161 : memref<10112x128xf32, #tpu.memory_space<vmem_shared>>)
          tpu.yield
        }) : () -> ()
      } else {
      }
      %while3A_137 = arith.constant 0 : i32
      scf.yield %while3A_137 : i32
    }
    %barrier3A_85 = arith.constant 0 : index
    tpu.barrier barrier_id(%barrier3A_85)
    %eq3A_86 = arith.constant 0 : i32
    %eq3A_87 = arith.cmpi eq, %arg0, %eq3A_86 : i32
    %convert_element_type3A = arith.extui %eq3A_87 : i1 to i32
    %cond3A = arith.constant 0 : i32
    %cond3A_88 = arith.cmpi ne, %convert_element_type3A, %cond3A : i32
    scf.if %cond3A_88 {
      %mul3A_94 = arith.constant 632 : i32
      %mul3A_95 = arith.muli %arg1, %mul3A_94 : i32
      %mul3A_96 = arith.constant 632 : i32
      %mul3A_97 = arith.muli %arg1, %mul3A_96 : i32
      "tpu.region"() ({
        %run_scoped3A_98 = tpu.sem_alloc : memref<!tpu.dma_semaphore, #tpu.memory_space<semaphore_mem>>
        %dma_start3A_99 = arith.constant 0 : i32
        %dma_start3A_100 = tpu.memref_slice %arg5[%mul3A_97, %dma_start3A_99] : memref<10112x128xf32, #tpu.memory_space<hbm>> -> memref<632x128xf32, #tpu.memory_space<hbm>>
        %dma_start3A_101 = arith.constant 0 : i32
        %dma_start3A_102 = tpu.memref_slice %arg12[%mul3A_95, %dma_start3A_101] : memref<10112x128xf32, #tpu.memory_space<vmem_shared>> -> memref<632x128xf32, #tpu.memory_space<vmem_shared>>
        tpu.enqueue_dma source(%dma_start3A_102 : memref<632x128xf32, #tpu.memory_space<vmem_shared>>) target(%dma_start3A_100 : memref<632x128xf32, #tpu.memory_space<hbm>>) target_semaphore(%run_scoped3A_98 : memref<!tpu.dma_semaphore, #tpu.memory_space<semaphore_mem>>)
        %dma_wait3A = arith.constant 0 : i32
        %dma_wait3A_103 = tpu.memref_slice %arg5[%mul3A_97, %dma_wait3A] : memref<10112x128xf32, #tpu.memory_space<hbm>> -> memref<632x128xf32, #tpu.memory_space<hbm>>
        %dma_wait3A_104 = arith.constant 0 : i32
        %dma_wait3A_105 = tpu.memref_slice %arg12[%mul3A_95, %dma_wait3A_104] : memref<10112x128xf32, #tpu.memory_space<vmem_shared>> -> memref<632x128xf32, #tpu.memory_space<vmem_shared>>
        tpu.wait_dma2 semaphore(%run_scoped3A_98 : memref<!tpu.dma_semaphore, #tpu.memory_space<semaphore_mem>>) src(%dma_wait3A_105 : memref<632x128xf32, #tpu.memory_space<vmem_shared>>) dst(%dma_wait3A_103 : memref<632x128xf32, #tpu.memory_space<hbm>>)
        tpu.yield
      }) : () -> ()
    } else {
    }
    %eq3A_89 = arith.constant 1 : i32
    %eq3A_90 = arith.cmpi eq, %arg0, %eq3A_89 : i32
    %convert_element_type3A_91 = arith.extui %eq3A_90 : i1 to i32
    %cond3A_92 = arith.constant 0 : i32
    %cond3A_93 = arith.cmpi ne, %convert_element_type3A_91, %cond3A_92 : i32
    scf.if %cond3A_93 {
      %mul3A_94 = arith.constant 632 : i32
      %mul3A_95 = arith.muli %arg1, %mul3A_94 : i32
      %mul3A_96 = arith.constant 632 : i32
      %mul3A_97 = arith.muli %arg1, %mul3A_96 : i32
      "tpu.region"() ({
        %run_scoped3A_98 = tpu.sem_alloc : memref<!tpu.dma_semaphore, #tpu.memory_space<semaphore_mem>>
        %dma_start3A_99 = arith.constant 0 : i32
        %dma_start3A_100 = tpu.memref_slice %arg6[%mul3A_97, %dma_start3A_99] : memref<10112x128xf32, #tpu.memory_space<hbm>> -> memref<632x128xf32, #tpu.memory_space<hbm>>
        %dma_start3A_101 = arith.constant 0 : i32
        %dma_start3A_102 = tpu.memref_slice %arg12[%mul3A_95, %dma_start3A_101] : memref<10112x128xf32, #tpu.memory_space<vmem_shared>> -> memref<632x128xf32, #tpu.memory_space<vmem_shared>>
        tpu.enqueue_dma source(%dma_start3A_102 : memref<632x128xf32, #tpu.memory_space<vmem_shared>>) target(%dma_start3A_100 : memref<632x128xf32, #tpu.memory_space<hbm>>) target_semaphore(%run_scoped3A_98 : memref<!tpu.dma_semaphore, #tpu.memory_space<semaphore_mem>>)
        %dma_wait3A = arith.constant 0 : i32
        %dma_wait3A_103 = tpu.memref_slice %arg6[%mul3A_97, %dma_wait3A] : memref<10112x128xf32, #tpu.memory_space<hbm>> -> memref<632x128xf32, #tpu.memory_space<hbm>>
        %dma_wait3A_104 = arith.constant 0 : i32
        %dma_wait3A_105 = tpu.memref_slice %arg12[%mul3A_95, %dma_wait3A_104] : memref<10112x128xf32, #tpu.memory_space<vmem_shared>> -> memref<632x128xf32, #tpu.memory_space<vmem_shared>>
        tpu.wait_dma2 semaphore(%run_scoped3A_98 : memref<!tpu.dma_semaphore, #tpu.memory_space<semaphore_mem>>) src(%dma_wait3A_105 : memref<632x128xf32, #tpu.memory_space<vmem_shared>>) dst(%dma_wait3A_103 : memref<632x128xf32, #tpu.memory_space<hbm>>)
        tpu.yield
      }) : () -> ()
    } else {
    }
    return
  }
}

#map = affine_map<(d0, d1) -> (0, 0)>
#map1 = affine_map<(d0, d1) -> (0)>
module attributes {stable_mosaic.version = 14 : i64} {
  func.func @_sc_agg_body(%arg0: i32, %arg1: i32, %arg2: memref<10000x128xf32, #tpu.memory_space<hbm>>, %arg3: memref<327680xi32, #tpu.memory_space<hbm>>, %arg4: memref<327680xi32, #tpu.memory_space<hbm>>, %arg5: memref<10112x128xf32, #tpu.memory_space<hbm>>, %arg6: memref<10112x128xf32, #tpu.memory_space<hbm>>, %arg7: memref<3x128xi32, #tpu.memory_space<vmem>>, %arg8: memref<3x128xi32, #tpu.memory_space<vmem>>, %arg9: memref<128x128xf32, #tpu.memory_space<vmem>>, %arg10: memref<128x128xf32, #tpu.memory_space<vmem>>, %arg11: memref<128x128xf32, #tpu.memory_space<vmem>>, %arg12: memref<10112x128xf32, #tpu.memory_space<vmem_shared>>, %arg13: memref<!tpu.dma_semaphore, #tpu.memory_space<semaphore_mem>>, %arg14: memref<!tpu.dma_semaphore, #tpu.memory_space<semaphore_mem>>, %arg15: memref<!tpu.dma_semaphore, #tpu.memory_space<semaphore_mem>>) attributes {dimension_semantics = [#tpu.dimension_semantics<core_parallel>, #tpu.dimension_semantics<subcore_parallel>], iteration_bounds = array<i64: 2, 16>, scalar_prefetch = 0 : i64, scratch_operands = 9 : i64, tpu.core_type = #tpu.core_type<sc_vector_subcore>, window_params = [{transform_indices = #map}, {transform_indices = #map1}, {transform_indices = #map1}, {transform_indices = #map}, {transform_indices = #map}]} {
    %eq3A = arith.constant 0 : i32
    %eq3A_0 = arith.cmpi eq, %arg0, %eq3A : i32
    %jit3A = arith.constant 138 : i32
    %jit3A_1 = arith.constant 22 : i32
    %select_n3A = arith.select %eq3A_0, %jit3A, %jit3A_1 : i32
    %eq3A_2 = arith.constant 0 : i32
    %eq3A_3 = arith.cmpi eq, %arg0, %eq3A_2 : i32
    %mul3A = arith.constant 17664 : i32
    %mul3A_4 = arith.muli %arg1, %mul3A : i32
    %mul3A_5 = arith.constant 22 : i32
    %mul3A_6 = arith.muli %arg1, %mul3A_5 : i32
    %add3A = arith.constant 2208 : i32
    %add3A_7 = arith.addi %add3A, %mul3A_6 : i32
    %mul3A_8 = arith.constant 128 : i32
    %mul3A_9 = arith.muli %add3A_7, %mul3A_8 : i32
    %select_n3A_10 = arith.select %eq3A_3, %mul3A_4, %mul3A_9 : i32
    %broadcast_in_dim3A = arith.constant 0.000000e+00 : f32
    %broadcast_in_dim3A_11 = vector.broadcast %broadcast_in_dim3A : f32 to vector<16xf32>
    %scan3A = arith.constant 0 : i32
    %scan3A_12 = arith.constant 0 : i32
    %scan3A_13 = arith.constant 128 : i32
    %scan3A_14 = arith.addi %scan3A_12, %scan3A_13 : i32
    %scan3A_15 = arith.constant 1 : i32
    %scan3A_16 = scf.for %scan3A_94 = %scan3A_12 to %scan3A_14 step %scan3A_15 iter_args(%scan3A_95 = %scan3A) -> (i32)  : i32 {
      %swap3A = arith.index_cast %scan3A_94 : i32 to index
      %swap3A_96 = arith.constant 0 : index
      %swap3A_97 = tpu.vector_load %arg9[%swap3A, %swap3A_96] {strides = array<i32>} : memref<128x128xf32, #tpu.memory_space<vmem>>, vector<1x16xf32>,
      %swap3A_98 = vector.shape_cast %swap3A_97 : vector<1x16xf32> to vector<16xf32>
      %swap3A_99 = vector.shape_cast %broadcast_in_dim3A_11 : vector<16xf32> to vector<1x16xf32>
      tpu.vector_store %arg9[%swap3A, %swap3A_96], %swap3A_99 {strides = array<i32>} : memref<128x128xf32, #tpu.memory_space<vmem>>, vector<1x16xf32>,
      %swap3A_100 = arith.index_cast %scan3A_94 : i32 to index
      %swap3A_101 = arith.constant 16 : index
      %swap3A_102 = tpu.vector_load %arg9[%swap3A_100, %swap3A_101] {strides = array<i32>} : memref<128x128xf32, #tpu.memory_space<vmem>>, vector<1x16xf32>,
      %swap3A_103 = vector.shape_cast %swap3A_102 : vector<1x16xf32> to vector<16xf32>
      %swap3A_104 = vector.shape_cast %broadcast_in_dim3A_11 : vector<16xf32> to vector<1x16xf32>
      tpu.vector_store %arg9[%swap3A_100, %swap3A_101], %swap3A_104 {strides = array<i32>} : memref<128x128xf32, #tpu.memory_space<vmem>>, vector<1x16xf32>,
      %swap3A_105 = arith.index_cast %scan3A_94 : i32 to index
      %swap3A_106 = arith.constant 32 : index
      %swap3A_107 = tpu.vector_load %arg9[%swap3A_105, %swap3A_106] {strides = array<i32>} : memref<128x128xf32, #tpu.memory_space<vmem>>, vector<1x16xf32>,
      %swap3A_108 = vector.shape_cast %swap3A_107 : vector<1x16xf32> to vector<16xf32>
      %swap3A_109 = vector.shape_cast %broadcast_in_dim3A_11 : vector<16xf32> to vector<1x16xf32>
      tpu.vector_store %arg9[%swap3A_105, %swap3A_106], %swap3A_109 {strides = array<i32>} : memref<128x128xf32, #tpu.memory_space<vmem>>, vector<1x16xf32>,
      %swap3A_110 = arith.index_cast %scan3A_94 : i32 to index
      %swap3A_111 = arith.constant 48 : index
      %swap3A_112 = tpu.vector_load %arg9[%swap3A_110, %swap3A_111] {strides = array<i32>} : memref<128x128xf32, #tpu.memory_space<vmem>>, vector<1x16xf32>,
      %swap3A_113 = vector.shape_cast %swap3A_112 : vector<1x16xf32> to vector<16xf32>
      %swap3A_114 = vector.shape_cast %broadcast_in_dim3A_11 : vector<16xf32> to vector<1x16xf32>
      tpu.vector_store %arg9[%swap3A_110, %swap3A_111], %swap3A_114 {strides = array<i32>} : memref<128x128xf32, #tpu.memory_space<vmem>>, vector<1x16xf32>,
      %swap3A_115 = arith.index_cast %scan3A_94 : i32 to index
      %swap3A_116 = arith.constant 64 : index
      %swap3A_117 = tpu.vector_load %arg9[%swap3A_115, %swap3A_116] {strides = array<i32>} : memref<128x128xf32, #tpu.memory_space<vmem>>, vector<1x16xf32>,
      %swap3A_118 = vector.shape_cast %swap3A_117 : vector<1x16xf32> to vector<16xf32>
      %swap3A_119 = vector.shape_cast %broadcast_in_dim3A_11 : vector<16xf32> to vector<1x16xf32>
      tpu.vector_store %arg9[%swap3A_115, %swap3A_116], %swap3A_119 {strides = array<i32>} : memref<128x128xf32, #tpu.memory_space<vmem>>, vector<1x16xf32>,
      %swap3A_120 = arith.index_cast %scan3A_94 : i32 to index
      %swap3A_121 = arith.constant 80 : index
      %swap3A_122 = tpu.vector_load %arg9[%swap3A_120, %swap3A_121] {strides = array<i32>} : memref<128x128xf32, #tpu.memory_space<vmem>>, vector<1x16xf32>,
      %swap3A_123 = vector.shape_cast %swap3A_122 : vector<1x16xf32> to vector<16xf32>
      %swap3A_124 = vector.shape_cast %broadcast_in_dim3A_11 : vector<16xf32> to vector<1x16xf32>
      tpu.vector_store %arg9[%swap3A_120, %swap3A_121], %swap3A_124 {strides = array<i32>} : memref<128x128xf32, #tpu.memory_space<vmem>>, vector<1x16xf32>,
      %swap3A_125 = arith.index_cast %scan3A_94 : i32 to index
      %swap3A_126 = arith.constant 96 : index
      %swap3A_127 = tpu.vector_load %arg9[%swap3A_125, %swap3A_126] {strides = array<i32>} : memref<128x128xf32, #tpu.memory_space<vmem>>, vector<1x16xf32>,
      %swap3A_128 = vector.shape_cast %swap3A_127 : vector<1x16xf32> to vector<16xf32>
      %swap3A_129 = vector.shape_cast %broadcast_in_dim3A_11 : vector<16xf32> to vector<1x16xf32>
      tpu.vector_store %arg9[%swap3A_125, %swap3A_126], %swap3A_129 {strides = array<i32>} : memref<128x128xf32, #tpu.memory_space<vmem>>, vector<1x16xf32>,
      %swap3A_130 = arith.index_cast %scan3A_94 : i32 to index
      %swap3A_131 = arith.constant 112 : index
      %swap3A_132 = tpu.vector_load %arg9[%swap3A_130, %swap3A_131] {strides = array<i32>} : memref<128x128xf32, #tpu.memory_space<vmem>>, vector<1x16xf32>,
      %swap3A_133 = vector.shape_cast %swap3A_132 : vector<1x16xf32> to vector<16xf32>
      %swap3A_134 = vector.shape_cast %broadcast_in_dim3A_11 : vector<16xf32> to vector<1x16xf32>
      tpu.vector_store %arg9[%swap3A_130, %swap3A_131], %swap3A_134 {strides = array<i32>} : memref<128x128xf32, #tpu.memory_space<vmem>>, vector<1x16xf32>,
      %scan3A_135 = arith.constant 0 : i32
      scf.yield %scan3A_135 : i32
    }
    %scan3A_17 = arith.constant 128 : i32
    %scan3A_18 = arith.constant 0 : i32
    %scan3A_19 = arith.constant 0 : i32
    %scan3A_20 = arith.constant 4 : i32
    %scan3A_21 = arith.addi %scan3A_19, %scan3A_20 : i32
    %scan3A_22 = arith.constant 1 : i32
    %scan3A_23 = scf.for %scan3A_94 = %scan3A_19 to %scan3A_21 step %scan3A_22 iter_args(%scan3A_95 = %scan3A_18) -> (i32)  : i32 {
      %mul3A_96 = arith.constant 632 : i32
      %mul3A_97 = arith.muli %arg1, %mul3A_96 : i32
      %mul3A_98 = arith.constant 128 : i32
      %mul3A_99 = arith.muli %scan3A_94, %mul3A_98 : i32
      %add3A_100 = arith.addi %mul3A_97, %mul3A_99 : i32
      "tpu.region"() ({
        %run_scoped3A_102 = tpu.sem_alloc : memref<!tpu.dma_semaphore, #tpu.memory_space<semaphore_mem>>
        %dma_start3A_103 = arith.constant 0 : i32
        %dma_start3A_104 = tpu.memref_slice %arg12[%add3A_100, %dma_start3A_103] : memref<10112x128xf32, #tpu.memory_space<vmem_shared>> -> memref<128x128xf32, #tpu.memory_space<vmem_shared>>
        %dma_start3A_105 = arith.constant 0 : i32
        %dma_start3A_106 = tpu.memref_slice %arg12[%add3A_100, %dma_start3A_105] : memref<10112x128xf32, #tpu.memory_space<vmem_shared>> -> memref<128x128xf32, #tpu.memory_space<vmem_shared>>
        tpu.enqueue_dma source(%arg9 : memref<128x128xf32, #tpu.memory_space<vmem>>) target(%dma_start3A_106 : memref<128x128xf32, #tpu.memory_space<vmem_shared>>) target_semaphore(%run_scoped3A_102 : memref<!tpu.dma_semaphore, #tpu.memory_space<semaphore_mem>>)
        %dma_wait3A = arith.constant 0 : i32
        %dma_wait3A_107 = tpu.memref_slice %arg12[%add3A_100, %dma_wait3A] : memref<10112x128xf32, #tpu.memory_space<vmem_shared>> -> memref<128x128xf32, #tpu.memory_space<vmem_shared>>
        %dma_wait3A_108 = arith.constant 0 : i32
        %dma_wait3A_109 = tpu.memref_slice %arg12[%add3A_100, %dma_wait3A_108] : memref<10112x128xf32, #tpu.memory_space<vmem_shared>> -> memref<128x128xf32, #tpu.memory_space<vmem_shared>>
        tpu.wait_dma2 semaphore(%run_scoped3A_102 : memref<!tpu.dma_semaphore, #tpu.memory_space<semaphore_mem>>) src(%arg9 : memref<128x128xf32, #tpu.memory_space<vmem>>) dst(%dma_wait3A_109 : memref<128x128xf32, #tpu.memory_space<vmem_shared>>)
        tpu.yield
      }) : () -> ()
      %scan3A_101 = arith.constant 0 : i32
      scf.yield %scan3A_101 : i32
    }
    %scan3A_24 = arith.constant 4 : i32
    %mul3A_25 = arith.constant 632 : i32
    %mul3A_26 = arith.muli %arg1, %mul3A_25 : i32
    %add3A_27 = arith.constant 632 : i32
    %add3A_28 = arith.addi %mul3A_26, %add3A_27 : i32
    %sub3A = arith.constant 128 : i32
    %sub3A_29 = arith.subi %add3A_28, %sub3A : i32
    "tpu.region"() ({
      %run_scoped3A_94 = tpu.sem_alloc : memref<!tpu.dma_semaphore, #tpu.memory_space<semaphore_mem>>
      %dma_start3A_95 = arith.constant 0 : i32
      %dma_start3A_96 = tpu.memref_slice %arg12[%sub3A_29, %dma_start3A_95] : memref<10112x128xf32, #tpu.memory_space<vmem_shared>> -> memref<128x128xf32, #tpu.memory_space<vmem_shared>>
      %dma_start3A_97 = arith.constant 0 : i32
      %dma_start3A_98 = tpu.memref_slice %arg12[%sub3A_29, %dma_start3A_97] : memref<10112x128xf32, #tpu.memory_space<vmem_shared>> -> memref<128x128xf32, #tpu.memory_space<vmem_shared>>
      tpu.enqueue_dma source(%arg9 : memref<128x128xf32, #tpu.memory_space<vmem>>) target(%dma_start3A_98 : memref<128x128xf32, #tpu.memory_space<vmem_shared>>) target_semaphore(%run_scoped3A_94 : memref<!tpu.dma_semaphore, #tpu.memory_space<semaphore_mem>>)
      %dma_wait3A = arith.constant 0 : i32
      %dma_wait3A_99 = tpu.memref_slice %arg12[%sub3A_29, %dma_wait3A] : memref<10112x128xf32, #tpu.memory_space<vmem_shared>> -> memref<128x128xf32, #tpu.memory_space<vmem_shared>>
      %dma_wait3A_100 = arith.constant 0 : i32
      %dma_wait3A_101 = tpu.memref_slice %arg12[%sub3A_29, %dma_wait3A_100] : memref<10112x128xf32, #tpu.memory_space<vmem_shared>> -> memref<128x128xf32, #tpu.memory_space<vmem_shared>>
      tpu.wait_dma2 semaphore(%run_scoped3A_94 : memref<!tpu.dma_semaphore, #tpu.memory_space<semaphore_mem>>) src(%arg9 : memref<128x128xf32, #tpu.memory_space<vmem>>) dst(%dma_wait3A_101 : memref<128x128xf32, #tpu.memory_space<vmem_shared>>)
      tpu.yield
    }) : () -> ()
    %barrier3A = arith.constant 0 : index
    tpu.barrier barrier_id(%barrier3A)
    %add3A_30 = arith.constant 0 : i32
    %add3A_31 = arith.addi %select_n3A_10, %add3A_30 : i32
    %multiple_of3A = tpu.assume_multiple %add3A_31, 128 : i32
    %run_scoped3A = arith.constant 0 : i32
    "tpu.region"() ({
      %run_scoped3A_94 = tpu.sem_alloc : memref<!tpu.dma_semaphore, #tpu.memory_space<semaphore_mem>>
      %dma_start3A_95 = arith.constant 0 : i32
      %dma_start3A_96 = tpu.memref_slice %arg7[%run_scoped3A, %dma_start3A_95] : memref<3x128xi32, #tpu.memory_space<vmem>> -> memref<1x128xi32, #tpu.memory_space<vmem>>
      %dma_start3A_97 = tpu.memref_squeeze %dma_start3A_96 : memref<1x128xi32, #tpu.memory_space<vmem>> -> memref<128xi32, #tpu.memory_space<vmem>>
      %dma_start3A_98 = tpu.memref_slice %arg3[%multiple_of3A] : memref<327680xi32, #tpu.memory_space<hbm>> -> memref<128xi32, #tpu.memory_space<hbm>>
      %dma_start3A_99 = arith.constant 0 : i32
      %dma_start3A_100 = tpu.memref_slice %arg7[%run_scoped3A, %dma_start3A_99] : memref<3x128xi32, #tpu.memory_space<vmem>> -> memref<1x128xi32, #tpu.memory_space<vmem>>
      %dma_start3A_101 = tpu.memref_squeeze %dma_start3A_100 : memref<1x128xi32, #tpu.memory_space<vmem>> -> memref<128xi32, #tpu.memory_space<vmem>>
      %dma_start3A_102 = tpu.memref_slice %arg3[%multiple_of3A] : memref<327680xi32, #tpu.memory_space<hbm>> -> memref<128xi32, #tpu.memory_space<hbm>>
      tpu.enqueue_dma source(%dma_start3A_102 : memref<128xi32, #tpu.memory_space<hbm>>) target(%dma_start3A_101 : memref<128xi32, #tpu.memory_space<vmem>>) target_semaphore(%run_scoped3A_94 : memref<!tpu.dma_semaphore, #tpu.memory_space<semaphore_mem>>)
      %dma_wait3A = arith.constant 0 : i32
      %dma_wait3A_103 = tpu.memref_slice %arg7[%run_scoped3A, %dma_wait3A] : memref<3x128xi32, #tpu.memory_space<vmem>> -> memref<1x128xi32, #tpu.memory_space<vmem>>
      %dma_wait3A_104 = tpu.memref_squeeze %dma_wait3A_103 : memref<1x128xi32, #tpu.memory_space<vmem>> -> memref<128xi32, #tpu.memory_space<vmem>>
      %dma_wait3A_105 = tpu.memref_slice %arg3[%multiple_of3A] : memref<327680xi32, #tpu.memory_space<hbm>> -> memref<128xi32, #tpu.memory_space<hbm>>
      %dma_wait3A_106 = arith.constant 0 : i32
      %dma_wait3A_107 = tpu.memref_slice %arg7[%run_scoped3A, %dma_wait3A_106] : memref<3x128xi32, #tpu.memory_space<vmem>> -> memref<1x128xi32, #tpu.memory_space<vmem>>
      %dma_wait3A_108 = tpu.memref_squeeze %dma_wait3A_107 : memref<1x128xi32, #tpu.memory_space<vmem>> -> memref<128xi32, #tpu.memory_space<vmem>>
      %dma_wait3A_109 = tpu.memref_slice %arg3[%multiple_of3A] : memref<327680xi32, #tpu.memory_space<hbm>> -> memref<128xi32, #tpu.memory_space<hbm>>
      tpu.wait_dma2 semaphore(%run_scoped3A_94 : memref<!tpu.dma_semaphore, #tpu.memory_space<semaphore_mem>>) src(%dma_wait3A_109 : memref<128xi32, #tpu.memory_space<hbm>>) dst(%dma_wait3A_108 : memref<128xi32, #tpu.memory_space<vmem>>)
      tpu.yield
    }) : () -> ()
    %run_scoped3A_32 = arith.constant 0 : i32
    "tpu.region"() ({
      %run_scoped3A_94 = tpu.sem_alloc : memref<!tpu.dma_semaphore, #tpu.memory_space<semaphore_mem>>
      %dma_start3A_95 = arith.constant 0 : i32
      %dma_start3A_96 = tpu.memref_slice %arg8[%run_scoped3A_32, %dma_start3A_95] : memref<3x128xi32, #tpu.memory_space<vmem>> -> memref<1x128xi32, #tpu.memory_space<vmem>>
      %dma_start3A_97 = tpu.memref_squeeze %dma_start3A_96 : memref<1x128xi32, #tpu.memory_space<vmem>> -> memref<128xi32, #tpu.memory_space<vmem>>
      %dma_start3A_98 = tpu.memref_slice %arg4[%multiple_of3A] : memref<327680xi32, #tpu.memory_space<hbm>> -> memref<128xi32, #tpu.memory_space<hbm>>
      %dma_start3A_99 = arith.constant 0 : i32
      %dma_start3A_100 = tpu.memref_slice %arg8[%run_scoped3A_32, %dma_start3A_99] : memref<3x128xi32, #tpu.memory_space<vmem>> -> memref<1x128xi32, #tpu.memory_space<vmem>>
      %dma_start3A_101 = tpu.memref_squeeze %dma_start3A_100 : memref<1x128xi32, #tpu.memory_space<vmem>> -> memref<128xi32, #tpu.memory_space<vmem>>
      %dma_start3A_102 = tpu.memref_slice %arg4[%multiple_of3A] : memref<327680xi32, #tpu.memory_space<hbm>> -> memref<128xi32, #tpu.memory_space<hbm>>
      tpu.enqueue_dma source(%dma_start3A_102 : memref<128xi32, #tpu.memory_space<hbm>>) target(%dma_start3A_101 : memref<128xi32, #tpu.memory_space<vmem>>) target_semaphore(%run_scoped3A_94 : memref<!tpu.dma_semaphore, #tpu.memory_space<semaphore_mem>>)
      %dma_wait3A = arith.constant 0 : i32
      %dma_wait3A_103 = tpu.memref_slice %arg8[%run_scoped3A_32, %dma_wait3A] : memref<3x128xi32, #tpu.memory_space<vmem>> -> memref<1x128xi32, #tpu.memory_space<vmem>>
      %dma_wait3A_104 = tpu.memref_squeeze %dma_wait3A_103 : memref<1x128xi32, #tpu.memory_space<vmem>> -> memref<128xi32, #tpu.memory_space<vmem>>
      %dma_wait3A_105 = tpu.memref_slice %arg4[%multiple_of3A] : memref<327680xi32, #tpu.memory_space<hbm>> -> memref<128xi32, #tpu.memory_space<hbm>>
      %dma_wait3A_106 = arith.constant 0 : i32
      %dma_wait3A_107 = tpu.memref_slice %arg8[%run_scoped3A_32, %dma_wait3A_106] : memref<3x128xi32, #tpu.memory_space<vmem>> -> memref<1x128xi32, #tpu.memory_space<vmem>>
      %dma_wait3A_108 = tpu.memref_squeeze %dma_wait3A_107 : memref<1x128xi32, #tpu.memory_space<vmem>> -> memref<128xi32, #tpu.memory_space<vmem>>
      %dma_wait3A_109 = tpu.memref_slice %arg4[%multiple_of3A] : memref<327680xi32, #tpu.memory_space<hbm>> -> memref<128xi32, #tpu.memory_space<hbm>>
      tpu.wait_dma2 semaphore(%run_scoped3A_94 : memref<!tpu.dma_semaphore, #tpu.memory_space<semaphore_mem>>) src(%dma_wait3A_109 : memref<128xi32, #tpu.memory_space<hbm>>) dst(%dma_wait3A_108 : memref<128xi32, #tpu.memory_space<vmem>>)
      tpu.yield
    }) : () -> ()
    %dma_start3A = arith.constant 0 : i32
    %dma_start3A_33 = arith.constant 0 : i32
    %dma_start3A_34 = tpu.memref_slice %arg7[%dma_start3A, %dma_start3A_33] : memref<3x128xi32, #tpu.memory_space<vmem>> -> memref<1x128xi32, #tpu.memory_space<vmem>>
    %dma_start3A_35 = tpu.memref_squeeze %dma_start3A_34 : memref<1x128xi32, #tpu.memory_space<vmem>> -> memref<128xi32, #tpu.memory_space<vmem>>
    %dma_start3A_36 = arith.constant 0 : i32
    %dma_start3A_37 = arith.constant 0 : i32
    %dma_start3A_38 = tpu.memref_slice %arg2[%dma_start3A_36, %dma_start3A_37] : memref<10000x128xf32, #tpu.memory_space<hbm>> -> memref<10000x128xf32, #tpu.memory_space<hbm>>
    tpu.enqueue_indirect_dma source(%dma_start3A_38 : memref<10000x128xf32, #tpu.memory_space<hbm>>) target(%arg9 : memref<128x128xf32, #tpu.memory_space<vmem>>) offsets(%dma_start3A_35 : memref<128xi32, #tpu.memory_space<vmem>>) semaphore(%arg13 : memref<!tpu.dma_semaphore, #tpu.memory_space<semaphore_mem>>)
    %add3A_39 = arith.constant 128 : i32
    %add3A_40 = arith.addi %select_n3A_10, %add3A_39 : i32
    %multiple_of3A_41 = tpu.assume_multiple %add3A_40, 128 : i32
    %run_scoped3A_42 = arith.constant 1 : i32
    "tpu.region"() ({
      %run_scoped3A_94 = tpu.sem_alloc : memref<!tpu.dma_semaphore, #tpu.memory_space<semaphore_mem>>
      %dma_start3A_95 = arith.constant 0 : i32
      %dma_start3A_96 = tpu.memref_slice %arg7[%run_scoped3A_42, %dma_start3A_95] : memref<3x128xi32, #tpu.memory_space<vmem>> -> memref<1x128xi32, #tpu.memory_space<vmem>>
      %dma_start3A_97 = tpu.memref_squeeze %dma_start3A_96 : memref<1x128xi32, #tpu.memory_space<vmem>> -> memref<128xi32, #tpu.memory_space<vmem>>
      %dma_start3A_98 = tpu.memref_slice %arg3[%multiple_of3A_41] : memref<327680xi32, #tpu.memory_space<hbm>> -> memref<128xi32, #tpu.memory_space<hbm>>
      %dma_start3A_99 = arith.constant 0 : i32
      %dma_start3A_100 = tpu.memref_slice %arg7[%run_scoped3A_42, %dma_start3A_99] : memref<3x128xi32, #tpu.memory_space<vmem>> -> memref<1x128xi32, #tpu.memory_space<vmem>>
      %dma_start3A_101 = tpu.memref_squeeze %dma_start3A_100 : memref<1x128xi32, #tpu.memory_space<vmem>> -> memref<128xi32, #tpu.memory_space<vmem>>
      %dma_start3A_102 = tpu.memref_slice %arg3[%multiple_of3A_41] : memref<327680xi32, #tpu.memory_space<hbm>> -> memref<128xi32, #tpu.memory_space<hbm>>
      tpu.enqueue_dma source(%dma_start3A_102 : memref<128xi32, #tpu.memory_space<hbm>>) target(%dma_start3A_101 : memref<128xi32, #tpu.memory_space<vmem>>) target_semaphore(%run_scoped3A_94 : memref<!tpu.dma_semaphore, #tpu.memory_space<semaphore_mem>>)
      %dma_wait3A = arith.constant 0 : i32
      %dma_wait3A_103 = tpu.memref_slice %arg7[%run_scoped3A_42, %dma_wait3A] : memref<3x128xi32, #tpu.memory_space<vmem>> -> memref<1x128xi32, #tpu.memory_space<vmem>>
      %dma_wait3A_104 = tpu.memref_squeeze %dma_wait3A_103 : memref<1x128xi32, #tpu.memory_space<vmem>> -> memref<128xi32, #tpu.memory_space<vmem>>
      %dma_wait3A_105 = tpu.memref_slice %arg3[%multiple_of3A_41] : memref<327680xi32, #tpu.memory_space<hbm>> -> memref<128xi32, #tpu.memory_space<hbm>>
      %dma_wait3A_106 = arith.constant 0 : i32
      %dma_wait3A_107 = tpu.memref_slice %arg7[%run_scoped3A_42, %dma_wait3A_106] : memref<3x128xi32, #tpu.memory_space<vmem>> -> memref<1x128xi32, #tpu.memory_space<vmem>>
      %dma_wait3A_108 = tpu.memref_squeeze %dma_wait3A_107 : memref<1x128xi32, #tpu.memory_space<vmem>> -> memref<128xi32, #tpu.memory_space<vmem>>
      %dma_wait3A_109 = tpu.memref_slice %arg3[%multiple_of3A_41] : memref<327680xi32, #tpu.memory_space<hbm>> -> memref<128xi32, #tpu.memory_space<hbm>>
      tpu.wait_dma2 semaphore(%run_scoped3A_94 : memref<!tpu.dma_semaphore, #tpu.memory_space<semaphore_mem>>) src(%dma_wait3A_109 : memref<128xi32, #tpu.memory_space<hbm>>) dst(%dma_wait3A_108 : memref<128xi32, #tpu.memory_space<vmem>>)
      tpu.yield
    }) : () -> ()
    %run_scoped3A_43 = arith.constant 1 : i32
    "tpu.region"() ({
      %run_scoped3A_94 = tpu.sem_alloc : memref<!tpu.dma_semaphore, #tpu.memory_space<semaphore_mem>>
      %dma_start3A_95 = arith.constant 0 : i32
      %dma_start3A_96 = tpu.memref_slice %arg8[%run_scoped3A_43, %dma_start3A_95] : memref<3x128xi32, #tpu.memory_space<vmem>> -> memref<1x128xi32, #tpu.memory_space<vmem>>
      %dma_start3A_97 = tpu.memref_squeeze %dma_start3A_96 : memref<1x128xi32, #tpu.memory_space<vmem>> -> memref<128xi32, #tpu.memory_space<vmem>>
      %dma_start3A_98 = tpu.memref_slice %arg4[%multiple_of3A_41] : memref<327680xi32, #tpu.memory_space<hbm>> -> memref<128xi32, #tpu.memory_space<hbm>>
      %dma_start3A_99 = arith.constant 0 : i32
      %dma_start3A_100 = tpu.memref_slice %arg8[%run_scoped3A_43, %dma_start3A_99] : memref<3x128xi32, #tpu.memory_space<vmem>> -> memref<1x128xi32, #tpu.memory_space<vmem>>
      %dma_start3A_101 = tpu.memref_squeeze %dma_start3A_100 : memref<1x128xi32, #tpu.memory_space<vmem>> -> memref<128xi32, #tpu.memory_space<vmem>>
      %dma_start3A_102 = tpu.memref_slice %arg4[%multiple_of3A_41] : memref<327680xi32, #tpu.memory_space<hbm>> -> memref<128xi32, #tpu.memory_space<hbm>>
      tpu.enqueue_dma source(%dma_start3A_102 : memref<128xi32, #tpu.memory_space<hbm>>) target(%dma_start3A_101 : memref<128xi32, #tpu.memory_space<vmem>>) target_semaphore(%run_scoped3A_94 : memref<!tpu.dma_semaphore, #tpu.memory_space<semaphore_mem>>)
      %dma_wait3A = arith.constant 0 : i32
      %dma_wait3A_103 = tpu.memref_slice %arg8[%run_scoped3A_43, %dma_wait3A] : memref<3x128xi32, #tpu.memory_space<vmem>> -> memref<1x128xi32, #tpu.memory_space<vmem>>
      %dma_wait3A_104 = tpu.memref_squeeze %dma_wait3A_103 : memref<1x128xi32, #tpu.memory_space<vmem>> -> memref<128xi32, #tpu.memory_space<vmem>>
      %dma_wait3A_105 = tpu.memref_slice %arg4[%multiple_of3A_41] : memref<327680xi32, #tpu.memory_space<hbm>> -> memref<128xi32, #tpu.memory_space<hbm>>
      %dma_wait3A_106 = arith.constant 0 : i32
      %dma_wait3A_107 = tpu.memref_slice %arg8[%run_scoped3A_43, %dma_wait3A_106] : memref<3x128xi32, #tpu.memory_space<vmem>> -> memref<1x128xi32, #tpu.memory_space<vmem>>
      %dma_wait3A_108 = tpu.memref_squeeze %dma_wait3A_107 : memref<1x128xi32, #tpu.memory_space<vmem>> -> memref<128xi32, #tpu.memory_space<vmem>>
      %dma_wait3A_109 = tpu.memref_slice %arg4[%multiple_of3A_41] : memref<327680xi32, #tpu.memory_space<hbm>> -> memref<128xi32, #tpu.memory_space<hbm>>
      tpu.wait_dma2 semaphore(%run_scoped3A_94 : memref<!tpu.dma_semaphore, #tpu.memory_space<semaphore_mem>>) src(%dma_wait3A_109 : memref<128xi32, #tpu.memory_space<hbm>>) dst(%dma_wait3A_108 : memref<128xi32, #tpu.memory_space<vmem>>)
      tpu.yield
    }) : () -> ()
    %dma_start3A_44 = arith.constant 1 : i32
    %dma_start3A_45 = arith.constant 0 : i32
    %dma_start3A_46 = tpu.memref_slice %arg7[%dma_start3A_44, %dma_start3A_45] : memref<3x128xi32, #tpu.memory_space<vmem>> -> memref<1x128xi32, #tpu.memory_space<vmem>>
    %dma_start3A_47 = tpu.memref_squeeze %dma_start3A_46 : memref<1x128xi32, #tpu.memory_space<vmem>> -> memref<128xi32, #tpu.memory_space<vmem>>
    %dma_start3A_48 = arith.constant 0 : i32
    %dma_start3A_49 = arith.constant 0 : i32
    %dma_start3A_50 = tpu.memref_slice %arg2[%dma_start3A_48, %dma_start3A_49] : memref<10000x128xf32, #tpu.memory_space<hbm>> -> memref<10000x128xf32, #tpu.memory_space<hbm>>
    tpu.enqueue_indirect_dma source(%dma_start3A_50 : memref<10000x128xf32, #tpu.memory_space<hbm>>) target(%arg10 : memref<128x128xf32, #tpu.memory_space<vmem>>) offsets(%dma_start3A_47 : memref<128xi32, #tpu.memory_space<vmem>>) semaphore(%arg14 : memref<!tpu.dma_semaphore, #tpu.memory_space<semaphore_mem>>)
    %add3A_51 = arith.constant 3 : i32
    %add3A_52 = arith.addi %select_n3A, %add3A_51 : i32
    %sub3A_53 = arith.constant 1 : i32
    %sub3A_54 = arith.subi %add3A_52, %sub3A_53 : i32
    %jit3A_55 = arith.constant 3 : i32
    %div3A = arith.divsi %sub3A_54, %jit3A_55 : i32
    %sign3A = arith.constant 0 : i32
    %sign3A_56 = arith.cmpi sgt, %sub3A_54, %sign3A : i32
    %sign3A_57 = arith.extui %sign3A_56 : i1 to i32
    %sign3A_58 = arith.constant 0 : i32
    %sign3A_59 = arith.cmpi slt, %sub3A_54, %sign3A_58 : i32
    %sign3A_60 = arith.extui %sign3A_59 : i1 to i32
    %sign3A_61 = arith.subi %sign3A_57, %sign3A_60 : i32
    %sign3A_62 = arith.constant 0 : i32
    %sign3A_63 = arith.cmpi sgt, %jit3A_55, %sign3A_62 : i32
    %sign3A_64 = arith.extui %sign3A_63 : i1 to i32
    %sign3A_65 = arith.constant 0 : i32
    %sign3A_66 = arith.cmpi slt, %jit3A_55, %sign3A_65 : i32
    %sign3A_67 = arith.extui %sign3A_66 : i1 to i32
    %sign3A_68 = arith.subi %sign3A_64, %sign3A_67 : i32
    %ne3A = arith.cmpi ne, %sign3A_61, %sign3A_68 : i32
    %rem3A = arith.remsi %sub3A_54, %jit3A_55 : i32
    %ne3A_69 = arith.constant 0 : i32
    %ne3A_70 = arith.cmpi ne, %rem3A, %ne3A_69 : i32
    %and3A = arith.andi %ne3A, %ne3A_70 : i1
    %sub3A_71 = arith.constant 1 : i32
    %sub3A_72 = arith.subi %div3A, %sub3A_71 : i32
    %select_n3A_73 = arith.select %and3A, %sub3A_72, %div3A : i32
    %while3A = arith.constant 0 : i32
    %while3A_74 = arith.constant 0 : i32
    %while3A_75 = arith.subi %select_n3A_73, %while3A : i32
    %while3A_76 = arith.addi %while3A, %while3A_75 : i32
    %while3A_77 = arith.constant 1 : i32
    %while3A_78 = arith.divsi %while3A_75, %while3A_77 : i32
    %while3A_79 = arith.muli %while3A_78, %while3A_77 : i32
    %while3A_80 = arith.addi %while3A, %while3A_79 : i32
    %while3A_81 = arith.constant 1 : i32
    %while3A_82 = scf.for %while3A_94 = %while3A to %while3A_80 step %while3A_81 iter_args(%while3A_95 = %while3A_74) -> (i32)  : i32 {
      %mul3A_96 = arith.constant 3 : i32
      %mul3A_97 = arith.muli %mul3A_96, %while3A_94 : i32
      %add3A_98 = arith.constant 0 : i32
      %add3A_99 = arith.addi %mul3A_97, %add3A_98 : i32
      %add3A_100 = arith.constant 2 : i32
      %add3A_101 = arith.addi %add3A_99, %add3A_100 : i32
      %lt3A = arith.cmpi slt, %add3A_101, %select_n3A : i32
      %convert_element_type3A_102 = arith.extui %lt3A : i1 to i32
      %cond3A_103 = arith.constant 0 : i32
      %cond3A_104 = arith.cmpi ne, %convert_element_type3A_102, %cond3A_103 : i32
      scf.if %cond3A_104 {
        %mul3A_138 = arith.constant 128 : i32
        %mul3A_139 = arith.muli %add3A_101, %mul3A_138 : i32
        %add3A_140 = arith.addi %select_n3A_10, %mul3A_139 : i32
        %multiple_of3A_141 = tpu.assume_multiple %add3A_140, 128 : i32
        %run_scoped3A_142 = arith.constant 2 : i32
        "tpu.region"() ({
          %run_scoped3A_144 = tpu.sem_alloc : memref<!tpu.dma_semaphore, #tpu.memory_space<semaphore_mem>>
          %dma_start3A_145 = arith.constant 0 : i32
          %dma_start3A_146 = tpu.memref_slice %arg7[%run_scoped3A_142, %dma_start3A_145] : memref<3x128xi32, #tpu.memory_space<vmem>> -> memref<1x128xi32, #tpu.memory_space<vmem>>
          %dma_start3A_147 = tpu.memref_squeeze %dma_start3A_146 : memref<1x128xi32, #tpu.memory_space<vmem>> -> memref<128xi32, #tpu.memory_space<vmem>>
          %dma_start3A_148 = tpu.memref_slice %arg3[%multiple_of3A_141] : memref<327680xi32, #tpu.memory_space<hbm>> -> memref<128xi32, #tpu.memory_space<hbm>>
          %dma_start3A_149 = arith.constant 0 : i32
          %dma_start3A_150 = tpu.memref_slice %arg7[%run_scoped3A_142, %dma_start3A_149] : memref<3x128xi32, #tpu.memory_space<vmem>> -> memref<1x128xi32, #tpu.memory_space<vmem>>
          %dma_start3A_151 = tpu.memref_squeeze %dma_start3A_150 : memref<1x128xi32, #tpu.memory_space<vmem>> -> memref<128xi32, #tpu.memory_space<vmem>>
          %dma_start3A_152 = tpu.memref_slice %arg3[%multiple_of3A_141] : memref<327680xi32, #tpu.memory_space<hbm>> -> memref<128xi32, #tpu.memory_space<hbm>>
          tpu.enqueue_dma source(%dma_start3A_152 : memref<128xi32, #tpu.memory_space<hbm>>) target(%dma_start3A_151 : memref<128xi32, #tpu.memory_space<vmem>>) target_semaphore(%run_scoped3A_144 : memref<!tpu.dma_semaphore, #tpu.memory_space<semaphore_mem>>)
          %dma_wait3A = arith.constant 0 : i32
          %dma_wait3A_153 = tpu.memref_slice %arg7[%run_scoped3A_142, %dma_wait3A] : memref<3x128xi32, #tpu.memory_space<vmem>> -> memref<1x128xi32, #tpu.memory_space<vmem>>
          %dma_wait3A_154 = tpu.memref_squeeze %dma_wait3A_153 : memref<1x128xi32, #tpu.memory_space<vmem>> -> memref<128xi32, #tpu.memory_space<vmem>>
          %dma_wait3A_155 = tpu.memref_slice %arg3[%multiple_of3A_141] : memref<327680xi32, #tpu.memory_space<hbm>> -> memref<128xi32, #tpu.memory_space<hbm>>
          %dma_wait3A_156 = arith.constant 0 : i32
          %dma_wait3A_157 = tpu.memref_slice %arg7[%run_scoped3A_142, %dma_wait3A_156] : memref<3x128xi32, #tpu.memory_space<vmem>> -> memref<1x128xi32, #tpu.memory_space<vmem>>
          %dma_wait3A_158 = tpu.memref_squeeze %dma_wait3A_157 : memref<1x128xi32, #tpu.memory_space<vmem>> -> memref<128xi32, #tpu.memory_space<vmem>>
          %dma_wait3A_159 = tpu.memref_slice %arg3[%multiple_of3A_141] : memref<327680xi32, #tpu.memory_space<hbm>> -> memref<128xi32, #tpu.memory_space<hbm>>
          tpu.wait_dma2 semaphore(%run_scoped3A_144 : memref<!tpu.dma_semaphore, #tpu.memory_space<semaphore_mem>>) src(%dma_wait3A_159 : memref<128xi32, #tpu.memory_space<hbm>>) dst(%dma_wait3A_158 : memref<128xi32, #tpu.memory_space<vmem>>)
          tpu.yield
        }) : () -> ()
        %run_scoped3A_143 = arith.constant 2 : i32
        "tpu.region"() ({
          %run_scoped3A_144 = tpu.sem_alloc : memref<!tpu.dma_semaphore, #tpu.memory_space<semaphore_mem>>
          %dma_start3A_145 = arith.constant 0 : i32
          %dma_start3A_146 = tpu.memref_slice %arg8[%run_scoped3A_143, %dma_start3A_145] : memref<3x128xi32, #tpu.memory_space<vmem>> -> memref<1x128xi32, #tpu.memory_space<vmem>>
          %dma_start3A_147 = tpu.memref_squeeze %dma_start3A_146 : memref<1x128xi32, #tpu.memory_space<vmem>> -> memref<128xi32, #tpu.memory_space<vmem>>
          %dma_start3A_148 = tpu.memref_slice %arg4[%multiple_of3A_141] : memref<327680xi32, #tpu.memory_space<hbm>> -> memref<128xi32, #tpu.memory_space<hbm>>
          %dma_start3A_149 = arith.constant 0 : i32
          %dma_start3A_150 = tpu.memref_slice %arg8[%run_scoped3A_143, %dma_start3A_149] : memref<3x128xi32, #tpu.memory_space<vmem>> -> memref<1x128xi32, #tpu.memory_space<vmem>>
          %dma_start3A_151 = tpu.memref_squeeze %dma_start3A_150 : memref<1x128xi32, #tpu.memory_space<vmem>> -> memref<128xi32, #tpu.memory_space<vmem>>
          %dma_start3A_152 = tpu.memref_slice %arg4[%multiple_of3A_141] : memref<327680xi32, #tpu.memory_space<hbm>> -> memref<128xi32, #tpu.memory_space<hbm>>
          tpu.enqueue_dma source(%dma_start3A_152 : memref<128xi32, #tpu.memory_space<hbm>>) target(%dma_start3A_151 : memref<128xi32, #tpu.memory_space<vmem>>) target_semaphore(%run_scoped3A_144 : memref<!tpu.dma_semaphore, #tpu.memory_space<semaphore_mem>>)
          %dma_wait3A = arith.constant 0 : i32
          %dma_wait3A_153 = tpu.memref_slice %arg8[%run_scoped3A_143, %dma_wait3A] : memref<3x128xi32, #tpu.memory_space<vmem>> -> memref<1x128xi32, #tpu.memory_space<vmem>>
          %dma_wait3A_154 = tpu.memref_squeeze %dma_wait3A_153 : memref<1x128xi32, #tpu.memory_space<vmem>> -> memref<128xi32, #tpu.memory_space<vmem>>
          %dma_wait3A_155 = tpu.memref_slice %arg4[%multiple_of3A_141] : memref<327680xi32, #tpu.memory_space<hbm>> -> memref<128xi32, #tpu.memory_space<hbm>>
          %dma_wait3A_156 = arith.constant 0 : i32
          %dma_wait3A_157 = tpu.memref_slice %arg8[%run_scoped3A_143, %dma_wait3A_156] : memref<3x128xi32, #tpu.memory_space<vmem>> -> memref<1x128xi32, #tpu.memory_space<vmem>>
          %dma_wait3A_158 = tpu.memref_squeeze %dma_wait3A_157 : memref<1x128xi32, #tpu.memory_space<vmem>> -> memref<128xi32, #tpu.memory_space<vmem>>
          %dma_wait3A_159 = tpu.memref_slice %arg4[%multiple_of3A_141] : memref<327680xi32, #tpu.memory_space<hbm>> -> memref<128xi32, #tpu.memory_space<hbm>>
          tpu.wait_dma2 semaphore(%run_scoped3A_144 : memref<!tpu.dma_semaphore, #tpu.memory_space<semaphore_mem>>) src(%dma_wait3A_159 : memref<128xi32, #tpu.memory_space<hbm>>) dst(%dma_wait3A_158 : memref<128xi32, #tpu.memory_space<vmem>>)
          tpu.yield
        }) : () -> ()
      } else {
      }
      %lt3A_105 = arith.cmpi slt, %add3A_99, %select_n3A : i32
      %convert_element_type3A_106 = arith.extui %lt3A_105 : i1 to i32
      %cond3A_107 = arith.constant 0 : i32
      %cond3A_108 = arith.cmpi ne, %convert_element_type3A_106, %cond3A_107 : i32
      scf.if %cond3A_108 {
        %dma_wait3A = arith.constant 0 : i32
        %dma_wait3A_138 = arith.constant 0 : i32
        %dma_wait3A_139 = tpu.memref_slice %arg7[%dma_wait3A, %dma_wait3A_138] : memref<3x128xi32, #tpu.memory_space<vmem>> -> memref<1x128xi32, #tpu.memory_space<vmem>>
        %dma_wait3A_140 = tpu.memref_squeeze %dma_wait3A_139 : memref<1x128xi32, #tpu.memory_space<vmem>> -> memref<128xi32, #tpu.memory_space<vmem>>
        %dma_wait3A_141 = arith.constant 0 : i32
        %dma_wait3A_142 = arith.constant 0 : i32
        %dma_wait3A_143 = tpu.memref_slice %arg2[%dma_wait3A_141, %dma_wait3A_142] : memref<10000x128xf32, #tpu.memory_space<hbm>> -> memref<10000x128xf32, #tpu.memory_space<hbm>>
        tpu.wait_indirect_dma semaphore(%arg13 : memref<!tpu.dma_semaphore, #tpu.memory_space<semaphore_mem>>) src(%dma_wait3A_143 : memref<10000x128xf32, #tpu.memory_space<hbm>>) dst(%arg9 : memref<128x128xf32, #tpu.memory_space<vmem>>)
        %lt3A_144 = arith.cmpi slt, %add3A_101, %select_n3A : i32
        %convert_element_type3A_145 = arith.extui %lt3A_144 : i1 to i32
        %cond3A_146 = arith.constant 0 : i32
        %cond3A_147 = arith.cmpi ne, %convert_element_type3A_145, %cond3A_146 : i32
        scf.if %cond3A_147 {
          %dma_start3A_149 = arith.constant 2 : i32
          %dma_start3A_150 = arith.constant 0 : i32
          %dma_start3A_151 = tpu.memref_slice %arg7[%dma_start3A_149, %dma_start3A_150] : memref<3x128xi32, #tpu.memory_space<vmem>> -> memref<1x128xi32, #tpu.memory_space<vmem>>
          %dma_start3A_152 = tpu.memref_squeeze %dma_start3A_151 : memref<1x128xi32, #tpu.memory_space<vmem>> -> memref<128xi32, #tpu.memory_space<vmem>>
          %dma_start3A_153 = arith.constant 0 : i32
          %dma_start3A_154 = arith.constant 0 : i32
          %dma_start3A_155 = tpu.memref_slice %arg2[%dma_start3A_153, %dma_start3A_154] : memref<10000x128xf32, #tpu.memory_space<hbm>> -> memref<10000x128xf32, #tpu.memory_space<hbm>>
          tpu.enqueue_indirect_dma source(%dma_start3A_155 : memref<10000x128xf32, #tpu.memory_space<hbm>>) target(%arg11 : memref<128x128xf32, #tpu.memory_space<vmem>>) offsets(%dma_start3A_152 : memref<128xi32, #tpu.memory_space<vmem>>) semaphore(%arg15 : memref<!tpu.dma_semaphore, #tpu.memory_space<semaphore_mem>>)
        } else {
        }
        %run_scoped3A_148 = arith.constant 0 : i32
        "tpu.region"() ({
          %run_scoped3A_149 = tpu.sem_alloc : memref<!tpu.dma_semaphore, #tpu.memory_space<semaphore_mem>>
          %dma_start3A_150 = arith.constant 0 : i32
          %dma_start3A_151 = tpu.memref_slice %arg8[%run_scoped3A_148, %dma_start3A_150] : memref<3x128xi32, #tpu.memory_space<vmem>> -> memref<1x128xi32, #tpu.memory_space<vmem>>
          %dma_start3A_152 = tpu.memref_squeeze %dma_start3A_151 : memref<1x128xi32, #tpu.memory_space<vmem>> -> memref<128xi32, #tpu.memory_space<vmem>>
          %dma_start3A_153 = arith.constant 0 : i32
          %dma_start3A_154 = arith.constant 0 : i32
          %dma_start3A_155 = tpu.memref_slice %arg12[%dma_start3A_153, %dma_start3A_154] : memref<10112x128xf32, #tpu.memory_space<vmem_shared>> -> memref<10112x128xf32, #tpu.memory_space<vmem_shared>>
          tpu.enqueue_indirect_dma source(%arg9 : memref<128x128xf32, #tpu.memory_space<vmem>>) target(%dma_start3A_155 : memref<10112x128xf32, #tpu.memory_space<vmem_shared>>) offsets(%dma_start3A_152 : memref<128xi32, #tpu.memory_space<vmem>>) semaphore(%run_scoped3A_149 : memref<!tpu.dma_semaphore, #tpu.memory_space<semaphore_mem>>) {add = true}
          %dma_wait3A_156 = arith.constant 0 : i32
          %dma_wait3A_157 = tpu.memref_slice %arg8[%run_scoped3A_148, %dma_wait3A_156] : memref<3x128xi32, #tpu.memory_space<vmem>> -> memref<1x128xi32, #tpu.memory_space<vmem>>
          %dma_wait3A_158 = tpu.memref_squeeze %dma_wait3A_157 : memref<1x128xi32, #tpu.memory_space<vmem>> -> memref<128xi32, #tpu.memory_space<vmem>>
          %dma_wait3A_159 = arith.constant 0 : i32
          %dma_wait3A_160 = arith.constant 0 : i32
          %dma_wait3A_161 = tpu.memref_slice %arg12[%dma_wait3A_159, %dma_wait3A_160] : memref<10112x128xf32, #tpu.memory_space<vmem_shared>> -> memref<10112x128xf32, #tpu.memory_space<vmem_shared>>
          tpu.wait_indirect_dma semaphore(%run_scoped3A_149 : memref<!tpu.dma_semaphore, #tpu.memory_space<semaphore_mem>>) src(%arg9 : memref<128x128xf32, #tpu.memory_space<vmem>>) dst(%dma_wait3A_161 : memref<10112x128xf32, #tpu.memory_space<vmem_shared>>)
          tpu.yield
        }) : () -> ()
      } else {
      }
      %mul3A_109 = arith.constant 3 : i32
      %mul3A_110 = arith.muli %mul3A_109, %while3A_94 : i32
      %add3A_111 = arith.constant 1 : i32
      %add3A_112 = arith.addi %mul3A_110, %add3A_111 : i32
      %add3A_113 = arith.constant 2 : i32
      %add3A_114 = arith.addi %add3A_112, %add3A_113 : i32
      %lt3A_115 = arith.cmpi slt, %add3A_114, %select_n3A : i32
      %convert_element_type3A_116 = arith.extui %lt3A_115 : i1 to i32
      %cond3A_117 = arith.constant 0 : i32
      %cond3A_118 = arith.cmpi ne, %convert_element_type3A_116, %cond3A_117 : i32
      scf.if %cond3A_118 {
        %mul3A_138 = arith.constant 128 : i32
        %mul3A_139 = arith.muli %add3A_114, %mul3A_138 : i32
        %add3A_140 = arith.addi %select_n3A_10, %mul3A_139 : i32
        %multiple_of3A_141 = tpu.assume_multiple %add3A_140, 128 : i32
        %run_scoped3A_142 = arith.constant 0 : i32
        "tpu.region"() ({
          %run_scoped3A_144 = tpu.sem_alloc : memref<!tpu.dma_semaphore, #tpu.memory_space<semaphore_mem>>
          %dma_start3A_145 = arith.constant 0 : i32
          %dma_start3A_146 = tpu.memref_slice %arg7[%run_scoped3A_142, %dma_start3A_145] : memref<3x128xi32, #tpu.memory_space<vmem>> -> memref<1x128xi32, #tpu.memory_space<vmem>>
          %dma_start3A_147 = tpu.memref_squeeze %dma_start3A_146 : memref<1x128xi32, #tpu.memory_space<vmem>> -> memref<128xi32, #tpu.memory_space<vmem>>
          %dma_start3A_148 = tpu.memref_slice %arg3[%multiple_of3A_141] : memref<327680xi32, #tpu.memory_space<hbm>> -> memref<128xi32, #tpu.memory_space<hbm>>
          %dma_start3A_149 = arith.constant 0 : i32
          %dma_start3A_150 = tpu.memref_slice %arg7[%run_scoped3A_142, %dma_start3A_149] : memref<3x128xi32, #tpu.memory_space<vmem>> -> memref<1x128xi32, #tpu.memory_space<vmem>>
          %dma_start3A_151 = tpu.memref_squeeze %dma_start3A_150 : memref<1x128xi32, #tpu.memory_space<vmem>> -> memref<128xi32, #tpu.memory_space<vmem>>
          %dma_start3A_152 = tpu.memref_slice %arg3[%multiple_of3A_141] : memref<327680xi32, #tpu.memory_space<hbm>> -> memref<128xi32, #tpu.memory_space<hbm>>
          tpu.enqueue_dma source(%dma_start3A_152 : memref<128xi32, #tpu.memory_space<hbm>>) target(%dma_start3A_151 : memref<128xi32, #tpu.memory_space<vmem>>) target_semaphore(%run_scoped3A_144 : memref<!tpu.dma_semaphore, #tpu.memory_space<semaphore_mem>>)
          %dma_wait3A = arith.constant 0 : i32
          %dma_wait3A_153 = tpu.memref_slice %arg7[%run_scoped3A_142, %dma_wait3A] : memref<3x128xi32, #tpu.memory_space<vmem>> -> memref<1x128xi32, #tpu.memory_space<vmem>>
          %dma_wait3A_154 = tpu.memref_squeeze %dma_wait3A_153 : memref<1x128xi32, #tpu.memory_space<vmem>> -> memref<128xi32, #tpu.memory_space<vmem>>
          %dma_wait3A_155 = tpu.memref_slice %arg3[%multiple_of3A_141] : memref<327680xi32, #tpu.memory_space<hbm>> -> memref<128xi32, #tpu.memory_space<hbm>>
          %dma_wait3A_156 = arith.constant 0 : i32
          %dma_wait3A_157 = tpu.memref_slice %arg7[%run_scoped3A_142, %dma_wait3A_156] : memref<3x128xi32, #tpu.memory_space<vmem>> -> memref<1x128xi32, #tpu.memory_space<vmem>>
          %dma_wait3A_158 = tpu.memref_squeeze %dma_wait3A_157 : memref<1x128xi32, #tpu.memory_space<vmem>> -> memref<128xi32, #tpu.memory_space<vmem>>
          %dma_wait3A_159 = tpu.memref_slice %arg3[%multiple_of3A_141] : memref<327680xi32, #tpu.memory_space<hbm>> -> memref<128xi32, #tpu.memory_space<hbm>>
          tpu.wait_dma2 semaphore(%run_scoped3A_144 : memref<!tpu.dma_semaphore, #tpu.memory_space<semaphore_mem>>) src(%dma_wait3A_159 : memref<128xi32, #tpu.memory_space<hbm>>) dst(%dma_wait3A_158 : memref<128xi32, #tpu.memory_space<vmem>>)
          tpu.yield
        }) : () -> ()
        %run_scoped3A_143 = arith.constant 0 : i32
        "tpu.region"() ({
          %run_scoped3A_144 = tpu.sem_alloc : memref<!tpu.dma_semaphore, #tpu.memory_space<semaphore_mem>>
          %dma_start3A_145 = arith.constant 0 : i32
          %dma_start3A_146 = tpu.memref_slice %arg8[%run_scoped3A_143, %dma_start3A_145] : memref<3x128xi32, #tpu.memory_space<vmem>> -> memref<1x128xi32, #tpu.memory_space<vmem>>
          %dma_start3A_147 = tpu.memref_squeeze %dma_start3A_146 : memref<1x128xi32, #tpu.memory_space<vmem>> -> memref<128xi32, #tpu.memory_space<vmem>>
          %dma_start3A_148 = tpu.memref_slice %arg4[%multiple_of3A_141] : memref<327680xi32, #tpu.memory_space<hbm>> -> memref<128xi32, #tpu.memory_space<hbm>>
          %dma_start3A_149 = arith.constant 0 : i32
          %dma_start3A_150 = tpu.memref_slice %arg8[%run_scoped3A_143, %dma_start3A_149] : memref<3x128xi32, #tpu.memory_space<vmem>> -> memref<1x128xi32, #tpu.memory_space<vmem>>
          %dma_start3A_151 = tpu.memref_squeeze %dma_start3A_150 : memref<1x128xi32, #tpu.memory_space<vmem>> -> memref<128xi32, #tpu.memory_space<vmem>>
          %dma_start3A_152 = tpu.memref_slice %arg4[%multiple_of3A_141] : memref<327680xi32, #tpu.memory_space<hbm>> -> memref<128xi32, #tpu.memory_space<hbm>>
          tpu.enqueue_dma source(%dma_start3A_152 : memref<128xi32, #tpu.memory_space<hbm>>) target(%dma_start3A_151 : memref<128xi32, #tpu.memory_space<vmem>>) target_semaphore(%run_scoped3A_144 : memref<!tpu.dma_semaphore, #tpu.memory_space<semaphore_mem>>)
          %dma_wait3A = arith.constant 0 : i32
          %dma_wait3A_153 = tpu.memref_slice %arg8[%run_scoped3A_143, %dma_wait3A] : memref<3x128xi32, #tpu.memory_space<vmem>> -> memref<1x128xi32, #tpu.memory_space<vmem>>
          %dma_wait3A_154 = tpu.memref_squeeze %dma_wait3A_153 : memref<1x128xi32, #tpu.memory_space<vmem>> -> memref<128xi32, #tpu.memory_space<vmem>>
          %dma_wait3A_155 = tpu.memref_slice %arg4[%multiple_of3A_141] : memref<327680xi32, #tpu.memory_space<hbm>> -> memref<128xi32, #tpu.memory_space<hbm>>
          %dma_wait3A_156 = arith.constant 0 : i32
          %dma_wait3A_157 = tpu.memref_slice %arg8[%run_scoped3A_143, %dma_wait3A_156] : memref<3x128xi32, #tpu.memory_space<vmem>> -> memref<1x128xi32, #tpu.memory_space<vmem>>
          %dma_wait3A_158 = tpu.memref_squeeze %dma_wait3A_157 : memref<1x128xi32, #tpu.memory_space<vmem>> -> memref<128xi32, #tpu.memory_space<vmem>>
          %dma_wait3A_159 = tpu.memref_slice %arg4[%multiple_of3A_141] : memref<327680xi32, #tpu.memory_space<hbm>> -> memref<128xi32, #tpu.memory_space<hbm>>
          tpu.wait_dma2 semaphore(%run_scoped3A_144 : memref<!tpu.dma_semaphore, #tpu.memory_space<semaphore_mem>>) src(%dma_wait3A_159 : memref<128xi32, #tpu.memory_space<hbm>>) dst(%dma_wait3A_158 : memref<128xi32, #tpu.memory_space<vmem>>)
          tpu.yield
        }) : () -> ()
      } else {
      }
      %lt3A_119 = arith.cmpi slt, %add3A_112, %select_n3A : i32
      %convert_element_type3A_120 = arith.extui %lt3A_119 : i1 to i32
      %cond3A_121 = arith.constant 0 : i32
      %cond3A_122 = arith.cmpi ne, %convert_element_type3A_120, %cond3A_121 : i32
      scf.if %cond3A_122 {
        %dma_wait3A = arith.constant 1 : i32
        %dma_wait3A_138 = arith.constant 0 : i32
        %dma_wait3A_139 = tpu.memref_slice %arg7[%dma_wait3A, %dma_wait3A_138] : memref<3x128xi32, #tpu.memory_space<vmem>> -> memref<1x128xi32, #tpu.memory_space<vmem>>
        %dma_wait3A_140 = tpu.memref_squeeze %dma_wait3A_139 : memref<1x128xi32, #tpu.memory_space<vmem>> -> memref<128xi32, #tpu.memory_space<vmem>>
        %dma_wait3A_141 = arith.constant 0 : i32
        %dma_wait3A_142 = arith.constant 0 : i32
        %dma_wait3A_143 = tpu.memref_slice %arg2[%dma_wait3A_141, %dma_wait3A_142] : memref<10000x128xf32, #tpu.memory_space<hbm>> -> memref<10000x128xf32, #tpu.memory_space<hbm>>
        tpu.wait_indirect_dma semaphore(%arg14 : memref<!tpu.dma_semaphore, #tpu.memory_space<semaphore_mem>>) src(%dma_wait3A_143 : memref<10000x128xf32, #tpu.memory_space<hbm>>) dst(%arg10 : memref<128x128xf32, #tpu.memory_space<vmem>>)
        %lt3A_144 = arith.cmpi slt, %add3A_114, %select_n3A : i32
        %convert_element_type3A_145 = arith.extui %lt3A_144 : i1 to i32
        %cond3A_146 = arith.constant 0 : i32
        %cond3A_147 = arith.cmpi ne, %convert_element_type3A_145, %cond3A_146 : i32
        scf.if %cond3A_147 {
          %dma_start3A_149 = arith.constant 0 : i32
          %dma_start3A_150 = arith.constant 0 : i32
          %dma_start3A_151 = tpu.memref_slice %arg7[%dma_start3A_149, %dma_start3A_150] : memref<3x128xi32, #tpu.memory_space<vmem>> -> memref<1x128xi32, #tpu.memory_space<vmem>>
          %dma_start3A_152 = tpu.memref_squeeze %dma_start3A_151 : memref<1x128xi32, #tpu.memory_space<vmem>> -> memref<128xi32, #tpu.memory_space<vmem>>
          %dma_start3A_153 = arith.constant 0 : i32
          %dma_start3A_154 = arith.constant 0 : i32
          %dma_start3A_155 = tpu.memref_slice %arg2[%dma_start3A_153, %dma_start3A_154] : memref<10000x128xf32, #tpu.memory_space<hbm>> -> memref<10000x128xf32, #tpu.memory_space<hbm>>
          tpu.enqueue_indirect_dma source(%dma_start3A_155 : memref<10000x128xf32, #tpu.memory_space<hbm>>) target(%arg9 : memref<128x128xf32, #tpu.memory_space<vmem>>) offsets(%dma_start3A_152 : memref<128xi32, #tpu.memory_space<vmem>>) semaphore(%arg13 : memref<!tpu.dma_semaphore, #tpu.memory_space<semaphore_mem>>)
        } else {
        }
        %run_scoped3A_148 = arith.constant 1 : i32
        "tpu.region"() ({
          %run_scoped3A_149 = tpu.sem_alloc : memref<!tpu.dma_semaphore, #tpu.memory_space<semaphore_mem>>
          %dma_start3A_150 = arith.constant 0 : i32
          %dma_start3A_151 = tpu.memref_slice %arg8[%run_scoped3A_148, %dma_start3A_150] : memref<3x128xi32, #tpu.memory_space<vmem>> -> memref<1x128xi32, #tpu.memory_space<vmem>>
          %dma_start3A_152 = tpu.memref_squeeze %dma_start3A_151 : memref<1x128xi32, #tpu.memory_space<vmem>> -> memref<128xi32, #tpu.memory_space<vmem>>
          %dma_start3A_153 = arith.constant 0 : i32
          %dma_start3A_154 = arith.constant 0 : i32
          %dma_start3A_155 = tpu.memref_slice %arg12[%dma_start3A_153, %dma_start3A_154] : memref<10112x128xf32, #tpu.memory_space<vmem_shared>> -> memref<10112x128xf32, #tpu.memory_space<vmem_shared>>
          tpu.enqueue_indirect_dma source(%arg10 : memref<128x128xf32, #tpu.memory_space<vmem>>) target(%dma_start3A_155 : memref<10112x128xf32, #tpu.memory_space<vmem_shared>>) offsets(%dma_start3A_152 : memref<128xi32, #tpu.memory_space<vmem>>) semaphore(%run_scoped3A_149 : memref<!tpu.dma_semaphore, #tpu.memory_space<semaphore_mem>>) {add = true}
          %dma_wait3A_156 = arith.constant 0 : i32
          %dma_wait3A_157 = tpu.memref_slice %arg8[%run_scoped3A_148, %dma_wait3A_156] : memref<3x128xi32, #tpu.memory_space<vmem>> -> memref<1x128xi32, #tpu.memory_space<vmem>>
          %dma_wait3A_158 = tpu.memref_squeeze %dma_wait3A_157 : memref<1x128xi32, #tpu.memory_space<vmem>> -> memref<128xi32, #tpu.memory_space<vmem>>
          %dma_wait3A_159 = arith.constant 0 : i32
          %dma_wait3A_160 = arith.constant 0 : i32
          %dma_wait3A_161 = tpu.memref_slice %arg12[%dma_wait3A_159, %dma_wait3A_160] : memref<10112x128xf32, #tpu.memory_space<vmem_shared>> -> memref<10112x128xf32, #tpu.memory_space<vmem_shared>>
          tpu.wait_indirect_dma semaphore(%run_scoped3A_149 : memref<!tpu.dma_semaphore, #tpu.memory_space<semaphore_mem>>) src(%arg10 : memref<128x128xf32, #tpu.memory_space<vmem>>) dst(%dma_wait3A_161 : memref<10112x128xf32, #tpu.memory_space<vmem_shared>>)
          tpu.yield
        }) : () -> ()
      } else {
      }
      %mul3A_123 = arith.constant 3 : i32
      %mul3A_124 = arith.muli %mul3A_123, %while3A_94 : i32
      %add3A_125 = arith.constant 2 : i32
      %add3A_126 = arith.addi %mul3A_124, %add3A_125 : i32
      %add3A_127 = arith.constant 2 : i32
      %add3A_128 = arith.addi %add3A_126, %add3A_127 : i32
      %lt3A_129 = arith.cmpi slt, %add3A_128, %select_n3A : i32
      %convert_element_type3A_130 = arith.extui %lt3A_129 : i1 to i32
      %cond3A_131 = arith.constant 0 : i32
      %cond3A_132 = arith.cmpi ne, %convert_element_type3A_130, %cond3A_131 : i32
      scf.if %cond3A_132 {
        %mul3A_138 = arith.constant 128 : i32
        %mul3A_139 = arith.muli %add3A_128, %mul3A_138 : i32
        %add3A_140 = arith.addi %select_n3A_10, %mul3A_139 : i32
        %multiple_of3A_141 = tpu.assume_multiple %add3A_140, 128 : i32
        %run_scoped3A_142 = arith.constant 1 : i32
        "tpu.region"() ({
          %run_scoped3A_144 = tpu.sem_alloc : memref<!tpu.dma_semaphore, #tpu.memory_space<semaphore_mem>>
          %dma_start3A_145 = arith.constant 0 : i32
          %dma_start3A_146 = tpu.memref_slice %arg7[%run_scoped3A_142, %dma_start3A_145] : memref<3x128xi32, #tpu.memory_space<vmem>> -> memref<1x128xi32, #tpu.memory_space<vmem>>
          %dma_start3A_147 = tpu.memref_squeeze %dma_start3A_146 : memref<1x128xi32, #tpu.memory_space<vmem>> -> memref<128xi32, #tpu.memory_space<vmem>>
          %dma_start3A_148 = tpu.memref_slice %arg3[%multiple_of3A_141] : memref<327680xi32, #tpu.memory_space<hbm>> -> memref<128xi32, #tpu.memory_space<hbm>>
          %dma_start3A_149 = arith.constant 0 : i32
          %dma_start3A_150 = tpu.memref_slice %arg7[%run_scoped3A_142, %dma_start3A_149] : memref<3x128xi32, #tpu.memory_space<vmem>> -> memref<1x128xi32, #tpu.memory_space<vmem>>
          %dma_start3A_151 = tpu.memref_squeeze %dma_start3A_150 : memref<1x128xi32, #tpu.memory_space<vmem>> -> memref<128xi32, #tpu.memory_space<vmem>>
          %dma_start3A_152 = tpu.memref_slice %arg3[%multiple_of3A_141] : memref<327680xi32, #tpu.memory_space<hbm>> -> memref<128xi32, #tpu.memory_space<hbm>>
          tpu.enqueue_dma source(%dma_start3A_152 : memref<128xi32, #tpu.memory_space<hbm>>) target(%dma_start3A_151 : memref<128xi32, #tpu.memory_space<vmem>>) target_semaphore(%run_scoped3A_144 : memref<!tpu.dma_semaphore, #tpu.memory_space<semaphore_mem>>)
          %dma_wait3A = arith.constant 0 : i32
          %dma_wait3A_153 = tpu.memref_slice %arg7[%run_scoped3A_142, %dma_wait3A] : memref<3x128xi32, #tpu.memory_space<vmem>> -> memref<1x128xi32, #tpu.memory_space<vmem>>
          %dma_wait3A_154 = tpu.memref_squeeze %dma_wait3A_153 : memref<1x128xi32, #tpu.memory_space<vmem>> -> memref<128xi32, #tpu.memory_space<vmem>>
          %dma_wait3A_155 = tpu.memref_slice %arg3[%multiple_of3A_141] : memref<327680xi32, #tpu.memory_space<hbm>> -> memref<128xi32, #tpu.memory_space<hbm>>
          %dma_wait3A_156 = arith.constant 0 : i32
          %dma_wait3A_157 = tpu.memref_slice %arg7[%run_scoped3A_142, %dma_wait3A_156] : memref<3x128xi32, #tpu.memory_space<vmem>> -> memref<1x128xi32, #tpu.memory_space<vmem>>
          %dma_wait3A_158 = tpu.memref_squeeze %dma_wait3A_157 : memref<1x128xi32, #tpu.memory_space<vmem>> -> memref<128xi32, #tpu.memory_space<vmem>>
          %dma_wait3A_159 = tpu.memref_slice %arg3[%multiple_of3A_141] : memref<327680xi32, #tpu.memory_space<hbm>> -> memref<128xi32, #tpu.memory_space<hbm>>
          tpu.wait_dma2 semaphore(%run_scoped3A_144 : memref<!tpu.dma_semaphore, #tpu.memory_space<semaphore_mem>>) src(%dma_wait3A_159 : memref<128xi32, #tpu.memory_space<hbm>>) dst(%dma_wait3A_158 : memref<128xi32, #tpu.memory_space<vmem>>)
          tpu.yield
        }) : () -> ()
        %run_scoped3A_143 = arith.constant 1 : i32
        "tpu.region"() ({
          %run_scoped3A_144 = tpu.sem_alloc : memref<!tpu.dma_semaphore, #tpu.memory_space<semaphore_mem>>
          %dma_start3A_145 = arith.constant 0 : i32
          %dma_start3A_146 = tpu.memref_slice %arg8[%run_scoped3A_143, %dma_start3A_145] : memref<3x128xi32, #tpu.memory_space<vmem>> -> memref<1x128xi32, #tpu.memory_space<vmem>>
          %dma_start3A_147 = tpu.memref_squeeze %dma_start3A_146 : memref<1x128xi32, #tpu.memory_space<vmem>> -> memref<128xi32, #tpu.memory_space<vmem>>
          %dma_start3A_148 = tpu.memref_slice %arg4[%multiple_of3A_141] : memref<327680xi32, #tpu.memory_space<hbm>> -> memref<128xi32, #tpu.memory_space<hbm>>
          %dma_start3A_149 = arith.constant 0 : i32
          %dma_start3A_150 = tpu.memref_slice %arg8[%run_scoped3A_143, %dma_start3A_149] : memref<3x128xi32, #tpu.memory_space<vmem>> -> memref<1x128xi32, #tpu.memory_space<vmem>>
          %dma_start3A_151 = tpu.memref_squeeze %dma_start3A_150 : memref<1x128xi32, #tpu.memory_space<vmem>> -> memref<128xi32, #tpu.memory_space<vmem>>
          %dma_start3A_152 = tpu.memref_slice %arg4[%multiple_of3A_141] : memref<327680xi32, #tpu.memory_space<hbm>> -> memref<128xi32, #tpu.memory_space<hbm>>
          tpu.enqueue_dma source(%dma_start3A_152 : memref<128xi32, #tpu.memory_space<hbm>>) target(%dma_start3A_151 : memref<128xi32, #tpu.memory_space<vmem>>) target_semaphore(%run_scoped3A_144 : memref<!tpu.dma_semaphore, #tpu.memory_space<semaphore_mem>>)
          %dma_wait3A = arith.constant 0 : i32
          %dma_wait3A_153 = tpu.memref_slice %arg8[%run_scoped3A_143, %dma_wait3A] : memref<3x128xi32, #tpu.memory_space<vmem>> -> memref<1x128xi32, #tpu.memory_space<vmem>>
          %dma_wait3A_154 = tpu.memref_squeeze %dma_wait3A_153 : memref<1x128xi32, #tpu.memory_space<vmem>> -> memref<128xi32, #tpu.memory_space<vmem>>
          %dma_wait3A_155 = tpu.memref_slice %arg4[%multiple_of3A_141] : memref<327680xi32, #tpu.memory_space<hbm>> -> memref<128xi32, #tpu.memory_space<hbm>>
          %dma_wait3A_156 = arith.constant 0 : i32
          %dma_wait3A_157 = tpu.memref_slice %arg8[%run_scoped3A_143, %dma_wait3A_156] : memref<3x128xi32, #tpu.memory_space<vmem>> -> memref<1x128xi32, #tpu.memory_space<vmem>>
          %dma_wait3A_158 = tpu.memref_squeeze %dma_wait3A_157 : memref<1x128xi32, #tpu.memory_space<vmem>> -> memref<128xi32, #tpu.memory_space<vmem>>
          %dma_wait3A_159 = tpu.memref_slice %arg4[%multiple_of3A_141] : memref<327680xi32, #tpu.memory_space<hbm>> -> memref<128xi32, #tpu.memory_space<hbm>>
          tpu.wait_dma2 semaphore(%run_scoped3A_144 : memref<!tpu.dma_semaphore, #tpu.memory_space<semaphore_mem>>) src(%dma_wait3A_159 : memref<128xi32, #tpu.memory_space<hbm>>) dst(%dma_wait3A_158 : memref<128xi32, #tpu.memory_space<vmem>>)
          tpu.yield
        }) : () -> ()
      } else {
      }
      %lt3A_133 = arith.cmpi slt, %add3A_126, %select_n3A : i32
      %convert_element_type3A_134 = arith.extui %lt3A_133 : i1 to i32
      %cond3A_135 = arith.constant 0 : i32
      %cond3A_136 = arith.cmpi ne, %convert_element_type3A_134, %cond3A_135 : i32
      scf.if %cond3A_136 {
        %dma_wait3A = arith.constant 2 : i32
        %dma_wait3A_138 = arith.constant 0 : i32
        %dma_wait3A_139 = tpu.memref_slice %arg7[%dma_wait3A, %dma_wait3A_138] : memref<3x128xi32, #tpu.memory_space<vmem>> -> memref<1x128xi32, #tpu.memory_space<vmem>>
        %dma_wait3A_140 = tpu.memref_squeeze %dma_wait3A_139 : memref<1x128xi32, #tpu.memory_space<vmem>> -> memref<128xi32, #tpu.memory_space<vmem>>
        %dma_wait3A_141 = arith.constant 0 : i32
        %dma_wait3A_142 = arith.constant 0 : i32
        %dma_wait3A_143 = tpu.memref_slice %arg2[%dma_wait3A_141, %dma_wait3A_142] : memref<10000x128xf32, #tpu.memory_space<hbm>> -> memref<10000x128xf32, #tpu.memory_space<hbm>>
        tpu.wait_indirect_dma semaphore(%arg15 : memref<!tpu.dma_semaphore, #tpu.memory_space<semaphore_mem>>) src(%dma_wait3A_143 : memref<10000x128xf32, #tpu.memory_space<hbm>>) dst(%arg11 : memref<128x128xf32, #tpu.memory_space<vmem>>)
        %lt3A_144 = arith.cmpi slt, %add3A_128, %select_n3A : i32
        %convert_element_type3A_145 = arith.extui %lt3A_144 : i1 to i32
        %cond3A_146 = arith.constant 0 : i32
        %cond3A_147 = arith.cmpi ne, %convert_element_type3A_145, %cond3A_146 : i32
        scf.if %cond3A_147 {
          %dma_start3A_149 = arith.constant 1 : i32
          %dma_start3A_150 = arith.constant 0 : i32
          %dma_start3A_151 = tpu.memref_slice %arg7[%dma_start3A_149, %dma_start3A_150] : memref<3x128xi32, #tpu.memory_space<vmem>> -> memref<1x128xi32, #tpu.memory_space<vmem>>
          %dma_start3A_152 = tpu.memref_squeeze %dma_start3A_151 : memref<1x128xi32, #tpu.memory_space<vmem>> -> memref<128xi32, #tpu.memory_space<vmem>>
          %dma_start3A_153 = arith.constant 0 : i32
          %dma_start3A_154 = arith.constant 0 : i32
          %dma_start3A_155 = tpu.memref_slice %arg2[%dma_start3A_153, %dma_start3A_154] : memref<10000x128xf32, #tpu.memory_space<hbm>> -> memref<10000x128xf32, #tpu.memory_space<hbm>>
          tpu.enqueue_indirect_dma source(%dma_start3A_155 : memref<10000x128xf32, #tpu.memory_space<hbm>>) target(%arg10 : memref<128x128xf32, #tpu.memory_space<vmem>>) offsets(%dma_start3A_152 : memref<128xi32, #tpu.memory_space<vmem>>) semaphore(%arg14 : memref<!tpu.dma_semaphore, #tpu.memory_space<semaphore_mem>>)
        } else {
        }
        %run_scoped3A_148 = arith.constant 2 : i32
        "tpu.region"() ({
          %run_scoped3A_149 = tpu.sem_alloc : memref<!tpu.dma_semaphore, #tpu.memory_space<semaphore_mem>>
          %dma_start3A_150 = arith.constant 0 : i32
          %dma_start3A_151 = tpu.memref_slice %arg8[%run_scoped3A_148, %dma_start3A_150] : memref<3x128xi32, #tpu.memory_space<vmem>> -> memref<1x128xi32, #tpu.memory_space<vmem>>
          %dma_start3A_152 = tpu.memref_squeeze %dma_start3A_151 : memref<1x128xi32, #tpu.memory_space<vmem>> -> memref<128xi32, #tpu.memory_space<vmem>>
          %dma_start3A_153 = arith.constant 0 : i32
          %dma_start3A_154 = arith.constant 0 : i32
          %dma_start3A_155 = tpu.memref_slice %arg12[%dma_start3A_153, %dma_start3A_154] : memref<10112x128xf32, #tpu.memory_space<vmem_shared>> -> memref<10112x128xf32, #tpu.memory_space<vmem_shared>>
          tpu.enqueue_indirect_dma source(%arg11 : memref<128x128xf32, #tpu.memory_space<vmem>>) target(%dma_start3A_155 : memref<10112x128xf32, #tpu.memory_space<vmem_shared>>) offsets(%dma_start3A_152 : memref<128xi32, #tpu.memory_space<vmem>>) semaphore(%run_scoped3A_149 : memref<!tpu.dma_semaphore, #tpu.memory_space<semaphore_mem>>) {add = true}
          %dma_wait3A_156 = arith.constant 0 : i32
          %dma_wait3A_157 = tpu.memref_slice %arg8[%run_scoped3A_148, %dma_wait3A_156] : memref<3x128xi32, #tpu.memory_space<vmem>> -> memref<1x128xi32, #tpu.memory_space<vmem>>
          %dma_wait3A_158 = tpu.memref_squeeze %dma_wait3A_157 : memref<1x128xi32, #tpu.memory_space<vmem>> -> memref<128xi32, #tpu.memory_space<vmem>>
          %dma_wait3A_159 = arith.constant 0 : i32
          %dma_wait3A_160 = arith.constant 0 : i32
          %dma_wait3A_161 = tpu.memref_slice %arg12[%dma_wait3A_159, %dma_wait3A_160] : memref<10112x128xf32, #tpu.memory_space<vmem_shared>> -> memref<10112x128xf32, #tpu.memory_space<vmem_shared>>
          tpu.wait_indirect_dma semaphore(%run_scoped3A_149 : memref<!tpu.dma_semaphore, #tpu.memory_space<semaphore_mem>>) src(%arg11 : memref<128x128xf32, #tpu.memory_space<vmem>>) dst(%dma_wait3A_161 : memref<10112x128xf32, #tpu.memory_space<vmem_shared>>)
          tpu.yield
        }) : () -> ()
      } else {
      }
      %while3A_137 = arith.constant 0 : i32
      scf.yield %while3A_137 : i32
    }
    %while3A_83 = arith.constant 1 : i32
    %while3A_84 = scf.for %while3A_94 = %while3A_80 to %while3A_76 step %while3A_83 iter_args(%while3A_95 = %while3A_82) -> (i32)  : i32 {
      %mul3A_96 = arith.constant 3 : i32
      %mul3A_97 = arith.muli %mul3A_96, %while3A_94 : i32
      %add3A_98 = arith.constant 0 : i32
      %add3A_99 = arith.addi %mul3A_97, %add3A_98 : i32
      %add3A_100 = arith.constant 2 : i32
      %add3A_101 = arith.addi %add3A_99, %add3A_100 : i32
      %lt3A = arith.cmpi slt, %add3A_101, %select_n3A : i32
      %convert_element_type3A_102 = arith.extui %lt3A : i1 to i32
      %cond3A_103 = arith.constant 0 : i32
      %cond3A_104 = arith.cmpi ne, %convert_element_type3A_102, %cond3A_103 : i32
      scf.if %cond3A_104 {
        %mul3A_138 = arith.constant 128 : i32
        %mul3A_139 = arith.muli %add3A_101, %mul3A_138 : i32
        %add3A_140 = arith.addi %select_n3A_10, %mul3A_139 : i32
        %multiple_of3A_141 = tpu.assume_multiple %add3A_140, 128 : i32
        %run_scoped3A_142 = arith.constant 2 : i32
        "tpu.region"() ({
          %run_scoped3A_144 = tpu.sem_alloc : memref<!tpu.dma_semaphore, #tpu.memory_space<semaphore_mem>>
          %dma_start3A_145 = arith.constant 0 : i32
          %dma_start3A_146 = tpu.memref_slice %arg7[%run_scoped3A_142, %dma_start3A_145] : memref<3x128xi32, #tpu.memory_space<vmem>> -> memref<1x128xi32, #tpu.memory_space<vmem>>
          %dma_start3A_147 = tpu.memref_squeeze %dma_start3A_146 : memref<1x128xi32, #tpu.memory_space<vmem>> -> memref<128xi32, #tpu.memory_space<vmem>>
          %dma_start3A_148 = tpu.memref_slice %arg3[%multiple_of3A_141] : memref<327680xi32, #tpu.memory_space<hbm>> -> memref<128xi32, #tpu.memory_space<hbm>>
          %dma_start3A_149 = arith.constant 0 : i32
          %dma_start3A_150 = tpu.memref_slice %arg7[%run_scoped3A_142, %dma_start3A_149] : memref<3x128xi32, #tpu.memory_space<vmem>> -> memref<1x128xi32, #tpu.memory_space<vmem>>
          %dma_start3A_151 = tpu.memref_squeeze %dma_start3A_150 : memref<1x128xi32, #tpu.memory_space<vmem>> -> memref<128xi32, #tpu.memory_space<vmem>>
          %dma_start3A_152 = tpu.memref_slice %arg3[%multiple_of3A_141] : memref<327680xi32, #tpu.memory_space<hbm>> -> memref<128xi32, #tpu.memory_space<hbm>>
          tpu.enqueue_dma source(%dma_start3A_152 : memref<128xi32, #tpu.memory_space<hbm>>) target(%dma_start3A_151 : memref<128xi32, #tpu.memory_space<vmem>>) target_semaphore(%run_scoped3A_144 : memref<!tpu.dma_semaphore, #tpu.memory_space<semaphore_mem>>)
          %dma_wait3A = arith.constant 0 : i32
          %dma_wait3A_153 = tpu.memref_slice %arg7[%run_scoped3A_142, %dma_wait3A] : memref<3x128xi32, #tpu.memory_space<vmem>> -> memref<1x128xi32, #tpu.memory_space<vmem>>
          %dma_wait3A_154 = tpu.memref_squeeze %dma_wait3A_153 : memref<1x128xi32, #tpu.memory_space<vmem>> -> memref<128xi32, #tpu.memory_space<vmem>>
          %dma_wait3A_155 = tpu.memref_slice %arg3[%multiple_of3A_141] : memref<327680xi32, #tpu.memory_space<hbm>> -> memref<128xi32, #tpu.memory_space<hbm>>
          %dma_wait3A_156 = arith.constant 0 : i32
          %dma_wait3A_157 = tpu.memref_slice %arg7[%run_scoped3A_142, %dma_wait3A_156] : memref<3x128xi32, #tpu.memory_space<vmem>> -> memref<1x128xi32, #tpu.memory_space<vmem>>
          %dma_wait3A_158 = tpu.memref_squeeze %dma_wait3A_157 : memref<1x128xi32, #tpu.memory_space<vmem>> -> memref<128xi32, #tpu.memory_space<vmem>>
          %dma_wait3A_159 = tpu.memref_slice %arg3[%multiple_of3A_141] : memref<327680xi32, #tpu.memory_space<hbm>> -> memref<128xi32, #tpu.memory_space<hbm>>
          tpu.wait_dma2 semaphore(%run_scoped3A_144 : memref<!tpu.dma_semaphore, #tpu.memory_space<semaphore_mem>>) src(%dma_wait3A_159 : memref<128xi32, #tpu.memory_space<hbm>>) dst(%dma_wait3A_158 : memref<128xi32, #tpu.memory_space<vmem>>)
          tpu.yield
        }) : () -> ()
        %run_scoped3A_143 = arith.constant 2 : i32
        "tpu.region"() ({
          %run_scoped3A_144 = tpu.sem_alloc : memref<!tpu.dma_semaphore, #tpu.memory_space<semaphore_mem>>
          %dma_start3A_145 = arith.constant 0 : i32
          %dma_start3A_146 = tpu.memref_slice %arg8[%run_scoped3A_143, %dma_start3A_145] : memref<3x128xi32, #tpu.memory_space<vmem>> -> memref<1x128xi32, #tpu.memory_space<vmem>>
          %dma_start3A_147 = tpu.memref_squeeze %dma_start3A_146 : memref<1x128xi32, #tpu.memory_space<vmem>> -> memref<128xi32, #tpu.memory_space<vmem>>
          %dma_start3A_148 = tpu.memref_slice %arg4[%multiple_of3A_141] : memref<327680xi32, #tpu.memory_space<hbm>> -> memref<128xi32, #tpu.memory_space<hbm>>
          %dma_start3A_149 = arith.constant 0 : i32
          %dma_start3A_150 = tpu.memref_slice %arg8[%run_scoped3A_143, %dma_start3A_149] : memref<3x128xi32, #tpu.memory_space<vmem>> -> memref<1x128xi32, #tpu.memory_space<vmem>>
          %dma_start3A_151 = tpu.memref_squeeze %dma_start3A_150 : memref<1x128xi32, #tpu.memory_space<vmem>> -> memref<128xi32, #tpu.memory_space<vmem>>
          %dma_start3A_152 = tpu.memref_slice %arg4[%multiple_of3A_141] : memref<327680xi32, #tpu.memory_space<hbm>> -> memref<128xi32, #tpu.memory_space<hbm>>
          tpu.enqueue_dma source(%dma_start3A_152 : memref<128xi32, #tpu.memory_space<hbm>>) target(%dma_start3A_151 : memref<128xi32, #tpu.memory_space<vmem>>) target_semaphore(%run_scoped3A_144 : memref<!tpu.dma_semaphore, #tpu.memory_space<semaphore_mem>>)
          %dma_wait3A = arith.constant 0 : i32
          %dma_wait3A_153 = tpu.memref_slice %arg8[%run_scoped3A_143, %dma_wait3A] : memref<3x128xi32, #tpu.memory_space<vmem>> -> memref<1x128xi32, #tpu.memory_space<vmem>>
          %dma_wait3A_154 = tpu.memref_squeeze %dma_wait3A_153 : memref<1x128xi32, #tpu.memory_space<vmem>> -> memref<128xi32, #tpu.memory_space<vmem>>
          %dma_wait3A_155 = tpu.memref_slice %arg4[%multiple_of3A_141] : memref<327680xi32, #tpu.memory_space<hbm>> -> memref<128xi32, #tpu.memory_space<hbm>>
          %dma_wait3A_156 = arith.constant 0 : i32
          %dma_wait3A_157 = tpu.memref_slice %arg8[%run_scoped3A_143, %dma_wait3A_156] : memref<3x128xi32, #tpu.memory_space<vmem>> -> memref<1x128xi32, #tpu.memory_space<vmem>>
          %dma_wait3A_158 = tpu.memref_squeeze %dma_wait3A_157 : memref<1x128xi32, #tpu.memory_space<vmem>> -> memref<128xi32, #tpu.memory_space<vmem>>
          %dma_wait3A_159 = tpu.memref_slice %arg4[%multiple_of3A_141] : memref<327680xi32, #tpu.memory_space<hbm>> -> memref<128xi32, #tpu.memory_space<hbm>>
          tpu.wait_dma2 semaphore(%run_scoped3A_144 : memref<!tpu.dma_semaphore, #tpu.memory_space<semaphore_mem>>) src(%dma_wait3A_159 : memref<128xi32, #tpu.memory_space<hbm>>) dst(%dma_wait3A_158 : memref<128xi32, #tpu.memory_space<vmem>>)
          tpu.yield
        }) : () -> ()
      } else {
      }
      %lt3A_105 = arith.cmpi slt, %add3A_99, %select_n3A : i32
      %convert_element_type3A_106 = arith.extui %lt3A_105 : i1 to i32
      %cond3A_107 = arith.constant 0 : i32
      %cond3A_108 = arith.cmpi ne, %convert_element_type3A_106, %cond3A_107 : i32
      scf.if %cond3A_108 {
        %dma_wait3A = arith.constant 0 : i32
        %dma_wait3A_138 = arith.constant 0 : i32
        %dma_wait3A_139 = tpu.memref_slice %arg7[%dma_wait3A, %dma_wait3A_138] : memref<3x128xi32, #tpu.memory_space<vmem>> -> memref<1x128xi32, #tpu.memory_space<vmem>>
        %dma_wait3A_140 = tpu.memref_squeeze %dma_wait3A_139 : memref<1x128xi32, #tpu.memory_space<vmem>> -> memref<128xi32, #tpu.memory_space<vmem>>
        %dma_wait3A_141 = arith.constant 0 : i32
        %dma_wait3A_142 = arith.constant 0 : i32
        %dma_wait3A_143 = tpu.memref_slice %arg2[%dma_wait3A_141, %dma_wait3A_142] : memref<10000x128xf32, #tpu.memory_space<hbm>> -> memref<10000x128xf32, #tpu.memory_space<hbm>>
        tpu.wait_indirect_dma semaphore(%arg13 : memref<!tpu.dma_semaphore, #tpu.memory_space<semaphore_mem>>) src(%dma_wait3A_143 : memref<10000x128xf32, #tpu.memory_space<hbm>>) dst(%arg9 : memref<128x128xf32, #tpu.memory_space<vmem>>)
        %lt3A_144 = arith.cmpi slt, %add3A_101, %select_n3A : i32
        %convert_element_type3A_145 = arith.extui %lt3A_144 : i1 to i32
        %cond3A_146 = arith.constant 0 : i32
        %cond3A_147 = arith.cmpi ne, %convert_element_type3A_145, %cond3A_146 : i32
        scf.if %cond3A_147 {
          %dma_start3A_149 = arith.constant 2 : i32
          %dma_start3A_150 = arith.constant 0 : i32
          %dma_start3A_151 = tpu.memref_slice %arg7[%dma_start3A_149, %dma_start3A_150] : memref<3x128xi32, #tpu.memory_space<vmem>> -> memref<1x128xi32, #tpu.memory_space<vmem>>
          %dma_start3A_152 = tpu.memref_squeeze %dma_start3A_151 : memref<1x128xi32, #tpu.memory_space<vmem>> -> memref<128xi32, #tpu.memory_space<vmem>>
          %dma_start3A_153 = arith.constant 0 : i32
          %dma_start3A_154 = arith.constant 0 : i32
          %dma_start3A_155 = tpu.memref_slice %arg2[%dma_start3A_153, %dma_start3A_154] : memref<10000x128xf32, #tpu.memory_space<hbm>> -> memref<10000x128xf32, #tpu.memory_space<hbm>>
          tpu.enqueue_indirect_dma source(%dma_start3A_155 : memref<10000x128xf32, #tpu.memory_space<hbm>>) target(%arg11 : memref<128x128xf32, #tpu.memory_space<vmem>>) offsets(%dma_start3A_152 : memref<128xi32, #tpu.memory_space<vmem>>) semaphore(%arg15 : memref<!tpu.dma_semaphore, #tpu.memory_space<semaphore_mem>>)
        } else {
        }
        %run_scoped3A_148 = arith.constant 0 : i32
        "tpu.region"() ({
          %run_scoped3A_149 = tpu.sem_alloc : memref<!tpu.dma_semaphore, #tpu.memory_space<semaphore_mem>>
          %dma_start3A_150 = arith.constant 0 : i32
          %dma_start3A_151 = tpu.memref_slice %arg8[%run_scoped3A_148, %dma_start3A_150] : memref<3x128xi32, #tpu.memory_space<vmem>> -> memref<1x128xi32, #tpu.memory_space<vmem>>
          %dma_start3A_152 = tpu.memref_squeeze %dma_start3A_151 : memref<1x128xi32, #tpu.memory_space<vmem>> -> memref<128xi32, #tpu.memory_space<vmem>>
          %dma_start3A_153 = arith.constant 0 : i32
          %dma_start3A_154 = arith.constant 0 : i32
          %dma_start3A_155 = tpu.memref_slice %arg12[%dma_start3A_153, %dma_start3A_154] : memref<10112x128xf32, #tpu.memory_space<vmem_shared>> -> memref<10112x128xf32, #tpu.memory_space<vmem_shared>>
          tpu.enqueue_indirect_dma source(%arg9 : memref<128x128xf32, #tpu.memory_space<vmem>>) target(%dma_start3A_155 : memref<10112x128xf32, #tpu.memory_space<vmem_shared>>) offsets(%dma_start3A_152 : memref<128xi32, #tpu.memory_space<vmem>>) semaphore(%run_scoped3A_149 : memref<!tpu.dma_semaphore, #tpu.memory_space<semaphore_mem>>) {add = true}
          %dma_wait3A_156 = arith.constant 0 : i32
          %dma_wait3A_157 = tpu.memref_slice %arg8[%run_scoped3A_148, %dma_wait3A_156] : memref<3x128xi32, #tpu.memory_space<vmem>> -> memref<1x128xi32, #tpu.memory_space<vmem>>
          %dma_wait3A_158 = tpu.memref_squeeze %dma_wait3A_157 : memref<1x128xi32, #tpu.memory_space<vmem>> -> memref<128xi32, #tpu.memory_space<vmem>>
          %dma_wait3A_159 = arith.constant 0 : i32
          %dma_wait3A_160 = arith.constant 0 : i32
          %dma_wait3A_161 = tpu.memref_slice %arg12[%dma_wait3A_159, %dma_wait3A_160] : memref<10112x128xf32, #tpu.memory_space<vmem_shared>> -> memref<10112x128xf32, #tpu.memory_space<vmem_shared>>
          tpu.wait_indirect_dma semaphore(%run_scoped3A_149 : memref<!tpu.dma_semaphore, #tpu.memory_space<semaphore_mem>>) src(%arg9 : memref<128x128xf32, #tpu.memory_space<vmem>>) dst(%dma_wait3A_161 : memref<10112x128xf32, #tpu.memory_space<vmem_shared>>)
          tpu.yield
        }) : () -> ()
      } else {
      }
      %mul3A_109 = arith.constant 3 : i32
      %mul3A_110 = arith.muli %mul3A_109, %while3A_94 : i32
      %add3A_111 = arith.constant 1 : i32
      %add3A_112 = arith.addi %mul3A_110, %add3A_111 : i32
      %add3A_113 = arith.constant 2 : i32
      %add3A_114 = arith.addi %add3A_112, %add3A_113 : i32
      %lt3A_115 = arith.cmpi slt, %add3A_114, %select_n3A : i32
      %convert_element_type3A_116 = arith.extui %lt3A_115 : i1 to i32
      %cond3A_117 = arith.constant 0 : i32
      %cond3A_118 = arith.cmpi ne, %convert_element_type3A_116, %cond3A_117 : i32
      scf.if %cond3A_118 {
        %mul3A_138 = arith.constant 128 : i32
        %mul3A_139 = arith.muli %add3A_114, %mul3A_138 : i32
        %add3A_140 = arith.addi %select_n3A_10, %mul3A_139 : i32
        %multiple_of3A_141 = tpu.assume_multiple %add3A_140, 128 : i32
        %run_scoped3A_142 = arith.constant 0 : i32
        "tpu.region"() ({
          %run_scoped3A_144 = tpu.sem_alloc : memref<!tpu.dma_semaphore, #tpu.memory_space<semaphore_mem>>
          %dma_start3A_145 = arith.constant 0 : i32
          %dma_start3A_146 = tpu.memref_slice %arg7[%run_scoped3A_142, %dma_start3A_145] : memref<3x128xi32, #tpu.memory_space<vmem>> -> memref<1x128xi32, #tpu.memory_space<vmem>>
          %dma_start3A_147 = tpu.memref_squeeze %dma_start3A_146 : memref<1x128xi32, #tpu.memory_space<vmem>> -> memref<128xi32, #tpu.memory_space<vmem>>
          %dma_start3A_148 = tpu.memref_slice %arg3[%multiple_of3A_141] : memref<327680xi32, #tpu.memory_space<hbm>> -> memref<128xi32, #tpu.memory_space<hbm>>
          %dma_start3A_149 = arith.constant 0 : i32
          %dma_start3A_150 = tpu.memref_slice %arg7[%run_scoped3A_142, %dma_start3A_149] : memref<3x128xi32, #tpu.memory_space<vmem>> -> memref<1x128xi32, #tpu.memory_space<vmem>>
          %dma_start3A_151 = tpu.memref_squeeze %dma_start3A_150 : memref<1x128xi32, #tpu.memory_space<vmem>> -> memref<128xi32, #tpu.memory_space<vmem>>
          %dma_start3A_152 = tpu.memref_slice %arg3[%multiple_of3A_141] : memref<327680xi32, #tpu.memory_space<hbm>> -> memref<128xi32, #tpu.memory_space<hbm>>
          tpu.enqueue_dma source(%dma_start3A_152 : memref<128xi32, #tpu.memory_space<hbm>>) target(%dma_start3A_151 : memref<128xi32, #tpu.memory_space<vmem>>) target_semaphore(%run_scoped3A_144 : memref<!tpu.dma_semaphore, #tpu.memory_space<semaphore_mem>>)
          %dma_wait3A = arith.constant 0 : i32
          %dma_wait3A_153 = tpu.memref_slice %arg7[%run_scoped3A_142, %dma_wait3A] : memref<3x128xi32, #tpu.memory_space<vmem>> -> memref<1x128xi32, #tpu.memory_space<vmem>>
          %dma_wait3A_154 = tpu.memref_squeeze %dma_wait3A_153 : memref<1x128xi32, #tpu.memory_space<vmem>> -> memref<128xi32, #tpu.memory_space<vmem>>
          %dma_wait3A_155 = tpu.memref_slice %arg3[%multiple_of3A_141] : memref<327680xi32, #tpu.memory_space<hbm>> -> memref<128xi32, #tpu.memory_space<hbm>>
          %dma_wait3A_156 = arith.constant 0 : i32
          %dma_wait3A_157 = tpu.memref_slice %arg7[%run_scoped3A_142, %dma_wait3A_156] : memref<3x128xi32, #tpu.memory_space<vmem>> -> memref<1x128xi32, #tpu.memory_space<vmem>>
          %dma_wait3A_158 = tpu.memref_squeeze %dma_wait3A_157 : memref<1x128xi32, #tpu.memory_space<vmem>> -> memref<128xi32, #tpu.memory_space<vmem>>
          %dma_wait3A_159 = tpu.memref_slice %arg3[%multiple_of3A_141] : memref<327680xi32, #tpu.memory_space<hbm>> -> memref<128xi32, #tpu.memory_space<hbm>>
          tpu.wait_dma2 semaphore(%run_scoped3A_144 : memref<!tpu.dma_semaphore, #tpu.memory_space<semaphore_mem>>) src(%dma_wait3A_159 : memref<128xi32, #tpu.memory_space<hbm>>) dst(%dma_wait3A_158 : memref<128xi32, #tpu.memory_space<vmem>>)
          tpu.yield
        }) : () -> ()
        %run_scoped3A_143 = arith.constant 0 : i32
        "tpu.region"() ({
          %run_scoped3A_144 = tpu.sem_alloc : memref<!tpu.dma_semaphore, #tpu.memory_space<semaphore_mem>>
          %dma_start3A_145 = arith.constant 0 : i32
          %dma_start3A_146 = tpu.memref_slice %arg8[%run_scoped3A_143, %dma_start3A_145] : memref<3x128xi32, #tpu.memory_space<vmem>> -> memref<1x128xi32, #tpu.memory_space<vmem>>
          %dma_start3A_147 = tpu.memref_squeeze %dma_start3A_146 : memref<1x128xi32, #tpu.memory_space<vmem>> -> memref<128xi32, #tpu.memory_space<vmem>>
          %dma_start3A_148 = tpu.memref_slice %arg4[%multiple_of3A_141] : memref<327680xi32, #tpu.memory_space<hbm>> -> memref<128xi32, #tpu.memory_space<hbm>>
          %dma_start3A_149 = arith.constant 0 : i32
          %dma_start3A_150 = tpu.memref_slice %arg8[%run_scoped3A_143, %dma_start3A_149] : memref<3x128xi32, #tpu.memory_space<vmem>> -> memref<1x128xi32, #tpu.memory_space<vmem>>
          %dma_start3A_151 = tpu.memref_squeeze %dma_start3A_150 : memref<1x128xi32, #tpu.memory_space<vmem>> -> memref<128xi32, #tpu.memory_space<vmem>>
          %dma_start3A_152 = tpu.memref_slice %arg4[%multiple_of3A_141] : memref<327680xi32, #tpu.memory_space<hbm>> -> memref<128xi32, #tpu.memory_space<hbm>>
          tpu.enqueue_dma source(%dma_start3A_152 : memref<128xi32, #tpu.memory_space<hbm>>) target(%dma_start3A_151 : memref<128xi32, #tpu.memory_space<vmem>>) target_semaphore(%run_scoped3A_144 : memref<!tpu.dma_semaphore, #tpu.memory_space<semaphore_mem>>)
          %dma_wait3A = arith.constant 0 : i32
          %dma_wait3A_153 = tpu.memref_slice %arg8[%run_scoped3A_143, %dma_wait3A] : memref<3x128xi32, #tpu.memory_space<vmem>> -> memref<1x128xi32, #tpu.memory_space<vmem>>
          %dma_wait3A_154 = tpu.memref_squeeze %dma_wait3A_153 : memref<1x128xi32, #tpu.memory_space<vmem>> -> memref<128xi32, #tpu.memory_space<vmem>>
          %dma_wait3A_155 = tpu.memref_slice %arg4[%multiple_of3A_141] : memref<327680xi32, #tpu.memory_space<hbm>> -> memref<128xi32, #tpu.memory_space<hbm>>
          %dma_wait3A_156 = arith.constant 0 : i32
          %dma_wait3A_157 = tpu.memref_slice %arg8[%run_scoped3A_143, %dma_wait3A_156] : memref<3x128xi32, #tpu.memory_space<vmem>> -> memref<1x128xi32, #tpu.memory_space<vmem>>
          %dma_wait3A_158 = tpu.memref_squeeze %dma_wait3A_157 : memref<1x128xi32, #tpu.memory_space<vmem>> -> memref<128xi32, #tpu.memory_space<vmem>>
          %dma_wait3A_159 = tpu.memref_slice %arg4[%multiple_of3A_141] : memref<327680xi32, #tpu.memory_space<hbm>> -> memref<128xi32, #tpu.memory_space<hbm>>
          tpu.wait_dma2 semaphore(%run_scoped3A_144 : memref<!tpu.dma_semaphore, #tpu.memory_space<semaphore_mem>>) src(%dma_wait3A_159 : memref<128xi32, #tpu.memory_space<hbm>>) dst(%dma_wait3A_158 : memref<128xi32, #tpu.memory_space<vmem>>)
          tpu.yield
        }) : () -> ()
      } else {
      }
      %lt3A_119 = arith.cmpi slt, %add3A_112, %select_n3A : i32
      %convert_element_type3A_120 = arith.extui %lt3A_119 : i1 to i32
      %cond3A_121 = arith.constant 0 : i32
      %cond3A_122 = arith.cmpi ne, %convert_element_type3A_120, %cond3A_121 : i32
      scf.if %cond3A_122 {
        %dma_wait3A = arith.constant 1 : i32
        %dma_wait3A_138 = arith.constant 0 : i32
        %dma_wait3A_139 = tpu.memref_slice %arg7[%dma_wait3A, %dma_wait3A_138] : memref<3x128xi32, #tpu.memory_space<vmem>> -> memref<1x128xi32, #tpu.memory_space<vmem>>
        %dma_wait3A_140 = tpu.memref_squeeze %dma_wait3A_139 : memref<1x128xi32, #tpu.memory_space<vmem>> -> memref<128xi32, #tpu.memory_space<vmem>>
        %dma_wait3A_141 = arith.constant 0 : i32
        %dma_wait3A_142 = arith.constant 0 : i32
        %dma_wait3A_143 = tpu.memref_slice %arg2[%dma_wait3A_141, %dma_wait3A_142] : memref<10000x128xf32, #tpu.memory_space<hbm>> -> memref<10000x128xf32, #tpu.memory_space<hbm>>
        tpu.wait_indirect_dma semaphore(%arg14 : memref<!tpu.dma_semaphore, #tpu.memory_space<semaphore_mem>>) src(%dma_wait3A_143 : memref<10000x128xf32, #tpu.memory_space<hbm>>) dst(%arg10 : memref<128x128xf32, #tpu.memory_space<vmem>>)
        %lt3A_144 = arith.cmpi slt, %add3A_114, %select_n3A : i32
        %convert_element_type3A_145 = arith.extui %lt3A_144 : i1 to i32
        %cond3A_146 = arith.constant 0 : i32
        %cond3A_147 = arith.cmpi ne, %convert_element_type3A_145, %cond3A_146 : i32
        scf.if %cond3A_147 {
          %dma_start3A_149 = arith.constant 0 : i32
          %dma_start3A_150 = arith.constant 0 : i32
          %dma_start3A_151 = tpu.memref_slice %arg7[%dma_start3A_149, %dma_start3A_150] : memref<3x128xi32, #tpu.memory_space<vmem>> -> memref<1x128xi32, #tpu.memory_space<vmem>>
          %dma_start3A_152 = tpu.memref_squeeze %dma_start3A_151 : memref<1x128xi32, #tpu.memory_space<vmem>> -> memref<128xi32, #tpu.memory_space<vmem>>
          %dma_start3A_153 = arith.constant 0 : i32
          %dma_start3A_154 = arith.constant 0 : i32
          %dma_start3A_155 = tpu.memref_slice %arg2[%dma_start3A_153, %dma_start3A_154] : memref<10000x128xf32, #tpu.memory_space<hbm>> -> memref<10000x128xf32, #tpu.memory_space<hbm>>
          tpu.enqueue_indirect_dma source(%dma_start3A_155 : memref<10000x128xf32, #tpu.memory_space<hbm>>) target(%arg9 : memref<128x128xf32, #tpu.memory_space<vmem>>) offsets(%dma_start3A_152 : memref<128xi32, #tpu.memory_space<vmem>>) semaphore(%arg13 : memref<!tpu.dma_semaphore, #tpu.memory_space<semaphore_mem>>)
        } else {
        }
        %run_scoped3A_148 = arith.constant 1 : i32
        "tpu.region"() ({
          %run_scoped3A_149 = tpu.sem_alloc : memref<!tpu.dma_semaphore, #tpu.memory_space<semaphore_mem>>
          %dma_start3A_150 = arith.constant 0 : i32
          %dma_start3A_151 = tpu.memref_slice %arg8[%run_scoped3A_148, %dma_start3A_150] : memref<3x128xi32, #tpu.memory_space<vmem>> -> memref<1x128xi32, #tpu.memory_space<vmem>>
          %dma_start3A_152 = tpu.memref_squeeze %dma_start3A_151 : memref<1x128xi32, #tpu.memory_space<vmem>> -> memref<128xi32, #tpu.memory_space<vmem>>
          %dma_start3A_153 = arith.constant 0 : i32
          %dma_start3A_154 = arith.constant 0 : i32
          %dma_start3A_155 = tpu.memref_slice %arg12[%dma_start3A_153, %dma_start3A_154] : memref<10112x128xf32, #tpu.memory_space<vmem_shared>> -> memref<10112x128xf32, #tpu.memory_space<vmem_shared>>
          tpu.enqueue_indirect_dma source(%arg10 : memref<128x128xf32, #tpu.memory_space<vmem>>) target(%dma_start3A_155 : memref<10112x128xf32, #tpu.memory_space<vmem_shared>>) offsets(%dma_start3A_152 : memref<128xi32, #tpu.memory_space<vmem>>) semaphore(%run_scoped3A_149 : memref<!tpu.dma_semaphore, #tpu.memory_space<semaphore_mem>>) {add = true}
          %dma_wait3A_156 = arith.constant 0 : i32
          %dma_wait3A_157 = tpu.memref_slice %arg8[%run_scoped3A_148, %dma_wait3A_156] : memref<3x128xi32, #tpu.memory_space<vmem>> -> memref<1x128xi32, #tpu.memory_space<vmem>>
          %dma_wait3A_158 = tpu.memref_squeeze %dma_wait3A_157 : memref<1x128xi32, #tpu.memory_space<vmem>> -> memref<128xi32, #tpu.memory_space<vmem>>
          %dma_wait3A_159 = arith.constant 0 : i32
          %dma_wait3A_160 = arith.constant 0 : i32
          %dma_wait3A_161 = tpu.memref_slice %arg12[%dma_wait3A_159, %dma_wait3A_160] : memref<10112x128xf32, #tpu.memory_space<vmem_shared>> -> memref<10112x128xf32, #tpu.memory_space<vmem_shared>>
          tpu.wait_indirect_dma semaphore(%run_scoped3A_149 : memref<!tpu.dma_semaphore, #tpu.memory_space<semaphore_mem>>) src(%arg10 : memref<128x128xf32, #tpu.memory_space<vmem>>) dst(%dma_wait3A_161 : memref<10112x128xf32, #tpu.memory_space<vmem_shared>>)
          tpu.yield
        }) : () -> ()
      } else {
      }
      %mul3A_123 = arith.constant 3 : i32
      %mul3A_124 = arith.muli %mul3A_123, %while3A_94 : i32
      %add3A_125 = arith.constant 2 : i32
      %add3A_126 = arith.addi %mul3A_124, %add3A_125 : i32
      %add3A_127 = arith.constant 2 : i32
      %add3A_128 = arith.addi %add3A_126, %add3A_127 : i32
      %lt3A_129 = arith.cmpi slt, %add3A_128, %select_n3A : i32
      %convert_element_type3A_130 = arith.extui %lt3A_129 : i1 to i32
      %cond3A_131 = arith.constant 0 : i32
      %cond3A_132 = arith.cmpi ne, %convert_element_type3A_130, %cond3A_131 : i32
      scf.if %cond3A_132 {
        %mul3A_138 = arith.constant 128 : i32
        %mul3A_139 = arith.muli %add3A_128, %mul3A_138 : i32
        %add3A_140 = arith.addi %select_n3A_10, %mul3A_139 : i32
        %multiple_of3A_141 = tpu.assume_multiple %add3A_140, 128 : i32
        %run_scoped3A_142 = arith.constant 1 : i32
        "tpu.region"() ({
          %run_scoped3A_144 = tpu.sem_alloc : memref<!tpu.dma_semaphore, #tpu.memory_space<semaphore_mem>>
          %dma_start3A_145 = arith.constant 0 : i32
          %dma_start3A_146 = tpu.memref_slice %arg7[%run_scoped3A_142, %dma_start3A_145] : memref<3x128xi32, #tpu.memory_space<vmem>> -> memref<1x128xi32, #tpu.memory_space<vmem>>
          %dma_start3A_147 = tpu.memref_squeeze %dma_start3A_146 : memref<1x128xi32, #tpu.memory_space<vmem>> -> memref<128xi32, #tpu.memory_space<vmem>>
          %dma_start3A_148 = tpu.memref_slice %arg3[%multiple_of3A_141] : memref<327680xi32, #tpu.memory_space<hbm>> -> memref<128xi32, #tpu.memory_space<hbm>>
          %dma_start3A_149 = arith.constant 0 : i32
          %dma_start3A_150 = tpu.memref_slice %arg7[%run_scoped3A_142, %dma_start3A_149] : memref<3x128xi32, #tpu.memory_space<vmem>> -> memref<1x128xi32, #tpu.memory_space<vmem>>
          %dma_start3A_151 = tpu.memref_squeeze %dma_start3A_150 : memref<1x128xi32, #tpu.memory_space<vmem>> -> memref<128xi32, #tpu.memory_space<vmem>>
          %dma_start3A_152 = tpu.memref_slice %arg3[%multiple_of3A_141] : memref<327680xi32, #tpu.memory_space<hbm>> -> memref<128xi32, #tpu.memory_space<hbm>>
          tpu.enqueue_dma source(%dma_start3A_152 : memref<128xi32, #tpu.memory_space<hbm>>) target(%dma_start3A_151 : memref<128xi32, #tpu.memory_space<vmem>>) target_semaphore(%run_scoped3A_144 : memref<!tpu.dma_semaphore, #tpu.memory_space<semaphore_mem>>)
          %dma_wait3A = arith.constant 0 : i32
          %dma_wait3A_153 = tpu.memref_slice %arg7[%run_scoped3A_142, %dma_wait3A] : memref<3x128xi32, #tpu.memory_space<vmem>> -> memref<1x128xi32, #tpu.memory_space<vmem>>
          %dma_wait3A_154 = tpu.memref_squeeze %dma_wait3A_153 : memref<1x128xi32, #tpu.memory_space<vmem>> -> memref<128xi32, #tpu.memory_space<vmem>>
          %dma_wait3A_155 = tpu.memref_slice %arg3[%multiple_of3A_141] : memref<327680xi32, #tpu.memory_space<hbm>> -> memref<128xi32, #tpu.memory_space<hbm>>
          %dma_wait3A_156 = arith.constant 0 : i32
          %dma_wait3A_157 = tpu.memref_slice %arg7[%run_scoped3A_142, %dma_wait3A_156] : memref<3x128xi32, #tpu.memory_space<vmem>> -> memref<1x128xi32, #tpu.memory_space<vmem>>
          %dma_wait3A_158 = tpu.memref_squeeze %dma_wait3A_157 : memref<1x128xi32, #tpu.memory_space<vmem>> -> memref<128xi32, #tpu.memory_space<vmem>>
          %dma_wait3A_159 = tpu.memref_slice %arg3[%multiple_of3A_141] : memref<327680xi32, #tpu.memory_space<hbm>> -> memref<128xi32, #tpu.memory_space<hbm>>
          tpu.wait_dma2 semaphore(%run_scoped3A_144 : memref<!tpu.dma_semaphore, #tpu.memory_space<semaphore_mem>>) src(%dma_wait3A_159 : memref<128xi32, #tpu.memory_space<hbm>>) dst(%dma_wait3A_158 : memref<128xi32, #tpu.memory_space<vmem>>)
          tpu.yield
        }) : () -> ()
        %run_scoped3A_143 = arith.constant 1 : i32
        "tpu.region"() ({
          %run_scoped3A_144 = tpu.sem_alloc : memref<!tpu.dma_semaphore, #tpu.memory_space<semaphore_mem>>
          %dma_start3A_145 = arith.constant 0 : i32
          %dma_start3A_146 = tpu.memref_slice %arg8[%run_scoped3A_143, %dma_start3A_145] : memref<3x128xi32, #tpu.memory_space<vmem>> -> memref<1x128xi32, #tpu.memory_space<vmem>>
          %dma_start3A_147 = tpu.memref_squeeze %dma_start3A_146 : memref<1x128xi32, #tpu.memory_space<vmem>> -> memref<128xi32, #tpu.memory_space<vmem>>
          %dma_start3A_148 = tpu.memref_slice %arg4[%multiple_of3A_141] : memref<327680xi32, #tpu.memory_space<hbm>> -> memref<128xi32, #tpu.memory_space<hbm>>
          %dma_start3A_149 = arith.constant 0 : i32
          %dma_start3A_150 = tpu.memref_slice %arg8[%run_scoped3A_143, %dma_start3A_149] : memref<3x128xi32, #tpu.memory_space<vmem>> -> memref<1x128xi32, #tpu.memory_space<vmem>>
          %dma_start3A_151 = tpu.memref_squeeze %dma_start3A_150 : memref<1x128xi32, #tpu.memory_space<vmem>> -> memref<128xi32, #tpu.memory_space<vmem>>
          %dma_start3A_152 = tpu.memref_slice %arg4[%multiple_of3A_141] : memref<327680xi32, #tpu.memory_space<hbm>> -> memref<128xi32, #tpu.memory_space<hbm>>
          tpu.enqueue_dma source(%dma_start3A_152 : memref<128xi32, #tpu.memory_space<hbm>>) target(%dma_start3A_151 : memref<128xi32, #tpu.memory_space<vmem>>) target_semaphore(%run_scoped3A_144 : memref<!tpu.dma_semaphore, #tpu.memory_space<semaphore_mem>>)
          %dma_wait3A = arith.constant 0 : i32
          %dma_wait3A_153 = tpu.memref_slice %arg8[%run_scoped3A_143, %dma_wait3A] : memref<3x128xi32, #tpu.memory_space<vmem>> -> memref<1x128xi32, #tpu.memory_space<vmem>>
          %dma_wait3A_154 = tpu.memref_squeeze %dma_wait3A_153 : memref<1x128xi32, #tpu.memory_space<vmem>> -> memref<128xi32, #tpu.memory_space<vmem>>
          %dma_wait3A_155 = tpu.memref_slice %arg4[%multiple_of3A_141] : memref<327680xi32, #tpu.memory_space<hbm>> -> memref<128xi32, #tpu.memory_space<hbm>>
          %dma_wait3A_156 = arith.constant 0 : i32
          %dma_wait3A_157 = tpu.memref_slice %arg8[%run_scoped3A_143, %dma_wait3A_156] : memref<3x128xi32, #tpu.memory_space<vmem>> -> memref<1x128xi32, #tpu.memory_space<vmem>>
          %dma_wait3A_158 = tpu.memref_squeeze %dma_wait3A_157 : memref<1x128xi32, #tpu.memory_space<vmem>> -> memref<128xi32, #tpu.memory_space<vmem>>
          %dma_wait3A_159 = tpu.memref_slice %arg4[%multiple_of3A_141] : memref<327680xi32, #tpu.memory_space<hbm>> -> memref<128xi32, #tpu.memory_space<hbm>>
          tpu.wait_dma2 semaphore(%run_scoped3A_144 : memref<!tpu.dma_semaphore, #tpu.memory_space<semaphore_mem>>) src(%dma_wait3A_159 : memref<128xi32, #tpu.memory_space<hbm>>) dst(%dma_wait3A_158 : memref<128xi32, #tpu.memory_space<vmem>>)
          tpu.yield
        }) : () -> ()
      } else {
      }
      %lt3A_133 = arith.cmpi slt, %add3A_126, %select_n3A : i32
      %convert_element_type3A_134 = arith.extui %lt3A_133 : i1 to i32
      %cond3A_135 = arith.constant 0 : i32
      %cond3A_136 = arith.cmpi ne, %convert_element_type3A_134, %cond3A_135 : i32
      scf.if %cond3A_136 {
        %dma_wait3A = arith.constant 2 : i32
        %dma_wait3A_138 = arith.constant 0 : i32
        %dma_wait3A_139 = tpu.memref_slice %arg7[%dma_wait3A, %dma_wait3A_138] : memref<3x128xi32, #tpu.memory_space<vmem>> -> memref<1x128xi32, #tpu.memory_space<vmem>>
        %dma_wait3A_140 = tpu.memref_squeeze %dma_wait3A_139 : memref<1x128xi32, #tpu.memory_space<vmem>> -> memref<128xi32, #tpu.memory_space<vmem>>
        %dma_wait3A_141 = arith.constant 0 : i32
        %dma_wait3A_142 = arith.constant 0 : i32
        %dma_wait3A_143 = tpu.memref_slice %arg2[%dma_wait3A_141, %dma_wait3A_142] : memref<10000x128xf32, #tpu.memory_space<hbm>> -> memref<10000x128xf32, #tpu.memory_space<hbm>>
        tpu.wait_indirect_dma semaphore(%arg15 : memref<!tpu.dma_semaphore, #tpu.memory_space<semaphore_mem>>) src(%dma_wait3A_143 : memref<10000x128xf32, #tpu.memory_space<hbm>>) dst(%arg11 : memref<128x128xf32, #tpu.memory_space<vmem>>)
        %lt3A_144 = arith.cmpi slt, %add3A_128, %select_n3A : i32
        %convert_element_type3A_145 = arith.extui %lt3A_144 : i1 to i32
        %cond3A_146 = arith.constant 0 : i32
        %cond3A_147 = arith.cmpi ne, %convert_element_type3A_145, %cond3A_146 : i32
        scf.if %cond3A_147 {
          %dma_start3A_149 = arith.constant 1 : i32
          %dma_start3A_150 = arith.constant 0 : i32
          %dma_start3A_151 = tpu.memref_slice %arg7[%dma_start3A_149, %dma_start3A_150] : memref<3x128xi32, #tpu.memory_space<vmem>> -> memref<1x128xi32, #tpu.memory_space<vmem>>
          %dma_start3A_152 = tpu.memref_squeeze %dma_start3A_151 : memref<1x128xi32, #tpu.memory_space<vmem>> -> memref<128xi32, #tpu.memory_space<vmem>>
          %dma_start3A_153 = arith.constant 0 : i32
          %dma_start3A_154 = arith.constant 0 : i32
          %dma_start3A_155 = tpu.memref_slice %arg2[%dma_start3A_153, %dma_start3A_154] : memref<10000x128xf32, #tpu.memory_space<hbm>> -> memref<10000x128xf32, #tpu.memory_space<hbm>>
          tpu.enqueue_indirect_dma source(%dma_start3A_155 : memref<10000x128xf32, #tpu.memory_space<hbm>>) target(%arg10 : memref<128x128xf32, #tpu.memory_space<vmem>>) offsets(%dma_start3A_152 : memref<128xi32, #tpu.memory_space<vmem>>) semaphore(%arg14 : memref<!tpu.dma_semaphore, #tpu.memory_space<semaphore_mem>>)
        } else {
        }
        %run_scoped3A_148 = arith.constant 2 : i32
        "tpu.region"() ({
          %run_scoped3A_149 = tpu.sem_alloc : memref<!tpu.dma_semaphore, #tpu.memory_space<semaphore_mem>>
          %dma_start3A_150 = arith.constant 0 : i32
          %dma_start3A_151 = tpu.memref_slice %arg8[%run_scoped3A_148, %dma_start3A_150] : memref<3x128xi32, #tpu.memory_space<vmem>> -> memref<1x128xi32, #tpu.memory_space<vmem>>
          %dma_start3A_152 = tpu.memref_squeeze %dma_start3A_151 : memref<1x128xi32, #tpu.memory_space<vmem>> -> memref<128xi32, #tpu.memory_space<vmem>>
          %dma_start3A_153 = arith.constant 0 : i32
          %dma_start3A_154 = arith.constant 0 : i32
          %dma_start3A_155 = tpu.memref_slice %arg12[%dma_start3A_153, %dma_start3A_154] : memref<10112x128xf32, #tpu.memory_space<vmem_shared>> -> memref<10112x128xf32, #tpu.memory_space<vmem_shared>>
          tpu.enqueue_indirect_dma source(%arg11 : memref<128x128xf32, #tpu.memory_space<vmem>>) target(%dma_start3A_155 : memref<10112x128xf32, #tpu.memory_space<vmem_shared>>) offsets(%dma_start3A_152 : memref<128xi32, #tpu.memory_space<vmem>>) semaphore(%run_scoped3A_149 : memref<!tpu.dma_semaphore, #tpu.memory_space<semaphore_mem>>) {add = true}
          %dma_wait3A_156 = arith.constant 0 : i32
          %dma_wait3A_157 = tpu.memref_slice %arg8[%run_scoped3A_148, %dma_wait3A_156] : memref<3x128xi32, #tpu.memory_space<vmem>> -> memref<1x128xi32, #tpu.memory_space<vmem>>
          %dma_wait3A_158 = tpu.memref_squeeze %dma_wait3A_157 : memref<1x128xi32, #tpu.memory_space<vmem>> -> memref<128xi32, #tpu.memory_space<vmem>>
          %dma_wait3A_159 = arith.constant 0 : i32
          %dma_wait3A_160 = arith.constant 0 : i32
          %dma_wait3A_161 = tpu.memref_slice %arg12[%dma_wait3A_159, %dma_wait3A_160] : memref<10112x128xf32, #tpu.memory_space<vmem_shared>> -> memref<10112x128xf32, #tpu.memory_space<vmem_shared>>
          tpu.wait_indirect_dma semaphore(%run_scoped3A_149 : memref<!tpu.dma_semaphore, #tpu.memory_space<semaphore_mem>>) src(%arg11 : memref<128x128xf32, #tpu.memory_space<vmem>>) dst(%dma_wait3A_161 : memref<10112x128xf32, #tpu.memory_space<vmem_shared>>)
          tpu.yield
        }) : () -> ()
      } else {
      }
      %while3A_137 = arith.constant 0 : i32
      scf.yield %while3A_137 : i32
    }
    %barrier3A_85 = arith.constant 0 : index
    tpu.barrier barrier_id(%barrier3A_85)
    %eq3A_86 = arith.constant 0 : i32
    %eq3A_87 = arith.cmpi eq, %arg0, %eq3A_86 : i32
    %convert_element_type3A = arith.extui %eq3A_87 : i1 to i32
    %cond3A = arith.constant 0 : i32
    %cond3A_88 = arith.cmpi ne, %convert_element_type3A, %cond3A : i32
    scf.if %cond3A_88 {
      %mul3A_94 = arith.constant 632 : i32
      %mul3A_95 = arith.muli %arg1, %mul3A_94 : i32
      %mul3A_96 = arith.constant 632 : i32
      %mul3A_97 = arith.muli %arg1, %mul3A_96 : i32
      "tpu.region"() ({
        %run_scoped3A_98 = tpu.sem_alloc : memref<!tpu.dma_semaphore, #tpu.memory_space<semaphore_mem>>
        %dma_start3A_99 = arith.constant 0 : i32
        %dma_start3A_100 = tpu.memref_slice %arg5[%mul3A_97, %dma_start3A_99] : memref<10112x128xf32, #tpu.memory_space<hbm>> -> memref<632x128xf32, #tpu.memory_space<hbm>>
        %dma_start3A_101 = arith.constant 0 : i32
        %dma_start3A_102 = tpu.memref_slice %arg12[%mul3A_95, %dma_start3A_101] : memref<10112x128xf32, #tpu.memory_space<vmem_shared>> -> memref<632x128xf32, #tpu.memory_space<vmem_shared>>
        tpu.enqueue_dma source(%dma_start3A_102 : memref<632x128xf32, #tpu.memory_space<vmem_shared>>) target(%dma_start3A_100 : memref<632x128xf32, #tpu.memory_space<hbm>>) target_semaphore(%run_scoped3A_98 : memref<!tpu.dma_semaphore, #tpu.memory_space<semaphore_mem>>)
        %dma_wait3A = arith.constant 0 : i32
        %dma_wait3A_103 = tpu.memref_slice %arg5[%mul3A_97, %dma_wait3A] : memref<10112x128xf32, #tpu.memory_space<hbm>> -> memref<632x128xf32, #tpu.memory_space<hbm>>
        %dma_wait3A_104 = arith.constant 0 : i32
        %dma_wait3A_105 = tpu.memref_slice %arg12[%mul3A_95, %dma_wait3A_104] : memref<10112x128xf32, #tpu.memory_space<vmem_shared>> -> memref<632x128xf32, #tpu.memory_space<vmem_shared>>
        tpu.wait_dma2 semaphore(%run_scoped3A_98 : memref<!tpu.dma_semaphore, #tpu.memory_space<semaphore_mem>>) src(%dma_wait3A_105 : memref<632x128xf32, #tpu.memory_space<vmem_shared>>) dst(%dma_wait3A_103 : memref<632x128xf32, #tpu.memory_space<hbm>>)
        tpu.yield
      }) : () -> ()
    } else {
    }
    %eq3A_89 = arith.constant 1 : i32
    %eq3A_90 = arith.cmpi eq, %arg0, %eq3A_89 : i32
    %convert_element_type3A_91 = arith.extui %eq3A_90 : i1 to i32
    %cond3A_92 = arith.constant 0 : i32
    %cond3A_93 = arith.cmpi ne, %convert_element_type3A_91, %cond3A_92 : i32
    scf.if %cond3A_93 {
      %mul3A_94 = arith.constant 632 : i32
      %mul3A_95 = arith.muli %arg1, %mul3A_94 : i32
      %mul3A_96 = arith.constant 632 : i32
      %mul3A_97 = arith.muli %arg1, %mul3A_96 : i32
      "tpu.region"() ({
        %run_scoped3A_98 = tpu.sem_alloc : memref<!tpu.dma_semaphore, #tpu.memory_space<semaphore_mem>>
        %dma_start3A_99 = arith.constant 0 : i32
        %dma_start3A_100 = tpu.memref_slice %arg6[%mul3A_97, %dma_start3A_99] : memref<10112x128xf32, #tpu.memory_space<hbm>> -> memref<632x128xf32, #tpu.memory_space<hbm>>
        %dma_start3A_101 = arith.constant 0 : i32
        %dma_start3A_102 = tpu.memref_slice %arg12[%mul3A_95, %dma_start3A_101] : memref<10112x128xf32, #tpu.memory_space<vmem_shared>> -> memref<632x128xf32, #tpu.memory_space<vmem_shared>>
        tpu.enqueue_dma source(%dma_start3A_102 : memref<632x128xf32, #tpu.memory_space<vmem_shared>>) target(%dma_start3A_100 : memref<632x128xf32, #tpu.memory_space<hbm>>) target_semaphore(%run_scoped3A_98 : memref<!tpu.dma_semaphore, #tpu.memory_space<semaphore_mem>>)
        %dma_wait3A = arith.constant 0 : i32
        %dma_wait3A_103 = tpu.memref_slice %arg6[%mul3A_97, %dma_wait3A] : memref<10112x128xf32, #tpu.memory_space<hbm>> -> memref<632x128xf32, #tpu.memory_space<hbm>>
        %dma_wait3A_104 = arith.constant 0 : i32
        %dma_wait3A_105 = tpu.memref_slice %arg12[%mul3A_95, %dma_wait3A_104] : memref<10112x128xf32, #tpu.memory_space<vmem_shared>> -> memref<632x128xf32, #tpu.memory_space<vmem_shared>>
        tpu.wait_dma2 semaphore(%run_scoped3A_98 : memref<!tpu.dma_semaphore, #tpu.memory_space<semaphore_mem>>) src(%dma_wait3A_105 : memref<632x128xf32, #tpu.memory_space<vmem_shared>>) dst(%dma_wait3A_103 : memref<632x128xf32, #tpu.memory_space<hbm>>)
        tpu.yield
      }) : () -> ()
    } else {
    }
    return
  }
}

#map = affine_map<(d0, d1) -> (0)>
#map1 = affine_map<(d0, d1) -> (0, 0)>
module attributes {stable_mosaic.version = 14 : i64} {
  func.func @_sc_deg_body(%arg0: i32, %arg1: i32, %arg2: memref<327680xi32, #tpu.memory_space<hbm>>, %arg3: memref<10112x128xf32, #tpu.memory_space<hbm>>, %arg4: memref<10112x128xf32, #tpu.memory_space<hbm>>, %arg5: memref<1x128xi32, #tpu.memory_space<vmem>>, %arg6: memref<128x128xf32, #tpu.memory_space<vmem>>, %arg7: memref<128x128xf32, #tpu.memory_space<vmem>>, %arg8: memref<10112x128xf32, #tpu.memory_space<vmem_shared>>) attributes {dimension_semantics = [#tpu.dimension_semantics<core_parallel>, #tpu.dimension_semantics<subcore_parallel>], iteration_bounds = array<i64: 2, 16>, scalar_prefetch = 0 : i64, scratch_operands = 4 : i64, tpu.core_type = #tpu.core_type<sc_vector_subcore>, window_params = [{transform_indices = #map}, {transform_indices = #map1}, {transform_indices = #map1}]} {
    %mul3A = arith.constant 2 : i32
    %mul3A_0 = arith.muli %arg1, %mul3A : i32
    %add3A = arith.addi %mul3A_0, %arg0 : i32
    %mul3A_1 = arith.constant 10240 : i32
    %mul3A_2 = arith.muli %add3A, %mul3A_1 : i32
    %broadcast_in_dim3A = arith.constant 1.000000e+00 : f32
    %broadcast_in_dim3A_3 = vector.broadcast %broadcast_in_dim3A : f32 to vector<16xf32>
    %scan3A = arith.constant 0 : i32
    %scan3A_4 = arith.constant 0 : i32
    %scan3A_5 = arith.constant 128 : i32
    %scan3A_6 = arith.addi %scan3A_4, %scan3A_5 : i32
    %scan3A_7 = arith.constant 1 : i32
    %scan3A_8 = scf.for %scan3A_46 = %scan3A_4 to %scan3A_6 step %scan3A_7 iter_args(%scan3A_47 = %scan3A) -> (i32)  : i32 {
      %swap3A = arith.index_cast %scan3A_46 : i32 to index
      %swap3A_48 = arith.constant 0 : index
      %swap3A_49 = tpu.vector_load %arg6[%swap3A, %swap3A_48] {strides = array<i32>} : memref<128x128xf32, #tpu.memory_space<vmem>>, vector<1x16xf32>,
      %swap3A_50 = vector.shape_cast %swap3A_49 : vector<1x16xf32> to vector<16xf32>
      %swap3A_51 = vector.shape_cast %broadcast_in_dim3A_3 : vector<16xf32> to vector<1x16xf32>
      tpu.vector_store %arg6[%swap3A, %swap3A_48], %swap3A_51 {strides = array<i32>} : memref<128x128xf32, #tpu.memory_space<vmem>>, vector<1x16xf32>,
      %swap3A_52 = arith.index_cast %scan3A_46 : i32 to index
      %swap3A_53 = arith.constant 16 : index
      %swap3A_54 = tpu.vector_load %arg6[%swap3A_52, %swap3A_53] {strides = array<i32>} : memref<128x128xf32, #tpu.memory_space<vmem>>, vector<1x16xf32>,
      %swap3A_55 = vector.shape_cast %swap3A_54 : vector<1x16xf32> to vector<16xf32>
      %swap3A_56 = vector.shape_cast %broadcast_in_dim3A_3 : vector<16xf32> to vector<1x16xf32>
      tpu.vector_store %arg6[%swap3A_52, %swap3A_53], %swap3A_56 {strides = array<i32>} : memref<128x128xf32, #tpu.memory_space<vmem>>, vector<1x16xf32>,
      %swap3A_57 = arith.index_cast %scan3A_46 : i32 to index
      %swap3A_58 = arith.constant 32 : index
      %swap3A_59 = tpu.vector_load %arg6[%swap3A_57, %swap3A_58] {strides = array<i32>} : memref<128x128xf32, #tpu.memory_space<vmem>>, vector<1x16xf32>,
      %swap3A_60 = vector.shape_cast %swap3A_59 : vector<1x16xf32> to vector<16xf32>
      %swap3A_61 = vector.shape_cast %broadcast_in_dim3A_3 : vector<16xf32> to vector<1x16xf32>
      tpu.vector_store %arg6[%swap3A_57, %swap3A_58], %swap3A_61 {strides = array<i32>} : memref<128x128xf32, #tpu.memory_space<vmem>>, vector<1x16xf32>,
      %swap3A_62 = arith.index_cast %scan3A_46 : i32 to index
      %swap3A_63 = arith.constant 48 : index
      %swap3A_64 = tpu.vector_load %arg6[%swap3A_62, %swap3A_63] {strides = array<i32>} : memref<128x128xf32, #tpu.memory_space<vmem>>, vector<1x16xf32>,
      %swap3A_65 = vector.shape_cast %swap3A_64 : vector<1x16xf32> to vector<16xf32>
      %swap3A_66 = vector.shape_cast %broadcast_in_dim3A_3 : vector<16xf32> to vector<1x16xf32>
      tpu.vector_store %arg6[%swap3A_62, %swap3A_63], %swap3A_66 {strides = array<i32>} : memref<128x128xf32, #tpu.memory_space<vmem>>, vector<1x16xf32>,
      %swap3A_67 = arith.index_cast %scan3A_46 : i32 to index
      %swap3A_68 = arith.constant 64 : index
      %swap3A_69 = tpu.vector_load %arg6[%swap3A_67, %swap3A_68] {strides = array<i32>} : memref<128x128xf32, #tpu.memory_space<vmem>>, vector<1x16xf32>,
      %swap3A_70 = vector.shape_cast %swap3A_69 : vector<1x16xf32> to vector<16xf32>
      %swap3A_71 = vector.shape_cast %broadcast_in_dim3A_3 : vector<16xf32> to vector<1x16xf32>
      tpu.vector_store %arg6[%swap3A_67, %swap3A_68], %swap3A_71 {strides = array<i32>} : memref<128x128xf32, #tpu.memory_space<vmem>>, vector<1x16xf32>,
      %swap3A_72 = arith.index_cast %scan3A_46 : i32 to index
      %swap3A_73 = arith.constant 80 : index
      %swap3A_74 = tpu.vector_load %arg6[%swap3A_72, %swap3A_73] {strides = array<i32>} : memref<128x128xf32, #tpu.memory_space<vmem>>, vector<1x16xf32>,
      %swap3A_75 = vector.shape_cast %swap3A_74 : vector<1x16xf32> to vector<16xf32>
      %swap3A_76 = vector.shape_cast %broadcast_in_dim3A_3 : vector<16xf32> to vector<1x16xf32>
      tpu.vector_store %arg6[%swap3A_72, %swap3A_73], %swap3A_76 {strides = array<i32>} : memref<128x128xf32, #tpu.memory_space<vmem>>, vector<1x16xf32>,
      %swap3A_77 = arith.index_cast %scan3A_46 : i32 to index
      %swap3A_78 = arith.constant 96 : index
      %swap3A_79 = tpu.vector_load %arg6[%swap3A_77, %swap3A_78] {strides = array<i32>} : memref<128x128xf32, #tpu.memory_space<vmem>>, vector<1x16xf32>,
      %swap3A_80 = vector.shape_cast %swap3A_79 : vector<1x16xf32> to vector<16xf32>
      %swap3A_81 = vector.shape_cast %broadcast_in_dim3A_3 : vector<16xf32> to vector<1x16xf32>
      tpu.vector_store %arg6[%swap3A_77, %swap3A_78], %swap3A_81 {strides = array<i32>} : memref<128x128xf32, #tpu.memory_space<vmem>>, vector<1x16xf32>,
      %swap3A_82 = arith.index_cast %scan3A_46 : i32 to index
      %swap3A_83 = arith.constant 112 : index
      %swap3A_84 = tpu.vector_load %arg6[%swap3A_82, %swap3A_83] {strides = array<i32>} : memref<128x128xf32, #tpu.memory_space<vmem>>, vector<1x16xf32>,
      %swap3A_85 = vector.shape_cast %swap3A_84 : vector<1x16xf32> to vector<16xf32>
      %swap3A_86 = vector.shape_cast %broadcast_in_dim3A_3 : vector<16xf32> to vector<1x16xf32>
      tpu.vector_store %arg6[%swap3A_82, %swap3A_83], %swap3A_86 {strides = array<i32>} : memref<128x128xf32, #tpu.memory_space<vmem>>, vector<1x16xf32>,
      %scan3A_87 = arith.constant 0 : i32
      scf.yield %scan3A_87 : i32
    }
    %scan3A_9 = arith.constant 128 : i32
    %broadcast_in_dim3A_10 = arith.constant 0.000000e+00 : f32
    %broadcast_in_dim3A_11 = vector.broadcast %broadcast_in_dim3A_10 : f32 to vector<16xf32>
    %scan3A_12 = arith.constant 0 : i32
    %scan3A_13 = arith.constant 0 : i32
    %scan3A_14 = arith.constant 128 : i32
    %scan3A_15 = arith.addi %scan3A_13, %scan3A_14 : i32
    %scan3A_16 = arith.constant 1 : i32
    %scan3A_17 = scf.for %scan3A_46 = %scan3A_13 to %scan3A_15 step %scan3A_16 iter_args(%scan3A_47 = %scan3A_12) -> (i32)  : i32 {
      %swap3A = arith.index_cast %scan3A_46 : i32 to index
      %swap3A_48 = arith.constant 0 : index
      %swap3A_49 = tpu.vector_load %arg7[%swap3A, %swap3A_48] {strides = array<i32>} : memref<128x128xf32, #tpu.memory_space<vmem>>, vector<1x16xf32>,
      %swap3A_50 = vector.shape_cast %swap3A_49 : vector<1x16xf32> to vector<16xf32>
      %swap3A_51 = vector.shape_cast %broadcast_in_dim3A_11 : vector<16xf32> to vector<1x16xf32>
      tpu.vector_store %arg7[%swap3A, %swap3A_48], %swap3A_51 {strides = array<i32>} : memref<128x128xf32, #tpu.memory_space<vmem>>, vector<1x16xf32>,
      %swap3A_52 = arith.index_cast %scan3A_46 : i32 to index
      %swap3A_53 = arith.constant 16 : index
      %swap3A_54 = tpu.vector_load %arg7[%swap3A_52, %swap3A_53] {strides = array<i32>} : memref<128x128xf32, #tpu.memory_space<vmem>>, vector<1x16xf32>,
      %swap3A_55 = vector.shape_cast %swap3A_54 : vector<1x16xf32> to vector<16xf32>
      %swap3A_56 = vector.shape_cast %broadcast_in_dim3A_11 : vector<16xf32> to vector<1x16xf32>
      tpu.vector_store %arg7[%swap3A_52, %swap3A_53], %swap3A_56 {strides = array<i32>} : memref<128x128xf32, #tpu.memory_space<vmem>>, vector<1x16xf32>,
      %swap3A_57 = arith.index_cast %scan3A_46 : i32 to index
      %swap3A_58 = arith.constant 32 : index
      %swap3A_59 = tpu.vector_load %arg7[%swap3A_57, %swap3A_58] {strides = array<i32>} : memref<128x128xf32, #tpu.memory_space<vmem>>, vector<1x16xf32>,
      %swap3A_60 = vector.shape_cast %swap3A_59 : vector<1x16xf32> to vector<16xf32>
      %swap3A_61 = vector.shape_cast %broadcast_in_dim3A_11 : vector<16xf32> to vector<1x16xf32>
      tpu.vector_store %arg7[%swap3A_57, %swap3A_58], %swap3A_61 {strides = array<i32>} : memref<128x128xf32, #tpu.memory_space<vmem>>, vector<1x16xf32>,
      %swap3A_62 = arith.index_cast %scan3A_46 : i32 to index
      %swap3A_63 = arith.constant 48 : index
      %swap3A_64 = tpu.vector_load %arg7[%swap3A_62, %swap3A_63] {strides = array<i32>} : memref<128x128xf32, #tpu.memory_space<vmem>>, vector<1x16xf32>,
      %swap3A_65 = vector.shape_cast %swap3A_64 : vector<1x16xf32> to vector<16xf32>
      %swap3A_66 = vector.shape_cast %broadcast_in_dim3A_11 : vector<16xf32> to vector<1x16xf32>
      tpu.vector_store %arg7[%swap3A_62, %swap3A_63], %swap3A_66 {strides = array<i32>} : memref<128x128xf32, #tpu.memory_space<vmem>>, vector<1x16xf32>,
      %swap3A_67 = arith.index_cast %scan3A_46 : i32 to index
      %swap3A_68 = arith.constant 64 : index
      %swap3A_69 = tpu.vector_load %arg7[%swap3A_67, %swap3A_68] {strides = array<i32>} : memref<128x128xf32, #tpu.memory_space<vmem>>, vector<1x16xf32>,
      %swap3A_70 = vector.shape_cast %swap3A_69 : vector<1x16xf32> to vector<16xf32>
      %swap3A_71 = vector.shape_cast %broadcast_in_dim3A_11 : vector<16xf32> to vector<1x16xf32>
      tpu.vector_store %arg7[%swap3A_67, %swap3A_68], %swap3A_71 {strides = array<i32>} : memref<128x128xf32, #tpu.memory_space<vmem>>, vector<1x16xf32>,
      %swap3A_72 = arith.index_cast %scan3A_46 : i32 to index
      %swap3A_73 = arith.constant 80 : index
      %swap3A_74 = tpu.vector_load %arg7[%swap3A_72, %swap3A_73] {strides = array<i32>} : memref<128x128xf32, #tpu.memory_space<vmem>>, vector<1x16xf32>,
      %swap3A_75 = vector.shape_cast %swap3A_74 : vector<1x16xf32> to vector<16xf32>
      %swap3A_76 = vector.shape_cast %broadcast_in_dim3A_11 : vector<16xf32> to vector<1x16xf32>
      tpu.vector_store %arg7[%swap3A_72, %swap3A_73], %swap3A_76 {strides = array<i32>} : memref<128x128xf32, #tpu.memory_space<vmem>>, vector<1x16xf32>,
      %swap3A_77 = arith.index_cast %scan3A_46 : i32 to index
      %swap3A_78 = arith.constant 96 : index
      %swap3A_79 = tpu.vector_load %arg7[%swap3A_77, %swap3A_78] {strides = array<i32>} : memref<128x128xf32, #tpu.memory_space<vmem>>, vector<1x16xf32>,
      %swap3A_80 = vector.shape_cast %swap3A_79 : vector<1x16xf32> to vector<16xf32>
      %swap3A_81 = vector.shape_cast %broadcast_in_dim3A_11 : vector<16xf32> to vector<1x16xf32>
      tpu.vector_store %arg7[%swap3A_77, %swap3A_78], %swap3A_81 {strides = array<i32>} : memref<128x128xf32, #tpu.memory_space<vmem>>, vector<1x16xf32>,
      %swap3A_82 = arith.index_cast %scan3A_46 : i32 to index
      %swap3A_83 = arith.constant 112 : index
      %swap3A_84 = tpu.vector_load %arg7[%swap3A_82, %swap3A_83] {strides = array<i32>} : memref<128x128xf32, #tpu.memory_space<vmem>>, vector<1x16xf32>,
      %swap3A_85 = vector.shape_cast %swap3A_84 : vector<1x16xf32> to vector<16xf32>
      %swap3A_86 = vector.shape_cast %broadcast_in_dim3A_11 : vector<16xf32> to vector<1x16xf32>
      tpu.vector_store %arg7[%swap3A_82, %swap3A_83], %swap3A_86 {strides = array<i32>} : memref<128x128xf32, #tpu.memory_space<vmem>>, vector<1x16xf32>,
      %scan3A_87 = arith.constant 0 : i32
      scf.yield %scan3A_87 : i32
    }
    %scan3A_18 = arith.constant 128 : i32
    %scan3A_19 = arith.constant 0 : i32
    %scan3A_20 = arith.constant 0 : i32
    %scan3A_21 = arith.constant 4 : i32
    %scan3A_22 = arith.addi %scan3A_20, %scan3A_21 : i32
    %scan3A_23 = arith.constant 1 : i32
    %scan3A_24 = scf.for %scan3A_46 = %scan3A_20 to %scan3A_22 step %scan3A_23 iter_args(%scan3A_47 = %scan3A_19) -> (i32)  : i32 {
      %mul3A_48 = arith.constant 632 : i32
      %mul3A_49 = arith.muli %arg1, %mul3A_48 : i32
      %mul3A_50 = arith.constant 128 : i32
      %mul3A_51 = arith.muli %scan3A_46, %mul3A_50 : i32
      %add3A_52 = arith.addi %mul3A_49, %mul3A_51 : i32
      "tpu.region"() ({
        %run_scoped3A = tpu.sem_alloc : memref<!tpu.dma_semaphore, #tpu.memory_space<semaphore_mem>>
        %dma_start3A = arith.constant 0 : i32
        %dma_start3A_54 = tpu.memref_slice %arg8[%add3A_52, %dma_start3A] : memref<10112x128xf32, #tpu.memory_space<vmem_shared>> -> memref<128x128xf32, #tpu.memory_space<vmem_shared>>
        %dma_start3A_55 = arith.constant 0 : i32
        %dma_start3A_56 = tpu.memref_slice %arg8[%add3A_52, %dma_start3A_55] : memref<10112x128xf32, #tpu.memory_space<vmem_shared>> -> memref<128x128xf32, #tpu.memory_space<vmem_shared>>
        tpu.enqueue_dma source(%arg7 : memref<128x128xf32, #tpu.memory_space<vmem>>) target(%dma_start3A_56 : memref<128x128xf32, #tpu.memory_space<vmem_shared>>) target_semaphore(%run_scoped3A : memref<!tpu.dma_semaphore, #tpu.memory_space<semaphore_mem>>)
        %dma_wait3A = arith.constant 0 : i32
        %dma_wait3A_57 = tpu.memref_slice %arg8[%add3A_52, %dma_wait3A] : memref<10112x128xf32, #tpu.memory_space<vmem_shared>> -> memref<128x128xf32, #tpu.memory_space<vmem_shared>>
        %dma_wait3A_58 = arith.constant 0 : i32
        %dma_wait3A_59 = tpu.memref_slice %arg8[%add3A_52, %dma_wait3A_58] : memref<10112x128xf32, #tpu.memory_space<vmem_shared>> -> memref<128x128xf32, #tpu.memory_space<vmem_shared>>
        tpu.wait_dma2 semaphore(%run_scoped3A : memref<!tpu.dma_semaphore, #tpu.memory_space<semaphore_mem>>) src(%arg7 : memref<128x128xf32, #tpu.memory_space<vmem>>) dst(%dma_wait3A_59 : memref<128x128xf32, #tpu.memory_space<vmem_shared>>)
        tpu.yield
      }) : () -> ()
      %scan3A_53 = arith.constant 0 : i32
      scf.yield %scan3A_53 : i32
    }
    %scan3A_25 = arith.constant 4 : i32
    %mul3A_26 = arith.constant 632 : i32
    %mul3A_27 = arith.muli %arg1, %mul3A_26 : i32
    %add3A_28 = arith.constant 632 : i32
    %add3A_29 = arith.addi %mul3A_27, %add3A_28 : i32
    %sub3A = arith.constant 128 : i32
    %sub3A_30 = arith.subi %add3A_29, %sub3A : i32
    "tpu.region"() ({
      %run_scoped3A = tpu.sem_alloc : memref<!tpu.dma_semaphore, #tpu.memory_space<semaphore_mem>>
      %dma_start3A = arith.constant 0 : i32
      %dma_start3A_46 = tpu.memref_slice %arg8[%sub3A_30, %dma_start3A] : memref<10112x128xf32, #tpu.memory_space<vmem_shared>> -> memref<128x128xf32, #tpu.memory_space<vmem_shared>>
      %dma_start3A_47 = arith.constant 0 : i32
      %dma_start3A_48 = tpu.memref_slice %arg8[%sub3A_30, %dma_start3A_47] : memref<10112x128xf32, #tpu.memory_space<vmem_shared>> -> memref<128x128xf32, #tpu.memory_space<vmem_shared>>
      tpu.enqueue_dma source(%arg7 : memref<128x128xf32, #tpu.memory_space<vmem>>) target(%dma_start3A_48 : memref<128x128xf32, #tpu.memory_space<vmem_shared>>) target_semaphore(%run_scoped3A : memref<!tpu.dma_semaphore, #tpu.memory_space<semaphore_mem>>)
      %dma_wait3A = arith.constant 0 : i32
      %dma_wait3A_49 = tpu.memref_slice %arg8[%sub3A_30, %dma_wait3A] : memref<10112x128xf32, #tpu.memory_space<vmem_shared>> -> memref<128x128xf32, #tpu.memory_space<vmem_shared>>
      %dma_wait3A_50 = arith.constant 0 : i32
      %dma_wait3A_51 = tpu.memref_slice %arg8[%sub3A_30, %dma_wait3A_50] : memref<10112x128xf32, #tpu.memory_space<vmem_shared>> -> memref<128x128xf32, #tpu.memory_space<vmem_shared>>
      tpu.wait_dma2 semaphore(%run_scoped3A : memref<!tpu.dma_semaphore, #tpu.memory_space<semaphore_mem>>) src(%arg7 : memref<128x128xf32, #tpu.memory_space<vmem>>) dst(%dma_wait3A_51 : memref<128x128xf32, #tpu.memory_space<vmem_shared>>)
      tpu.yield
    }) : () -> ()
    %barrier3A = arith.constant 0 : index
    tpu.barrier barrier_id(%barrier3A)
    %scan3A_31 = arith.constant 0 : i32
    %scan3A_32 = arith.constant 0 : i32
    %scan3A_33 = arith.constant 80 : i32
    %scan3A_34 = arith.addi %scan3A_32, %scan3A_33 : i32
    %scan3A_35 = arith.constant 1 : i32
    %scan3A_36 = scf.for %scan3A_46 = %scan3A_32 to %scan3A_34 step %scan3A_35 iter_args(%scan3A_47 = %scan3A_31) -> (i32)  : i32 {
      %mul3A_48 = arith.constant 128 : i32
      %mul3A_49 = arith.muli %scan3A_46, %mul3A_48 : i32
      %add3A_50 = arith.addi %mul3A_2, %mul3A_49 : i32
      %multiple_of3A = tpu.assume_multiple %add3A_50, 128 : i32
      %run_scoped3A = arith.constant 0 : i32
      "tpu.region"() ({
        %run_scoped3A_53 = tpu.sem_alloc : memref<!tpu.dma_semaphore, #tpu.memory_space<semaphore_mem>>
        %dma_start3A = arith.constant 0 : i32
        %dma_start3A_54 = tpu.memref_slice %arg5[%run_scoped3A, %dma_start3A] : memref<1x128xi32, #tpu.memory_space<vmem>> -> memref<1x128xi32, #tpu.memory_space<vmem>>
        %dma_start3A_55 = tpu.memref_squeeze %dma_start3A_54 : memref<1x128xi32, #tpu.memory_space<vmem>> -> memref<128xi32, #tpu.memory_space<vmem>>
        %dma_start3A_56 = tpu.memref_slice %arg2[%multiple_of3A] : memref<327680xi32, #tpu.memory_space<hbm>> -> memref<128xi32, #tpu.memory_space<hbm>>
        %dma_start3A_57 = arith.constant 0 : i32
        %dma_start3A_58 = tpu.memref_slice %arg5[%run_scoped3A, %dma_start3A_57] : memref<1x128xi32, #tpu.memory_space<vmem>> -> memref<1x128xi32, #tpu.memory_space<vmem>>
        %dma_start3A_59 = tpu.memref_squeeze %dma_start3A_58 : memref<1x128xi32, #tpu.memory_space<vmem>> -> memref<128xi32, #tpu.memory_space<vmem>>
        %dma_start3A_60 = tpu.memref_slice %arg2[%multiple_of3A] : memref<327680xi32, #tpu.memory_space<hbm>> -> memref<128xi32, #tpu.memory_space<hbm>>
        tpu.enqueue_dma source(%dma_start3A_60 : memref<128xi32, #tpu.memory_space<hbm>>) target(%dma_start3A_59 : memref<128xi32, #tpu.memory_space<vmem>>) target_semaphore(%run_scoped3A_53 : memref<!tpu.dma_semaphore, #tpu.memory_space<semaphore_mem>>)
        %dma_wait3A = arith.constant 0 : i32
        %dma_wait3A_61 = tpu.memref_slice %arg5[%run_scoped3A, %dma_wait3A] : memref<1x128xi32, #tpu.memory_space<vmem>> -> memref<1x128xi32, #tpu.memory_space<vmem>>
        %dma_wait3A_62 = tpu.memref_squeeze %dma_wait3A_61 : memref<1x128xi32, #tpu.memory_space<vmem>> -> memref<128xi32, #tpu.memory_space<vmem>>
        %dma_wait3A_63 = tpu.memref_slice %arg2[%multiple_of3A] : memref<327680xi32, #tpu.memory_space<hbm>> -> memref<128xi32, #tpu.memory_space<hbm>>
        %dma_wait3A_64 = arith.constant 0 : i32
        %dma_wait3A_65 = tpu.memref_slice %arg5[%run_scoped3A, %dma_wait3A_64] : memref<1x128xi32, #tpu.memory_space<vmem>> -> memref<1x128xi32, #tpu.memory_space<vmem>>
        %dma_wait3A_66 = tpu.memref_squeeze %dma_wait3A_65 : memref<1x128xi32, #tpu.memory_space<vmem>> -> memref<128xi32, #tpu.memory_space<vmem>>
        %dma_wait3A_67 = tpu.memref_slice %arg2[%multiple_of3A] : memref<327680xi32, #tpu.memory_space<hbm>> -> memref<128xi32, #tpu.memory_space<hbm>>
        tpu.wait_dma2 semaphore(%run_scoped3A_53 : memref<!tpu.dma_semaphore, #tpu.memory_space<semaphore_mem>>) src(%dma_wait3A_67 : memref<128xi32, #tpu.memory_space<hbm>>) dst(%dma_wait3A_66 : memref<128xi32, #tpu.memory_space<vmem>>)
        tpu.yield
      }) : () -> ()
      %run_scoped3A_51 = arith.constant 0 : i32
      "tpu.region"() ({
        %run_scoped3A_53 = tpu.sem_alloc : memref<!tpu.dma_semaphore, #tpu.memory_space<semaphore_mem>>
        %dma_start3A = arith.constant 0 : i32
        %dma_start3A_54 = tpu.memref_slice %arg5[%run_scoped3A_51, %dma_start3A] : memref<1x128xi32, #tpu.memory_space<vmem>> -> memref<1x128xi32, #tpu.memory_space<vmem>>
        %dma_start3A_55 = tpu.memref_squeeze %dma_start3A_54 : memref<1x128xi32, #tpu.memory_space<vmem>> -> memref<128xi32, #tpu.memory_space<vmem>>
        %dma_start3A_56 = arith.constant 0 : i32
        %dma_start3A_57 = arith.constant 0 : i32
        %dma_start3A_58 = tpu.memref_slice %arg8[%dma_start3A_56, %dma_start3A_57] : memref<10112x128xf32, #tpu.memory_space<vmem_shared>> -> memref<10112x128xf32, #tpu.memory_space<vmem_shared>>
        tpu.enqueue_indirect_dma source(%arg6 : memref<128x128xf32, #tpu.memory_space<vmem>>) target(%dma_start3A_58 : memref<10112x128xf32, #tpu.memory_space<vmem_shared>>) offsets(%dma_start3A_55 : memref<128xi32, #tpu.memory_space<vmem>>) semaphore(%run_scoped3A_53 : memref<!tpu.dma_semaphore, #tpu.memory_space<semaphore_mem>>) {add = true}
        %dma_wait3A = arith.constant 0 : i32
        %dma_wait3A_59 = tpu.memref_slice %arg5[%run_scoped3A_51, %dma_wait3A] : memref<1x128xi32, #tpu.memory_space<vmem>> -> memref<1x128xi32, #tpu.memory_space<vmem>>
        %dma_wait3A_60 = tpu.memref_squeeze %dma_wait3A_59 : memref<1x128xi32, #tpu.memory_space<vmem>> -> memref<128xi32, #tpu.memory_space<vmem>>
        %dma_wait3A_61 = arith.constant 0 : i32
        %dma_wait3A_62 = arith.constant 0 : i32
        %dma_wait3A_63 = tpu.memref_slice %arg8[%dma_wait3A_61, %dma_wait3A_62] : memref<10112x128xf32, #tpu.memory_space<vmem_shared>> -> memref<10112x128xf32, #tpu.memory_space<vmem_shared>>
        tpu.wait_indirect_dma semaphore(%run_scoped3A_53 : memref<!tpu.dma_semaphore, #tpu.memory_space<semaphore_mem>>) src(%arg6 : memref<128x128xf32, #tpu.memory_space<vmem>>) dst(%dma_wait3A_63 : memref<10112x128xf32, #tpu.memory_space<vmem_shared>>)
        tpu.yield
      }) : () -> ()
      %scan3A_52 = arith.constant 0 : i32
      scf.yield %scan3A_52 : i32
    }
    %scan3A_37 = arith.constant 80 : i32
    %barrier3A_38 = arith.constant 0 : index
    tpu.barrier barrier_id(%barrier3A_38)
    %eq3A = arith.constant 0 : i32
    %eq3A_39 = arith.cmpi eq, %arg0, %eq3A : i32
    %convert_element_type3A = arith.extui %eq3A_39 : i1 to i32
    %cond3A = arith.constant 0 : i32
    %cond3A_40 = arith.cmpi ne, %convert_element_type3A, %cond3A : i32
    scf.if %cond3A_40 {
      %mul3A_46 = arith.constant 632 : i32
      %mul3A_47 = arith.muli %arg1, %mul3A_46 : i32
      %mul3A_48 = arith.constant 632 : i32
      %mul3A_49 = arith.muli %arg1, %mul3A_48 : i32
      "tpu.region"() ({
        %run_scoped3A = tpu.sem_alloc : memref<!tpu.dma_semaphore, #tpu.memory_space<semaphore_mem>>
        %dma_start3A = arith.constant 0 : i32
        %dma_start3A_50 = tpu.memref_slice %arg3[%mul3A_49, %dma_start3A] : memref<10112x128xf32, #tpu.memory_space<hbm>> -> memref<632x128xf32, #tpu.memory_space<hbm>>
        %dma_start3A_51 = arith.constant 0 : i32
        %dma_start3A_52 = tpu.memref_slice %arg8[%mul3A_47, %dma_start3A_51] : memref<10112x128xf32, #tpu.memory_space<vmem_shared>> -> memref<632x128xf32, #tpu.memory_space<vmem_shared>>
        tpu.enqueue_dma source(%dma_start3A_52 : memref<632x128xf32, #tpu.memory_space<vmem_shared>>) target(%dma_start3A_50 : memref<632x128xf32, #tpu.memory_space<hbm>>) target_semaphore(%run_scoped3A : memref<!tpu.dma_semaphore, #tpu.memory_space<semaphore_mem>>)
        %dma_wait3A = arith.constant 0 : i32
        %dma_wait3A_53 = tpu.memref_slice %arg3[%mul3A_49, %dma_wait3A] : memref<10112x128xf32, #tpu.memory_space<hbm>> -> memref<632x128xf32, #tpu.memory_space<hbm>>
        %dma_wait3A_54 = arith.constant 0 : i32
        %dma_wait3A_55 = tpu.memref_slice %arg8[%mul3A_47, %dma_wait3A_54] : memref<10112x128xf32, #tpu.memory_space<vmem_shared>> -> memref<632x128xf32, #tpu.memory_space<vmem_shared>>
        tpu.wait_dma2 semaphore(%run_scoped3A : memref<!tpu.dma_semaphore, #tpu.memory_space<semaphore_mem>>) src(%dma_wait3A_55 : memref<632x128xf32, #tpu.memory_space<vmem_shared>>) dst(%dma_wait3A_53 : memref<632x128xf32, #tpu.memory_space<hbm>>)
        tpu.yield
      }) : () -> ()
    } else {
    }
    %eq3A_41 = arith.constant 1 : i32
    %eq3A_42 = arith.cmpi eq, %arg0, %eq3A_41 : i32
    %convert_element_type3A_43 = arith.extui %eq3A_42 : i1 to i32
    %cond3A_44 = arith.constant 0 : i32
    %cond3A_45 = arith.cmpi ne, %convert_element_type3A_43, %cond3A_44 : i32
    scf.if %cond3A_45 {
      %mul3A_46 = arith.constant 632 : i32
      %mul3A_47 = arith.muli %arg1, %mul3A_46 : i32
      %mul3A_48 = arith.constant 632 : i32
      %mul3A_49 = arith.muli %arg1, %mul3A_48 : i32
      "tpu.region"() ({
        %run_scoped3A = tpu.sem_alloc : memref<!tpu.dma_semaphore, #tpu.memory_space<semaphore_mem>>
        %dma_start3A = arith.constant 0 : i32
        %dma_start3A_50 = tpu.memref_slice %arg4[%mul3A_49, %dma_start3A] : memref<10112x128xf32, #tpu.memory_space<hbm>> -> memref<632x128xf32, #tpu.memory_space<hbm>>
        %dma_start3A_51 = arith.constant 0 : i32
        %dma_start3A_52 = tpu.memref_slice %arg8[%mul3A_47, %dma_start3A_51] : memref<10112x128xf32, #tpu.memory_space<vmem_shared>> -> memref<632x128xf32, #tpu.memory_space<vmem_shared>>
        tpu.enqueue_dma source(%dma_start3A_52 : memref<632x128xf32, #tpu.memory_space<vmem_shared>>) target(%dma_start3A_50 : memref<632x128xf32, #tpu.memory_space<hbm>>) target_semaphore(%run_scoped3A : memref<!tpu.dma_semaphore, #tpu.memory_space<semaphore_mem>>)
        %dma_wait3A = arith.constant 0 : i32
        %dma_wait3A_53 = tpu.memref_slice %arg4[%mul3A_49, %dma_wait3A] : memref<10112x128xf32, #tpu.memory_space<hbm>> -> memref<632x128xf32, #tpu.memory_space<hbm>>
        %dma_wait3A_54 = arith.constant 0 : i32
        %dma_wait3A_55 = tpu.memref_slice %arg8[%mul3A_47, %dma_wait3A_54] : memref<10112x128xf32, #tpu.memory_space<vmem_shared>> -> memref<632x128xf32, #tpu.memory_space<vmem_shared>>
        tpu.wait_dma2 semaphore(%run_scoped3A : memref<!tpu.dma_semaphore, #tpu.memory_space<semaphore_mem>>) src(%dma_wait3A_55 : memref<632x128xf32, #tpu.memory_space<vmem_shared>>) dst(%dma_wait3A_53 : memref<632x128xf32, #tpu.memory_space<hbm>>)
        tpu.yield
      }) : () -> ()
    } else {
    }
    return
  }
}

#map = affine_map<(d0, d1) -> (0, 0)>
#map1 = affine_map<(d0, d1) -> (0)>
module attributes {stable_mosaic.version = 14 : i64} {
  func.func @_sc_agg_body(%arg0: i32, %arg1: i32, %arg2: memref<10000x128xf32, #tpu.memory_space<hbm>>, %arg3: memref<327680xi32, #tpu.memory_space<hbm>>, %arg4: memref<327680xi32, #tpu.memory_space<hbm>>, %arg5: memref<10112x128xf32, #tpu.memory_space<hbm>>, %arg6: memref<10112x128xf32, #tpu.memory_space<hbm>>, %arg7: memref<3x128xi32, #tpu.memory_space<vmem>>, %arg8: memref<3x128xi32, #tpu.memory_space<vmem>>, %arg9: memref<128x128xf32, #tpu.memory_space<vmem>>, %arg10: memref<128x128xf32, #tpu.memory_space<vmem>>, %arg11: memref<128x128xf32, #tpu.memory_space<vmem>>, %arg12: memref<10112x128xf32, #tpu.memory_space<vmem_shared>>, %arg13: memref<!tpu.dma_semaphore, #tpu.memory_space<semaphore_mem>>, %arg14: memref<!tpu.dma_semaphore, #tpu.memory_space<semaphore_mem>>, %arg15: memref<!tpu.dma_semaphore, #tpu.memory_space<semaphore_mem>>) attributes {dimension_semantics = [#tpu.dimension_semantics<core_parallel>, #tpu.dimension_semantics<subcore_parallel>], iteration_bounds = array<i64: 2, 16>, scalar_prefetch = 0 : i64, scratch_operands = 9 : i64, tpu.core_type = #tpu.core_type<sc_vector_subcore>, window_params = [{transform_indices = #map}, {transform_indices = #map1}, {transform_indices = #map1}, {transform_indices = #map}, {transform_indices = #map}]} {
    %eq3A = arith.constant 0 : i32
    %eq3A_0 = arith.cmpi eq, %arg0, %eq3A : i32
    %jit3A = arith.constant 138 : i32
    %jit3A_1 = arith.constant 22 : i32
    %select_n3A = arith.select %eq3A_0, %jit3A, %jit3A_1 : i32
    %eq3A_2 = arith.constant 0 : i32
    %eq3A_3 = arith.cmpi eq, %arg0, %eq3A_2 : i32
    %mul3A = arith.constant 17664 : i32
    %mul3A_4 = arith.muli %arg1, %mul3A : i32
    %mul3A_5 = arith.constant 22 : i32
    %mul3A_6 = arith.muli %arg1, %mul3A_5 : i32
    %add3A = arith.constant 2208 : i32
    %add3A_7 = arith.addi %add3A, %mul3A_6 : i32
    %mul3A_8 = arith.constant 128 : i32
    %mul3A_9 = arith.muli %add3A_7, %mul3A_8 : i32
    %select_n3A_10 = arith.select %eq3A_3, %mul3A_4, %mul3A_9 : i32
    %broadcast_in_dim3A = arith.constant 0.000000e+00 : f32
    %broadcast_in_dim3A_11 = vector.broadcast %broadcast_in_dim3A : f32 to vector<16xf32>
    %scan3A = arith.constant 0 : i32
    %scan3A_12 = arith.constant 0 : i32
    %scan3A_13 = arith.constant 128 : i32
    %scan3A_14 = arith.addi %scan3A_12, %scan3A_13 : i32
    %scan3A_15 = arith.constant 1 : i32
    %scan3A_16 = scf.for %scan3A_94 = %scan3A_12 to %scan3A_14 step %scan3A_15 iter_args(%scan3A_95 = %scan3A) -> (i32)  : i32 {
      %swap3A = arith.index_cast %scan3A_94 : i32 to index
      %swap3A_96 = arith.constant 0 : index
      %swap3A_97 = tpu.vector_load %arg9[%swap3A, %swap3A_96] {strides = array<i32>} : memref<128x128xf32, #tpu.memory_space<vmem>>, vector<1x16xf32>,
      %swap3A_98 = vector.shape_cast %swap3A_97 : vector<1x16xf32> to vector<16xf32>
      %swap3A_99 = vector.shape_cast %broadcast_in_dim3A_11 : vector<16xf32> to vector<1x16xf32>
      tpu.vector_store %arg9[%swap3A, %swap3A_96], %swap3A_99 {strides = array<i32>} : memref<128x128xf32, #tpu.memory_space<vmem>>, vector<1x16xf32>,
      %swap3A_100 = arith.index_cast %scan3A_94 : i32 to index
      %swap3A_101 = arith.constant 16 : index
      %swap3A_102 = tpu.vector_load %arg9[%swap3A_100, %swap3A_101] {strides = array<i32>} : memref<128x128xf32, #tpu.memory_space<vmem>>, vector<1x16xf32>,
      %swap3A_103 = vector.shape_cast %swap3A_102 : vector<1x16xf32> to vector<16xf32>
      %swap3A_104 = vector.shape_cast %broadcast_in_dim3A_11 : vector<16xf32> to vector<1x16xf32>
      tpu.vector_store %arg9[%swap3A_100, %swap3A_101], %swap3A_104 {strides = array<i32>} : memref<128x128xf32, #tpu.memory_space<vmem>>, vector<1x16xf32>,
      %swap3A_105 = arith.index_cast %scan3A_94 : i32 to index
      %swap3A_106 = arith.constant 32 : index
      %swap3A_107 = tpu.vector_load %arg9[%swap3A_105, %swap3A_106] {strides = array<i32>} : memref<128x128xf32, #tpu.memory_space<vmem>>, vector<1x16xf32>,
      %swap3A_108 = vector.shape_cast %swap3A_107 : vector<1x16xf32> to vector<16xf32>
      %swap3A_109 = vector.shape_cast %broadcast_in_dim3A_11 : vector<16xf32> to vector<1x16xf32>
      tpu.vector_store %arg9[%swap3A_105, %swap3A_106], %swap3A_109 {strides = array<i32>} : memref<128x128xf32, #tpu.memory_space<vmem>>, vector<1x16xf32>,
      %swap3A_110 = arith.index_cast %scan3A_94 : i32 to index
      %swap3A_111 = arith.constant 48 : index
      %swap3A_112 = tpu.vector_load %arg9[%swap3A_110, %swap3A_111] {strides = array<i32>} : memref<128x128xf32, #tpu.memory_space<vmem>>, vector<1x16xf32>,
      %swap3A_113 = vector.shape_cast %swap3A_112 : vector<1x16xf32> to vector<16xf32>
      %swap3A_114 = vector.shape_cast %broadcast_in_dim3A_11 : vector<16xf32> to vector<1x16xf32>
      tpu.vector_store %arg9[%swap3A_110, %swap3A_111], %swap3A_114 {strides = array<i32>} : memref<128x128xf32, #tpu.memory_space<vmem>>, vector<1x16xf32>,
      %swap3A_115 = arith.index_cast %scan3A_94 : i32 to index
      %swap3A_116 = arith.constant 64 : index
      %swap3A_117 = tpu.vector_load %arg9[%swap3A_115, %swap3A_116] {strides = array<i32>} : memref<128x128xf32, #tpu.memory_space<vmem>>, vector<1x16xf32>,
      %swap3A_118 = vector.shape_cast %swap3A_117 : vector<1x16xf32> to vector<16xf32>
      %swap3A_119 = vector.shape_cast %broadcast_in_dim3A_11 : vector<16xf32> to vector<1x16xf32>
      tpu.vector_store %arg9[%swap3A_115, %swap3A_116], %swap3A_119 {strides = array<i32>} : memref<128x128xf32, #tpu.memory_space<vmem>>, vector<1x16xf32>,
      %swap3A_120 = arith.index_cast %scan3A_94 : i32 to index
      %swap3A_121 = arith.constant 80 : index
      %swap3A_122 = tpu.vector_load %arg9[%swap3A_120, %swap3A_121] {strides = array<i32>} : memref<128x128xf32, #tpu.memory_space<vmem>>, vector<1x16xf32>,
      %swap3A_123 = vector.shape_cast %swap3A_122 : vector<1x16xf32> to vector<16xf32>
      %swap3A_124 = vector.shape_cast %broadcast_in_dim3A_11 : vector<16xf32> to vector<1x16xf32>
      tpu.vector_store %arg9[%swap3A_120, %swap3A_121], %swap3A_124 {strides = array<i32>} : memref<128x128xf32, #tpu.memory_space<vmem>>, vector<1x16xf32>,
      %swap3A_125 = arith.index_cast %scan3A_94 : i32 to index
      %swap3A_126 = arith.constant 96 : index
      %swap3A_127 = tpu.vector_load %arg9[%swap3A_125, %swap3A_126] {strides = array<i32>} : memref<128x128xf32, #tpu.memory_space<vmem>>, vector<1x16xf32>,
      %swap3A_128 = vector.shape_cast %swap3A_127 : vector<1x16xf32> to vector<16xf32>
      %swap3A_129 = vector.shape_cast %broadcast_in_dim3A_11 : vector<16xf32> to vector<1x16xf32>
      tpu.vector_store %arg9[%swap3A_125, %swap3A_126], %swap3A_129 {strides = array<i32>} : memref<128x128xf32, #tpu.memory_space<vmem>>, vector<1x16xf32>,
      %swap3A_130 = arith.index_cast %scan3A_94 : i32 to index
      %swap3A_131 = arith.constant 112 : index
      %swap3A_132 = tpu.vector_load %arg9[%swap3A_130, %swap3A_131] {strides = array<i32>} : memref<128x128xf32, #tpu.memory_space<vmem>>, vector<1x16xf32>,
      %swap3A_133 = vector.shape_cast %swap3A_132 : vector<1x16xf32> to vector<16xf32>
      %swap3A_134 = vector.shape_cast %broadcast_in_dim3A_11 : vector<16xf32> to vector<1x16xf32>
      tpu.vector_store %arg9[%swap3A_130, %swap3A_131], %swap3A_134 {strides = array<i32>} : memref<128x128xf32, #tpu.memory_space<vmem>>, vector<1x16xf32>,
      %scan3A_135 = arith.constant 0 : i32
      scf.yield %scan3A_135 : i32
    }
    %scan3A_17 = arith.constant 128 : i32
    %scan3A_18 = arith.constant 0 : i32
    %scan3A_19 = arith.constant 0 : i32
    %scan3A_20 = arith.constant 4 : i32
    %scan3A_21 = arith.addi %scan3A_19, %scan3A_20 : i32
    %scan3A_22 = arith.constant 1 : i32
    %scan3A_23 = scf.for %scan3A_94 = %scan3A_19 to %scan3A_21 step %scan3A_22 iter_args(%scan3A_95 = %scan3A_18) -> (i32)  : i32 {
      %mul3A_96 = arith.constant 632 : i32
      %mul3A_97 = arith.muli %arg1, %mul3A_96 : i32
      %mul3A_98 = arith.constant 128 : i32
      %mul3A_99 = arith.muli %scan3A_94, %mul3A_98 : i32
      %add3A_100 = arith.addi %mul3A_97, %mul3A_99 : i32
      "tpu.region"() ({
        %run_scoped3A_102 = tpu.sem_alloc : memref<!tpu.dma_semaphore, #tpu.memory_space<semaphore_mem>>
        %dma_start3A_103 = arith.constant 0 : i32
        %dma_start3A_104 = tpu.memref_slice %arg12[%add3A_100, %dma_start3A_103] : memref<10112x128xf32, #tpu.memory_space<vmem_shared>> -> memref<128x128xf32, #tpu.memory_space<vmem_shared>>
        %dma_start3A_105 = arith.constant 0 : i32
        %dma_start3A_106 = tpu.memref_slice %arg12[%add3A_100, %dma_start3A_105] : memref<10112x128xf32, #tpu.memory_space<vmem_shared>> -> memref<128x128xf32, #tpu.memory_space<vmem_shared>>
        tpu.enqueue_dma source(%arg9 : memref<128x128xf32, #tpu.memory_space<vmem>>) target(%dma_start3A_106 : memref<128x128xf32, #tpu.memory_space<vmem_shared>>) target_semaphore(%run_scoped3A_102 : memref<!tpu.dma_semaphore, #tpu.memory_space<semaphore_mem>>)
        %dma_wait3A = arith.constant 0 : i32
        %dma_wait3A_107 = tpu.memref_slice %arg12[%add3A_100, %dma_wait3A] : memref<10112x128xf32, #tpu.memory_space<vmem_shared>> -> memref<128x128xf32, #tpu.memory_space<vmem_shared>>
        %dma_wait3A_108 = arith.constant 0 : i32
        %dma_wait3A_109 = tpu.memref_slice %arg12[%add3A_100, %dma_wait3A_108] : memref<10112x128xf32, #tpu.memory_space<vmem_shared>> -> memref<128x128xf32, #tpu.memory_space<vmem_shared>>
        tpu.wait_dma2 semaphore(%run_scoped3A_102 : memref<!tpu.dma_semaphore, #tpu.memory_space<semaphore_mem>>) src(%arg9 : memref<128x128xf32, #tpu.memory_space<vmem>>) dst(%dma_wait3A_109 : memref<128x128xf32, #tpu.memory_space<vmem_shared>>)
        tpu.yield
      }) : () -> ()
      %scan3A_101 = arith.constant 0 : i32
      scf.yield %scan3A_101 : i32
    }
    %scan3A_24 = arith.constant 4 : i32
    %mul3A_25 = arith.constant 632 : i32
    %mul3A_26 = arith.muli %arg1, %mul3A_25 : i32
    %add3A_27 = arith.constant 632 : i32
    %add3A_28 = arith.addi %mul3A_26, %add3A_27 : i32
    %sub3A = arith.constant 128 : i32
    %sub3A_29 = arith.subi %add3A_28, %sub3A : i32
    "tpu.region"() ({
      %run_scoped3A_94 = tpu.sem_alloc : memref<!tpu.dma_semaphore, #tpu.memory_space<semaphore_mem>>
      %dma_start3A_95 = arith.constant 0 : i32
      %dma_start3A_96 = tpu.memref_slice %arg12[%sub3A_29, %dma_start3A_95] : memref<10112x128xf32, #tpu.memory_space<vmem_shared>> -> memref<128x128xf32, #tpu.memory_space<vmem_shared>>
      %dma_start3A_97 = arith.constant 0 : i32
      %dma_start3A_98 = tpu.memref_slice %arg12[%sub3A_29, %dma_start3A_97] : memref<10112x128xf32, #tpu.memory_space<vmem_shared>> -> memref<128x128xf32, #tpu.memory_space<vmem_shared>>
      tpu.enqueue_dma source(%arg9 : memref<128x128xf32, #tpu.memory_space<vmem>>) target(%dma_start3A_98 : memref<128x128xf32, #tpu.memory_space<vmem_shared>>) target_semaphore(%run_scoped3A_94 : memref<!tpu.dma_semaphore, #tpu.memory_space<semaphore_mem>>)
      %dma_wait3A = arith.constant 0 : i32
      %dma_wait3A_99 = tpu.memref_slice %arg12[%sub3A_29, %dma_wait3A] : memref<10112x128xf32, #tpu.memory_space<vmem_shared>> -> memref<128x128xf32, #tpu.memory_space<vmem_shared>>
      %dma_wait3A_100 = arith.constant 0 : i32
      %dma_wait3A_101 = tpu.memref_slice %arg12[%sub3A_29, %dma_wait3A_100] : memref<10112x128xf32, #tpu.memory_space<vmem_shared>> -> memref<128x128xf32, #tpu.memory_space<vmem_shared>>
      tpu.wait_dma2 semaphore(%run_scoped3A_94 : memref<!tpu.dma_semaphore, #tpu.memory_space<semaphore_mem>>) src(%arg9 : memref<128x128xf32, #tpu.memory_space<vmem>>) dst(%dma_wait3A_101 : memref<128x128xf32, #tpu.memory_space<vmem_shared>>)
      tpu.yield
    }) : () -> ()
    %barrier3A = arith.constant 0 : index
    tpu.barrier barrier_id(%barrier3A)
    %add3A_30 = arith.constant 0 : i32
    %add3A_31 = arith.addi %select_n3A_10, %add3A_30 : i32
    %multiple_of3A = tpu.assume_multiple %add3A_31, 128 : i32
    %run_scoped3A = arith.constant 0 : i32
    "tpu.region"() ({
      %run_scoped3A_94 = tpu.sem_alloc : memref<!tpu.dma_semaphore, #tpu.memory_space<semaphore_mem>>
      %dma_start3A_95 = arith.constant 0 : i32
      %dma_start3A_96 = tpu.memref_slice %arg7[%run_scoped3A, %dma_start3A_95] : memref<3x128xi32, #tpu.memory_space<vmem>> -> memref<1x128xi32, #tpu.memory_space<vmem>>
      %dma_start3A_97 = tpu.memref_squeeze %dma_start3A_96 : memref<1x128xi32, #tpu.memory_space<vmem>> -> memref<128xi32, #tpu.memory_space<vmem>>
      %dma_start3A_98 = tpu.memref_slice %arg3[%multiple_of3A] : memref<327680xi32, #tpu.memory_space<hbm>> -> memref<128xi32, #tpu.memory_space<hbm>>
      %dma_start3A_99 = arith.constant 0 : i32
      %dma_start3A_100 = tpu.memref_slice %arg7[%run_scoped3A, %dma_start3A_99] : memref<3x128xi32, #tpu.memory_space<vmem>> -> memref<1x128xi32, #tpu.memory_space<vmem>>
      %dma_start3A_101 = tpu.memref_squeeze %dma_start3A_100 : memref<1x128xi32, #tpu.memory_space<vmem>> -> memref<128xi32, #tpu.memory_space<vmem>>
      %dma_start3A_102 = tpu.memref_slice %arg3[%multiple_of3A] : memref<327680xi32, #tpu.memory_space<hbm>> -> memref<128xi32, #tpu.memory_space<hbm>>
      tpu.enqueue_dma source(%dma_start3A_102 : memref<128xi32, #tpu.memory_space<hbm>>) target(%dma_start3A_101 : memref<128xi32, #tpu.memory_space<vmem>>) target_semaphore(%run_scoped3A_94 : memref<!tpu.dma_semaphore, #tpu.memory_space<semaphore_mem>>)
      %dma_wait3A = arith.constant 0 : i32
      %dma_wait3A_103 = tpu.memref_slice %arg7[%run_scoped3A, %dma_wait3A] : memref<3x128xi32, #tpu.memory_space<vmem>> -> memref<1x128xi32, #tpu.memory_space<vmem>>
      %dma_wait3A_104 = tpu.memref_squeeze %dma_wait3A_103 : memref<1x128xi32, #tpu.memory_space<vmem>> -> memref<128xi32, #tpu.memory_space<vmem>>
      %dma_wait3A_105 = tpu.memref_slice %arg3[%multiple_of3A] : memref<327680xi32, #tpu.memory_space<hbm>> -> memref<128xi32, #tpu.memory_space<hbm>>
      %dma_wait3A_106 = arith.constant 0 : i32
      %dma_wait3A_107 = tpu.memref_slice %arg7[%run_scoped3A, %dma_wait3A_106] : memref<3x128xi32, #tpu.memory_space<vmem>> -> memref<1x128xi32, #tpu.memory_space<vmem>>
      %dma_wait3A_108 = tpu.memref_squeeze %dma_wait3A_107 : memref<1x128xi32, #tpu.memory_space<vmem>> -> memref<128xi32, #tpu.memory_space<vmem>>
      %dma_wait3A_109 = tpu.memref_slice %arg3[%multiple_of3A] : memref<327680xi32, #tpu.memory_space<hbm>> -> memref<128xi32, #tpu.memory_space<hbm>>
      tpu.wait_dma2 semaphore(%run_scoped3A_94 : memref<!tpu.dma_semaphore, #tpu.memory_space<semaphore_mem>>) src(%dma_wait3A_109 : memref<128xi32, #tpu.memory_space<hbm>>) dst(%dma_wait3A_108 : memref<128xi32, #tpu.memory_space<vmem>>)
      tpu.yield
    }) : () -> ()
    %run_scoped3A_32 = arith.constant 0 : i32
    "tpu.region"() ({
      %run_scoped3A_94 = tpu.sem_alloc : memref<!tpu.dma_semaphore, #tpu.memory_space<semaphore_mem>>
      %dma_start3A_95 = arith.constant 0 : i32
      %dma_start3A_96 = tpu.memref_slice %arg8[%run_scoped3A_32, %dma_start3A_95] : memref<3x128xi32, #tpu.memory_space<vmem>> -> memref<1x128xi32, #tpu.memory_space<vmem>>
      %dma_start3A_97 = tpu.memref_squeeze %dma_start3A_96 : memref<1x128xi32, #tpu.memory_space<vmem>> -> memref<128xi32, #tpu.memory_space<vmem>>
      %dma_start3A_98 = tpu.memref_slice %arg4[%multiple_of3A] : memref<327680xi32, #tpu.memory_space<hbm>> -> memref<128xi32, #tpu.memory_space<hbm>>
      %dma_start3A_99 = arith.constant 0 : i32
      %dma_start3A_100 = tpu.memref_slice %arg8[%run_scoped3A_32, %dma_start3A_99] : memref<3x128xi32, #tpu.memory_space<vmem>> -> memref<1x128xi32, #tpu.memory_space<vmem>>
      %dma_start3A_101 = tpu.memref_squeeze %dma_start3A_100 : memref<1x128xi32, #tpu.memory_space<vmem>> -> memref<128xi32, #tpu.memory_space<vmem>>
      %dma_start3A_102 = tpu.memref_slice %arg4[%multiple_of3A] : memref<327680xi32, #tpu.memory_space<hbm>> -> memref<128xi32, #tpu.memory_space<hbm>>
      tpu.enqueue_dma source(%dma_start3A_102 : memref<128xi32, #tpu.memory_space<hbm>>) target(%dma_start3A_101 : memref<128xi32, #tpu.memory_space<vmem>>) target_semaphore(%run_scoped3A_94 : memref<!tpu.dma_semaphore, #tpu.memory_space<semaphore_mem>>)
      %dma_wait3A = arith.constant 0 : i32
      %dma_wait3A_103 = tpu.memref_slice %arg8[%run_scoped3A_32, %dma_wait3A] : memref<3x128xi32, #tpu.memory_space<vmem>> -> memref<1x128xi32, #tpu.memory_space<vmem>>
      %dma_wait3A_104 = tpu.memref_squeeze %dma_wait3A_103 : memref<1x128xi32, #tpu.memory_space<vmem>> -> memref<128xi32, #tpu.memory_space<vmem>>
      %dma_wait3A_105 = tpu.memref_slice %arg4[%multiple_of3A] : memref<327680xi32, #tpu.memory_space<hbm>> -> memref<128xi32, #tpu.memory_space<hbm>>
      %dma_wait3A_106 = arith.constant 0 : i32
      %dma_wait3A_107 = tpu.memref_slice %arg8[%run_scoped3A_32, %dma_wait3A_106] : memref<3x128xi32, #tpu.memory_space<vmem>> -> memref<1x128xi32, #tpu.memory_space<vmem>>
      %dma_wait3A_108 = tpu.memref_squeeze %dma_wait3A_107 : memref<1x128xi32, #tpu.memory_space<vmem>> -> memref<128xi32, #tpu.memory_space<vmem>>
      %dma_wait3A_109 = tpu.memref_slice %arg4[%multiple_of3A] : memref<327680xi32, #tpu.memory_space<hbm>> -> memref<128xi32, #tpu.memory_space<hbm>>
      tpu.wait_dma2 semaphore(%run_scoped3A_94 : memref<!tpu.dma_semaphore, #tpu.memory_space<semaphore_mem>>) src(%dma_wait3A_109 : memref<128xi32, #tpu.memory_space<hbm>>) dst(%dma_wait3A_108 : memref<128xi32, #tpu.memory_space<vmem>>)
      tpu.yield
    }) : () -> ()
    %dma_start3A = arith.constant 0 : i32
    %dma_start3A_33 = arith.constant 0 : i32
    %dma_start3A_34 = tpu.memref_slice %arg7[%dma_start3A, %dma_start3A_33] : memref<3x128xi32, #tpu.memory_space<vmem>> -> memref<1x128xi32, #tpu.memory_space<vmem>>
    %dma_start3A_35 = tpu.memref_squeeze %dma_start3A_34 : memref<1x128xi32, #tpu.memory_space<vmem>> -> memref<128xi32, #tpu.memory_space<vmem>>
    %dma_start3A_36 = arith.constant 0 : i32
    %dma_start3A_37 = arith.constant 0 : i32
    %dma_start3A_38 = tpu.memref_slice %arg2[%dma_start3A_36, %dma_start3A_37] : memref<10000x128xf32, #tpu.memory_space<hbm>> -> memref<10000x128xf32, #tpu.memory_space<hbm>>
    tpu.enqueue_indirect_dma source(%dma_start3A_38 : memref<10000x128xf32, #tpu.memory_space<hbm>>) target(%arg9 : memref<128x128xf32, #tpu.memory_space<vmem>>) offsets(%dma_start3A_35 : memref<128xi32, #tpu.memory_space<vmem>>) semaphore(%arg13 : memref<!tpu.dma_semaphore, #tpu.memory_space<semaphore_mem>>)
    %add3A_39 = arith.constant 128 : i32
    %add3A_40 = arith.addi %select_n3A_10, %add3A_39 : i32
    %multiple_of3A_41 = tpu.assume_multiple %add3A_40, 128 : i32
    %run_scoped3A_42 = arith.constant 1 : i32
    "tpu.region"() ({
      %run_scoped3A_94 = tpu.sem_alloc : memref<!tpu.dma_semaphore, #tpu.memory_space<semaphore_mem>>
      %dma_start3A_95 = arith.constant 0 : i32
      %dma_start3A_96 = tpu.memref_slice %arg7[%run_scoped3A_42, %dma_start3A_95] : memref<3x128xi32, #tpu.memory_space<vmem>> -> memref<1x128xi32, #tpu.memory_space<vmem>>
      %dma_start3A_97 = tpu.memref_squeeze %dma_start3A_96 : memref<1x128xi32, #tpu.memory_space<vmem>> -> memref<128xi32, #tpu.memory_space<vmem>>
      %dma_start3A_98 = tpu.memref_slice %arg3[%multiple_of3A_41] : memref<327680xi32, #tpu.memory_space<hbm>> -> memref<128xi32, #tpu.memory_space<hbm>>
      %dma_start3A_99 = arith.constant 0 : i32
      %dma_start3A_100 = tpu.memref_slice %arg7[%run_scoped3A_42, %dma_start3A_99] : memref<3x128xi32, #tpu.memory_space<vmem>> -> memref<1x128xi32, #tpu.memory_space<vmem>>
      %dma_start3A_101 = tpu.memref_squeeze %dma_start3A_100 : memref<1x128xi32, #tpu.memory_space<vmem>> -> memref<128xi32, #tpu.memory_space<vmem>>
      %dma_start3A_102 = tpu.memref_slice %arg3[%multiple_of3A_41] : memref<327680xi32, #tpu.memory_space<hbm>> -> memref<128xi32, #tpu.memory_space<hbm>>
      tpu.enqueue_dma source(%dma_start3A_102 : memref<128xi32, #tpu.memory_space<hbm>>) target(%dma_start3A_101 : memref<128xi32, #tpu.memory_space<vmem>>) target_semaphore(%run_scoped3A_94 : memref<!tpu.dma_semaphore, #tpu.memory_space<semaphore_mem>>)
      %dma_wait3A = arith.constant 0 : i32
      %dma_wait3A_103 = tpu.memref_slice %arg7[%run_scoped3A_42, %dma_wait3A] : memref<3x128xi32, #tpu.memory_space<vmem>> -> memref<1x128xi32, #tpu.memory_space<vmem>>
      %dma_wait3A_104 = tpu.memref_squeeze %dma_wait3A_103 : memref<1x128xi32, #tpu.memory_space<vmem>> -> memref<128xi32, #tpu.memory_space<vmem>>
      %dma_wait3A_105 = tpu.memref_slice %arg3[%multiple_of3A_41] : memref<327680xi32, #tpu.memory_space<hbm>> -> memref<128xi32, #tpu.memory_space<hbm>>
      %dma_wait3A_106 = arith.constant 0 : i32
      %dma_wait3A_107 = tpu.memref_slice %arg7[%run_scoped3A_42, %dma_wait3A_106] : memref<3x128xi32, #tpu.memory_space<vmem>> -> memref<1x128xi32, #tpu.memory_space<vmem>>
      %dma_wait3A_108 = tpu.memref_squeeze %dma_wait3A_107 : memref<1x128xi32, #tpu.memory_space<vmem>> -> memref<128xi32, #tpu.memory_space<vmem>>
      %dma_wait3A_109 = tpu.memref_slice %arg3[%multiple_of3A_41] : memref<327680xi32, #tpu.memory_space<hbm>> -> memref<128xi32, #tpu.memory_space<hbm>>
      tpu.wait_dma2 semaphore(%run_scoped3A_94 : memref<!tpu.dma_semaphore, #tpu.memory_space<semaphore_mem>>) src(%dma_wait3A_109 : memref<128xi32, #tpu.memory_space<hbm>>) dst(%dma_wait3A_108 : memref<128xi32, #tpu.memory_space<vmem>>)
      tpu.yield
    }) : () -> ()
    %run_scoped3A_43 = arith.constant 1 : i32
    "tpu.region"() ({
      %run_scoped3A_94 = tpu.sem_alloc : memref<!tpu.dma_semaphore, #tpu.memory_space<semaphore_mem>>
      %dma_start3A_95 = arith.constant 0 : i32
      %dma_start3A_96 = tpu.memref_slice %arg8[%run_scoped3A_43, %dma_start3A_95] : memref<3x128xi32, #tpu.memory_space<vmem>> -> memref<1x128xi32, #tpu.memory_space<vmem>>
      %dma_start3A_97 = tpu.memref_squeeze %dma_start3A_96 : memref<1x128xi32, #tpu.memory_space<vmem>> -> memref<128xi32, #tpu.memory_space<vmem>>
      %dma_start3A_98 = tpu.memref_slice %arg4[%multiple_of3A_41] : memref<327680xi32, #tpu.memory_space<hbm>> -> memref<128xi32, #tpu.memory_space<hbm>>
      %dma_start3A_99 = arith.constant 0 : i32
      %dma_start3A_100 = tpu.memref_slice %arg8[%run_scoped3A_43, %dma_start3A_99] : memref<3x128xi32, #tpu.memory_space<vmem>> -> memref<1x128xi32, #tpu.memory_space<vmem>>
      %dma_start3A_101 = tpu.memref_squeeze %dma_start3A_100 : memref<1x128xi32, #tpu.memory_space<vmem>> -> memref<128xi32, #tpu.memory_space<vmem>>
      %dma_start3A_102 = tpu.memref_slice %arg4[%multiple_of3A_41] : memref<327680xi32, #tpu.memory_space<hbm>> -> memref<128xi32, #tpu.memory_space<hbm>>
      tpu.enqueue_dma source(%dma_start3A_102 : memref<128xi32, #tpu.memory_space<hbm>>) target(%dma_start3A_101 : memref<128xi32, #tpu.memory_space<vmem>>) target_semaphore(%run_scoped3A_94 : memref<!tpu.dma_semaphore, #tpu.memory_space<semaphore_mem>>)
      %dma_wait3A = arith.constant 0 : i32
      %dma_wait3A_103 = tpu.memref_slice %arg8[%run_scoped3A_43, %dma_wait3A] : memref<3x128xi32, #tpu.memory_space<vmem>> -> memref<1x128xi32, #tpu.memory_space<vmem>>
      %dma_wait3A_104 = tpu.memref_squeeze %dma_wait3A_103 : memref<1x128xi32, #tpu.memory_space<vmem>> -> memref<128xi32, #tpu.memory_space<vmem>>
      %dma_wait3A_105 = tpu.memref_slice %arg4[%multiple_of3A_41] : memref<327680xi32, #tpu.memory_space<hbm>> -> memref<128xi32, #tpu.memory_space<hbm>>
      %dma_wait3A_106 = arith.constant 0 : i32
      %dma_wait3A_107 = tpu.memref_slice %arg8[%run_scoped3A_43, %dma_wait3A_106] : memref<3x128xi32, #tpu.memory_space<vmem>> -> memref<1x128xi32, #tpu.memory_space<vmem>>
      %dma_wait3A_108 = tpu.memref_squeeze %dma_wait3A_107 : memref<1x128xi32, #tpu.memory_space<vmem>> -> memref<128xi32, #tpu.memory_space<vmem>>
      %dma_wait3A_109 = tpu.memref_slice %arg4[%multiple_of3A_41] : memref<327680xi32, #tpu.memory_space<hbm>> -> memref<128xi32, #tpu.memory_space<hbm>>
      tpu.wait_dma2 semaphore(%run_scoped3A_94 : memref<!tpu.dma_semaphore, #tpu.memory_space<semaphore_mem>>) src(%dma_wait3A_109 : memref<128xi32, #tpu.memory_space<hbm>>) dst(%dma_wait3A_108 : memref<128xi32, #tpu.memory_space<vmem>>)
      tpu.yield
    }) : () -> ()
    %dma_start3A_44 = arith.constant 1 : i32
    %dma_start3A_45 = arith.constant 0 : i32
    %dma_start3A_46 = tpu.memref_slice %arg7[%dma_start3A_44, %dma_start3A_45] : memref<3x128xi32, #tpu.memory_space<vmem>> -> memref<1x128xi32, #tpu.memory_space<vmem>>
    %dma_start3A_47 = tpu.memref_squeeze %dma_start3A_46 : memref<1x128xi32, #tpu.memory_space<vmem>> -> memref<128xi32, #tpu.memory_space<vmem>>
    %dma_start3A_48 = arith.constant 0 : i32
    %dma_start3A_49 = arith.constant 0 : i32
    %dma_start3A_50 = tpu.memref_slice %arg2[%dma_start3A_48, %dma_start3A_49] : memref<10000x128xf32, #tpu.memory_space<hbm>> -> memref<10000x128xf32, #tpu.memory_space<hbm>>
    tpu.enqueue_indirect_dma source(%dma_start3A_50 : memref<10000x128xf32, #tpu.memory_space<hbm>>) target(%arg10 : memref<128x128xf32, #tpu.memory_space<vmem>>) offsets(%dma_start3A_47 : memref<128xi32, #tpu.memory_space<vmem>>) semaphore(%arg14 : memref<!tpu.dma_semaphore, #tpu.memory_space<semaphore_mem>>)
    %add3A_51 = arith.constant 3 : i32
    %add3A_52 = arith.addi %select_n3A, %add3A_51 : i32
    %sub3A_53 = arith.constant 1 : i32
    %sub3A_54 = arith.subi %add3A_52, %sub3A_53 : i32
    %jit3A_55 = arith.constant 3 : i32
    %div3A = arith.divsi %sub3A_54, %jit3A_55 : i32
    %sign3A = arith.constant 0 : i32
    %sign3A_56 = arith.cmpi sgt, %sub3A_54, %sign3A : i32
    %sign3A_57 = arith.extui %sign3A_56 : i1 to i32
    %sign3A_58 = arith.constant 0 : i32
    %sign3A_59 = arith.cmpi slt, %sub3A_54, %sign3A_58 : i32
    %sign3A_60 = arith.extui %sign3A_59 : i1 to i32
    %sign3A_61 = arith.subi %sign3A_57, %sign3A_60 : i32
    %sign3A_62 = arith.constant 0 : i32
    %sign3A_63 = arith.cmpi sgt, %jit3A_55, %sign3A_62 : i32
    %sign3A_64 = arith.extui %sign3A_63 : i1 to i32
    %sign3A_65 = arith.constant 0 : i32
    %sign3A_66 = arith.cmpi slt, %jit3A_55, %sign3A_65 : i32
    %sign3A_67 = arith.extui %sign3A_66 : i1 to i32
    %sign3A_68 = arith.subi %sign3A_64, %sign3A_67 : i32
    %ne3A = arith.cmpi ne, %sign3A_61, %sign3A_68 : i32
    %rem3A = arith.remsi %sub3A_54, %jit3A_55 : i32
    %ne3A_69 = arith.constant 0 : i32
    %ne3A_70 = arith.cmpi ne, %rem3A, %ne3A_69 : i32
    %and3A = arith.andi %ne3A, %ne3A_70 : i1
    %sub3A_71 = arith.constant 1 : i32
    %sub3A_72 = arith.subi %div3A, %sub3A_71 : i32
    %select_n3A_73 = arith.select %and3A, %sub3A_72, %div3A : i32
    %while3A = arith.constant 0 : i32
    %while3A_74 = arith.constant 0 : i32
    %while3A_75 = arith.subi %select_n3A_73, %while3A : i32
    %while3A_76 = arith.addi %while3A, %while3A_75 : i32
    %while3A_77 = arith.constant 1 : i32
    %while3A_78 = arith.divsi %while3A_75, %while3A_77 : i32
    %while3A_79 = arith.muli %while3A_78, %while3A_77 : i32
    %while3A_80 = arith.addi %while3A, %while3A_79 : i32
    %while3A_81 = arith.constant 1 : i32
    %while3A_82 = scf.for %while3A_94 = %while3A to %while3A_80 step %while3A_81 iter_args(%while3A_95 = %while3A_74) -> (i32)  : i32 {
      %mul3A_96 = arith.constant 3 : i32
      %mul3A_97 = arith.muli %mul3A_96, %while3A_94 : i32
      %add3A_98 = arith.constant 0 : i32
      %add3A_99 = arith.addi %mul3A_97, %add3A_98 : i32
      %add3A_100 = arith.constant 2 : i32
      %add3A_101 = arith.addi %add3A_99, %add3A_100 : i32
      %lt3A = arith.cmpi slt, %add3A_101, %select_n3A : i32
      %convert_element_type3A_102 = arith.extui %lt3A : i1 to i32
      %cond3A_103 = arith.constant 0 : i32
      %cond3A_104 = arith.cmpi ne, %convert_element_type3A_102, %cond3A_103 : i32
      scf.if %cond3A_104 {
        %mul3A_138 = arith.constant 128 : i32
        %mul3A_139 = arith.muli %add3A_101, %mul3A_138 : i32
        %add3A_140 = arith.addi %select_n3A_10, %mul3A_139 : i32
        %multiple_of3A_141 = tpu.assume_multiple %add3A_140, 128 : i32
        %run_scoped3A_142 = arith.constant 2 : i32
        "tpu.region"() ({
          %run_scoped3A_144 = tpu.sem_alloc : memref<!tpu.dma_semaphore, #tpu.memory_space<semaphore_mem>>
          %dma_start3A_145 = arith.constant 0 : i32
          %dma_start3A_146 = tpu.memref_slice %arg7[%run_scoped3A_142, %dma_start3A_145] : memref<3x128xi32, #tpu.memory_space<vmem>> -> memref<1x128xi32, #tpu.memory_space<vmem>>
          %dma_start3A_147 = tpu.memref_squeeze %dma_start3A_146 : memref<1x128xi32, #tpu.memory_space<vmem>> -> memref<128xi32, #tpu.memory_space<vmem>>
          %dma_start3A_148 = tpu.memref_slice %arg3[%multiple_of3A_141] : memref<327680xi32, #tpu.memory_space<hbm>> -> memref<128xi32, #tpu.memory_space<hbm>>
          %dma_start3A_149 = arith.constant 0 : i32
          %dma_start3A_150 = tpu.memref_slice %arg7[%run_scoped3A_142, %dma_start3A_149] : memref<3x128xi32, #tpu.memory_space<vmem>> -> memref<1x128xi32, #tpu.memory_space<vmem>>
          %dma_start3A_151 = tpu.memref_squeeze %dma_start3A_150 : memref<1x128xi32, #tpu.memory_space<vmem>> -> memref<128xi32, #tpu.memory_space<vmem>>
          %dma_start3A_152 = tpu.memref_slice %arg3[%multiple_of3A_141] : memref<327680xi32, #tpu.memory_space<hbm>> -> memref<128xi32, #tpu.memory_space<hbm>>
          tpu.enqueue_dma source(%dma_start3A_152 : memref<128xi32, #tpu.memory_space<hbm>>) target(%dma_start3A_151 : memref<128xi32, #tpu.memory_space<vmem>>) target_semaphore(%run_scoped3A_144 : memref<!tpu.dma_semaphore, #tpu.memory_space<semaphore_mem>>)
          %dma_wait3A = arith.constant 0 : i32
          %dma_wait3A_153 = tpu.memref_slice %arg7[%run_scoped3A_142, %dma_wait3A] : memref<3x128xi32, #tpu.memory_space<vmem>> -> memref<1x128xi32, #tpu.memory_space<vmem>>
          %dma_wait3A_154 = tpu.memref_squeeze %dma_wait3A_153 : memref<1x128xi32, #tpu.memory_space<vmem>> -> memref<128xi32, #tpu.memory_space<vmem>>
          %dma_wait3A_155 = tpu.memref_slice %arg3[%multiple_of3A_141] : memref<327680xi32, #tpu.memory_space<hbm>> -> memref<128xi32, #tpu.memory_space<hbm>>
          %dma_wait3A_156 = arith.constant 0 : i32
          %dma_wait3A_157 = tpu.memref_slice %arg7[%run_scoped3A_142, %dma_wait3A_156] : memref<3x128xi32, #tpu.memory_space<vmem>> -> memref<1x128xi32, #tpu.memory_space<vmem>>
          %dma_wait3A_158 = tpu.memref_squeeze %dma_wait3A_157 : memref<1x128xi32, #tpu.memory_space<vmem>> -> memref<128xi32, #tpu.memory_space<vmem>>
          %dma_wait3A_159 = tpu.memref_slice %arg3[%multiple_of3A_141] : memref<327680xi32, #tpu.memory_space<hbm>> -> memref<128xi32, #tpu.memory_space<hbm>>
          tpu.wait_dma2 semaphore(%run_scoped3A_144 : memref<!tpu.dma_semaphore, #tpu.memory_space<semaphore_mem>>) src(%dma_wait3A_159 : memref<128xi32, #tpu.memory_space<hbm>>) dst(%dma_wait3A_158 : memref<128xi32, #tpu.memory_space<vmem>>)
          tpu.yield
        }) : () -> ()
        %run_scoped3A_143 = arith.constant 2 : i32
        "tpu.region"() ({
          %run_scoped3A_144 = tpu.sem_alloc : memref<!tpu.dma_semaphore, #tpu.memory_space<semaphore_mem>>
          %dma_start3A_145 = arith.constant 0 : i32
          %dma_start3A_146 = tpu.memref_slice %arg8[%run_scoped3A_143, %dma_start3A_145] : memref<3x128xi32, #tpu.memory_space<vmem>> -> memref<1x128xi32, #tpu.memory_space<vmem>>
          %dma_start3A_147 = tpu.memref_squeeze %dma_start3A_146 : memref<1x128xi32, #tpu.memory_space<vmem>> -> memref<128xi32, #tpu.memory_space<vmem>>
          %dma_start3A_148 = tpu.memref_slice %arg4[%multiple_of3A_141] : memref<327680xi32, #tpu.memory_space<hbm>> -> memref<128xi32, #tpu.memory_space<hbm>>
          %dma_start3A_149 = arith.constant 0 : i32
          %dma_start3A_150 = tpu.memref_slice %arg8[%run_scoped3A_143, %dma_start3A_149] : memref<3x128xi32, #tpu.memory_space<vmem>> -> memref<1x128xi32, #tpu.memory_space<vmem>>
          %dma_start3A_151 = tpu.memref_squeeze %dma_start3A_150 : memref<1x128xi32, #tpu.memory_space<vmem>> -> memref<128xi32, #tpu.memory_space<vmem>>
          %dma_start3A_152 = tpu.memref_slice %arg4[%multiple_of3A_141] : memref<327680xi32, #tpu.memory_space<hbm>> -> memref<128xi32, #tpu.memory_space<hbm>>
          tpu.enqueue_dma source(%dma_start3A_152 : memref<128xi32, #tpu.memory_space<hbm>>) target(%dma_start3A_151 : memref<128xi32, #tpu.memory_space<vmem>>) target_semaphore(%run_scoped3A_144 : memref<!tpu.dma_semaphore, #tpu.memory_space<semaphore_mem>>)
          %dma_wait3A = arith.constant 0 : i32
          %dma_wait3A_153 = tpu.memref_slice %arg8[%run_scoped3A_143, %dma_wait3A] : memref<3x128xi32, #tpu.memory_space<vmem>> -> memref<1x128xi32, #tpu.memory_space<vmem>>
          %dma_wait3A_154 = tpu.memref_squeeze %dma_wait3A_153 : memref<1x128xi32, #tpu.memory_space<vmem>> -> memref<128xi32, #tpu.memory_space<vmem>>
          %dma_wait3A_155 = tpu.memref_slice %arg4[%multiple_of3A_141] : memref<327680xi32, #tpu.memory_space<hbm>> -> memref<128xi32, #tpu.memory_space<hbm>>
          %dma_wait3A_156 = arith.constant 0 : i32
          %dma_wait3A_157 = tpu.memref_slice %arg8[%run_scoped3A_143, %dma_wait3A_156] : memref<3x128xi32, #tpu.memory_space<vmem>> -> memref<1x128xi32, #tpu.memory_space<vmem>>
          %dma_wait3A_158 = tpu.memref_squeeze %dma_wait3A_157 : memref<1x128xi32, #tpu.memory_space<vmem>> -> memref<128xi32, #tpu.memory_space<vmem>>
          %dma_wait3A_159 = tpu.memref_slice %arg4[%multiple_of3A_141] : memref<327680xi32, #tpu.memory_space<hbm>> -> memref<128xi32, #tpu.memory_space<hbm>>
          tpu.wait_dma2 semaphore(%run_scoped3A_144 : memref<!tpu.dma_semaphore, #tpu.memory_space<semaphore_mem>>) src(%dma_wait3A_159 : memref<128xi32, #tpu.memory_space<hbm>>) dst(%dma_wait3A_158 : memref<128xi32, #tpu.memory_space<vmem>>)
          tpu.yield
        }) : () -> ()
      } else {
      }
      %lt3A_105 = arith.cmpi slt, %add3A_99, %select_n3A : i32
      %convert_element_type3A_106 = arith.extui %lt3A_105 : i1 to i32
      %cond3A_107 = arith.constant 0 : i32
      %cond3A_108 = arith.cmpi ne, %convert_element_type3A_106, %cond3A_107 : i32
      scf.if %cond3A_108 {
        %dma_wait3A = arith.constant 0 : i32
        %dma_wait3A_138 = arith.constant 0 : i32
        %dma_wait3A_139 = tpu.memref_slice %arg7[%dma_wait3A, %dma_wait3A_138] : memref<3x128xi32, #tpu.memory_space<vmem>> -> memref<1x128xi32, #tpu.memory_space<vmem>>
        %dma_wait3A_140 = tpu.memref_squeeze %dma_wait3A_139 : memref<1x128xi32, #tpu.memory_space<vmem>> -> memref<128xi32, #tpu.memory_space<vmem>>
        %dma_wait3A_141 = arith.constant 0 : i32
        %dma_wait3A_142 = arith.constant 0 : i32
        %dma_wait3A_143 = tpu.memref_slice %arg2[%dma_wait3A_141, %dma_wait3A_142] : memref<10000x128xf32, #tpu.memory_space<hbm>> -> memref<10000x128xf32, #tpu.memory_space<hbm>>
        tpu.wait_indirect_dma semaphore(%arg13 : memref<!tpu.dma_semaphore, #tpu.memory_space<semaphore_mem>>) src(%dma_wait3A_143 : memref<10000x128xf32, #tpu.memory_space<hbm>>) dst(%arg9 : memref<128x128xf32, #tpu.memory_space<vmem>>)
        %lt3A_144 = arith.cmpi slt, %add3A_101, %select_n3A : i32
        %convert_element_type3A_145 = arith.extui %lt3A_144 : i1 to i32
        %cond3A_146 = arith.constant 0 : i32
        %cond3A_147 = arith.cmpi ne, %convert_element_type3A_145, %cond3A_146 : i32
        scf.if %cond3A_147 {
          %dma_start3A_149 = arith.constant 2 : i32
          %dma_start3A_150 = arith.constant 0 : i32
          %dma_start3A_151 = tpu.memref_slice %arg7[%dma_start3A_149, %dma_start3A_150] : memref<3x128xi32, #tpu.memory_space<vmem>> -> memref<1x128xi32, #tpu.memory_space<vmem>>
          %dma_start3A_152 = tpu.memref_squeeze %dma_start3A_151 : memref<1x128xi32, #tpu.memory_space<vmem>> -> memref<128xi32, #tpu.memory_space<vmem>>
          %dma_start3A_153 = arith.constant 0 : i32
          %dma_start3A_154 = arith.constant 0 : i32
          %dma_start3A_155 = tpu.memref_slice %arg2[%dma_start3A_153, %dma_start3A_154] : memref<10000x128xf32, #tpu.memory_space<hbm>> -> memref<10000x128xf32, #tpu.memory_space<hbm>>
          tpu.enqueue_indirect_dma source(%dma_start3A_155 : memref<10000x128xf32, #tpu.memory_space<hbm>>) target(%arg11 : memref<128x128xf32, #tpu.memory_space<vmem>>) offsets(%dma_start3A_152 : memref<128xi32, #tpu.memory_space<vmem>>) semaphore(%arg15 : memref<!tpu.dma_semaphore, #tpu.memory_space<semaphore_mem>>)
        } else {
        }
        %run_scoped3A_148 = arith.constant 0 : i32
        "tpu.region"() ({
          %run_scoped3A_149 = tpu.sem_alloc : memref<!tpu.dma_semaphore, #tpu.memory_space<semaphore_mem>>
          %dma_start3A_150 = arith.constant 0 : i32
          %dma_start3A_151 = tpu.memref_slice %arg8[%run_scoped3A_148, %dma_start3A_150] : memref<3x128xi32, #tpu.memory_space<vmem>> -> memref<1x128xi32, #tpu.memory_space<vmem>>
          %dma_start3A_152 = tpu.memref_squeeze %dma_start3A_151 : memref<1x128xi32, #tpu.memory_space<vmem>> -> memref<128xi32, #tpu.memory_space<vmem>>
          %dma_start3A_153 = arith.constant 0 : i32
          %dma_start3A_154 = arith.constant 0 : i32
          %dma_start3A_155 = tpu.memref_slice %arg12[%dma_start3A_153, %dma_start3A_154] : memref<10112x128xf32, #tpu.memory_space<vmem_shared>> -> memref<10112x128xf32, #tpu.memory_space<vmem_shared>>
          tpu.enqueue_indirect_dma source(%arg9 : memref<128x128xf32, #tpu.memory_space<vmem>>) target(%dma_start3A_155 : memref<10112x128xf32, #tpu.memory_space<vmem_shared>>) offsets(%dma_start3A_152 : memref<128xi32, #tpu.memory_space<vmem>>) semaphore(%run_scoped3A_149 : memref<!tpu.dma_semaphore, #tpu.memory_space<semaphore_mem>>) {add = true}
          %dma_wait3A_156 = arith.constant 0 : i32
          %dma_wait3A_157 = tpu.memref_slice %arg8[%run_scoped3A_148, %dma_wait3A_156] : memref<3x128xi32, #tpu.memory_space<vmem>> -> memref<1x128xi32, #tpu.memory_space<vmem>>
          %dma_wait3A_158 = tpu.memref_squeeze %dma_wait3A_157 : memref<1x128xi32, #tpu.memory_space<vmem>> -> memref<128xi32, #tpu.memory_space<vmem>>
          %dma_wait3A_159 = arith.constant 0 : i32
          %dma_wait3A_160 = arith.constant 0 : i32
          %dma_wait3A_161 = tpu.memref_slice %arg12[%dma_wait3A_159, %dma_wait3A_160] : memref<10112x128xf32, #tpu.memory_space<vmem_shared>> -> memref<10112x128xf32, #tpu.memory_space<vmem_shared>>
          tpu.wait_indirect_dma semaphore(%run_scoped3A_149 : memref<!tpu.dma_semaphore, #tpu.memory_space<semaphore_mem>>) src(%arg9 : memref<128x128xf32, #tpu.memory_space<vmem>>) dst(%dma_wait3A_161 : memref<10112x128xf32, #tpu.memory_space<vmem_shared>>)
          tpu.yield
        }) : () -> ()
      } else {
      }
      %mul3A_109 = arith.constant 3 : i32
      %mul3A_110 = arith.muli %mul3A_109, %while3A_94 : i32
      %add3A_111 = arith.constant 1 : i32
      %add3A_112 = arith.addi %mul3A_110, %add3A_111 : i32
      %add3A_113 = arith.constant 2 : i32
      %add3A_114 = arith.addi %add3A_112, %add3A_113 : i32
      %lt3A_115 = arith.cmpi slt, %add3A_114, %select_n3A : i32
      %convert_element_type3A_116 = arith.extui %lt3A_115 : i1 to i32
      %cond3A_117 = arith.constant 0 : i32
      %cond3A_118 = arith.cmpi ne, %convert_element_type3A_116, %cond3A_117 : i32
      scf.if %cond3A_118 {
        %mul3A_138 = arith.constant 128 : i32
        %mul3A_139 = arith.muli %add3A_114, %mul3A_138 : i32
        %add3A_140 = arith.addi %select_n3A_10, %mul3A_139 : i32
        %multiple_of3A_141 = tpu.assume_multiple %add3A_140, 128 : i32
        %run_scoped3A_142 = arith.constant 0 : i32
        "tpu.region"() ({
          %run_scoped3A_144 = tpu.sem_alloc : memref<!tpu.dma_semaphore, #tpu.memory_space<semaphore_mem>>
          %dma_start3A_145 = arith.constant 0 : i32
          %dma_start3A_146 = tpu.memref_slice %arg7[%run_scoped3A_142, %dma_start3A_145] : memref<3x128xi32, #tpu.memory_space<vmem>> -> memref<1x128xi32, #tpu.memory_space<vmem>>
          %dma_start3A_147 = tpu.memref_squeeze %dma_start3A_146 : memref<1x128xi32, #tpu.memory_space<vmem>> -> memref<128xi32, #tpu.memory_space<vmem>>
          %dma_start3A_148 = tpu.memref_slice %arg3[%multiple_of3A_141] : memref<327680xi32, #tpu.memory_space<hbm>> -> memref<128xi32, #tpu.memory_space<hbm>>
          %dma_start3A_149 = arith.constant 0 : i32
          %dma_start3A_150 = tpu.memref_slice %arg7[%run_scoped3A_142, %dma_start3A_149] : memref<3x128xi32, #tpu.memory_space<vmem>> -> memref<1x128xi32, #tpu.memory_space<vmem>>
          %dma_start3A_151 = tpu.memref_squeeze %dma_start3A_150 : memref<1x128xi32, #tpu.memory_space<vmem>> -> memref<128xi32, #tpu.memory_space<vmem>>
          %dma_start3A_152 = tpu.memref_slice %arg3[%multiple_of3A_141] : memref<327680xi32, #tpu.memory_space<hbm>> -> memref<128xi32, #tpu.memory_space<hbm>>
          tpu.enqueue_dma source(%dma_start3A_152 : memref<128xi32, #tpu.memory_space<hbm>>) target(%dma_start3A_151 : memref<128xi32, #tpu.memory_space<vmem>>) target_semaphore(%run_scoped3A_144 : memref<!tpu.dma_semaphore, #tpu.memory_space<semaphore_mem>>)
          %dma_wait3A = arith.constant 0 : i32
          %dma_wait3A_153 = tpu.memref_slice %arg7[%run_scoped3A_142, %dma_wait3A] : memref<3x128xi32, #tpu.memory_space<vmem>> -> memref<1x128xi32, #tpu.memory_space<vmem>>
          %dma_wait3A_154 = tpu.memref_squeeze %dma_wait3A_153 : memref<1x128xi32, #tpu.memory_space<vmem>> -> memref<128xi32, #tpu.memory_space<vmem>>
          %dma_wait3A_155 = tpu.memref_slice %arg3[%multiple_of3A_141] : memref<327680xi32, #tpu.memory_space<hbm>> -> memref<128xi32, #tpu.memory_space<hbm>>
          %dma_wait3A_156 = arith.constant 0 : i32
          %dma_wait3A_157 = tpu.memref_slice %arg7[%run_scoped3A_142, %dma_wait3A_156] : memref<3x128xi32, #tpu.memory_space<vmem>> -> memref<1x128xi32, #tpu.memory_space<vmem>>
          %dma_wait3A_158 = tpu.memref_squeeze %dma_wait3A_157 : memref<1x128xi32, #tpu.memory_space<vmem>> -> memref<128xi32, #tpu.memory_space<vmem>>
          %dma_wait3A_159 = tpu.memref_slice %arg3[%multiple_of3A_141] : memref<327680xi32, #tpu.memory_space<hbm>> -> memref<128xi32, #tpu.memory_space<hbm>>
          tpu.wait_dma2 semaphore(%run_scoped3A_144 : memref<!tpu.dma_semaphore, #tpu.memory_space<semaphore_mem>>) src(%dma_wait3A_159 : memref<128xi32, #tpu.memory_space<hbm>>) dst(%dma_wait3A_158 : memref<128xi32, #tpu.memory_space<vmem>>)
          tpu.yield
        }) : () -> ()
        %run_scoped3A_143 = arith.constant 0 : i32
        "tpu.region"() ({
          %run_scoped3A_144 = tpu.sem_alloc : memref<!tpu.dma_semaphore, #tpu.memory_space<semaphore_mem>>
          %dma_start3A_145 = arith.constant 0 : i32
          %dma_start3A_146 = tpu.memref_slice %arg8[%run_scoped3A_143, %dma_start3A_145] : memref<3x128xi32, #tpu.memory_space<vmem>> -> memref<1x128xi32, #tpu.memory_space<vmem>>
          %dma_start3A_147 = tpu.memref_squeeze %dma_start3A_146 : memref<1x128xi32, #tpu.memory_space<vmem>> -> memref<128xi32, #tpu.memory_space<vmem>>
          %dma_start3A_148 = tpu.memref_slice %arg4[%multiple_of3A_141] : memref<327680xi32, #tpu.memory_space<hbm>> -> memref<128xi32, #tpu.memory_space<hbm>>
          %dma_start3A_149 = arith.constant 0 : i32
          %dma_start3A_150 = tpu.memref_slice %arg8[%run_scoped3A_143, %dma_start3A_149] : memref<3x128xi32, #tpu.memory_space<vmem>> -> memref<1x128xi32, #tpu.memory_space<vmem>>
          %dma_start3A_151 = tpu.memref_squeeze %dma_start3A_150 : memref<1x128xi32, #tpu.memory_space<vmem>> -> memref<128xi32, #tpu.memory_space<vmem>>
          %dma_start3A_152 = tpu.memref_slice %arg4[%multiple_of3A_141] : memref<327680xi32, #tpu.memory_space<hbm>> -> memref<128xi32, #tpu.memory_space<hbm>>
          tpu.enqueue_dma source(%dma_start3A_152 : memref<128xi32, #tpu.memory_space<hbm>>) target(%dma_start3A_151 : memref<128xi32, #tpu.memory_space<vmem>>) target_semaphore(%run_scoped3A_144 : memref<!tpu.dma_semaphore, #tpu.memory_space<semaphore_mem>>)
          %dma_wait3A = arith.constant 0 : i32
          %dma_wait3A_153 = tpu.memref_slice %arg8[%run_scoped3A_143, %dma_wait3A] : memref<3x128xi32, #tpu.memory_space<vmem>> -> memref<1x128xi32, #tpu.memory_space<vmem>>
          %dma_wait3A_154 = tpu.memref_squeeze %dma_wait3A_153 : memref<1x128xi32, #tpu.memory_space<vmem>> -> memref<128xi32, #tpu.memory_space<vmem>>
          %dma_wait3A_155 = tpu.memref_slice %arg4[%multiple_of3A_141] : memref<327680xi32, #tpu.memory_space<hbm>> -> memref<128xi32, #tpu.memory_space<hbm>>
          %dma_wait3A_156 = arith.constant 0 : i32
          %dma_wait3A_157 = tpu.memref_slice %arg8[%run_scoped3A_143, %dma_wait3A_156] : memref<3x128xi32, #tpu.memory_space<vmem>> -> memref<1x128xi32, #tpu.memory_space<vmem>>
          %dma_wait3A_158 = tpu.memref_squeeze %dma_wait3A_157 : memref<1x128xi32, #tpu.memory_space<vmem>> -> memref<128xi32, #tpu.memory_space<vmem>>
          %dma_wait3A_159 = tpu.memref_slice %arg4[%multiple_of3A_141] : memref<327680xi32, #tpu.memory_space<hbm>> -> memref<128xi32, #tpu.memory_space<hbm>>
          tpu.wait_dma2 semaphore(%run_scoped3A_144 : memref<!tpu.dma_semaphore, #tpu.memory_space<semaphore_mem>>) src(%dma_wait3A_159 : memref<128xi32, #tpu.memory_space<hbm>>) dst(%dma_wait3A_158 : memref<128xi32, #tpu.memory_space<vmem>>)
          tpu.yield
        }) : () -> ()
      } else {
      }
      %lt3A_119 = arith.cmpi slt, %add3A_112, %select_n3A : i32
      %convert_element_type3A_120 = arith.extui %lt3A_119 : i1 to i32
      %cond3A_121 = arith.constant 0 : i32
      %cond3A_122 = arith.cmpi ne, %convert_element_type3A_120, %cond3A_121 : i32
      scf.if %cond3A_122 {
        %dma_wait3A = arith.constant 1 : i32
        %dma_wait3A_138 = arith.constant 0 : i32
        %dma_wait3A_139 = tpu.memref_slice %arg7[%dma_wait3A, %dma_wait3A_138] : memref<3x128xi32, #tpu.memory_space<vmem>> -> memref<1x128xi32, #tpu.memory_space<vmem>>
        %dma_wait3A_140 = tpu.memref_squeeze %dma_wait3A_139 : memref<1x128xi32, #tpu.memory_space<vmem>> -> memref<128xi32, #tpu.memory_space<vmem>>
        %dma_wait3A_141 = arith.constant 0 : i32
        %dma_wait3A_142 = arith.constant 0 : i32
        %dma_wait3A_143 = tpu.memref_slice %arg2[%dma_wait3A_141, %dma_wait3A_142] : memref<10000x128xf32, #tpu.memory_space<hbm>> -> memref<10000x128xf32, #tpu.memory_space<hbm>>
        tpu.wait_indirect_dma semaphore(%arg14 : memref<!tpu.dma_semaphore, #tpu.memory_space<semaphore_mem>>) src(%dma_wait3A_143 : memref<10000x128xf32, #tpu.memory_space<hbm>>) dst(%arg10 : memref<128x128xf32, #tpu.memory_space<vmem>>)
        %lt3A_144 = arith.cmpi slt, %add3A_114, %select_n3A : i32
        %convert_element_type3A_145 = arith.extui %lt3A_144 : i1 to i32
        %cond3A_146 = arith.constant 0 : i32
        %cond3A_147 = arith.cmpi ne, %convert_element_type3A_145, %cond3A_146 : i32
        scf.if %cond3A_147 {
          %dma_start3A_149 = arith.constant 0 : i32
          %dma_start3A_150 = arith.constant 0 : i32
          %dma_start3A_151 = tpu.memref_slice %arg7[%dma_start3A_149, %dma_start3A_150] : memref<3x128xi32, #tpu.memory_space<vmem>> -> memref<1x128xi32, #tpu.memory_space<vmem>>
          %dma_start3A_152 = tpu.memref_squeeze %dma_start3A_151 : memref<1x128xi32, #tpu.memory_space<vmem>> -> memref<128xi32, #tpu.memory_space<vmem>>
          %dma_start3A_153 = arith.constant 0 : i32
          %dma_start3A_154 = arith.constant 0 : i32
          %dma_start3A_155 = tpu.memref_slice %arg2[%dma_start3A_153, %dma_start3A_154] : memref<10000x128xf32, #tpu.memory_space<hbm>> -> memref<10000x128xf32, #tpu.memory_space<hbm>>
          tpu.enqueue_indirect_dma source(%dma_start3A_155 : memref<10000x128xf32, #tpu.memory_space<hbm>>) target(%arg9 : memref<128x128xf32, #tpu.memory_space<vmem>>) offsets(%dma_start3A_152 : memref<128xi32, #tpu.memory_space<vmem>>) semaphore(%arg13 : memref<!tpu.dma_semaphore, #tpu.memory_space<semaphore_mem>>)
        } else {
        }
        %run_scoped3A_148 = arith.constant 1 : i32
        "tpu.region"() ({
          %run_scoped3A_149 = tpu.sem_alloc : memref<!tpu.dma_semaphore, #tpu.memory_space<semaphore_mem>>
          %dma_start3A_150 = arith.constant 0 : i32
          %dma_start3A_151 = tpu.memref_slice %arg8[%run_scoped3A_148, %dma_start3A_150] : memref<3x128xi32, #tpu.memory_space<vmem>> -> memref<1x128xi32, #tpu.memory_space<vmem>>
          %dma_start3A_152 = tpu.memref_squeeze %dma_start3A_151 : memref<1x128xi32, #tpu.memory_space<vmem>> -> memref<128xi32, #tpu.memory_space<vmem>>
          %dma_start3A_153 = arith.constant 0 : i32
          %dma_start3A_154 = arith.constant 0 : i32
          %dma_start3A_155 = tpu.memref_slice %arg12[%dma_start3A_153, %dma_start3A_154] : memref<10112x128xf32, #tpu.memory_space<vmem_shared>> -> memref<10112x128xf32, #tpu.memory_space<vmem_shared>>
          tpu.enqueue_indirect_dma source(%arg10 : memref<128x128xf32, #tpu.memory_space<vmem>>) target(%dma_start3A_155 : memref<10112x128xf32, #tpu.memory_space<vmem_shared>>) offsets(%dma_start3A_152 : memref<128xi32, #tpu.memory_space<vmem>>) semaphore(%run_scoped3A_149 : memref<!tpu.dma_semaphore, #tpu.memory_space<semaphore_mem>>) {add = true}
          %dma_wait3A_156 = arith.constant 0 : i32
          %dma_wait3A_157 = tpu.memref_slice %arg8[%run_scoped3A_148, %dma_wait3A_156] : memref<3x128xi32, #tpu.memory_space<vmem>> -> memref<1x128xi32, #tpu.memory_space<vmem>>
          %dma_wait3A_158 = tpu.memref_squeeze %dma_wait3A_157 : memref<1x128xi32, #tpu.memory_space<vmem>> -> memref<128xi32, #tpu.memory_space<vmem>>
          %dma_wait3A_159 = arith.constant 0 : i32
          %dma_wait3A_160 = arith.constant 0 : i32
          %dma_wait3A_161 = tpu.memref_slice %arg12[%dma_wait3A_159, %dma_wait3A_160] : memref<10112x128xf32, #tpu.memory_space<vmem_shared>> -> memref<10112x128xf32, #tpu.memory_space<vmem_shared>>
          tpu.wait_indirect_dma semaphore(%run_scoped3A_149 : memref<!tpu.dma_semaphore, #tpu.memory_space<semaphore_mem>>) src(%arg10 : memref<128x128xf32, #tpu.memory_space<vmem>>) dst(%dma_wait3A_161 : memref<10112x128xf32, #tpu.memory_space<vmem_shared>>)
          tpu.yield
        }) : () -> ()
      } else {
      }
      %mul3A_123 = arith.constant 3 : i32
      %mul3A_124 = arith.muli %mul3A_123, %while3A_94 : i32
      %add3A_125 = arith.constant 2 : i32
      %add3A_126 = arith.addi %mul3A_124, %add3A_125 : i32
      %add3A_127 = arith.constant 2 : i32
      %add3A_128 = arith.addi %add3A_126, %add3A_127 : i32
      %lt3A_129 = arith.cmpi slt, %add3A_128, %select_n3A : i32
      %convert_element_type3A_130 = arith.extui %lt3A_129 : i1 to i32
      %cond3A_131 = arith.constant 0 : i32
      %cond3A_132 = arith.cmpi ne, %convert_element_type3A_130, %cond3A_131 : i32
      scf.if %cond3A_132 {
        %mul3A_138 = arith.constant 128 : i32
        %mul3A_139 = arith.muli %add3A_128, %mul3A_138 : i32
        %add3A_140 = arith.addi %select_n3A_10, %mul3A_139 : i32
        %multiple_of3A_141 = tpu.assume_multiple %add3A_140, 128 : i32
        %run_scoped3A_142 = arith.constant 1 : i32
        "tpu.region"() ({
          %run_scoped3A_144 = tpu.sem_alloc : memref<!tpu.dma_semaphore, #tpu.memory_space<semaphore_mem>>
          %dma_start3A_145 = arith.constant 0 : i32
          %dma_start3A_146 = tpu.memref_slice %arg7[%run_scoped3A_142, %dma_start3A_145] : memref<3x128xi32, #tpu.memory_space<vmem>> -> memref<1x128xi32, #tpu.memory_space<vmem>>
          %dma_start3A_147 = tpu.memref_squeeze %dma_start3A_146 : memref<1x128xi32, #tpu.memory_space<vmem>> -> memref<128xi32, #tpu.memory_space<vmem>>
          %dma_start3A_148 = tpu.memref_slice %arg3[%multiple_of3A_141] : memref<327680xi32, #tpu.memory_space<hbm>> -> memref<128xi32, #tpu.memory_space<hbm>>
          %dma_start3A_149 = arith.constant 0 : i32
          %dma_start3A_150 = tpu.memref_slice %arg7[%run_scoped3A_142, %dma_start3A_149] : memref<3x128xi32, #tpu.memory_space<vmem>> -> memref<1x128xi32, #tpu.memory_space<vmem>>
          %dma_start3A_151 = tpu.memref_squeeze %dma_start3A_150 : memref<1x128xi32, #tpu.memory_space<vmem>> -> memref<128xi32, #tpu.memory_space<vmem>>
          %dma_start3A_152 = tpu.memref_slice %arg3[%multiple_of3A_141] : memref<327680xi32, #tpu.memory_space<hbm>> -> memref<128xi32, #tpu.memory_space<hbm>>
          tpu.enqueue_dma source(%dma_start3A_152 : memref<128xi32, #tpu.memory_space<hbm>>) target(%dma_start3A_151 : memref<128xi32, #tpu.memory_space<vmem>>) target_semaphore(%run_scoped3A_144 : memref<!tpu.dma_semaphore, #tpu.memory_space<semaphore_mem>>)
          %dma_wait3A = arith.constant 0 : i32
          %dma_wait3A_153 = tpu.memref_slice %arg7[%run_scoped3A_142, %dma_wait3A] : memref<3x128xi32, #tpu.memory_space<vmem>> -> memref<1x128xi32, #tpu.memory_space<vmem>>
          %dma_wait3A_154 = tpu.memref_squeeze %dma_wait3A_153 : memref<1x128xi32, #tpu.memory_space<vmem>> -> memref<128xi32, #tpu.memory_space<vmem>>
          %dma_wait3A_155 = tpu.memref_slice %arg3[%multiple_of3A_141] : memref<327680xi32, #tpu.memory_space<hbm>> -> memref<128xi32, #tpu.memory_space<hbm>>
          %dma_wait3A_156 = arith.constant 0 : i32
          %dma_wait3A_157 = tpu.memref_slice %arg7[%run_scoped3A_142, %dma_wait3A_156] : memref<3x128xi32, #tpu.memory_space<vmem>> -> memref<1x128xi32, #tpu.memory_space<vmem>>
          %dma_wait3A_158 = tpu.memref_squeeze %dma_wait3A_157 : memref<1x128xi32, #tpu.memory_space<vmem>> -> memref<128xi32, #tpu.memory_space<vmem>>
          %dma_wait3A_159 = tpu.memref_slice %arg3[%multiple_of3A_141] : memref<327680xi32, #tpu.memory_space<hbm>> -> memref<128xi32, #tpu.memory_space<hbm>>
          tpu.wait_dma2 semaphore(%run_scoped3A_144 : memref<!tpu.dma_semaphore, #tpu.memory_space<semaphore_mem>>) src(%dma_wait3A_159 : memref<128xi32, #tpu.memory_space<hbm>>) dst(%dma_wait3A_158 : memref<128xi32, #tpu.memory_space<vmem>>)
          tpu.yield
        }) : () -> ()
        %run_scoped3A_143 = arith.constant 1 : i32
        "tpu.region"() ({
          %run_scoped3A_144 = tpu.sem_alloc : memref<!tpu.dma_semaphore, #tpu.memory_space<semaphore_mem>>
          %dma_start3A_145 = arith.constant 0 : i32
          %dma_start3A_146 = tpu.memref_slice %arg8[%run_scoped3A_143, %dma_start3A_145] : memref<3x128xi32, #tpu.memory_space<vmem>> -> memref<1x128xi32, #tpu.memory_space<vmem>>
          %dma_start3A_147 = tpu.memref_squeeze %dma_start3A_146 : memref<1x128xi32, #tpu.memory_space<vmem>> -> memref<128xi32, #tpu.memory_space<vmem>>
          %dma_start3A_148 = tpu.memref_slice %arg4[%multiple_of3A_141] : memref<327680xi32, #tpu.memory_space<hbm>> -> memref<128xi32, #tpu.memory_space<hbm>>
          %dma_start3A_149 = arith.constant 0 : i32
          %dma_start3A_150 = tpu.memref_slice %arg8[%run_scoped3A_143, %dma_start3A_149] : memref<3x128xi32, #tpu.memory_space<vmem>> -> memref<1x128xi32, #tpu.memory_space<vmem>>
          %dma_start3A_151 = tpu.memref_squeeze %dma_start3A_150 : memref<1x128xi32, #tpu.memory_space<vmem>> -> memref<128xi32, #tpu.memory_space<vmem>>
          %dma_start3A_152 = tpu.memref_slice %arg4[%multiple_of3A_141] : memref<327680xi32, #tpu.memory_space<hbm>> -> memref<128xi32, #tpu.memory_space<hbm>>
          tpu.enqueue_dma source(%dma_start3A_152 : memref<128xi32, #tpu.memory_space<hbm>>) target(%dma_start3A_151 : memref<128xi32, #tpu.memory_space<vmem>>) target_semaphore(%run_scoped3A_144 : memref<!tpu.dma_semaphore, #tpu.memory_space<semaphore_mem>>)
          %dma_wait3A = arith.constant 0 : i32
          %dma_wait3A_153 = tpu.memref_slice %arg8[%run_scoped3A_143, %dma_wait3A] : memref<3x128xi32, #tpu.memory_space<vmem>> -> memref<1x128xi32, #tpu.memory_space<vmem>>
          %dma_wait3A_154 = tpu.memref_squeeze %dma_wait3A_153 : memref<1x128xi32, #tpu.memory_space<vmem>> -> memref<128xi32, #tpu.memory_space<vmem>>
          %dma_wait3A_155 = tpu.memref_slice %arg4[%multiple_of3A_141] : memref<327680xi32, #tpu.memory_space<hbm>> -> memref<128xi32, #tpu.memory_space<hbm>>
          %dma_wait3A_156 = arith.constant 0 : i32
          %dma_wait3A_157 = tpu.memref_slice %arg8[%run_scoped3A_143, %dma_wait3A_156] : memref<3x128xi32, #tpu.memory_space<vmem>> -> memref<1x128xi32, #tpu.memory_space<vmem>>
          %dma_wait3A_158 = tpu.memref_squeeze %dma_wait3A_157 : memref<1x128xi32, #tpu.memory_space<vmem>> -> memref<128xi32, #tpu.memory_space<vmem>>
          %dma_wait3A_159 = tpu.memref_slice %arg4[%multiple_of3A_141] : memref<327680xi32, #tpu.memory_space<hbm>> -> memref<128xi32, #tpu.memory_space<hbm>>
          tpu.wait_dma2 semaphore(%run_scoped3A_144 : memref<!tpu.dma_semaphore, #tpu.memory_space<semaphore_mem>>) src(%dma_wait3A_159 : memref<128xi32, #tpu.memory_space<hbm>>) dst(%dma_wait3A_158 : memref<128xi32, #tpu.memory_space<vmem>>)
          tpu.yield
        }) : () -> ()
      } else {
      }
      %lt3A_133 = arith.cmpi slt, %add3A_126, %select_n3A : i32
      %convert_element_type3A_134 = arith.extui %lt3A_133 : i1 to i32
      %cond3A_135 = arith.constant 0 : i32
      %cond3A_136 = arith.cmpi ne, %convert_element_type3A_134, %cond3A_135 : i32
      scf.if %cond3A_136 {
        %dma_wait3A = arith.constant 2 : i32
        %dma_wait3A_138 = arith.constant 0 : i32
        %dma_wait3A_139 = tpu.memref_slice %arg7[%dma_wait3A, %dma_wait3A_138] : memref<3x128xi32, #tpu.memory_space<vmem>> -> memref<1x128xi32, #tpu.memory_space<vmem>>
        %dma_wait3A_140 = tpu.memref_squeeze %dma_wait3A_139 : memref<1x128xi32, #tpu.memory_space<vmem>> -> memref<128xi32, #tpu.memory_space<vmem>>
        %dma_wait3A_141 = arith.constant 0 : i32
        %dma_wait3A_142 = arith.constant 0 : i32
        %dma_wait3A_143 = tpu.memref_slice %arg2[%dma_wait3A_141, %dma_wait3A_142] : memref<10000x128xf32, #tpu.memory_space<hbm>> -> memref<10000x128xf32, #tpu.memory_space<hbm>>
        tpu.wait_indirect_dma semaphore(%arg15 : memref<!tpu.dma_semaphore, #tpu.memory_space<semaphore_mem>>) src(%dma_wait3A_143 : memref<10000x128xf32, #tpu.memory_space<hbm>>) dst(%arg11 : memref<128x128xf32, #tpu.memory_space<vmem>>)
        %lt3A_144 = arith.cmpi slt, %add3A_128, %select_n3A : i32
        %convert_element_type3A_145 = arith.extui %lt3A_144 : i1 to i32
        %cond3A_146 = arith.constant 0 : i32
        %cond3A_147 = arith.cmpi ne, %convert_element_type3A_145, %cond3A_146 : i32
        scf.if %cond3A_147 {
          %dma_start3A_149 = arith.constant 1 : i32
          %dma_start3A_150 = arith.constant 0 : i32
          %dma_start3A_151 = tpu.memref_slice %arg7[%dma_start3A_149, %dma_start3A_150] : memref<3x128xi32, #tpu.memory_space<vmem>> -> memref<1x128xi32, #tpu.memory_space<vmem>>
          %dma_start3A_152 = tpu.memref_squeeze %dma_start3A_151 : memref<1x128xi32, #tpu.memory_space<vmem>> -> memref<128xi32, #tpu.memory_space<vmem>>
          %dma_start3A_153 = arith.constant 0 : i32
          %dma_start3A_154 = arith.constant 0 : i32
          %dma_start3A_155 = tpu.memref_slice %arg2[%dma_start3A_153, %dma_start3A_154] : memref<10000x128xf32, #tpu.memory_space<hbm>> -> memref<10000x128xf32, #tpu.memory_space<hbm>>
          tpu.enqueue_indirect_dma source(%dma_start3A_155 : memref<10000x128xf32, #tpu.memory_space<hbm>>) target(%arg10 : memref<128x128xf32, #tpu.memory_space<vmem>>) offsets(%dma_start3A_152 : memref<128xi32, #tpu.memory_space<vmem>>) semaphore(%arg14 : memref<!tpu.dma_semaphore, #tpu.memory_space<semaphore_mem>>)
        } else {
        }
        %run_scoped3A_148 = arith.constant 2 : i32
        "tpu.region"() ({
          %run_scoped3A_149 = tpu.sem_alloc : memref<!tpu.dma_semaphore, #tpu.memory_space<semaphore_mem>>
          %dma_start3A_150 = arith.constant 0 : i32
          %dma_start3A_151 = tpu.memref_slice %arg8[%run_scoped3A_148, %dma_start3A_150] : memref<3x128xi32, #tpu.memory_space<vmem>> -> memref<1x128xi32, #tpu.memory_space<vmem>>
          %dma_start3A_152 = tpu.memref_squeeze %dma_start3A_151 : memref<1x128xi32, #tpu.memory_space<vmem>> -> memref<128xi32, #tpu.memory_space<vmem>>
          %dma_start3A_153 = arith.constant 0 : i32
          %dma_start3A_154 = arith.constant 0 : i32
          %dma_start3A_155 = tpu.memref_slice %arg12[%dma_start3A_153, %dma_start3A_154] : memref<10112x128xf32, #tpu.memory_space<vmem_shared>> -> memref<10112x128xf32, #tpu.memory_space<vmem_shared>>
          tpu.enqueue_indirect_dma source(%arg11 : memref<128x128xf32, #tpu.memory_space<vmem>>) target(%dma_start3A_155 : memref<10112x128xf32, #tpu.memory_space<vmem_shared>>) offsets(%dma_start3A_152 : memref<128xi32, #tpu.memory_space<vmem>>) semaphore(%run_scoped3A_149 : memref<!tpu.dma_semaphore, #tpu.memory_space<semaphore_mem>>) {add = true}
          %dma_wait3A_156 = arith.constant 0 : i32
          %dma_wait3A_157 = tpu.memref_slice %arg8[%run_scoped3A_148, %dma_wait3A_156] : memref<3x128xi32, #tpu.memory_space<vmem>> -> memref<1x128xi32, #tpu.memory_space<vmem>>
          %dma_wait3A_158 = tpu.memref_squeeze %dma_wait3A_157 : memref<1x128xi32, #tpu.memory_space<vmem>> -> memref<128xi32, #tpu.memory_space<vmem>>
          %dma_wait3A_159 = arith.constant 0 : i32
          %dma_wait3A_160 = arith.constant 0 : i32
          %dma_wait3A_161 = tpu.memref_slice %arg12[%dma_wait3A_159, %dma_wait3A_160] : memref<10112x128xf32, #tpu.memory_space<vmem_shared>> -> memref<10112x128xf32, #tpu.memory_space<vmem_shared>>
          tpu.wait_indirect_dma semaphore(%run_scoped3A_149 : memref<!tpu.dma_semaphore, #tpu.memory_space<semaphore_mem>>) src(%arg11 : memref<128x128xf32, #tpu.memory_space<vmem>>) dst(%dma_wait3A_161 : memref<10112x128xf32, #tpu.memory_space<vmem_shared>>)
          tpu.yield
        }) : () -> ()
      } else {
      }
      %while3A_137 = arith.constant 0 : i32
      scf.yield %while3A_137 : i32
    }
    %while3A_83 = arith.constant 1 : i32
    %while3A_84 = scf.for %while3A_94 = %while3A_80 to %while3A_76 step %while3A_83 iter_args(%while3A_95 = %while3A_82) -> (i32)  : i32 {
      %mul3A_96 = arith.constant 3 : i32
      %mul3A_97 = arith.muli %mul3A_96, %while3A_94 : i32
      %add3A_98 = arith.constant 0 : i32
      %add3A_99 = arith.addi %mul3A_97, %add3A_98 : i32
      %add3A_100 = arith.constant 2 : i32
      %add3A_101 = arith.addi %add3A_99, %add3A_100 : i32
      %lt3A = arith.cmpi slt, %add3A_101, %select_n3A : i32
      %convert_element_type3A_102 = arith.extui %lt3A : i1 to i32
      %cond3A_103 = arith.constant 0 : i32
      %cond3A_104 = arith.cmpi ne, %convert_element_type3A_102, %cond3A_103 : i32
      scf.if %cond3A_104 {
        %mul3A_138 = arith.constant 128 : i32
        %mul3A_139 = arith.muli %add3A_101, %mul3A_138 : i32
        %add3A_140 = arith.addi %select_n3A_10, %mul3A_139 : i32
        %multiple_of3A_141 = tpu.assume_multiple %add3A_140, 128 : i32
        %run_scoped3A_142 = arith.constant 2 : i32
        "tpu.region"() ({
          %run_scoped3A_144 = tpu.sem_alloc : memref<!tpu.dma_semaphore, #tpu.memory_space<semaphore_mem>>
          %dma_start3A_145 = arith.constant 0 : i32
          %dma_start3A_146 = tpu.memref_slice %arg7[%run_scoped3A_142, %dma_start3A_145] : memref<3x128xi32, #tpu.memory_space<vmem>> -> memref<1x128xi32, #tpu.memory_space<vmem>>
          %dma_start3A_147 = tpu.memref_squeeze %dma_start3A_146 : memref<1x128xi32, #tpu.memory_space<vmem>> -> memref<128xi32, #tpu.memory_space<vmem>>
          %dma_start3A_148 = tpu.memref_slice %arg3[%multiple_of3A_141] : memref<327680xi32, #tpu.memory_space<hbm>> -> memref<128xi32, #tpu.memory_space<hbm>>
          %dma_start3A_149 = arith.constant 0 : i32
          %dma_start3A_150 = tpu.memref_slice %arg7[%run_scoped3A_142, %dma_start3A_149] : memref<3x128xi32, #tpu.memory_space<vmem>> -> memref<1x128xi32, #tpu.memory_space<vmem>>
          %dma_start3A_151 = tpu.memref_squeeze %dma_start3A_150 : memref<1x128xi32, #tpu.memory_space<vmem>> -> memref<128xi32, #tpu.memory_space<vmem>>
          %dma_start3A_152 = tpu.memref_slice %arg3[%multiple_of3A_141] : memref<327680xi32, #tpu.memory_space<hbm>> -> memref<128xi32, #tpu.memory_space<hbm>>
          tpu.enqueue_dma source(%dma_start3A_152 : memref<128xi32, #tpu.memory_space<hbm>>) target(%dma_start3A_151 : memref<128xi32, #tpu.memory_space<vmem>>) target_semaphore(%run_scoped3A_144 : memref<!tpu.dma_semaphore, #tpu.memory_space<semaphore_mem>>)
          %dma_wait3A = arith.constant 0 : i32
          %dma_wait3A_153 = tpu.memref_slice %arg7[%run_scoped3A_142, %dma_wait3A] : memref<3x128xi32, #tpu.memory_space<vmem>> -> memref<1x128xi32, #tpu.memory_space<vmem>>
          %dma_wait3A_154 = tpu.memref_squeeze %dma_wait3A_153 : memref<1x128xi32, #tpu.memory_space<vmem>> -> memref<128xi32, #tpu.memory_space<vmem>>
          %dma_wait3A_155 = tpu.memref_slice %arg3[%multiple_of3A_141] : memref<327680xi32, #tpu.memory_space<hbm>> -> memref<128xi32, #tpu.memory_space<hbm>>
          %dma_wait3A_156 = arith.constant 0 : i32
          %dma_wait3A_157 = tpu.memref_slice %arg7[%run_scoped3A_142, %dma_wait3A_156] : memref<3x128xi32, #tpu.memory_space<vmem>> -> memref<1x128xi32, #tpu.memory_space<vmem>>
          %dma_wait3A_158 = tpu.memref_squeeze %dma_wait3A_157 : memref<1x128xi32, #tpu.memory_space<vmem>> -> memref<128xi32, #tpu.memory_space<vmem>>
          %dma_wait3A_159 = tpu.memref_slice %arg3[%multiple_of3A_141] : memref<327680xi32, #tpu.memory_space<hbm>> -> memref<128xi32, #tpu.memory_space<hbm>>
          tpu.wait_dma2 semaphore(%run_scoped3A_144 : memref<!tpu.dma_semaphore, #tpu.memory_space<semaphore_mem>>) src(%dma_wait3A_159 : memref<128xi32, #tpu.memory_space<hbm>>) dst(%dma_wait3A_158 : memref<128xi32, #tpu.memory_space<vmem>>)
          tpu.yield
        }) : () -> ()
        %run_scoped3A_143 = arith.constant 2 : i32
        "tpu.region"() ({
          %run_scoped3A_144 = tpu.sem_alloc : memref<!tpu.dma_semaphore, #tpu.memory_space<semaphore_mem>>
          %dma_start3A_145 = arith.constant 0 : i32
          %dma_start3A_146 = tpu.memref_slice %arg8[%run_scoped3A_143, %dma_start3A_145] : memref<3x128xi32, #tpu.memory_space<vmem>> -> memref<1x128xi32, #tpu.memory_space<vmem>>
          %dma_start3A_147 = tpu.memref_squeeze %dma_start3A_146 : memref<1x128xi32, #tpu.memory_space<vmem>> -> memref<128xi32, #tpu.memory_space<vmem>>
          %dma_start3A_148 = tpu.memref_slice %arg4[%multiple_of3A_141] : memref<327680xi32, #tpu.memory_space<hbm>> -> memref<128xi32, #tpu.memory_space<hbm>>
          %dma_start3A_149 = arith.constant 0 : i32
          %dma_start3A_150 = tpu.memref_slice %arg8[%run_scoped3A_143, %dma_start3A_149] : memref<3x128xi32, #tpu.memory_space<vmem>> -> memref<1x128xi32, #tpu.memory_space<vmem>>
          %dma_start3A_151 = tpu.memref_squeeze %dma_start3A_150 : memref<1x128xi32, #tpu.memory_space<vmem>> -> memref<128xi32, #tpu.memory_space<vmem>>
          %dma_start3A_152 = tpu.memref_slice %arg4[%multiple_of3A_141] : memref<327680xi32, #tpu.memory_space<hbm>> -> memref<128xi32, #tpu.memory_space<hbm>>
          tpu.enqueue_dma source(%dma_start3A_152 : memref<128xi32, #tpu.memory_space<hbm>>) target(%dma_start3A_151 : memref<128xi32, #tpu.memory_space<vmem>>) target_semaphore(%run_scoped3A_144 : memref<!tpu.dma_semaphore, #tpu.memory_space<semaphore_mem>>)
          %dma_wait3A = arith.constant 0 : i32
          %dma_wait3A_153 = tpu.memref_slice %arg8[%run_scoped3A_143, %dma_wait3A] : memref<3x128xi32, #tpu.memory_space<vmem>> -> memref<1x128xi32, #tpu.memory_space<vmem>>
          %dma_wait3A_154 = tpu.memref_squeeze %dma_wait3A_153 : memref<1x128xi32, #tpu.memory_space<vmem>> -> memref<128xi32, #tpu.memory_space<vmem>>
          %dma_wait3A_155 = tpu.memref_slice %arg4[%multiple_of3A_141] : memref<327680xi32, #tpu.memory_space<hbm>> -> memref<128xi32, #tpu.memory_space<hbm>>
          %dma_wait3A_156 = arith.constant 0 : i32
          %dma_wait3A_157 = tpu.memref_slice %arg8[%run_scoped3A_143, %dma_wait3A_156] : memref<3x128xi32, #tpu.memory_space<vmem>> -> memref<1x128xi32, #tpu.memory_space<vmem>>
          %dma_wait3A_158 = tpu.memref_squeeze %dma_wait3A_157 : memref<1x128xi32, #tpu.memory_space<vmem>> -> memref<128xi32, #tpu.memory_space<vmem>>
          %dma_wait3A_159 = tpu.memref_slice %arg4[%multiple_of3A_141] : memref<327680xi32, #tpu.memory_space<hbm>> -> memref<128xi32, #tpu.memory_space<hbm>>
          tpu.wait_dma2 semaphore(%run_scoped3A_144 : memref<!tpu.dma_semaphore, #tpu.memory_space<semaphore_mem>>) src(%dma_wait3A_159 : memref<128xi32, #tpu.memory_space<hbm>>) dst(%dma_wait3A_158 : memref<128xi32, #tpu.memory_space<vmem>>)
          tpu.yield
        }) : () -> ()
      } else {
      }
      %lt3A_105 = arith.cmpi slt, %add3A_99, %select_n3A : i32
      %convert_element_type3A_106 = arith.extui %lt3A_105 : i1 to i32
      %cond3A_107 = arith.constant 0 : i32
      %cond3A_108 = arith.cmpi ne, %convert_element_type3A_106, %cond3A_107 : i32
      scf.if %cond3A_108 {
        %dma_wait3A = arith.constant 0 : i32
        %dma_wait3A_138 = arith.constant 0 : i32
        %dma_wait3A_139 = tpu.memref_slice %arg7[%dma_wait3A, %dma_wait3A_138] : memref<3x128xi32, #tpu.memory_space<vmem>> -> memref<1x128xi32, #tpu.memory_space<vmem>>
        %dma_wait3A_140 = tpu.memref_squeeze %dma_wait3A_139 : memref<1x128xi32, #tpu.memory_space<vmem>> -> memref<128xi32, #tpu.memory_space<vmem>>
        %dma_wait3A_141 = arith.constant 0 : i32
        %dma_wait3A_142 = arith.constant 0 : i32
        %dma_wait3A_143 = tpu.memref_slice %arg2[%dma_wait3A_141, %dma_wait3A_142] : memref<10000x128xf32, #tpu.memory_space<hbm>> -> memref<10000x128xf32, #tpu.memory_space<hbm>>
        tpu.wait_indirect_dma semaphore(%arg13 : memref<!tpu.dma_semaphore, #tpu.memory_space<semaphore_mem>>) src(%dma_wait3A_143 : memref<10000x128xf32, #tpu.memory_space<hbm>>) dst(%arg9 : memref<128x128xf32, #tpu.memory_space<vmem>>)
        %lt3A_144 = arith.cmpi slt, %add3A_101, %select_n3A : i32
        %convert_element_type3A_145 = arith.extui %lt3A_144 : i1 to i32
        %cond3A_146 = arith.constant 0 : i32
        %cond3A_147 = arith.cmpi ne, %convert_element_type3A_145, %cond3A_146 : i32
        scf.if %cond3A_147 {
          %dma_start3A_149 = arith.constant 2 : i32
          %dma_start3A_150 = arith.constant 0 : i32
          %dma_start3A_151 = tpu.memref_slice %arg7[%dma_start3A_149, %dma_start3A_150] : memref<3x128xi32, #tpu.memory_space<vmem>> -> memref<1x128xi32, #tpu.memory_space<vmem>>
          %dma_start3A_152 = tpu.memref_squeeze %dma_start3A_151 : memref<1x128xi32, #tpu.memory_space<vmem>> -> memref<128xi32, #tpu.memory_space<vmem>>
          %dma_start3A_153 = arith.constant 0 : i32
          %dma_start3A_154 = arith.constant 0 : i32
          %dma_start3A_155 = tpu.memref_slice %arg2[%dma_start3A_153, %dma_start3A_154] : memref<10000x128xf32, #tpu.memory_space<hbm>> -> memref<10000x128xf32, #tpu.memory_space<hbm>>
          tpu.enqueue_indirect_dma source(%dma_start3A_155 : memref<10000x128xf32, #tpu.memory_space<hbm>>) target(%arg11 : memref<128x128xf32, #tpu.memory_space<vmem>>) offsets(%dma_start3A_152 : memref<128xi32, #tpu.memory_space<vmem>>) semaphore(%arg15 : memref<!tpu.dma_semaphore, #tpu.memory_space<semaphore_mem>>)
        } else {
        }
        %run_scoped3A_148 = arith.constant 0 : i32
        "tpu.region"() ({
          %run_scoped3A_149 = tpu.sem_alloc : memref<!tpu.dma_semaphore, #tpu.memory_space<semaphore_mem>>
          %dma_start3A_150 = arith.constant 0 : i32
          %dma_start3A_151 = tpu.memref_slice %arg8[%run_scoped3A_148, %dma_start3A_150] : memref<3x128xi32, #tpu.memory_space<vmem>> -> memref<1x128xi32, #tpu.memory_space<vmem>>
          %dma_start3A_152 = tpu.memref_squeeze %dma_start3A_151 : memref<1x128xi32, #tpu.memory_space<vmem>> -> memref<128xi32, #tpu.memory_space<vmem>>
          %dma_start3A_153 = arith.constant 0 : i32
          %dma_start3A_154 = arith.constant 0 : i32
          %dma_start3A_155 = tpu.memref_slice %arg12[%dma_start3A_153, %dma_start3A_154] : memref<10112x128xf32, #tpu.memory_space<vmem_shared>> -> memref<10112x128xf32, #tpu.memory_space<vmem_shared>>
          tpu.enqueue_indirect_dma source(%arg9 : memref<128x128xf32, #tpu.memory_space<vmem>>) target(%dma_start3A_155 : memref<10112x128xf32, #tpu.memory_space<vmem_shared>>) offsets(%dma_start3A_152 : memref<128xi32, #tpu.memory_space<vmem>>) semaphore(%run_scoped3A_149 : memref<!tpu.dma_semaphore, #tpu.memory_space<semaphore_mem>>) {add = true}
          %dma_wait3A_156 = arith.constant 0 : i32
          %dma_wait3A_157 = tpu.memref_slice %arg8[%run_scoped3A_148, %dma_wait3A_156] : memref<3x128xi32, #tpu.memory_space<vmem>> -> memref<1x128xi32, #tpu.memory_space<vmem>>
          %dma_wait3A_158 = tpu.memref_squeeze %dma_wait3A_157 : memref<1x128xi32, #tpu.memory_space<vmem>> -> memref<128xi32, #tpu.memory_space<vmem>>
          %dma_wait3A_159 = arith.constant 0 : i32
          %dma_wait3A_160 = arith.constant 0 : i32
          %dma_wait3A_161 = tpu.memref_slice %arg12[%dma_wait3A_159, %dma_wait3A_160] : memref<10112x128xf32, #tpu.memory_space<vmem_shared>> -> memref<10112x128xf32, #tpu.memory_space<vmem_shared>>
          tpu.wait_indirect_dma semaphore(%run_scoped3A_149 : memref<!tpu.dma_semaphore, #tpu.memory_space<semaphore_mem>>) src(%arg9 : memref<128x128xf32, #tpu.memory_space<vmem>>) dst(%dma_wait3A_161 : memref<10112x128xf32, #tpu.memory_space<vmem_shared>>)
          tpu.yield
        }) : () -> ()
      } else {
      }
      %mul3A_109 = arith.constant 3 : i32
      %mul3A_110 = arith.muli %mul3A_109, %while3A_94 : i32
      %add3A_111 = arith.constant 1 : i32
      %add3A_112 = arith.addi %mul3A_110, %add3A_111 : i32
      %add3A_113 = arith.constant 2 : i32
      %add3A_114 = arith.addi %add3A_112, %add3A_113 : i32
      %lt3A_115 = arith.cmpi slt, %add3A_114, %select_n3A : i32
      %convert_element_type3A_116 = arith.extui %lt3A_115 : i1 to i32
      %cond3A_117 = arith.constant 0 : i32
      %cond3A_118 = arith.cmpi ne, %convert_element_type3A_116, %cond3A_117 : i32
      scf.if %cond3A_118 {
        %mul3A_138 = arith.constant 128 : i32
        %mul3A_139 = arith.muli %add3A_114, %mul3A_138 : i32
        %add3A_140 = arith.addi %select_n3A_10, %mul3A_139 : i32
        %multiple_of3A_141 = tpu.assume_multiple %add3A_140, 128 : i32
        %run_scoped3A_142 = arith.constant 0 : i32
        "tpu.region"() ({
          %run_scoped3A_144 = tpu.sem_alloc : memref<!tpu.dma_semaphore, #tpu.memory_space<semaphore_mem>>
          %dma_start3A_145 = arith.constant 0 : i32
          %dma_start3A_146 = tpu.memref_slice %arg7[%run_scoped3A_142, %dma_start3A_145] : memref<3x128xi32, #tpu.memory_space<vmem>> -> memref<1x128xi32, #tpu.memory_space<vmem>>
          %dma_start3A_147 = tpu.memref_squeeze %dma_start3A_146 : memref<1x128xi32, #tpu.memory_space<vmem>> -> memref<128xi32, #tpu.memory_space<vmem>>
          %dma_start3A_148 = tpu.memref_slice %arg3[%multiple_of3A_141] : memref<327680xi32, #tpu.memory_space<hbm>> -> memref<128xi32, #tpu.memory_space<hbm>>
          %dma_start3A_149 = arith.constant 0 : i32
          %dma_start3A_150 = tpu.memref_slice %arg7[%run_scoped3A_142, %dma_start3A_149] : memref<3x128xi32, #tpu.memory_space<vmem>> -> memref<1x128xi32, #tpu.memory_space<vmem>>
          %dma_start3A_151 = tpu.memref_squeeze %dma_start3A_150 : memref<1x128xi32, #tpu.memory_space<vmem>> -> memref<128xi32, #tpu.memory_space<vmem>>
          %dma_start3A_152 = tpu.memref_slice %arg3[%multiple_of3A_141] : memref<327680xi32, #tpu.memory_space<hbm>> -> memref<128xi32, #tpu.memory_space<hbm>>
          tpu.enqueue_dma source(%dma_start3A_152 : memref<128xi32, #tpu.memory_space<hbm>>) target(%dma_start3A_151 : memref<128xi32, #tpu.memory_space<vmem>>) target_semaphore(%run_scoped3A_144 : memref<!tpu.dma_semaphore, #tpu.memory_space<semaphore_mem>>)
          %dma_wait3A = arith.constant 0 : i32
          %dma_wait3A_153 = tpu.memref_slice %arg7[%run_scoped3A_142, %dma_wait3A] : memref<3x128xi32, #tpu.memory_space<vmem>> -> memref<1x128xi32, #tpu.memory_space<vmem>>
          %dma_wait3A_154 = tpu.memref_squeeze %dma_wait3A_153 : memref<1x128xi32, #tpu.memory_space<vmem>> -> memref<128xi32, #tpu.memory_space<vmem>>
          %dma_wait3A_155 = tpu.memref_slice %arg3[%multiple_of3A_141] : memref<327680xi32, #tpu.memory_space<hbm>> -> memref<128xi32, #tpu.memory_space<hbm>>
          %dma_wait3A_156 = arith.constant 0 : i32
          %dma_wait3A_157 = tpu.memref_slice %arg7[%run_scoped3A_142, %dma_wait3A_156] : memref<3x128xi32, #tpu.memory_space<vmem>> -> memref<1x128xi32, #tpu.memory_space<vmem>>
          %dma_wait3A_158 = tpu.memref_squeeze %dma_wait3A_157 : memref<1x128xi32, #tpu.memory_space<vmem>> -> memref<128xi32, #tpu.memory_space<vmem>>
          %dma_wait3A_159 = tpu.memref_slice %arg3[%multiple_of3A_141] : memref<327680xi32, #tpu.memory_space<hbm>> -> memref<128xi32, #tpu.memory_space<hbm>>
          tpu.wait_dma2 semaphore(%run_scoped3A_144 : memref<!tpu.dma_semaphore, #tpu.memory_space<semaphore_mem>>) src(%dma_wait3A_159 : memref<128xi32, #tpu.memory_space<hbm>>) dst(%dma_wait3A_158 : memref<128xi32, #tpu.memory_space<vmem>>)
          tpu.yield
        }) : () -> ()
        %run_scoped3A_143 = arith.constant 0 : i32
        "tpu.region"() ({
          %run_scoped3A_144 = tpu.sem_alloc : memref<!tpu.dma_semaphore, #tpu.memory_space<semaphore_mem>>
          %dma_start3A_145 = arith.constant 0 : i32
          %dma_start3A_146 = tpu.memref_slice %arg8[%run_scoped3A_143, %dma_start3A_145] : memref<3x128xi32, #tpu.memory_space<vmem>> -> memref<1x128xi32, #tpu.memory_space<vmem>>
          %dma_start3A_147 = tpu.memref_squeeze %dma_start3A_146 : memref<1x128xi32, #tpu.memory_space<vmem>> -> memref<128xi32, #tpu.memory_space<vmem>>
          %dma_start3A_148 = tpu.memref_slice %arg4[%multiple_of3A_141] : memref<327680xi32, #tpu.memory_space<hbm>> -> memref<128xi32, #tpu.memory_space<hbm>>
          %dma_start3A_149 = arith.constant 0 : i32
          %dma_start3A_150 = tpu.memref_slice %arg8[%run_scoped3A_143, %dma_start3A_149] : memref<3x128xi32, #tpu.memory_space<vmem>> -> memref<1x128xi32, #tpu.memory_space<vmem>>
          %dma_start3A_151 = tpu.memref_squeeze %dma_start3A_150 : memref<1x128xi32, #tpu.memory_space<vmem>> -> memref<128xi32, #tpu.memory_space<vmem>>
          %dma_start3A_152 = tpu.memref_slice %arg4[%multiple_of3A_141] : memref<327680xi32, #tpu.memory_space<hbm>> -> memref<128xi32, #tpu.memory_space<hbm>>
          tpu.enqueue_dma source(%dma_start3A_152 : memref<128xi32, #tpu.memory_space<hbm>>) target(%dma_start3A_151 : memref<128xi32, #tpu.memory_space<vmem>>) target_semaphore(%run_scoped3A_144 : memref<!tpu.dma_semaphore, #tpu.memory_space<semaphore_mem>>)
          %dma_wait3A = arith.constant 0 : i32
          %dma_wait3A_153 = tpu.memref_slice %arg8[%run_scoped3A_143, %dma_wait3A] : memref<3x128xi32, #tpu.memory_space<vmem>> -> memref<1x128xi32, #tpu.memory_space<vmem>>
          %dma_wait3A_154 = tpu.memref_squeeze %dma_wait3A_153 : memref<1x128xi32, #tpu.memory_space<vmem>> -> memref<128xi32, #tpu.memory_space<vmem>>
          %dma_wait3A_155 = tpu.memref_slice %arg4[%multiple_of3A_141] : memref<327680xi32, #tpu.memory_space<hbm>> -> memref<128xi32, #tpu.memory_space<hbm>>
          %dma_wait3A_156 = arith.constant 0 : i32
          %dma_wait3A_157 = tpu.memref_slice %arg8[%run_scoped3A_143, %dma_wait3A_156] : memref<3x128xi32, #tpu.memory_space<vmem>> -> memref<1x128xi32, #tpu.memory_space<vmem>>
          %dma_wait3A_158 = tpu.memref_squeeze %dma_wait3A_157 : memref<1x128xi32, #tpu.memory_space<vmem>> -> memref<128xi32, #tpu.memory_space<vmem>>
          %dma_wait3A_159 = tpu.memref_slice %arg4[%multiple_of3A_141] : memref<327680xi32, #tpu.memory_space<hbm>> -> memref<128xi32, #tpu.memory_space<hbm>>
          tpu.wait_dma2 semaphore(%run_scoped3A_144 : memref<!tpu.dma_semaphore, #tpu.memory_space<semaphore_mem>>) src(%dma_wait3A_159 : memref<128xi32, #tpu.memory_space<hbm>>) dst(%dma_wait3A_158 : memref<128xi32, #tpu.memory_space<vmem>>)
          tpu.yield
        }) : () -> ()
      } else {
      }
      %lt3A_119 = arith.cmpi slt, %add3A_112, %select_n3A : i32
      %convert_element_type3A_120 = arith.extui %lt3A_119 : i1 to i32
      %cond3A_121 = arith.constant 0 : i32
      %cond3A_122 = arith.cmpi ne, %convert_element_type3A_120, %cond3A_121 : i32
      scf.if %cond3A_122 {
        %dma_wait3A = arith.constant 1 : i32
        %dma_wait3A_138 = arith.constant 0 : i32
        %dma_wait3A_139 = tpu.memref_slice %arg7[%dma_wait3A, %dma_wait3A_138] : memref<3x128xi32, #tpu.memory_space<vmem>> -> memref<1x128xi32, #tpu.memory_space<vmem>>
        %dma_wait3A_140 = tpu.memref_squeeze %dma_wait3A_139 : memref<1x128xi32, #tpu.memory_space<vmem>> -> memref<128xi32, #tpu.memory_space<vmem>>
        %dma_wait3A_141 = arith.constant 0 : i32
        %dma_wait3A_142 = arith.constant 0 : i32
        %dma_wait3A_143 = tpu.memref_slice %arg2[%dma_wait3A_141, %dma_wait3A_142] : memref<10000x128xf32, #tpu.memory_space<hbm>> -> memref<10000x128xf32, #tpu.memory_space<hbm>>
        tpu.wait_indirect_dma semaphore(%arg14 : memref<!tpu.dma_semaphore, #tpu.memory_space<semaphore_mem>>) src(%dma_wait3A_143 : memref<10000x128xf32, #tpu.memory_space<hbm>>) dst(%arg10 : memref<128x128xf32, #tpu.memory_space<vmem>>)
        %lt3A_144 = arith.cmpi slt, %add3A_114, %select_n3A : i32
        %convert_element_type3A_145 = arith.extui %lt3A_144 : i1 to i32
        %cond3A_146 = arith.constant 0 : i32
        %cond3A_147 = arith.cmpi ne, %convert_element_type3A_145, %cond3A_146 : i32
        scf.if %cond3A_147 {
          %dma_start3A_149 = arith.constant 0 : i32
          %dma_start3A_150 = arith.constant 0 : i32
          %dma_start3A_151 = tpu.memref_slice %arg7[%dma_start3A_149, %dma_start3A_150] : memref<3x128xi32, #tpu.memory_space<vmem>> -> memref<1x128xi32, #tpu.memory_space<vmem>>
          %dma_start3A_152 = tpu.memref_squeeze %dma_start3A_151 : memref<1x128xi32, #tpu.memory_space<vmem>> -> memref<128xi32, #tpu.memory_space<vmem>>
          %dma_start3A_153 = arith.constant 0 : i32
          %dma_start3A_154 = arith.constant 0 : i32
          %dma_start3A_155 = tpu.memref_slice %arg2[%dma_start3A_153, %dma_start3A_154] : memref<10000x128xf32, #tpu.memory_space<hbm>> -> memref<10000x128xf32, #tpu.memory_space<hbm>>
          tpu.enqueue_indirect_dma source(%dma_start3A_155 : memref<10000x128xf32, #tpu.memory_space<hbm>>) target(%arg9 : memref<128x128xf32, #tpu.memory_space<vmem>>) offsets(%dma_start3A_152 : memref<128xi32, #tpu.memory_space<vmem>>) semaphore(%arg13 : memref<!tpu.dma_semaphore, #tpu.memory_space<semaphore_mem>>)
        } else {
        }
        %run_scoped3A_148 = arith.constant 1 : i32
        "tpu.region"() ({
          %run_scoped3A_149 = tpu.sem_alloc : memref<!tpu.dma_semaphore, #tpu.memory_space<semaphore_mem>>
          %dma_start3A_150 = arith.constant 0 : i32
          %dma_start3A_151 = tpu.memref_slice %arg8[%run_scoped3A_148, %dma_start3A_150] : memref<3x128xi32, #tpu.memory_space<vmem>> -> memref<1x128xi32, #tpu.memory_space<vmem>>
          %dma_start3A_152 = tpu.memref_squeeze %dma_start3A_151 : memref<1x128xi32, #tpu.memory_space<vmem>> -> memref<128xi32, #tpu.memory_space<vmem>>
          %dma_start3A_153 = arith.constant 0 : i32
          %dma_start3A_154 = arith.constant 0 : i32
          %dma_start3A_155 = tpu.memref_slice %arg12[%dma_start3A_153, %dma_start3A_154] : memref<10112x128xf32, #tpu.memory_space<vmem_shared>> -> memref<10112x128xf32, #tpu.memory_space<vmem_shared>>
          tpu.enqueue_indirect_dma source(%arg10 : memref<128x128xf32, #tpu.memory_space<vmem>>) target(%dma_start3A_155 : memref<10112x128xf32, #tpu.memory_space<vmem_shared>>) offsets(%dma_start3A_152 : memref<128xi32, #tpu.memory_space<vmem>>) semaphore(%run_scoped3A_149 : memref<!tpu.dma_semaphore, #tpu.memory_space<semaphore_mem>>) {add = true}
          %dma_wait3A_156 = arith.constant 0 : i32
          %dma_wait3A_157 = tpu.memref_slice %arg8[%run_scoped3A_148, %dma_wait3A_156] : memref<3x128xi32, #tpu.memory_space<vmem>> -> memref<1x128xi32, #tpu.memory_space<vmem>>
          %dma_wait3A_158 = tpu.memref_squeeze %dma_wait3A_157 : memref<1x128xi32, #tpu.memory_space<vmem>> -> memref<128xi32, #tpu.memory_space<vmem>>
          %dma_wait3A_159 = arith.constant 0 : i32
          %dma_wait3A_160 = arith.constant 0 : i32
          %dma_wait3A_161 = tpu.memref_slice %arg12[%dma_wait3A_159, %dma_wait3A_160] : memref<10112x128xf32, #tpu.memory_space<vmem_shared>> -> memref<10112x128xf32, #tpu.memory_space<vmem_shared>>
          tpu.wait_indirect_dma semaphore(%run_scoped3A_149 : memref<!tpu.dma_semaphore, #tpu.memory_space<semaphore_mem>>) src(%arg10 : memref<128x128xf32, #tpu.memory_space<vmem>>) dst(%dma_wait3A_161 : memref<10112x128xf32, #tpu.memory_space<vmem_shared>>)
          tpu.yield
        }) : () -> ()
      } else {
      }
      %mul3A_123 = arith.constant 3 : i32
      %mul3A_124 = arith.muli %mul3A_123, %while3A_94 : i32
      %add3A_125 = arith.constant 2 : i32
      %add3A_126 = arith.addi %mul3A_124, %add3A_125 : i32
      %add3A_127 = arith.constant 2 : i32
      %add3A_128 = arith.addi %add3A_126, %add3A_127 : i32
      %lt3A_129 = arith.cmpi slt, %add3A_128, %select_n3A : i32
      %convert_element_type3A_130 = arith.extui %lt3A_129 : i1 to i32
      %cond3A_131 = arith.constant 0 : i32
      %cond3A_132 = arith.cmpi ne, %convert_element_type3A_130, %cond3A_131 : i32
      scf.if %cond3A_132 {
        %mul3A_138 = arith.constant 128 : i32
        %mul3A_139 = arith.muli %add3A_128, %mul3A_138 : i32
        %add3A_140 = arith.addi %select_n3A_10, %mul3A_139 : i32
        %multiple_of3A_141 = tpu.assume_multiple %add3A_140, 128 : i32
        %run_scoped3A_142 = arith.constant 1 : i32
        "tpu.region"() ({
          %run_scoped3A_144 = tpu.sem_alloc : memref<!tpu.dma_semaphore, #tpu.memory_space<semaphore_mem>>
          %dma_start3A_145 = arith.constant 0 : i32
          %dma_start3A_146 = tpu.memref_slice %arg7[%run_scoped3A_142, %dma_start3A_145] : memref<3x128xi32, #tpu.memory_space<vmem>> -> memref<1x128xi32, #tpu.memory_space<vmem>>
          %dma_start3A_147 = tpu.memref_squeeze %dma_start3A_146 : memref<1x128xi32, #tpu.memory_space<vmem>> -> memref<128xi32, #tpu.memory_space<vmem>>
          %dma_start3A_148 = tpu.memref_slice %arg3[%multiple_of3A_141] : memref<327680xi32, #tpu.memory_space<hbm>> -> memref<128xi32, #tpu.memory_space<hbm>>
          %dma_start3A_149 = arith.constant 0 : i32
          %dma_start3A_150 = tpu.memref_slice %arg7[%run_scoped3A_142, %dma_start3A_149] : memref<3x128xi32, #tpu.memory_space<vmem>> -> memref<1x128xi32, #tpu.memory_space<vmem>>
          %dma_start3A_151 = tpu.memref_squeeze %dma_start3A_150 : memref<1x128xi32, #tpu.memory_space<vmem>> -> memref<128xi32, #tpu.memory_space<vmem>>
          %dma_start3A_152 = tpu.memref_slice %arg3[%multiple_of3A_141] : memref<327680xi32, #tpu.memory_space<hbm>> -> memref<128xi32, #tpu.memory_space<hbm>>
          tpu.enqueue_dma source(%dma_start3A_152 : memref<128xi32, #tpu.memory_space<hbm>>) target(%dma_start3A_151 : memref<128xi32, #tpu.memory_space<vmem>>) target_semaphore(%run_scoped3A_144 : memref<!tpu.dma_semaphore, #tpu.memory_space<semaphore_mem>>)
          %dma_wait3A = arith.constant 0 : i32
          %dma_wait3A_153 = tpu.memref_slice %arg7[%run_scoped3A_142, %dma_wait3A] : memref<3x128xi32, #tpu.memory_space<vmem>> -> memref<1x128xi32, #tpu.memory_space<vmem>>
          %dma_wait3A_154 = tpu.memref_squeeze %dma_wait3A_153 : memref<1x128xi32, #tpu.memory_space<vmem>> -> memref<128xi32, #tpu.memory_space<vmem>>
          %dma_wait3A_155 = tpu.memref_slice %arg3[%multiple_of3A_141] : memref<327680xi32, #tpu.memory_space<hbm>> -> memref<128xi32, #tpu.memory_space<hbm>>
          %dma_wait3A_156 = arith.constant 0 : i32
          %dma_wait3A_157 = tpu.memref_slice %arg7[%run_scoped3A_142, %dma_wait3A_156] : memref<3x128xi32, #tpu.memory_space<vmem>> -> memref<1x128xi32, #tpu.memory_space<vmem>>
          %dma_wait3A_158 = tpu.memref_squeeze %dma_wait3A_157 : memref<1x128xi32, #tpu.memory_space<vmem>> -> memref<128xi32, #tpu.memory_space<vmem>>
          %dma_wait3A_159 = tpu.memref_slice %arg3[%multiple_of3A_141] : memref<327680xi32, #tpu.memory_space<hbm>> -> memref<128xi32, #tpu.memory_space<hbm>>
          tpu.wait_dma2 semaphore(%run_scoped3A_144 : memref<!tpu.dma_semaphore, #tpu.memory_space<semaphore_mem>>) src(%dma_wait3A_159 : memref<128xi32, #tpu.memory_space<hbm>>) dst(%dma_wait3A_158 : memref<128xi32, #tpu.memory_space<vmem>>)
          tpu.yield
        }) : () -> ()
        %run_scoped3A_143 = arith.constant 1 : i32
        "tpu.region"() ({
          %run_scoped3A_144 = tpu.sem_alloc : memref<!tpu.dma_semaphore, #tpu.memory_space<semaphore_mem>>
          %dma_start3A_145 = arith.constant 0 : i32
          %dma_start3A_146 = tpu.memref_slice %arg8[%run_scoped3A_143, %dma_start3A_145] : memref<3x128xi32, #tpu.memory_space<vmem>> -> memref<1x128xi32, #tpu.memory_space<vmem>>
          %dma_start3A_147 = tpu.memref_squeeze %dma_start3A_146 : memref<1x128xi32, #tpu.memory_space<vmem>> -> memref<128xi32, #tpu.memory_space<vmem>>
          %dma_start3A_148 = tpu.memref_slice %arg4[%multiple_of3A_141] : memref<327680xi32, #tpu.memory_space<hbm>> -> memref<128xi32, #tpu.memory_space<hbm>>
          %dma_start3A_149 = arith.constant 0 : i32
          %dma_start3A_150 = tpu.memref_slice %arg8[%run_scoped3A_143, %dma_start3A_149] : memref<3x128xi32, #tpu.memory_space<vmem>> -> memref<1x128xi32, #tpu.memory_space<vmem>>
          %dma_start3A_151 = tpu.memref_squeeze %dma_start3A_150 : memref<1x128xi32, #tpu.memory_space<vmem>> -> memref<128xi32, #tpu.memory_space<vmem>>
          %dma_start3A_152 = tpu.memref_slice %arg4[%multiple_of3A_141] : memref<327680xi32, #tpu.memory_space<hbm>> -> memref<128xi32, #tpu.memory_space<hbm>>
          tpu.enqueue_dma source(%dma_start3A_152 : memref<128xi32, #tpu.memory_space<hbm>>) target(%dma_start3A_151 : memref<128xi32, #tpu.memory_space<vmem>>) target_semaphore(%run_scoped3A_144 : memref<!tpu.dma_semaphore, #tpu.memory_space<semaphore_mem>>)
          %dma_wait3A = arith.constant 0 : i32
          %dma_wait3A_153 = tpu.memref_slice %arg8[%run_scoped3A_143, %dma_wait3A] : memref<3x128xi32, #tpu.memory_space<vmem>> -> memref<1x128xi32, #tpu.memory_space<vmem>>
          %dma_wait3A_154 = tpu.memref_squeeze %dma_wait3A_153 : memref<1x128xi32, #tpu.memory_space<vmem>> -> memref<128xi32, #tpu.memory_space<vmem>>
          %dma_wait3A_155 = tpu.memref_slice %arg4[%multiple_of3A_141] : memref<327680xi32, #tpu.memory_space<hbm>> -> memref<128xi32, #tpu.memory_space<hbm>>
          %dma_wait3A_156 = arith.constant 0 : i32
          %dma_wait3A_157 = tpu.memref_slice %arg8[%run_scoped3A_143, %dma_wait3A_156] : memref<3x128xi32, #tpu.memory_space<vmem>> -> memref<1x128xi32, #tpu.memory_space<vmem>>
          %dma_wait3A_158 = tpu.memref_squeeze %dma_wait3A_157 : memref<1x128xi32, #tpu.memory_space<vmem>> -> memref<128xi32, #tpu.memory_space<vmem>>
          %dma_wait3A_159 = tpu.memref_slice %arg4[%multiple_of3A_141] : memref<327680xi32, #tpu.memory_space<hbm>> -> memref<128xi32, #tpu.memory_space<hbm>>
          tpu.wait_dma2 semaphore(%run_scoped3A_144 : memref<!tpu.dma_semaphore, #tpu.memory_space<semaphore_mem>>) src(%dma_wait3A_159 : memref<128xi32, #tpu.memory_space<hbm>>) dst(%dma_wait3A_158 : memref<128xi32, #tpu.memory_space<vmem>>)
          tpu.yield
        }) : () -> ()
      } else {
      }
      %lt3A_133 = arith.cmpi slt, %add3A_126, %select_n3A : i32
      %convert_element_type3A_134 = arith.extui %lt3A_133 : i1 to i32
      %cond3A_135 = arith.constant 0 : i32
      %cond3A_136 = arith.cmpi ne, %convert_element_type3A_134, %cond3A_135 : i32
      scf.if %cond3A_136 {
        %dma_wait3A = arith.constant 2 : i32
        %dma_wait3A_138 = arith.constant 0 : i32
        %dma_wait3A_139 = tpu.memref_slice %arg7[%dma_wait3A, %dma_wait3A_138] : memref<3x128xi32, #tpu.memory_space<vmem>> -> memref<1x128xi32, #tpu.memory_space<vmem>>
        %dma_wait3A_140 = tpu.memref_squeeze %dma_wait3A_139 : memref<1x128xi32, #tpu.memory_space<vmem>> -> memref<128xi32, #tpu.memory_space<vmem>>
        %dma_wait3A_141 = arith.constant 0 : i32
        %dma_wait3A_142 = arith.constant 0 : i32
        %dma_wait3A_143 = tpu.memref_slice %arg2[%dma_wait3A_141, %dma_wait3A_142] : memref<10000x128xf32, #tpu.memory_space<hbm>> -> memref<10000x128xf32, #tpu.memory_space<hbm>>
        tpu.wait_indirect_dma semaphore(%arg15 : memref<!tpu.dma_semaphore, #tpu.memory_space<semaphore_mem>>) src(%dma_wait3A_143 : memref<10000x128xf32, #tpu.memory_space<hbm>>) dst(%arg11 : memref<128x128xf32, #tpu.memory_space<vmem>>)
        %lt3A_144 = arith.cmpi slt, %add3A_128, %select_n3A : i32
        %convert_element_type3A_145 = arith.extui %lt3A_144 : i1 to i32
        %cond3A_146 = arith.constant 0 : i32
        %cond3A_147 = arith.cmpi ne, %convert_element_type3A_145, %cond3A_146 : i32
        scf.if %cond3A_147 {
          %dma_start3A_149 = arith.constant 1 : i32
          %dma_start3A_150 = arith.constant 0 : i32
          %dma_start3A_151 = tpu.memref_slice %arg7[%dma_start3A_149, %dma_start3A_150] : memref<3x128xi32, #tpu.memory_space<vmem>> -> memref<1x128xi32, #tpu.memory_space<vmem>>
          %dma_start3A_152 = tpu.memref_squeeze %dma_start3A_151 : memref<1x128xi32, #tpu.memory_space<vmem>> -> memref<128xi32, #tpu.memory_space<vmem>>
          %dma_start3A_153 = arith.constant 0 : i32
          %dma_start3A_154 = arith.constant 0 : i32
          %dma_start3A_155 = tpu.memref_slice %arg2[%dma_start3A_153, %dma_start3A_154] : memref<10000x128xf32, #tpu.memory_space<hbm>> -> memref<10000x128xf32, #tpu.memory_space<hbm>>
          tpu.enqueue_indirect_dma source(%dma_start3A_155 : memref<10000x128xf32, #tpu.memory_space<hbm>>) target(%arg10 : memref<128x128xf32, #tpu.memory_space<vmem>>) offsets(%dma_start3A_152 : memref<128xi32, #tpu.memory_space<vmem>>) semaphore(%arg14 : memref<!tpu.dma_semaphore, #tpu.memory_space<semaphore_mem>>)
        } else {
        }
        %run_scoped3A_148 = arith.constant 2 : i32
        "tpu.region"() ({
          %run_scoped3A_149 = tpu.sem_alloc : memref<!tpu.dma_semaphore, #tpu.memory_space<semaphore_mem>>
          %dma_start3A_150 = arith.constant 0 : i32
          %dma_start3A_151 = tpu.memref_slice %arg8[%run_scoped3A_148, %dma_start3A_150] : memref<3x128xi32, #tpu.memory_space<vmem>> -> memref<1x128xi32, #tpu.memory_space<vmem>>
          %dma_start3A_152 = tpu.memref_squeeze %dma_start3A_151 : memref<1x128xi32, #tpu.memory_space<vmem>> -> memref<128xi32, #tpu.memory_space<vmem>>
          %dma_start3A_153 = arith.constant 0 : i32
          %dma_start3A_154 = arith.constant 0 : i32
          %dma_start3A_155 = tpu.memref_slice %arg12[%dma_start3A_153, %dma_start3A_154] : memref<10112x128xf32, #tpu.memory_space<vmem_shared>> -> memref<10112x128xf32, #tpu.memory_space<vmem_shared>>
          tpu.enqueue_indirect_dma source(%arg11 : memref<128x128xf32, #tpu.memory_space<vmem>>) target(%dma_start3A_155 : memref<10112x128xf32, #tpu.memory_space<vmem_shared>>) offsets(%dma_start3A_152 : memref<128xi32, #tpu.memory_space<vmem>>) semaphore(%run_scoped3A_149 : memref<!tpu.dma_semaphore, #tpu.memory_space<semaphore_mem>>) {add = true}
          %dma_wait3A_156 = arith.constant 0 : i32
          %dma_wait3A_157 = tpu.memref_slice %arg8[%run_scoped3A_148, %dma_wait3A_156] : memref<3x128xi32, #tpu.memory_space<vmem>> -> memref<1x128xi32, #tpu.memory_space<vmem>>
          %dma_wait3A_158 = tpu.memref_squeeze %dma_wait3A_157 : memref<1x128xi32, #tpu.memory_space<vmem>> -> memref<128xi32, #tpu.memory_space<vmem>>
          %dma_wait3A_159 = arith.constant 0 : i32
          %dma_wait3A_160 = arith.constant 0 : i32
          %dma_wait3A_161 = tpu.memref_slice %arg12[%dma_wait3A_159, %dma_wait3A_160] : memref<10112x128xf32, #tpu.memory_space<vmem_shared>> -> memref<10112x128xf32, #tpu.memory_space<vmem_shared>>
          tpu.wait_indirect_dma semaphore(%run_scoped3A_149 : memref<!tpu.dma_semaphore, #tpu.memory_space<semaphore_mem>>) src(%arg11 : memref<128x128xf32, #tpu.memory_space<vmem>>) dst(%dma_wait3A_161 : memref<10112x128xf32, #tpu.memory_space<vmem_shared>>)
          tpu.yield
        }) : () -> ()
      } else {
      }
      %while3A_137 = arith.constant 0 : i32
      scf.yield %while3A_137 : i32
    }
    %barrier3A_85 = arith.constant 0 : index
    tpu.barrier barrier_id(%barrier3A_85)
    %eq3A_86 = arith.constant 0 : i32
    %eq3A_87 = arith.cmpi eq, %arg0, %eq3A_86 : i32
    %convert_element_type3A = arith.extui %eq3A_87 : i1 to i32
    %cond3A = arith.constant 0 : i32
    %cond3A_88 = arith.cmpi ne, %convert_element_type3A, %cond3A : i32
    scf.if %cond3A_88 {
      %mul3A_94 = arith.constant 632 : i32
      %mul3A_95 = arith.muli %arg1, %mul3A_94 : i32
      %mul3A_96 = arith.constant 632 : i32
      %mul3A_97 = arith.muli %arg1, %mul3A_96 : i32
      "tpu.region"() ({
        %run_scoped3A_98 = tpu.sem_alloc : memref<!tpu.dma_semaphore, #tpu.memory_space<semaphore_mem>>
        %dma_start3A_99 = arith.constant 0 : i32
        %dma_start3A_100 = tpu.memref_slice %arg5[%mul3A_97, %dma_start3A_99] : memref<10112x128xf32, #tpu.memory_space<hbm>> -> memref<632x128xf32, #tpu.memory_space<hbm>>
        %dma_start3A_101 = arith.constant 0 : i32
        %dma_start3A_102 = tpu.memref_slice %arg12[%mul3A_95, %dma_start3A_101] : memref<10112x128xf32, #tpu.memory_space<vmem_shared>> -> memref<632x128xf32, #tpu.memory_space<vmem_shared>>
        tpu.enqueue_dma source(%dma_start3A_102 : memref<632x128xf32, #tpu.memory_space<vmem_shared>>) target(%dma_start3A_100 : memref<632x128xf32, #tpu.memory_space<hbm>>) target_semaphore(%run_scoped3A_98 : memref<!tpu.dma_semaphore, #tpu.memory_space<semaphore_mem>>)
        %dma_wait3A = arith.constant 0 : i32
        %dma_wait3A_103 = tpu.memref_slice %arg5[%mul3A_97, %dma_wait3A] : memref<10112x128xf32, #tpu.memory_space<hbm>> -> memref<632x128xf32, #tpu.memory_space<hbm>>
        %dma_wait3A_104 = arith.constant 0 : i32
        %dma_wait3A_105 = tpu.memref_slice %arg12[%mul3A_95, %dma_wait3A_104] : memref<10112x128xf32, #tpu.memory_space<vmem_shared>> -> memref<632x128xf32, #tpu.memory_space<vmem_shared>>
        tpu.wait_dma2 semaphore(%run_scoped3A_98 : memref<!tpu.dma_semaphore, #tpu.memory_space<semaphore_mem>>) src(%dma_wait3A_105 : memref<632x128xf32, #tpu.memory_space<vmem_shared>>) dst(%dma_wait3A_103 : memref<632x128xf32, #tpu.memory_space<hbm>>)
        tpu.yield
      }) : () -> ()
    } else {
    }
    %eq3A_89 = arith.constant 1 : i32
    %eq3A_90 = arith.cmpi eq, %arg0, %eq3A_89 : i32
    %convert_element_type3A_91 = arith.extui %eq3A_90 : i1 to i32
    %cond3A_92 = arith.constant 0 : i32
    %cond3A_93 = arith.cmpi ne, %convert_element_type3A_91, %cond3A_92 : i32
    scf.if %cond3A_93 {
      %mul3A_94 = arith.constant 632 : i32
      %mul3A_95 = arith.muli %arg1, %mul3A_94 : i32
      %mul3A_96 = arith.constant 632 : i32
      %mul3A_97 = arith.muli %arg1, %mul3A_96 : i32
      "tpu.region"() ({
        %run_scoped3A_98 = tpu.sem_alloc : memref<!tpu.dma_semaphore, #tpu.memory_space<semaphore_mem>>
        %dma_start3A_99 = arith.constant 0 : i32
        %dma_start3A_100 = tpu.memref_slice %arg6[%mul3A_97, %dma_start3A_99] : memref<10112x128xf32, #tpu.memory_space<hbm>> -> memref<632x128xf32, #tpu.memory_space<hbm>>
        %dma_start3A_101 = arith.constant 0 : i32
        %dma_start3A_102 = tpu.memref_slice %arg12[%mul3A_95, %dma_start3A_101] : memref<10112x128xf32, #tpu.memory_space<vmem_shared>> -> memref<632x128xf32, #tpu.memory_space<vmem_shared>>
        tpu.enqueue_dma source(%dma_start3A_102 : memref<632x128xf32, #tpu.memory_space<vmem_shared>>) target(%dma_start3A_100 : memref<632x128xf32, #tpu.memory_space<hbm>>) target_semaphore(%run_scoped3A_98 : memref<!tpu.dma_semaphore, #tpu.memory_space<semaphore_mem>>)
        %dma_wait3A = arith.constant 0 : i32
        %dma_wait3A_103 = tpu.memref_slice %arg6[%mul3A_97, %dma_wait3A] : memref<10112x128xf32, #tpu.memory_space<hbm>> -> memref<632x128xf32, #tpu.memory_space<hbm>>
        %dma_wait3A_104 = arith.constant 0 : i32
        %dma_wait3A_105 = tpu.memref_slice %arg12[%mul3A_95, %dma_wait3A_104] : memref<10112x128xf32, #tpu.memory_space<vmem_shared>> -> memref<632x128xf32, #tpu.memory_space<vmem_shared>>
        tpu.wait_dma2 semaphore(%run_scoped3A_98 : memref<!tpu.dma_semaphore, #tpu.memory_space<semaphore_mem>>) src(%dma_wait3A_105 : memref<632x128xf32, #tpu.memory_space<vmem_shared>>) dst(%dma_wait3A_103 : memref<632x128xf32, #tpu.memory_space<hbm>>)
        tpu.yield
      }) : () -> ()
    } else {
    }
    return
  }
}

module attributes {stable_mosaic.version = 14 : i64} {
  func.func @_tc_sage_body(%arg0: i32, %arg1: memref<1000x128xf32, #tpu.memory_space<vmem>>, %arg2: memref<1000x128xf32, #tpu.memory_space<vmem>>, %arg3: memref<1000x128xf32, #tpu.memory_space<vmem>>, %arg4: memref<1000x128xf32, #tpu.memory_space<vmem>>, %arg5: memref<1000x128xf32, #tpu.memory_space<vmem>>, %arg6: memref<128x128xf32, #tpu.memory_space<vmem>>, %arg7: memref<8x128xf32, #tpu.memory_space<vmem>>, %arg8: memref<128x128xf32, #tpu.memory_space<vmem>>, %arg9: memref<1000x128xf32, #tpu.memory_space<vmem>>, %arg10: memref<8x128xf32, #tpu.memory_space<vmem>>, %arg11: memref<8x128xf32, #tpu.memory_space<vmem>>) attributes {dimension_semantics = [#tpu.dimension_semantics<arbitrary>], iteration_bounds = array<i64: 10>, scalar_prefetch = 0 : i64, scratch_operands = 0 : i64, tpu.core_type = #tpu.core_type<tc>, window_params = [{transform_indices = @transform_0, window_bounds = array<i64: 1000, 128>}, {transform_indices = @transform_1, window_bounds = array<i64: 1000, 128>}, {transform_indices = @transform_2, window_bounds = array<i64: 1000, 128>}, {transform_indices = @transform_3, window_bounds = array<i64: 1000, 128>}, {transform_indices = @transform_4, window_bounds = array<i64: 1000, 128>}, {pipeline_mode = #tpu.pipeline_mode<synchronous>, transform_indices = @transform_5, window_bounds = array<i64: 128, 128>}, {pipeline_mode = #tpu.pipeline_mode<synchronous>, transform_indices = @transform_6, window_bounds = array<i64: 8, 128>}, {pipeline_mode = #tpu.pipeline_mode<synchronous>, transform_indices = @transform_7, window_bounds = array<i64: 128, 128>}, {transform_indices = @transform_8, window_bounds = array<i64: 1000, 128>}, {pipeline_mode = #tpu.pipeline_mode<synchronous>, transform_indices = @transform_9, window_bounds = array<i64: 8, 128>}, {pipeline_mode = #tpu.pipeline_mode<synchronous>, transform_indices = @transform_10, window_bounds = array<i64: 8, 128>}]} {
    %get3A = arith.constant 0 : index
    %get3A_0 = arith.constant 0 : index
    %get3A_1 = vector.load %arg3[%get3A, %get3A_0] : memref<1000x128xf32, #tpu.memory_space<vmem>>, vector<1000x128xf32>
    %slice3A = vector.extract_strided_slice %get3A_1 {offsets = [0, 0], sizes = [1000, 1], strides = [1, 1]} : vector<1000x128xf32> to vector<1000x1xf32>
    %get3A_2 = arith.constant 0 : index
    %get3A_3 = arith.constant 0 : index
    %get3A_4 = vector.load %arg4[%get3A_2, %get3A_3] : memref<1000x128xf32, #tpu.memory_space<vmem>>, vector<1000x128xf32>
    %slice3A_5 = vector.extract_strided_slice %get3A_4 {offsets = [0, 0], sizes = [1000, 1], strides = [1, 1]} : vector<1000x128xf32> to vector<1000x1xf32>
    %add3A = arith.addf %slice3A, %slice3A_5 : vector<1000x1xf32>
    %jit3A = arith.constant 1.000000e+00 : f32
    %max3A = vector.broadcast %jit3A : f32 to vector<1000x1xf32>
    %max3A_6 = arith.maximumf %max3A, %add3A : vector<1000x1xf32>
    %get3A_7 = arith.constant 0 : index
    %get3A_8 = arith.constant 0 : index
    %get3A_9 = vector.load %arg1[%get3A_7, %get3A_8] : memref<1000x128xf32, #tpu.memory_space<vmem>>, vector<1000x128xf32>
    %get3A_10 = arith.constant 0 : index
    %get3A_11 = arith.constant 0 : index
    %get3A_12 = vector.load %arg2[%get3A_10, %get3A_11] : memref<1000x128xf32, #tpu.memory_space<vmem>>, vector<1000x128xf32>
    %add3A_13 = arith.addf %get3A_9, %get3A_12 : vector<1000x128xf32>
    %div3A = vector.broadcast %max3A_6 : vector<1000x1xf32> to vector<1000x128xf32>
    %div3A_14 = arith.divf %add3A_13, %div3A : vector<1000x128xf32>
    %get3A_15 = arith.constant 0 : index
    %get3A_16 = arith.constant 0 : index
    %get3A_17 = vector.load %arg6[%get3A_15, %get3A_16] : memref<128x128xf32, #tpu.memory_space<vmem>>, vector<128x128xf32>
    %dot_general3A = arith.constant dense<0.000000e+00> : vector<1000x128xf32>
    %dot_general3A_18 = tpu.matmul %div3A_14, %get3A_17, %dot_general3A {dimension_numbers = #tpu.dot_dimension_numbers<[1], [1], [0], [0], [0, 0, 1, 0], [], []>, transpose_lhs_hint = false} : vector<1000x128xf32>, vector<128x128xf32>, vector<1000x128xf32> -> vector<1000x128xf32>
    %get3A_19 = arith.constant 0 : index
    %get3A_20 = arith.constant 0 : index
    %get3A_21 = vector.load %arg7[%get3A_19, %get3A_20] : memref<8x128xf32, #tpu.memory_space<vmem>>, vector<1x128xf32>
    %add3A_22 = vector.broadcast %get3A_21 : vector<1x128xf32> to vector<1000x128xf32>
    %add3A_23 = arith.addf %dot_general3A_18, %add3A_22 : vector<1000x128xf32>
    %get3A_24 = arith.constant 0 : index
    %get3A_25 = arith.constant 0 : index
    %get3A_26 = vector.load %arg5[%get3A_24, %get3A_25] : memref<1000x128xf32, #tpu.memory_space<vmem>>, vector<1000x128xf32>
    %get3A_27 = arith.constant 0 : index
    %get3A_28 = arith.constant 0 : index
    %get3A_29 = vector.load %arg8[%get3A_27, %get3A_28] : memref<128x128xf32, #tpu.memory_space<vmem>>, vector<128x128xf32>
    %dot_general3A_30 = arith.constant dense<0.000000e+00> : vector<1000x128xf32>
    %dot_general3A_31 = tpu.matmul %get3A_26, %get3A_29, %dot_general3A_30 {dimension_numbers = #tpu.dot_dimension_numbers<[1], [1], [0], [0], [0, 0, 1, 0], [], []>, transpose_lhs_hint = false} : vector<1000x128xf32>, vector<128x128xf32>, vector<1000x128xf32> -> vector<1000x128xf32>
    %add3A_32 = arith.addf %add3A_23, %dot_general3A_31 : vector<1000x128xf32>
    %jit3A_33 = arith.constant 0.00999999977 : f32
    %ge3A = arith.constant 0.000000e+00 : f32
    %ge3A_34 = vector.broadcast %ge3A : f32 to vector<1000x128xf32>
    %ge3A_35 = arith.cmpf oge, %add3A_32, %ge3A_34 : vector<1000x128xf32>
    %mul3A = vector.broadcast %jit3A_33 : f32 to vector<1000x128xf32>
    %mul3A_36 = arith.mulf %mul3A, %add3A_32 : vector<1000x128xf32>
    %select_n3A = arith.select %ge3A_35, %add3A_32, %mul3A_36 : vector<1000x128xi1>, vector<1000x128xf32>
    %swap3A = arith.constant 0 : index
    %swap3A_37 = arith.constant 0 : index
    %swap3A_38 = vector.load %arg9[%swap3A, %swap3A_37] : memref<1000x128xf32, #tpu.memory_space<vmem>>, vector<1000x128xf32>
    tpu.vector_store %arg9[%swap3A, %swap3A_37], %select_n3A {strides = array<i32>} : memref<1000x128xf32, #tpu.memory_space<vmem>>, vector<1000x128xf32>,
    %reduce_sum3A = arith.constant dense<0.000000e+00> : vector<128xf32>
    %reduce_sum3A_39 = vector.multi_reduction <add>, %select_n3A, %reduce_sum3A [0] : vector<1000x128xf32> to vector<128xf32>
    %broadcast_in_dim3A = vector.shape_cast %reduce_sum3A_39 : vector<128xf32> to vector<1x128xf32>
    %broadcast_in_dim3A_40 = vector.shape_cast %broadcast_in_dim3A : vector<1x128xf32> to vector<1x128xf32>
    %broadcast_in_dim3A_41 = vector.broadcast %broadcast_in_dim3A_40 : vector<1x128xf32> to vector<8x128xf32>
    %mul3A_42 = arith.mulf %select_n3A, %select_n3A : vector<1000x128xf32>
    %reduce_sum3A_43 = arith.constant dense<0.000000e+00> : vector<128xf32>
    %reduce_sum3A_44 = vector.multi_reduction <add>, %mul3A_42, %reduce_sum3A_43 [0] : vector<1000x128xf32> to vector<128xf32>
    %broadcast_in_dim3A_45 = vector.shape_cast %reduce_sum3A_44 : vector<128xf32> to vector<1x128xf32>
    %broadcast_in_dim3A_46 = vector.shape_cast %broadcast_in_dim3A_45 : vector<1x128xf32> to vector<1x128xf32>
    %broadcast_in_dim3A_47 = vector.broadcast %broadcast_in_dim3A_46 : vector<1x128xf32> to vector<8x128xf32>
    %eq3A = arith.constant 0 : i32
    %eq3A_48 = arith.cmpi eq, %arg0, %eq3A : i32
    %convert_element_type3A = arith.extui %eq3A_48 : i1 to i32
    %cond3A = arith.constant 0 : i32
    %cond3A_49 = arith.cmpi ne, %convert_element_type3A, %cond3A : i32
    scf.if %cond3A_49 {
      %swap3A_54 = arith.constant 0 : index
      %swap3A_55 = arith.constant 0 : index
      %swap3A_56 = vector.load %arg10[%swap3A_54, %swap3A_55] : memref<8x128xf32, #tpu.memory_space<vmem>>, vector<8x128xf32>
      tpu.vector_store %arg10[%swap3A_54, %swap3A_55], %broadcast_in_dim3A_41 {strides = array<i32>} : memref<8x128xf32, #tpu.memory_space<vmem>>, vector<8x128xf32>,
      %swap3A_57 = arith.constant 0 : index
      %swap3A_58 = arith.constant 0 : index
      %swap3A_59 = vector.load %arg11[%swap3A_57, %swap3A_58] : memref<8x128xf32, #tpu.memory_space<vmem>>, vector<8x128xf32>
      tpu.vector_store %arg11[%swap3A_57, %swap3A_58], %broadcast_in_dim3A_47 {strides = array<i32>} : memref<8x128xf32, #tpu.memory_space<vmem>>, vector<8x128xf32>,
    } else {
    }
    %ne3A = arith.constant 0 : i32
    %ne3A_50 = arith.cmpi ne, %arg0, %ne3A : i32
    %convert_element_type3A_51 = arith.extui %ne3A_50 : i1 to i32
    %cond3A_52 = arith.constant 0 : i32
    %cond3A_53 = arith.cmpi ne, %convert_element_type3A_51, %cond3A_52 : i32
    scf.if %cond3A_53 {
      %get3A_54 = arith.constant 0 : index
      %get3A_55 = arith.constant 0 : index
      %get3A_56 = vector.load %arg10[%get3A_54, %get3A_55] : memref<8x128xf32, #tpu.memory_space<vmem>>, vector<8x128xf32>
      %add3A_57 = arith.addf %get3A_56, %broadcast_in_dim3A_41 : vector<8x128xf32>
      %swap3A_58 = arith.constant 0 : index
      %swap3A_59 = arith.constant 0 : index
      %swap3A_60 = vector.load %arg10[%swap3A_58, %swap3A_59] : memref<8x128xf32, #tpu.memory_space<vmem>>, vector<8x128xf32>
      tpu.vector_store %arg10[%swap3A_58, %swap3A_59], %add3A_57 {strides = array<i32>} : memref<8x128xf32, #tpu.memory_space<vmem>>, vector<8x128xf32>,
      %get3A_61 = arith.constant 0 : index
      %get3A_62 = arith.constant 0 : index
      %get3A_63 = vector.load %arg11[%get3A_61, %get3A_62] : memref<8x128xf32, #tpu.memory_space<vmem>>, vector<8x128xf32>
      %add3A_64 = arith.addf %get3A_63, %broadcast_in_dim3A_47 : vector<8x128xf32>
      %swap3A_65 = arith.constant 0 : index
      %swap3A_66 = arith.constant 0 : index
      %swap3A_67 = vector.load %arg11[%swap3A_65, %swap3A_66] : memref<8x128xf32, #tpu.memory_space<vmem>>, vector<8x128xf32>
      tpu.vector_store %arg11[%swap3A_65, %swap3A_66], %add3A_64 {strides = array<i32>} : memref<8x128xf32, #tpu.memory_space<vmem>>, vector<8x128xf32>,
    } else {
    }
    return
  }
  func.func @transform_0(%arg0: i32) -> (i32, i32) {
    %c0_i32 = arith.constant 0 : i32
    %c0_i32_0 = arith.constant 0 : i32
    return %arg0, %c0_i32 : i32, i32
  }
  func.func @transform_1(%arg0: i32) -> (i32, i32) {
    %c0_i32 = arith.constant 0 : i32
    %c0_i32_0 = arith.constant 0 : i32
    return %arg0, %c0_i32 : i32, i32
  }
  func.func @transform_2(%arg0: i32) -> (i32, i32) {
    %c0_i32 = arith.constant 0 : i32
    %c0_i32_0 = arith.constant 0 : i32
    return %arg0, %c0_i32 : i32, i32
  }
  func.func @transform_3(%arg0: i32) -> (i32, i32) {
    %c0_i32 = arith.constant 0 : i32
    %c0_i32_0 = arith.constant 0 : i32
    return %arg0, %c0_i32 : i32, i32
  }
  func.func @transform_4(%arg0: i32) -> (i32, i32) {
    %c0_i32 = arith.constant 0 : i32
    %c0_i32_0 = arith.constant 0 : i32
    return %arg0, %c0_i32 : i32, i32
  }
  func.func @transform_5(%arg0: i32) -> (i32, i32) {
    %c0_i32 = arith.constant 0 : i32
    %c0_i32_0 = arith.constant 0 : i32
    %c0_i32_1 = arith.constant 0 : i32
    return %c0_i32, %c0_i32_0 : i32, i32
  }
  func.func @transform_6(%arg0: i32) -> (i32, i32) {
    %c0_i32 = arith.constant 0 : i32
    %c0_i32_0 = arith.constant 0 : i32
    %c0_i32_1 = arith.constant 0 : i32
    return %c0_i32, %c0_i32_0 : i32, i32
  }
  func.func @transform_7(%arg0: i32) -> (i32, i32) {
    %c0_i32 = arith.constant 0 : i32
    %c0_i32_0 = arith.constant 0 : i32
    %c0_i32_1 = arith.constant 0 : i32
    return %c0_i32, %c0_i32_0 : i32, i32
  }
  func.func @transform_8(%arg0: i32) -> (i32, i32) {
    %c0_i32 = arith.constant 0 : i32
    %c0_i32_0 = arith.constant 0 : i32
    return %arg0, %c0_i32 : i32, i32
  }
  func.func @transform_9(%arg0: i32) -> (i32, i32) {
    %c0_i32 = arith.constant 0 : i32
    %c0_i32_0 = arith.constant 0 : i32
    %c0_i32_1 = arith.constant 0 : i32
    return %c0_i32, %c0_i32_0 : i32, i32
  }
  func.func @transform_10(%arg0: i32) -> (i32, i32) {
    %c0_i32 = arith.constant 0 : i32
    %c0_i32_0 = arith.constant 0 : i32
    %c0_i32_1 = arith.constant 0 : i32
    return %c0_i32, %c0_i32_0 : i32, i32
  }
}

module attributes {stable_mosaic.version = 14 : i64} {
  func.func @_tc_final_body(%arg0: i32, %arg1: memref<1000x128xf32, #tpu.memory_space<vmem>>, %arg2: memref<1000x128xf32, #tpu.memory_space<vmem>>, %arg3: memref<1000x128xf32, #tpu.memory_space<vmem>>, %arg4: memref<1000x128xf32, #tpu.memory_space<vmem>>, %arg5: memref<1000x128xf32, #tpu.memory_space<vmem>>, %arg6: memref<128x128xf32, #tpu.memory_space<vmem>>, %arg7: memref<8x128xf32, #tpu.memory_space<vmem>>, %arg8: memref<128x128xf32, #tpu.memory_space<vmem>>, %arg9: memref<128x128xf32, #tpu.memory_space<vmem>>, %arg10: memref<8x128xf32, #tpu.memory_space<vmem>>, %arg11: memref<1000x128xf32, #tpu.memory_space<vmem>>) attributes {dimension_semantics = [#tpu.dimension_semantics<arbitrary>], iteration_bounds = array<i64: 10>, scalar_prefetch = 0 : i64, scratch_operands = 0 : i64, tpu.core_type = #tpu.core_type<tc>, window_params = [{transform_indices = @transform_0, window_bounds = array<i64: 1000, 128>}, {transform_indices = @transform_1, window_bounds = array<i64: 1000, 128>}, {transform_indices = @transform_2, window_bounds = array<i64: 1000, 128>}, {transform_indices = @transform_3, window_bounds = array<i64: 1000, 128>}, {transform_indices = @transform_4, window_bounds = array<i64: 1000, 128>}, {pipeline_mode = #tpu.pipeline_mode<synchronous>, transform_indices = @transform_5, window_bounds = array<i64: 128, 128>}, {pipeline_mode = #tpu.pipeline_mode<synchronous>, transform_indices = @transform_6, window_bounds = array<i64: 8, 128>}, {pipeline_mode = #tpu.pipeline_mode<synchronous>, transform_indices = @transform_7, window_bounds = array<i64: 128, 128>}, {pipeline_mode = #tpu.pipeline_mode<synchronous>, transform_indices = @transform_8, window_bounds = array<i64: 128, 128>}, {pipeline_mode = #tpu.pipeline_mode<synchronous>, transform_indices = @transform_9, window_bounds = array<i64: 8, 128>}, {transform_indices = @transform_10, window_bounds = array<i64: 1000, 128>}]} {
    %get3A = arith.constant 0 : index
    %get3A_0 = arith.constant 0 : index
    %get3A_1 = vector.load %arg3[%get3A, %get3A_0] : memref<1000x128xf32, #tpu.memory_space<vmem>>, vector<1000x128xf32>
    %slice3A = vector.extract_strided_slice %get3A_1 {offsets = [0, 0], sizes = [1000, 1], strides = [1, 1]} : vector<1000x128xf32> to vector<1000x1xf32>
    %get3A_2 = arith.constant 0 : index
    %get3A_3 = arith.constant 0 : index
    %get3A_4 = vector.load %arg4[%get3A_2, %get3A_3] : memref<1000x128xf32, #tpu.memory_space<vmem>>, vector<1000x128xf32>
    %slice3A_5 = vector.extract_strided_slice %get3A_4 {offsets = [0, 0], sizes = [1000, 1], strides = [1, 1]} : vector<1000x128xf32> to vector<1000x1xf32>
    %add3A = arith.addf %slice3A, %slice3A_5 : vector<1000x1xf32>
    %jit3A = arith.constant 1.000000e+00 : f32
    %max3A = vector.broadcast %jit3A : f32 to vector<1000x1xf32>
    %max3A_6 = arith.maximumf %max3A, %add3A : vector<1000x1xf32>
    %get3A_7 = arith.constant 0 : index
    %get3A_8 = arith.constant 0 : index
    %get3A_9 = vector.load %arg1[%get3A_7, %get3A_8] : memref<1000x128xf32, #tpu.memory_space<vmem>>, vector<1000x128xf32>
    %get3A_10 = arith.constant 0 : index
    %get3A_11 = arith.constant 0 : index
    %get3A_12 = vector.load %arg2[%get3A_10, %get3A_11] : memref<1000x128xf32, #tpu.memory_space<vmem>>, vector<1000x128xf32>
    %add3A_13 = arith.addf %get3A_9, %get3A_12 : vector<1000x128xf32>
    %div3A = vector.broadcast %max3A_6 : vector<1000x1xf32> to vector<1000x128xf32>
    %div3A_14 = arith.divf %add3A_13, %div3A : vector<1000x128xf32>
    %get3A_15 = arith.constant 0 : index
    %get3A_16 = arith.constant 0 : index
    %get3A_17 = vector.load %arg6[%get3A_15, %get3A_16] : memref<128x128xf32, #tpu.memory_space<vmem>>, vector<128x128xf32>
    %dot_general3A = arith.constant dense<0.000000e+00> : vector<1000x128xf32>
    %dot_general3A_18 = tpu.matmul %div3A_14, %get3A_17, %dot_general3A {dimension_numbers = #tpu.dot_dimension_numbers<[1], [1], [0], [0], [0, 0, 1, 0], [], []>, transpose_lhs_hint = false} : vector<1000x128xf32>, vector<128x128xf32>, vector<1000x128xf32> -> vector<1000x128xf32>
    %get3A_19 = arith.constant 0 : index
    %get3A_20 = arith.constant 0 : index
    %get3A_21 = vector.load %arg7[%get3A_19, %get3A_20] : memref<8x128xf32, #tpu.memory_space<vmem>>, vector<1x128xf32>
    %add3A_22 = vector.broadcast %get3A_21 : vector<1x128xf32> to vector<1000x128xf32>
    %add3A_23 = arith.addf %dot_general3A_18, %add3A_22 : vector<1000x128xf32>
    %get3A_24 = arith.constant 0 : index
    %get3A_25 = arith.constant 0 : index
    %get3A_26 = vector.load %arg5[%get3A_24, %get3A_25] : memref<1000x128xf32, #tpu.memory_space<vmem>>, vector<1000x128xf32>
    %get3A_27 = arith.constant 0 : index
    %get3A_28 = arith.constant 0 : index
    %get3A_29 = vector.load %arg8[%get3A_27, %get3A_28] : memref<128x128xf32, #tpu.memory_space<vmem>>, vector<128x128xf32>
    %dot_general3A_30 = arith.constant dense<0.000000e+00> : vector<1000x128xf32>
    %dot_general3A_31 = tpu.matmul %get3A_26, %get3A_29, %dot_general3A_30 {dimension_numbers = #tpu.dot_dimension_numbers<[1], [1], [0], [0], [0, 0, 1, 0], [], []>, transpose_lhs_hint = false} : vector<1000x128xf32>, vector<128x128xf32>, vector<1000x128xf32> -> vector<1000x128xf32>
    %add3A_32 = arith.addf %add3A_23, %dot_general3A_31 : vector<1000x128xf32>
    %jit3A_33 = arith.constant 0.00999999977 : f32
    %ge3A = arith.constant 0.000000e+00 : f32
    %ge3A_34 = vector.broadcast %ge3A : f32 to vector<1000x128xf32>
    %ge3A_35 = arith.cmpf oge, %add3A_32, %ge3A_34 : vector<1000x128xf32>
    %mul3A = vector.broadcast %jit3A_33 : f32 to vector<1000x128xf32>
    %mul3A_36 = arith.mulf %mul3A, %add3A_32 : vector<1000x128xf32>
    %select_n3A = arith.select %ge3A_35, %add3A_32, %mul3A_36 : vector<1000x128xi1>, vector<1000x128xf32>
    %get3A_37 = arith.constant 0 : index
    %get3A_38 = arith.constant 0 : index
    %get3A_39 = vector.load %arg9[%get3A_37, %get3A_38] : memref<128x128xf32, #tpu.memory_space<vmem>>, vector<128x128xf32>
    %dot_general3A_40 = arith.constant dense<0.000000e+00> : vector<1000x128xf32>
    %dot_general3A_41 = tpu.matmul %select_n3A, %get3A_39, %dot_general3A_40 {dimension_numbers = #tpu.dot_dimension_numbers<[1], [1], [0], [0], [0, 0, 1, 0], [], []>, transpose_lhs_hint = false} : vector<1000x128xf32>, vector<128x128xf32>, vector<1000x128xf32> -> vector<1000x128xf32>
    %get3A_42 = arith.constant 0 : index
    %get3A_43 = arith.constant 0 : index
    %get3A_44 = vector.load %arg10[%get3A_42, %get3A_43] : memref<8x128xf32, #tpu.memory_space<vmem>>, vector<1x128xf32>
    %add3A_45 = vector.broadcast %get3A_44 : vector<1x128xf32> to vector<1000x128xf32>
    %add3A_46 = arith.addf %dot_general3A_41, %add3A_45 : vector<1000x128xf32>
    %swap3A = arith.constant 0 : index
    %swap3A_47 = arith.constant 0 : index
    %swap3A_48 = vector.load %arg11[%swap3A, %swap3A_47] : memref<1000x128xf32, #tpu.memory_space<vmem>>, vector<1000x128xf32>
    tpu.vector_store %arg11[%swap3A, %swap3A_47], %add3A_46 {strides = array<i32>} : memref<1000x128xf32, #tpu.memory_space<vmem>>, vector<1000x128xf32>,
    return
  }
  func.func @transform_0(%arg0: i32) -> (i32, i32) {
    %c0_i32 = arith.constant 0 : i32
    %c0_i32_0 = arith.constant 0 : i32
    return %arg0, %c0_i32 : i32, i32
  }
  func.func @transform_1(%arg0: i32) -> (i32, i32) {
    %c0_i32 = arith.constant 0 : i32
    %c0_i32_0 = arith.constant 0 : i32
    return %arg0, %c0_i32 : i32, i32
  }
  func.func @transform_2(%arg0: i32) -> (i32, i32) {
    %c0_i32 = arith.constant 0 : i32
    %c0_i32_0 = arith.constant 0 : i32
    return %arg0, %c0_i32 : i32, i32
  }
  func.func @transform_3(%arg0: i32) -> (i32, i32) {
    %c0_i32 = arith.constant 0 : i32
    %c0_i32_0 = arith.constant 0 : i32
    return %arg0, %c0_i32 : i32, i32
  }
  func.func @transform_4(%arg0: i32) -> (i32, i32) {
    %c0_i32 = arith.constant 0 : i32
    %c0_i32_0 = arith.constant 0 : i32
    return %arg0, %c0_i32 : i32, i32
  }
  func.func @transform_5(%arg0: i32) -> (i32, i32) {
    %c0_i32 = arith.constant 0 : i32
    %c0_i32_0 = arith.constant 0 : i32
    %c0_i32_1 = arith.constant 0 : i32
    return %c0_i32, %c0_i32_0 : i32, i32
  }
  func.func @transform_6(%arg0: i32) -> (i32, i32) {
    %c0_i32 = arith.constant 0 : i32
    %c0_i32_0 = arith.constant 0 : i32
    %c0_i32_1 = arith.constant 0 : i32
    return %c0_i32, %c0_i32_0 : i32, i32
  }
  func.func @transform_7(%arg0: i32) -> (i32, i32) {
    %c0_i32 = arith.constant 0 : i32
    %c0_i32_0 = arith.constant 0 : i32
    %c0_i32_1 = arith.constant 0 : i32
    return %c0_i32, %c0_i32_0 : i32, i32
  }
  func.func @transform_8(%arg0: i32) -> (i32, i32) {
    %c0_i32 = arith.constant 0 : i32
    %c0_i32_0 = arith.constant 0 : i32
    %c0_i32_1 = arith.constant 0 : i32
    return %c0_i32, %c0_i32_0 : i32, i32
  }
  func.func @transform_9(%arg0: i32) -> (i32, i32) {
    %c0_i32 = arith.constant 0 : i32
    %c0_i32_0 = arith.constant 0 : i32
    %c0_i32_1 = arith.constant 0 : i32
    return %c0_i32, %c0_i32_0 : i32, i32
  }
  func.func @transform_10(%arg0: i32) -> (i32, i32) {
    %c0_i32 = arith.constant 0 : i32
    %c0_i32_0 = arith.constant 0 : i32
    return %arg0, %c0_i32 : i32, i32
  }
}

module attributes {stable_mosaic.version = 14 : i64} {
  func.func @_tc_bn_body(%arg0: i32, %arg1: memref<1000x128xf32, #tpu.memory_space<vmem>>, %arg2: memref<8x128xf32, #tpu.memory_space<vmem>>, %arg3: memref<8x128xf32, #tpu.memory_space<vmem>>, %arg4: memref<8x128xf32, #tpu.memory_space<vmem>>, %arg5: memref<8x128xf32, #tpu.memory_space<vmem>>, %arg6: memref<1000x128xf32, #tpu.memory_space<vmem>>) attributes {dimension_semantics = [#tpu.dimension_semantics<arbitrary>], iteration_bounds = array<i64: 10>, scalar_prefetch = 0 : i64, scratch_operands = 0 : i64, tpu.core_type = #tpu.core_type<tc>, window_params = [{transform_indices = @transform_0, window_bounds = array<i64: 1000, 128>}, {pipeline_mode = #tpu.pipeline_mode<synchronous>, transform_indices = @transform_1, window_bounds = array<i64: 8, 128>}, {pipeline_mode = #tpu.pipeline_mode<synchronous>, transform_indices = @transform_2, window_bounds = array<i64: 8, 128>}, {pipeline_mode = #tpu.pipeline_mode<synchronous>, transform_indices = @transform_3, window_bounds = array<i64: 8, 128>}, {pipeline_mode = #tpu.pipeline_mode<synchronous>, transform_indices = @transform_4, window_bounds = array<i64: 8, 128>}, {transform_indices = @transform_5, window_bounds = array<i64: 1000, 128>}]} {
    %get3A = arith.constant 0 : index
    %get3A_0 = arith.constant 0 : index
    %get3A_1 = vector.load %arg2[%get3A, %get3A_0] : memref<8x128xf32, #tpu.memory_space<vmem>>, vector<1x128xf32>
    %mul3A = arith.constant 9.99999974E-5 : f32
    %mul3A_2 = vector.broadcast %mul3A : f32 to vector<1x128xf32>
    %mul3A_3 = arith.mulf %get3A_1, %mul3A_2 : vector<1x128xf32>
    %get3A_4 = arith.constant 0 : index
    %get3A_5 = arith.constant 0 : index
    %get3A_6 = vector.load %arg3[%get3A_4, %get3A_5] : memref<8x128xf32, #tpu.memory_space<vmem>>, vector<1x128xf32>
    %mul3A_7 = arith.constant 9.99999974E-5 : f32
    %mul3A_8 = vector.broadcast %mul3A_7 : f32 to vector<1x128xf32>
    %mul3A_9 = arith.mulf %get3A_6, %mul3A_8 : vector<1x128xf32>
    %mul3A_10 = arith.mulf %mul3A_3, %mul3A_3 : vector<1x128xf32>
    %sub3A = arith.subf %mul3A_9, %mul3A_10 : vector<1x128xf32>
    %get3A_11 = arith.constant 0 : index
    %get3A_12 = arith.constant 0 : index
    %get3A_13 = vector.load %arg4[%get3A_11, %get3A_12] : memref<8x128xf32, #tpu.memory_space<vmem>>, vector<1x128xf32>
    %add3A = arith.constant 9.99999974E-6 : f32
    %add3A_14 = vector.broadcast %add3A : f32 to vector<1x128xf32>
    %add3A_15 = arith.addf %sub3A, %add3A_14 : vector<1x128xf32>
    %rsqrt3A = math.rsqrt %add3A_15 : vector<1x128xf32>
    %mul3A_16 = arith.mulf %get3A_13, %rsqrt3A : vector<1x128xf32>
    %get3A_17 = arith.constant 0 : index
    %get3A_18 = arith.constant 0 : index
    %get3A_19 = vector.load %arg1[%get3A_17, %get3A_18] : memref<1000x128xf32, #tpu.memory_space<vmem>>, vector<1000x128xf32>
    %sub3A_20 = vector.broadcast %mul3A_3 : vector<1x128xf32> to vector<1000x128xf32>
    %sub3A_21 = arith.subf %get3A_19, %sub3A_20 : vector<1000x128xf32>
    %mul3A_22 = vector.broadcast %mul3A_16 : vector<1x128xf32> to vector<1000x128xf32>
    %mul3A_23 = arith.mulf %sub3A_21, %mul3A_22 : vector<1000x128xf32>
    %get3A_24 = arith.constant 0 : index
    %get3A_25 = arith.constant 0 : index
    %get3A_26 = vector.load %arg5[%get3A_24, %get3A_25] : memref<8x128xf32, #tpu.memory_space<vmem>>, vector<1x128xf32>
    %add3A_27 = vector.broadcast %get3A_26 : vector<1x128xf32> to vector<1000x128xf32>
    %add3A_28 = arith.addf %mul3A_23, %add3A_27 : vector<1000x128xf32>
    %swap3A = arith.constant 0 : index
    %swap3A_29 = arith.constant 0 : index
    %swap3A_30 = vector.load %arg6[%swap3A, %swap3A_29] : memref<1000x128xf32, #tpu.memory_space<vmem>>, vector<1000x128xf32>
    tpu.vector_store %arg6[%swap3A, %swap3A_29], %add3A_28 {strides = array<i32>} : memref<1000x128xf32, #tpu.memory_space<vmem>>, vector<1000x128xf32>,
    return
  }
  func.func @transform_0(%arg0: i32) -> (i32, i32) {
    %c0_i32 = arith.constant 0 : i32
    %c0_i32_0 = arith.constant 0 : i32
    return %arg0, %c0_i32 : i32, i32
  }
  func.func @transform_1(%arg0: i32) -> (i32, i32) {
    %c0_i32 = arith.constant 0 : i32
    %c0_i32_0 = arith.constant 0 : i32
    %c0_i32_1 = arith.constant 0 : i32
    return %c0_i32, %c0_i32_0 : i32, i32
  }
  func.func @transform_2(%arg0: i32) -> (i32, i32) {
    %c0_i32 = arith.constant 0 : i32
    %c0_i32_0 = arith.constant 0 : i32
    %c0_i32_1 = arith.constant 0 : i32
    return %c0_i32, %c0_i32_0 : i32, i32
  }
  func.func @transform_3(%arg0: i32) -> (i32, i32) {
    %c0_i32 = arith.constant 0 : i32
    %c0_i32_0 = arith.constant 0 : i32
    %c0_i32_1 = arith.constant 0 : i32
    return %c0_i32, %c0_i32_0 : i32, i32
  }
  func.func @transform_4(%arg0: i32) -> (i32, i32) {
    %c0_i32 = arith.constant 0 : i32
    %c0_i32_0 = arith.constant 0 : i32
    %c0_i32_1 = arith.constant 0 : i32
    return %c0_i32, %c0_i32_0 : i32, i32
  }
  func.func @transform_5(%arg0: i32) -> (i32, i32) {
    %c0_i32 = arith.constant 0 : i32
    %c0_i32_0 = arith.constant 0 : i32
    return %arg0, %c0_i32 : i32, i32
  }
}

</mosaic_0001>

<sc_bundles>
// kernel: kernel.11.cloned.1.call-start
scs
__scs_entry_jumppad:
0x0: {  	(pc) =	sbr.rel $0x88, $3  }
0x1: {  	(tag) =	ssettag $0x0;
	lr =	simm.s32 $0x1  }
0x2: {  	[smem:$0x3F90] =	sst lr;
	_ =	strace $0xD0000000  }
0x3: {  	_ = 	snop  }
0x4: {  	_ = 	snop  }
0x5: {  	_ = 	snop  }
0x6: {  	_ = 	snop  }
0x7: {  	_ = 	snop  }
__scs_overlays_trampoline_lowered:
0x8: {  	[smem:$0x3F9F] =	sst s0  }
0x9: {  	[smem:$0x3FA0] =	sst s1  }
0xa: {  	[smem:$0x3FA1] =	sst s2  }
0xb: {  	[smem:$0x3FA2] =	sst s3  }
0xc: {  	[smem:$0x3FA3] =	sst s4  }
0xd: {  	[smem:$0x3FA4] =	sst s5  }
0xe: {  	[smem:$0x3FA5] =	sst s6  }
0xf: {  	[smem:$0x3FA6] =	sst s7  }
0x10: {  	[smem:$0x3FA7] =	sst s8  }
0x11: {  	[smem:$0x3FA8] =	sst s9;
	s0 =	simm.s32 @!p0 $0x0  }
0x12: {  	s1 =	sld [smem:$0x3F8E];
	s0 =	simm.s32 @p0 $0x1  }
0x13: {  	[smem:$0x3FA9] =	sst s0;
	s0 =	simm.s32 @!p1 $0x0  }
0x14: {  	s2 =	sld [smem:$0x3F8D];
	s0 =	simm.s32 @p1 $0x1  }
0x15: {  	[smem:$0x3FAA] =	sst s0;
	s0 =	simm.s32 @!p2 $0x0  }
0x16: {  	s3 =	sld [smem:$0x3FDB];
	s0 =	simm.s32 @p2 $0x1  }
0x17: {  	s4 =	simm.s32 $0x1BF5;
	[smem:$0x3FAC] =	sst s0  }
0x18: {  	s0 =	sld [smem:$0x3F8F];
	_ =	swait.ge [sflag:s4], $0x0  }
0x19: {  	s7 =	sld [smem:$0x3F90]  }
0x1a: {  	s8 =	sadd.s32 $0xFFFFE003, lr  }
0x1b: {  	s9 =	sadd.s32 $0xFFFFFEF7, lr;
	s5 =	simm.s32 $0xFFFFFFFF;
	p2 =	slt.u32 s8, $0xFFFFF086  }
0x1c: {  	p1 =	slt.u32 s9, $0xF7A;
	s5 =	simm.s32 @!p2 $0x0  }
0x1d: {  	s5 =	simm.s32 @p1 $0x1;
	p0 =	seq.s32 s7, s2  }
0x1e: {  	s7 =	smul.u32 @!p0 $0xF7A, s2;
	p2 =	seq.s32 @!p0 s5, $0x0  }
0x1f: {  	s9 =	smul.u32 $0xF7A, s1;
	s8 =	simm.s32 @!p0 $0x1BF5;
	p2 =	por !p2, p0  }
0x20: {  	[sflag:s8] =	ssyncset.s32 @!p0 $0xFFFFF086;
	s6 =	sadd.s32 @!p0 s3, s7;
	s7 =	simm.s32 @!p0 $0x108  }
0x21: {  	s3 =	sadd.s32 s3, s9;
	s6 =	sadd.s32 @!p0 $0x88, s6;
	s7 =	simm.s32 @p2 $0x1082  }
0x22: {  	[simem:s7], [sflag:s8] =	dma.local @!p0 [hbm:s6], $0xF7A  }
0x23: {  	s9 =	sor.u32 $0xD0000000, s2;
	s6 =	simm.s32 $0x108;
	_ =	swait.ge @!p0 [sflag:s8], $0x0  }
0x24: {  	s3 =	sadd.s32 $0x88, s3;
	s6 =	simm.s32 @!p1 $0x1082;
	[sflag:s4] =	ssyncset.s32 $0xFFFFF086  }
0x25: {  	[simem:s6], [sflag:s4] =	dma.local [hbm:s3], $0xF7A  }
0x26: {  	[smem:$0x3F90] =	sst s1;
	(tag) =	ssettag s2;
	_ =	strace s9  }
0x27: {  	s1 =	sld [smem:$0x3FA0]  }
0x28: {  	s2 =	sld [smem:$0x3FA1]  }
0x29: {  	s4 =	sld [smem:$0x3FA3]  }
0x2a: {  	p0 =	seq.s32 s5, $0x0;
	s5 =	sld [smem:$0x3FA4]  }
0x2b: {  	s6 =	sld [smem:$0x3FA5]  }
0x2c: {  	s7 =	sld [smem:$0x3FA6]  }
0x2d: {  	s3 =	simm.s32 $0x108;
	s8 =	sld [smem:$0x3FA7]  }
0x2e: {  	s3 =	simm.s32 @!p0 $0x1082;
	s9 =	sld [smem:$0x3FA8]  }
0x2f: {  	lr =	sadd.s32 s0, s3;
	s0 =	sld [smem:$0x3F9F]  }
0x30: {  	s3 =	sld [smem:$0x3FA2]  }
0x31: {  	[smem:$0x3FAB] =	sst s10  }
0x32: {  	s10 =	sld [smem:$0x3FA9];
	_ =	sdelay $0x3  }
0x33: {  	p0 =	seq.s32 s10, $0x1;
	s10 =	sld [smem:$0x3FAB];
	_ =	sdelay $0x3  }
0x34: {  	[smem:$0x3FAB] =	sst s10  }
0x35: {  	s10 =	sld [smem:$0x3FAA];
	_ =	sdelay $0x3  }
0x36: {  	p1 =	seq.s32 s10, $0x1;
	s10 =	sld [smem:$0x3FAB];
	_ =	sdelay $0x3  }
0x37: {  	[smem:$0x3FAB] =	sst s10  }
0x38: {  	s10 =	sld [smem:$0x3FAC]  }
0x39: {  	_ = 	snop;
	(pc) =	sbr.ind lr, $3  }
0x3a: {  	_ = 	snop  }
0x3b: {  	_ = 	snop  }
0x3c: {  	p2 =	seq.s32 s10, $0x1;
	s10 =	sld [smem:$0x3FAB]  }
0x3d: {  	_ =	shalt  }
0x3e: {  	_ =	shalt  }
0x3f: {  	_ =	shalt  }
0x40: {  	_ =	shalt  }
0x41: {  	_ =	shalt  }
0x42: {  	_ =	shalt  }
0x43: {  	_ =	shalt  }
0x44: {  	_ =	shalt  }
0x45: {  	_ =	shalt  }
0x46: {  	_ =	shalt  }
0x47: {  	_ =	shalt  }
0x48: {  	_ =	shalt  }
0x49: {  	_ =	shalt  }
0x4a: {  	_ =	shalt  }
0x4b: {  	_ =	shalt  }
0x4c: {  	_ =	shalt  }
0x4d: {  	_ =	shalt  }
0x4e: {  	_ =	shalt  }
0x4f: {  	_ =	shalt  }
0x50: {  	_ =	shalt  }
0x51: {  	_ =	shalt  }
0x52: {  	_ =	shalt  }
0x53: {  	_ =	shalt  }
0x54: {  	_ =	shalt  }
0x55: {  	_ =	shalt  }
0x56: {  	_ =	shalt  }
0x57: {  	_ =	shalt  }
0x58: {  	_ =	shalt  }
0x59: {  	_ =	shalt  }
0x5a: {  	_ =	shalt  }
0x5b: {  	_ =	shalt  }
0x5c: {  	_ =	shalt  }
0x5d: {  	_ =	shalt  }
0x5e: {  	_ =	shalt  }
0x5f: {  	_ =	shalt  }
0x60: {  	_ =	shalt  }
0x61: {  	_ =	shalt  }
0x62: {  	_ =	shalt  }
0x63: {  	_ =	shalt  }
0x64: {  	_ =	shalt  }
0x65: {  	_ =	shalt  }
0x66: {  	_ =	shalt  }
0x67: {  	_ =	shalt  }
0x68: {  	_ =	shalt  }
0x69: {  	_ =	shalt  }
0x6a: {  	_ =	shalt  }
0x6b: {  	_ =	shalt  }
0x6c: {  	_ =	shalt  }
0x6d: {  	_ =	shalt  }
0x6e: {  	_ =	shalt  }
0x6f: {  	_ =	shalt  }
0x70: {  	_ =	shalt  }
0x71: {  	_ =	shalt  }
0x72: {  	_ =	shalt  }
0x73: {  	_ =	shalt  }
0x74: {  	_ =	shalt  }
0x75: {  	_ =	shalt  }
0x76: {  	_ =	shalt  }
0x77: {  	_ =	shalt  }
0x78: {  	_ =	shalt  }
0x79: {  	_ =	shalt  }
0x7a: {  	_ =	shalt  }
0x7b: {  	_ =	shalt  }
0x7c: {  	_ =	shalt  }
0x7d: {  	_ =	shalt  }
0x7e: {  	_ =	shalt  }
0x7f: {  	_ =	shalt  }
0x80: {  	_ =	shalt  }
0x81: {  	_ =	shalt  }
0x82: {  	_ =	shalt  }
0x83: {  	_ =	shalt  }
0x84: {  	_ =	shalt  }
0x85: {  	_ =	shalt  }
0x86: {  	_ =	shalt  }
0x87: {  	_ =	shalt  }
.Lfunc_end0:
.L_simem_size_0:
called_computation_lowered:
.L_overlay_start_0:
0x88: {  	s2 =	sld [smem:$0x3FD9]  }
0x89: {  	s3 =	sld [smem:$0x3FFE];
	_ =	sdelay $0x1  }
0x8a: {  	s1 =	srdreg.scid  }
0x8b: {  	s0 =	sand.u32 $0x1, s1  }
0x8c: {  	s17 =	sshll.u32 s0, $0xA;
	s2 =	sadd.s32 s3, s2  }
0x8d: {  	s2 =	sadd.s32 s2, s17  }
0x8e: {  	[smem:$0x3FB7] =	sst s2  }
0x8f: {  	_ = 	snop  }
0x90: {  	(tm) =	ssettm $0x1  }
0x91: {  	s18 =	sld [smem:$0x3FFB];
	_ =	sdelay $0x3  }
0x92: {  	_ =	strace s18  }
0x93: {  	s2 =	sld [smem:$0x3FFC];
	_ =	sdelay $0x3  }
0x94: {  	_ =	strace s2  }
0x95: {  	s2 =	sld [smem:$0x3FFD];
	_ =	sdelay $0x3  }
0x96: {  	_ =	strace s2  }
0x97: {  	_ =	strace $0x8FFFFFFF  }
0x98: {  	s19 =	sld [smem:$0x3FDB];
	_ =	sdelay $0x1  }
0x99: {  	s20 =	simm.s32 $_scs_section_size  }
0x9a: {  	s4 =	simm.s32 $_size__tile_overlayer_lowered;
	s5 =	simm.s32 $_tile_overlayer_lowered  }
0x9b: {  	s6 =	simm.s32 $0x1BFF;
	s21 =	sshll.u32 s5, $0x1;
	s3 =	sadd.s32 s20, s19  }
0x9c: {  	s22 =	simm.s32 $0x0;
	s4 =	sshll.u32 s4, $0x1;
	s5 =	sadd.s32 s21, s3  }
0x9d: {  	[timem:s22], [sflag:s6] =	dma.local [hbm:s5], s4  }
0x9e: {  	_ =	swait.ge [sflag:s6], s4  }
0x9f: {  	s4 =	ssub.s32 $0x0, s4;
	[sflag:s6] =	ssyncset.done $0x0  }
0xa0: {  	[sflag:s6] =	ssyncadd.s32 s4;
	_ =	sdelay $0x1  }
0xa1: {  	s23 =	simm.s32 $0x1B8B  }
0xa2: {  	_ =	swait.ge [sflag:s23], $0x1  }
0xa3: {  	[sflag:s23] =	ssyncset.done $0x0  }
0xa4: {  	[sflag:s23] =	ssyncadd.s32 $0xFFFFFFFF  }
0xa5: {  	s4 =	sld [smem:$0x0]  }
0xa6: {  	s5 =	sand.u32 $0xFFFFFFFE, s1  }
0xa7: {  	p0 =	sne.s32 s1, s5  }
0xa8: {  	s5 =	sshll.u32 @p0 s5, $0xE  }
0xa9: {  	s5 =	sadd.s32 @p0 $0x11B8D, s5;
	s6 =	sshll.u32 @p0 s4, $0x11  }
0xaa: {  	s5 =	sor.u32 @p0 s6, s5  }
0xab: {  	[sflag:s5] =	ssyncadd.remote.s32 @p0 $0x1;
	_ =	sdelay $0x1  }
0xac: {  	s5 =	simm.s32 @p0 $0x1B8D  }
0xad: {  	_ =	swait.eq @p0 [sflag:s5], $0x1  }
0xae: {  	[sflag:s5] =	ssyncadd.s32 @p0 $0xFFFFFFFF  }
0xaf: {  	s6 =	sshll.u32 @!p0 s1, $0xE  }
0xb0: {  	s6 =	sor.u32 @!p0 $0x4000, s6;
	s5 =	simm.s32 @!p0 $0x1B8D  }
0xb1: {  	s4 =	sshll.u32 @!p0 s4, $0x11;
	s6 =	sadd.s32 @!p0 $0x11B8D, s6;
	_ =	swait.eq @!p0 [sflag:s5], $0x1  }
0xb2: {  	s4 =	sor.u32 @!p0 s4, s6;
	[sflag:s5] =	ssyncadd.s32 @!p0 $0xFFFFFFFF  }
0xb3: {  	s25 =	simm.s32 $0x1B8E;
	s24 =	sld [smem:$0x3FFE];
	[sflag:s4] =	ssyncadd.remote.s32 @!p0 $0x1  }
0xb4: {  	s26 =	simm.s32 $execute0_lowered;
	[smem:$0x3FD2] =	sst s25  }
0xb5: {  	s5 =	sshll.u32 s26, $0x1;
	_ =	strace $0x80000049;
	[dreg:$0x1] =	wrdreg $0xFFFFFFFF  }
0xb6: {  	s28 =	simm.s32 $_size_execute0_lowered;
	s3 =	sadd.s32 s3, s5;
	[dreg:$0x0] =	wrdreg $0x0  }
0xb7: {  	s5 =	sshll.u32 s28, $0x1;
	[dreg:$0x2] =	wrdreg s3  }
0xb8: {  	[dreg:$0x3] =	wrdreg s5  }
0xb9: {  	[dreg:$0x4] =	wrdreg $0xC0  }
0xba: {  	_ =	task [dreg:s22], $0x5FFFF  }
0xbb: {  	[dreg:$0x1] =	wrdreg $0xFFFFFFFF  }
0xbc: {  	[dreg:$0x0] =	wrdreg $0x60  }
0xbd: {  	[dreg:$0x2] =	wrdreg s24  }
0xbe: {  	[dreg:$0x3] =	wrdreg $0x80800  }
0xbf: {  	[dreg:$0x4] =	wrdreg $0x9  }
0xc0: {  	_ =	task.clear_ibuf [dreg:s22], $0x5FFFF;
	_ =	strace $0x90000049  }
0xc1: {  	s29 =	simm.s32 $0x9;
	_ =	strace $0x8000004B  }
0xc2: {  	_ =	swait.ge [sflag:s29], $0x1  }
0xc3: {  	[sflag:s29] =	ssyncadd.s32 $0xFFFFFFFF  }
0xc4: {  	_ =	strace $0x9000004B  }
0xc5: {  	_ =	sfence  }
0xc6: {  	s30 =	sld [smem:$0x0];
	_ =	sdelay $0x2  }
0xc7: {  	s31 =	sshll.u32 s1, $0xD;
	s1 =	sshrl.u32 s1, $0x2  }
0xc8: {  	s4 =	sand.u32 $0x4000, s31;
	s1 =	sadd.s32 s1, s30  }
0xc9: {  	s0 =	sor.u32 s4, s0;
	s1 =	sshll.u32 s1, $0x11  }
0xca: {  	s0 =	sor.u32 s1, s0  }
0xcb: {  	s0 =	sadd.s32 $0x8F2B, s0  }
0xcc: {  	[sflag:s0] =	ssyncadd.remote.s32 $0x1  }
0xcd: {  	_ =	sfence.sel $0xFFFF  }
0xce: {  	[dreg:$0x0] =	wrdreg $0xFFFFFFFF;
	(pc) =	sbr.abs _section_cstart, $3  }
0xcf: {  	[dreg:$0x1] =	wrdreg $0xFFFFFFFF  }
0xd0: {  	_ =	task.clear_ibuf [dreg:s22], $0x2FFFF;
	_ =	strace $0x9FFFFFFF  }
0xd1: {  	(tm) =	ssettm $0x7FFFFFFF  }
tec
execute0_lowered:
.L_overlay_start_1:
0x0: {  	(tag) =	ssettag $0x1  }
0x1: {  	s10 =	rddreg [dreg:$0x0]  }
0x2: {  	s2 =	rddreg [dreg:$0x1]  }
0x3: {  	s0 =	rddreg [dreg:$0x2]  }
0x4: {  	s1 =	stileid.u32;
	s4 =	srdreg.scid  }
0x5: {  	s3 =	simm.s32 $0x0;
	s13 =	simm.s32 $0x8F600;
	s31 =	smul.u32 $0x4F000, s1  }
0x6: {  	s17 =	simm.s32 $0x0;
	s7 =	sand.u32 $0x1, s4;
	s5 =	smul.u32 $0xA00, s1  }
0x7: {  	[smem:$0x7FF] =	sst s3;
	s12 =	smul.u32 $0x2780, s1;
	s15 =	sshll.u32 s1, $0x6  }
0x8: {  	s6 =	ssub.s32 $0x2, s7;
	_ =	strace $0x8000004A;
	p0 =	seq.s32 s7, $0x1  }
0x9: {  	s14 =	smul.u32 $0x500, s7;
	s15 =	sor.u32 $0x1C01, s15;
	s8 =	sshrl.u32 s6, $0x1  }
0xa: {  	s4 =	sshrl.u32 s31, $0x2;
	s11 =	sadd.s32 s5, s10;
	s13 =	simm.s32 @!p0 $0x67E00  }
0xb: {  	s6 =	ssub.s32 s6, s8;
	s4 =	sadd.s32 s4, s2;
	s10 =	sadd.s32 s13, s10  }
0xc: {  	s11 =	sadd.s32 s14, s11;
	s13 =	simm.s32 $0x1;
	s14 =	simm.s32 $0x80  }
0xd: {  	s5 =	sadd.s32 $0xFC00, s4;
	s6 =	smax.u32 s6, $0x1;
	s7 =	sadd.s32 $0x4000, s4  }
0xe: {  	s8 =	sadd.s32 $0x8000, s4;
	s9 =	sadd.s32 $0xC000, s4;
	s10 =	sadd.s32 s10, s12  }
0xf: {  	v0 =	vimm.f32 $1.000000000e+00;
	v1 =	vimm.f32 $0.0e+00;
	s11 =	sadd.s32 $0x4E00, s11;
	s12 =	simm.s32 $0x4080;
	s16 =	sshrl.u32 s4, $0x3  }
.LBB2_1:
0x10: {  	s18 =	simm.s32 $0x0;
	s19 =	simm.s32 $0x200  }
.LBB2_2:
0x11: {  	p0 =	sne.s32 s19, $0xFE00;
	[tilespmem:s18+$0xF0] =	vst v0  }
0x12: {  	[tilespmem:s18+$0x80] =	vst v0  }
0x13: {  	[tilespmem:s18+$0x90] =	vst v0  }
.Ltmp0:
0x14: {  	[tilespmem:s18+$0xA0] =	vst v0;
	(pc) =	sbr.rel @p0 .LBB2_2-.Ltmp0, $4  }
0x15: {  	[tilespmem:s18+$0xB0] =	vst v0  }
0x16: {  	[tilespmem:s18+$0xC0] =	vst v0  }
0x17: {  	[tilespmem:s18+$0xD0] =	vst v0  }
0x18: {  	[tilespmem:s18+$0xE0] =	vst v0;
	s18 =	sshra.s32 s19, $0x2;
	s19 =	sadd.s32 $0x200, s19  }
0x19: {  	[tilespmem:s18+$0xF0] =	vst v0  }
0x1a: {  	[tilespmem:s18+$0x80] =	vst v0  }
0x1b: {  	[tilespmem:s18+$0x90] =	vst v0  }
0x1c: {  	[tilespmem:s18+$0xA0] =	vst v0  }
0x1d: {  	[tilespmem:s18+$0xB0] =	vst v0  }
0x1e: {  	[tilespmem:s18+$0xC0] =	vst v0  }
0x1f: {  	[tilespmem:s18+$0xD0] =	vst v0  }
0x20: {  	[tilespmem:s18+$0xE0] =	vst v0;
	s18 =	simm.s32 $0x0;
	s19 =	simm.s32 $0x200  }
.LBB2_4:
0x21: {  	p0 =	sne.s32 s19, $0xFE00;
	[tilespmem:s18+$0x40F0] =	vst v1  }
0x22: {  	[tilespmem:s18+$0x4080] =	vst v1  }
0x23: {  	[tilespmem:s18+$0x4090] =	vst v1  }
.Ltmp1:
0x24: {  	[tilespmem:s18+$0x40A0] =	vst v1;
	(pc) =	sbr.rel @p0 .LBB2_4-.Ltmp1, $4  }
0x25: {  	[tilespmem:s18+$0x40B0] =	vst v1  }
0x26: {  	[tilespmem:s18+$0x40C0] =	vst v1  }
0x27: {  	[tilespmem:s18+$0x40D0] =	vst v1  }
0x28: {  	[tilespmem:s18+$0x40E0] =	vst v1;
	s18 =	sshra.s32 s19, $0x2;
	s19 =	sadd.s32 $0x200, s19  }
0x29: {  	[tilespmem:s18+$0x40F0] =	vst v1  }
0x2a: {  	[tilespmem:s18+$0x4080] =	vst v1  }
0x2b: {  	[tilespmem:s18+$0x4090] =	vst v1  }
0x2c: {  	[tilespmem:s18+$0x40A0] =	vst v1  }
0x2d: {  	[tilespmem:s18+$0x40B0] =	vst v1  }
0x2e: {  	[tilespmem:s18+$0x40C0] =	vst v1  }
0x2f: {  	[tilespmem:s18+$0x40D0] =	vst v1  }
0x30: {  	[tilespmem:s18+$0x40E0] =	vst v1  }
0x31: {  	[spmem:s4] =	stream.linear.scatter [tilespmem:s12], [sflag:$0x1], $0x4000, $0x38;
	[tilespmem:$0x1BC80] =	vst v63  }
0x32: {  	_ =	swait.ge [sflag:s13], $0x4000  }
0x33: {  	[sflag:s13] =	ssyncset.done $0x0  }
0x34: {  	[sflag:s13] =	ssyncadd.s32 $0xFFFFC000  }
0x35: {  	[spmem:s7] =	stream.linear.scatter [tilespmem:s12], [sflag:$0x1], $0x4000, $0x38;
	[tilespmem:$0x1BC80] =	vst v63  }
0x36: {  	_ =	swait.ge [sflag:s13], $0x4000  }
0x37: {  	[sflag:s13] =	ssyncset.done $0x0  }
0x38: {  	[sflag:s13] =	ssyncadd.s32 $0xFFFFC000  }
0x39: {  	[spmem:s8] =	stream.linear.scatter [tilespmem:s12], [sflag:$0x1], $0x4000, $0x38;
	[tilespmem:$0x1BC80] =	vst v63  }
0x3a: {  	_ =	swait.ge [sflag:s13], $0x4000  }
0x3b: {  	[sflag:s13] =	ssyncset.done $0x0  }
0x3c: {  	[sflag:s13] =	ssyncadd.s32 $0xFFFFC000  }
0x3d: {  	[spmem:s9] =	stream.linear.scatter [tilespmem:s12], [sflag:$0x1], $0x4000, $0x38;
	[tilespmem:$0x1BC80] =	vst v63  }
0x3e: {  	_ =	swait.ge [sflag:s13], $0x4000  }
0x3f: {  	[sflag:s13] =	ssyncset.done $0x0  }
0x40: {  	[sflag:s13] =	ssyncadd.s32 $0xFFFFC000  }
0x41: {  	[spmem:s5] =	stream.linear.scatter [tilespmem:s12], [sflag:$0x1], $0x4000, $0x38;
	[tilespmem:$0x1BC80] =	vst v63  }
0x42: {  	_ =	swait.ge [sflag:s13], $0x4000  }
0x43: {  	[sflag:s13] =	ssyncset.done $0x0  }
0x44: {  	[sflag:s13] =	ssyncadd.s32 $0xFFFFC000  }
0x45: {  	s31 =	sadd.s32 $0x0, s11;
	[bflag:$0x0] =	sbarrier.arrive $0xFFFF  }
0x46: {  	[tilespmem:s3], [sflag:$0x1] =	stream.linear.gather [hbm4b:s31+s3], $0x80, $0x38;
	[tilespmem:$0x1BC80] =	vst v63  }
0x47: {  	_ =	swait.ge [sflag:s13], $0x80  }
0x48: {  	[sflag:s13] =	ssyncset.done $0x0  }
0x49: {  	[sflag:s13] =	ssyncadd.s32 $0xFFFFFF80  }
0x4a: {  	[spmem:s2] =	stream.indirect.scatter.add.f32 [tilespmem:s14], [sflag:$0x1], $0x80, s3, s14, $0xb8;
	[tilespmem:$0x1BC80] =	vst v63  }
0x4b: {  	_ =	swait.ge [sflag:s13], $0x4000  }
0x4c: {  	s18 =	simm.s32 $0x10;
	s19 =	simm.s32 $0x20;
	[sflag:s13] =	ssyncset.done $0x0  }
.LBB2_6:
0x4d: {  	s20 =	sadd.s32 s18, s11  }
0x4e: {  	[sflag:s13] =	ssyncadd.s32 $0xFFFFC000;
	s18 =	smov.u32 s19;
	s21 =	sadd.s32 $0x10, s19  }
0x4f: {  	[tilespmem:s3], [sflag:$0x1] =	stream.linear.gather [hbm4b:s20+s3], $0x80, $0x38;
	[tilespmem:$0x1BC80] =	vst v63  }
0x50: {  	p0 =	sne.s32 s19, $0x4F0;
	_ =	swait.ge [sflag:s13], $0x80  }
.Ltmp2:
0x51: {  	[sflag:s13] =	ssyncset.done $0x0;
	(pc) =	sbr.rel @p0 .LBB2_6-.Ltmp2, $4  }
0x52: {  	[sflag:s13] =	ssyncadd.s32 $0xFFFFFF80  }
0x53: {  	[spmem:s2] =	stream.indirect.scatter.add.f32 [tilespmem:s14], [sflag:$0x1], $0x80, s3, s14, $0xb8;
	[tilespmem:$0x1BC80] =	vst v63  }
0x54: {  	_ =	swait.ge [sflag:s13], $0x4000  }
0x55: {  	s19 =	smov.u32 s21;
	[sflag:s13] =	ssyncset.done $0x0  }
0x56: {  	s18 =	sadd.s32 s18, s11;
	[sflag:s13] =	ssyncadd.s32 $0xFFFFC000  }
0x57: {  	[tilespmem:s3], [sflag:$0x1] =	stream.linear.gather [hbm4b:s18+s3], $0x80, $0x38;
	[tilespmem:$0x1BC80] =	vst v63  }
0x58: {  	_ =	swait.ge [sflag:s13], $0x80  }
0x59: {  	[sflag:s13] =	ssyncset.done $0x0  }
0x5a: {  	[sflag:s13] =	ssyncadd.s32 $0xFFFFFF80  }
0x5b: {  	[spmem:s2] =	stream.indirect.scatter.add.f32 [tilespmem:s14], [sflag:$0x1], $0x80, s3, s14, $0xb8;
	[tilespmem:$0x1BC80] =	vst v63  }
0x5c: {  	_ =	swait.ge [sflag:s13], $0x4000  }
0x5d: {  	s17 =	sadd.s32 $0x1, s17;
	[sflag:s13] =	ssyncset.done $0x0  }
0x5e: {  	p0 =	sne.s32 s17, s6;
	[sflag:s13] =	ssyncadd.s32 $0xFFFFC000  }
.Ltmp3:
0x5f: {  	[bflag:$0x0] =	sbarrier.arrive $0xFFFF;
	(pc) =	sbr.rel @p0 .LBB2_1-.Ltmp3, $4  }
0x60: {  	[hbm:s10], [sflag:s15] =	dma.local [spmem:s16], $0x2780  }
0x61: {  	_ =	swait.ge [sflag:s13], $0x2780  }
0x62: {  	[sflag:s13] =	ssyncset.done $0x0  }
0x63: {  	[sflag:s13] =	ssyncadd.s32 $0xFFFFD880  }
0x64: {  	_ =	sfence.sel $0x180000  }
0x65: {  	[bflag:$0x0] =	sbarrier.arrive $0xFFFF  }
0x66: {  	p0 =	sne.s32 s1, $0x0;
	_ =	strace $0x9000004A  }
0x67: {  	s0 =	sadd.s32 @!p0 $0x100000, s0;
	[bflag:$0x2] =	sbarrier.arrive $0xFFFF  }
0x68: {  	[sflag:s0] =	ssyncadd.tile.s32 @!p0 $0x1;
	_ =	shalt  }
.Lfunc_end2:
_tile_overlayer_lowered:
.L_overlay_start_2:
0x69: {  	(tag) =	ssettag $0x2  }
0x6a: {  	s0 =	rddreg [dreg:$0x0];
	s2 =	stileid.u32  }
0x6b: {  	s1 =	rddreg [dreg:$0x1];
	p0 =	sne.s32 s2, $0x0  }
0x6c: {  	s3 =	rddreg [dreg:$0x2];
	[bflag:$0x3] =	sbarrier.arrive $0xFFFF;
	s2 =	simm.s32 @!p0 $0x1C01  }
0x6d: {  	[timem:s3], [sflag:s2] =	dma.local @!p0 [hbm:s0], s1  }
0x6e: {  	s0 =	simm.s32 @!p0 $0x1  }
0x6f: {  	_ =	swait.ge @!p0 [sflag:s0], s1  }
0x70: {  	s1 =	ssub.s32 @!p0 $0x0, s1;
	[sflag:s0] =	ssyncset.done @!p0 $0x0  }
0x71: {  	[sflag:s0] =	ssyncadd.s32 @!p0 s1  }
0x72: {  	[bflag:$0x3] =	sbarrier.arrive $0xFFFF  }
0x73: {  	_ =	shalt  }

// kernel: kernel.14.cloned.1.call-start
scs
__scs_entry_jumppad:
0x0: {  	(pc) =	sbr.rel $0x88, $3  }
0x1: {  	(tag) =	ssettag $0x0;
	lr =	simm.s32 $0x1  }
0x2: {  	[smem:$0x3F90] =	sst lr;
	_ =	strace $0xD0000000  }
0x3: {  	_ = 	snop  }
0x4: {  	_ = 	snop  }
0x5: {  	_ = 	snop  }
0x6: {  	_ = 	snop  }
0x7: {  	_ = 	snop  }
__scs_overlays_trampoline_lowered:
0x8: {  	[smem:$0x3F9F] =	sst s0  }
0x9: {  	[smem:$0x3FA0] =	sst s1  }
0xa: {  	[smem:$0x3FA1] =	sst s2  }
0xb: {  	[smem:$0x3FA2] =	sst s3  }
0xc: {  	[smem:$0x3FA3] =	sst s4  }
0xd: {  	[smem:$0x3FA4] =	sst s5  }
0xe: {  	[smem:$0x3FA5] =	sst s6  }
0xf: {  	[smem:$0x3FA6] =	sst s7  }
0x10: {  	[smem:$0x3FA7] =	sst s8  }
0x11: {  	[smem:$0x3FA8] =	sst s9;
	s0 =	simm.s32 @!p0 $0x0  }
0x12: {  	s1 =	sld [smem:$0x3F8E];
	s0 =	simm.s32 @p0 $0x1  }
0x13: {  	[smem:$0x3FA9] =	sst s0;
	s0 =	simm.s32 @!p1 $0x0  }
0x14: {  	s2 =	sld [smem:$0x3F8D];
	s0 =	simm.s32 @p1 $0x1  }
0x15: {  	[smem:$0x3FAA] =	sst s0;
	s0 =	simm.s32 @!p2 $0x0  }
0x16: {  	s3 =	sld [smem:$0x3FDB];
	s0 =	simm.s32 @p2 $0x1  }
0x17: {  	s4 =	simm.s32 $0x1BF5;
	[smem:$0x3FAC] =	sst s0  }
0x18: {  	s0 =	sld [smem:$0x3F8F];
	_ =	swait.ge [sflag:s4], $0x0  }
0x19: {  	s7 =	sld [smem:$0x3F90]  }
0x1a: {  	s8 =	sadd.s32 $0xFFFFE003, lr  }
0x1b: {  	s9 =	sadd.s32 $0xFFFFFEF7, lr;
	s5 =	simm.s32 $0xFFFFFFFF;
	p2 =	slt.u32 s8, $0xFFFFF086  }
0x1c: {  	p1 =	slt.u32 s9, $0xF7A;
	s5 =	simm.s32 @!p2 $0x0  }
0x1d: {  	s5 =	simm.s32 @p1 $0x1;
	p0 =	seq.s32 s7, s2  }
0x1e: {  	s7 =	smul.u32 @!p0 $0xF7A, s2;
	p2 =	seq.s32 @!p0 s5, $0x0  }
0x1f: {  	s9 =	smul.u32 $0xF7A, s1;
	s8 =	simm.s32 @!p0 $0x1BF5;
	p2 =	por !p2, p0  }
0x20: {  	[sflag:s8] =	ssyncset.s32 @!p0 $0xFFFFF086;
	s6 =	sadd.s32 @!p0 s3, s7;
	s7 =	simm.s32 @!p0 $0x108  }
0x21: {  	s3 =	sadd.s32 s3, s9;
	s6 =	sadd.s32 @!p0 $0x88, s6;
	s7 =	simm.s32 @p2 $0x1082  }
0x22: {  	[simem:s7], [sflag:s8] =	dma.local @!p0 [hbm:s6], $0xF7A  }
0x23: {  	s9 =	sor.u32 $0xD0000000, s2;
	s6 =	simm.s32 $0x108;
	_ =	swait.ge @!p0 [sflag:s8], $0x0  }
0x24: {  	s3 =	sadd.s32 $0x88, s3;
	s6 =	simm.s32 @!p1 $0x1082;
	[sflag:s4] =	ssyncset.s32 $0xFFFFF086  }
0x25: {  	[simem:s6], [sflag:s4] =	dma.local [hbm:s3], $0xF7A  }
0x26: {  	[smem:$0x3F90] =	sst s1;
	(tag) =	ssettag s2;
	_ =	strace s9  }
0x27: {  	s1 =	sld [smem:$0x3FA0]  }
0x28: {  	s2 =	sld [smem:$0x3FA1]  }
0x29: {  	s4 =	sld [smem:$0x3FA3]  }
0x2a: {  	p0 =	seq.s32 s5, $0x0;
	s5 =	sld [smem:$0x3FA4]  }
0x2b: {  	s6 =	sld [smem:$0x3FA5]  }
0x2c: {  	s7 =	sld [smem:$0x3FA6]  }
0x2d: {  	s3 =	simm.s32 $0x108;
	s8 =	sld [smem:$0x3FA7]  }
0x2e: {  	s3 =	simm.s32 @!p0 $0x1082;
	s9 =	sld [smem:$0x3FA8]  }
0x2f: {  	lr =	sadd.s32 s0, s3;
	s0 =	sld [smem:$0x3F9F]  }
0x30: {  	s3 =	sld [smem:$0x3FA2]  }
0x31: {  	[smem:$0x3FAB] =	sst s10  }
0x32: {  	s10 =	sld [smem:$0x3FA9];
	_ =	sdelay $0x3  }
0x33: {  	p0 =	seq.s32 s10, $0x1;
	s10 =	sld [smem:$0x3FAB];
	_ =	sdelay $0x3  }
0x34: {  	[smem:$0x3FAB] =	sst s10  }
0x35: {  	s10 =	sld [smem:$0x3FAA];
	_ =	sdelay $0x3  }
0x36: {  	p1 =	seq.s32 s10, $0x1;
	s10 =	sld [smem:$0x3FAB];
	_ =	sdelay $0x3  }
0x37: {  	[smem:$0x3FAB] =	sst s10  }
0x38: {  	s10 =	sld [smem:$0x3FAC]  }
0x39: {  	_ = 	snop;
	(pc) =	sbr.ind lr, $3  }
0x3a: {  	_ = 	snop  }
0x3b: {  	_ = 	snop  }
0x3c: {  	p2 =	seq.s32 s10, $0x1;
	s10 =	sld [smem:$0x3FAB]  }
0x3d: {  	_ =	shalt  }
0x3e: {  	_ =	shalt  }
0x3f: {  	_ =	shalt  }
0x40: {  	_ =	shalt  }
0x41: {  	_ =	shalt  }
0x42: {  	_ =	shalt  }
0x43: {  	_ =	shalt  }
0x44: {  	_ =	shalt  }
0x45: {  	_ =	shalt  }
0x46: {  	_ =	shalt  }
0x47: {  	_ =	shalt  }
0x48: {  	_ =	shalt  }
0x49: {  	_ =	shalt  }
0x4a: {  	_ =	shalt  }
0x4b: {  	_ =	shalt  }
0x4c: {  	_ =	shalt  }
0x4d: {  	_ =	shalt  }
0x4e: {  	_ =	shalt  }
0x4f: {  	_ =	shalt  }
0x50: {  	_ =	shalt  }
0x51: {  	_ =	shalt  }
0x52: {  	_ =	shalt  }
0x53: {  	_ =	shalt  }
0x54: {  	_ =	shalt  }
0x55: {  	_ =	shalt  }
0x56: {  	_ =	shalt  }
0x57: {  	_ =	shalt  }
0x58: {  	_ =	shalt  }
0x59: {  	_ =	shalt  }
0x5a: {  	_ =	shalt  }
0x5b: {  	_ =	shalt  }
0x5c: {  	_ =	shalt  }
0x5d: {  	_ =	shalt  }
0x5e: {  	_ =	shalt  }
0x5f: {  	_ =	shalt  }
0x60: {  	_ =	shalt  }
0x61: {  	_ =	shalt  }
0x62: {  	_ =	shalt  }
0x63: {  	_ =	shalt  }
0x64: {  	_ =	shalt  }
0x65: {  	_ =	shalt  }
0x66: {  	_ =	shalt  }
0x67: {  	_ =	shalt  }
0x68: {  	_ =	shalt  }
0x69: {  	_ =	shalt  }
0x6a: {  	_ =	shalt  }
0x6b: {  	_ =	shalt  }
0x6c: {  	_ =	shalt  }
0x6d: {  	_ =	shalt  }
0x6e: {  	_ =	shalt  }
0x6f: {  	_ =	shalt  }
0x70: {  	_ =	shalt  }
0x71: {  	_ =	shalt  }
0x72: {  	_ =	shalt  }
0x73: {  	_ =	shalt  }
0x74: {  	_ =	shalt  }
0x75: {  	_ =	shalt  }
0x76: {  	_ =	shalt  }
0x77: {  	_ =	shalt  }
0x78: {  	_ =	shalt  }
0x79: {  	_ =	shalt  }
0x7a: {  	_ =	shalt  }
0x7b: {  	_ =	shalt  }
0x7c: {  	_ =	shalt  }
0x7d: {  	_ =	shalt  }
0x7e: {  	_ =	shalt  }
0x7f: {  	_ =	shalt  }
0x80: {  	_ =	shalt  }
0x81: {  	_ =	shalt  }
0x82: {  	_ =	shalt  }
0x83: {  	_ =	shalt  }
0x84: {  	_ =	shalt  }
0x85: {  	_ =	shalt  }
0x86: {  	_ =	shalt  }
0x87: {  	_ =	shalt  }
.Lfunc_end0:
.L_simem_size_0:
called_computation.1_lowered:
.L_overlay_start_0:
0x88: {  	s2 =	sld [smem:$0x3FD9]  }
0x89: {  	s3 =	sld [smem:$0x3FFE];
	_ =	sdelay $0x1  }
0x8a: {  	s1 =	srdreg.scid  }
0x8b: {  	s0 =	sand.u32 $0x1, s1  }
0x8c: {  	s17 =	sshll.u32 s0, $0xA;
	s2 =	sadd.s32 s3, s2  }
0x8d: {  	s2 =	sadd.s32 s2, s17  }
0x8e: {  	[smem:$0x3FB7] =	sst s2  }
0x8f: {  	_ = 	snop  }
0x90: {  	s2 =	sld [smem:$0x3FC9];
	(tm) =	ssettm $0x1  }
0x91: {  	s18 =	sld [smem:$0x3FFB];
	_ =	sdelay $0x3  }
0x92: {  	_ =	strace s18  }
0x93: {  	s3 =	sld [smem:$0x3FFC];
	_ =	sdelay $0x3  }
0x94: {  	_ =	strace s3  }
0x95: {  	s3 =	sld [smem:$0x3FFD];
	_ =	sdelay $0x3  }
0x96: {  	_ =	strace s3  }
0x97: {  	_ =	strace $0x8FFFFFFF  }
0x98: {  	s19 =	sld [smem:$0x3FDB];
	_ =	sdelay $0x1  }
0x99: {  	s4 =	simm.s32 $_scs_section_size  }
0x9a: {  	s5 =	simm.s32 $_size__tile_overlayer_lowered;
	s6 =	simm.s32 $_tile_overlayer_lowered  }
0x9b: {  	s22 =	simm.s32 $0x1BFF;
	s21 =	sshll.u32 s6, $0x1;
	s3 =	sadd.s32 s4, s19  }
0x9c: {  	s7 =	simm.s32 $0x0;
	s20 =	sshll.u32 s5, $0x1;
	s5 =	sadd.s32 s21, s3  }
0x9d: {  	[timem:s7], [sflag:s22] =	dma.local [hbm:s5], s20  }
0x9e: {  	_ =	swait.ge [sflag:s22], s20  }
0x9f: {  	s4 =	ssub.s32 $0x0, s20;
	[sflag:s22] =	ssyncset.done $0x0  }
0xa0: {  	[sflag:s22] =	ssyncadd.s32 s4;
	_ =	sdelay $0x1  }
0xa1: {  	s23 =	simm.s32 $0x1B8B  }
0xa2: {  	_ =	swait.ge [sflag:s23], $0x1  }
0xa3: {  	[sflag:s23] =	ssyncset.done $0x0  }
0xa4: {  	s25 =	simm.s32 $0x1B8E;
	s24 =	sld [smem:$0x3FFE];
	[sflag:s23] =	ssyncadd.s32 $0xFFFFFFFF  }
0xa5: {  	s26 =	simm.s32 $execute0_lowered;
	[smem:$0x3FD2] =	sst s25  }
0xa6: {  	s5 =	sshll.u32 s26, $0x1;
	_ =	strace $0x80000046;
	[dreg:$0x1] =	wrdreg $0xFFFFFFFF  }
0xa7: {  	s28 =	simm.s32 $_size_execute0_lowered;
	s3 =	sadd.s32 s3, s5;
	[dreg:$0x0] =	wrdreg $0x0  }
0xa8: {  	s5 =	sshll.u32 s28, $0x1;
	[dreg:$0x2] =	wrdreg s3  }
0xa9: {  	[dreg:$0x3] =	wrdreg s5  }
0xaa: {  	[dreg:$0x4] =	wrdreg $0xC0  }
0xab: {  	_ =	task [dreg:s7], $0x5FFFF  }
0xac: {  	[dreg:$0x1] =	wrdreg $0xFFFFFFFF  }
0xad: {  	[dreg:$0x0] =	wrdreg $0x60  }
0xae: {  	[dreg:$0x2] =	wrdreg s2  }
0xaf: {  	[dreg:$0x3] =	wrdreg s24  }
0xb0: {  	[dreg:$0x4] =	wrdreg $0xC4000  }
0xb1: {  	[dreg:$0x5] =	wrdreg $0xA  }
0xb2: {  	_ =	task.clear_ibuf [dreg:s7], $0x6FFFF;
	_ =	strace $0x90000046  }
0xb3: {  	s29 =	simm.s32 $0xA;
	_ =	strace $0x80000048  }
0xb4: {  	_ =	swait.ge [sflag:s29], $0x1  }
0xb5: {  	[sflag:s29] =	ssyncadd.s32 $0xFFFFFFFF  }
0xb6: {  	_ =	strace $0x90000048  }
0xb7: {  	_ =	sfence  }
0xb8: {  	s30 =	sld [smem:$0x0];
	_ =	sdelay $0x2  }
0xb9: {  	s31 =	sshll.u32 s1, $0xD;
	s1 =	sshrl.u32 s1, $0x2  }
0xba: {  	s3 =	sand.u32 $0x4000, s31;
	s1 =	sadd.s32 s1, s30  }
0xbb: {  	s0 =	sor.u32 s3, s0;
	s1 =	sshll.u32 s1, $0x11  }
0xbc: {  	s0 =	sor.u32 s1, s0  }
0xbd: {  	s0 =	sadd.s32 $0x8F2B, s0  }
0xbe: {  	[sflag:s0] =	ssyncadd.remote.s32 $0x1  }
0xbf: {  	_ =	sfence.sel $0xFFFF  }
0xc0: {  	[dreg:$0x0] =	wrdreg $0xFFFFFFFF;
	(pc) =	sbr.abs _section_cstart, $3  }
0xc1: {  	[dreg:$0x1] =	wrdreg $0xFFFFFFFF  }
0xc2: {  	_ =	task.clear_ibuf [dreg:s7], $0x2FFFF;
	_ =	strace $0x9FFFFFFF  }
0xc3: {  	(tm) =	ssettm $0x7FFFFFFF  }
tec
execute0_lowered:
.L_overlay_start_1:
0x0: {  	(tag) =	ssettag $0x1  }
0x1: {  	s1 =	rddreg [dreg:$0x0]  }
0x2: {  	s0 =	rddreg [dreg:$0x1]  }
0x3: {  	s2 =	rddreg [dreg:$0x2];
	s3 =	simm.s32 $0x0;
	s5 =	srdreg.scid  }
0x4: {  	s13 =	stileid.u32;
	s29 =	simm.s32 $0x80;
	s30 =	simm.s32 $0x280  }
0x5: {  	s31 =	simm.s32 $0x4400;
	s28 =	simm.s32 $0x300;
	[smem:$0x7FF] =	sst s3  }
0x6: {  	s4 =	sadd.s32 $0xEE00, s0;
	s7 =	sadd.s32 $0x4E00, s0;
	s9 =	smul.u32 $0xB00, s13  }
0x7: {  	s5 =	sand.u32 $0x1, s5;
	s8 =	sadd.s32 $0x18E00, s0;
	s11 =	smul.u32 $0x4F000, s13  }
0x8: {  	s0 =	sadd.s32 $0x40600, s0;
	s17 =	smul.u32 $0x2780, s13;
	_ =	strace $0x80000047  }
0x9: {  	s6 =	ssub.s32 $0x2, s5;
	p0 =	seq.s32 s5, $0x0;
	s5 =	simm.s32 $0x8A  }
0xa: {  	s10 =	sshrl.u32 s6, $0x1;
	s9 =	sadd.s32 $0x45000, s9;
	s11 =	sshrl.u32 s11, $0x2  }
0xb: {  	s5 =	simm.s32 @!p0 $0x16;
	s10 =	ssub.s32 s6, s10;
	s6 =	smul.u32 $0x4500, s13  }
0xc: {  	s0 =	smov.u32 @p0 s8;
	s8 =	simm.s32 $0x0;
	s18 =	smul.u32 $0xAB, s5  }
0xd: {  	s16 =	sadd.s32 $0xFFFFFFFF, s5;
	s17 =	sadd.s32 s0, s17;
	s0 =	simm.s32 $0x5  }
0xe: {  	s10 =	smax.u32 s10, $0x1;
	s9 =	smov.u32 @p0 s6;
	s6 =	sadd.s32 s11, s2  }
0xf: {  	[dreg:$0x9] =	wrdreg s10;
	s11 =	sadd.s32 $0xFC00, s6;
	s9 =	sshrl.u32 s9, $0x3  }
0x10: {  	s21 =	sadd.s32 $0x4000, s6;
	s22 =	sadd.s32 $0x8000, s6;
	[dreg:$0x4] =	wrdreg s11  }
0x11: {  	s23 =	sadd.s32 $0xC000, s6;
	s12 =	sadd.s32 s4, s9;
	[dreg:$0xa] =	wrdreg s21  }
0x12: {  	s19 =	sadd.s32 s7, s9;
	s20 =	sor.u32 $0x10, s9;
	[dreg:$0xb] =	wrdreg s22  }
0x13: {  	s11 =	sadd.s32 $0x156, s18;
	[dreg:$0xc] =	wrdreg s23;
	s24 =	sadd.s32 $0x40, s9  }
0x14: {  	s25 =	sadd.s32 $0x30, s9;
	s26 =	sadd.s32 $0x20, s9;
	[dreg:$0x5] =	wrdreg s12  }
0x15: {  	[dreg:$0x6] =	wrdreg s19;
	s14 =	sadd.s32 s4, s20;
	s12 =	sadd.s32 s7, s20  }
.Ltmp0:
0x16: {  	s11 =	sshrl.u32 s11, $0x9;
	s19 =	sadd.s32 s24, s7;
	(pc) =	sbr.rel .LBB2_1-.Ltmp0, $4  }
0x17: {  	s20 =	sadd.s32 s24, s4;
	s21 =	sadd.s32 s25, s7;
	s22 =	sadd.s32 s25, s4  }
0x18: {  	s23 =	sadd.s32 s26, s7;
	s24 =	sadd.s32 s26, s4;
	s25 =	simm.s32 $0x400  }
0x19: {  	s26 =	simm.s32 $0x4;
	s4 =	simm.s32 $0x3;
	[dreg:$0x7] =	wrdreg s14  }
0x1a: {  	v0 =	vimm.f32 $0.0e+00;
	s7 =	simm.s32 $0x8400;
	[dreg:$0x8] =	wrdreg s12;
	s18 =	smul.u32 $0x30, s11  }
.LBB2_10:
0x1b: {  	s9 =	stileid.u32  }
0x1c: {  	s9 =	sshll.u32 s9, $0x6  }
0x1d: {  	[bflag:$0x0] =	sbarrier.arrive $0xFFFF;
	s10 =	sshrl.u32 s6, $0x3;
	s9 =	sor.u32 $0x1C04, s9  }
0x1e: {  	[hbm:s17], [sflag:s9] =	dma.local [spmem:s10], $0x2780  }
0x1f: {  	_ =	swait.ge [sflag:s26], $0x2780  }
0x20: {  	s8 =	sadd.s32 $0x1, s8;
	s15 =	rddreg [dreg:$0x9]  }
0x21: {  	p0 =	sne.s32 s8, s15  }
.Ltmp1:
0x22: {  	_ = 	snop;
	(pc) =	sbr.rel @!p0 .LBB2_11-.Ltmp1, $3  }
0x23: {  	_ =	sdelay $0x1  }
0x24: {  	[sflag:s26] =	ssyncset.done $0x0  }
0x25: {  	[sflag:s26] =	ssyncadd.s32 $0xFFFFD880  }
.LBB2_1:
0x26: {  	s9 =	simm.s32 $0x0;
	s10 =	simm.s32 $0x200  }
.LBB2_2:
0x27: {  	p0 =	sne.s32 s10, $0xFE00;
	[tilespmem:s9+$0x470] =	vst v0  }
0x28: {  	[tilespmem:s9+$0x400] =	vst v0  }
0x29: {  	[tilespmem:s9+$0x410] =	vst v0  }
.Ltmp2:
0x2a: {  	[tilespmem:s9+$0x420] =	vst v0;
	(pc) =	sbr.rel @p0 .LBB2_2-.Ltmp2, $4  }
0x2b: {  	[tilespmem:s9+$0x430] =	vst v0  }
0x2c: {  	[tilespmem:s9+$0x440] =	vst v0  }
0x2d: {  	[tilespmem:s9+$0x450] =	vst v0  }
0x2e: {  	[tilespmem:s9+$0x460] =	vst v0;
	s9 =	sshra.s32 s10, $0x2;
	s10 =	sadd.s32 $0x200, s10  }
0x2f: {  	[tilespmem:s9+$0x470] =	vst v0  }
0x30: {  	[tilespmem:s9+$0x400] =	vst v0  }
0x31: {  	[tilespmem:s9+$0x410] =	vst v0  }
0x32: {  	[tilespmem:s9+$0x420] =	vst v0  }
0x33: {  	[tilespmem:s9+$0x430] =	vst v0  }
0x34: {  	[tilespmem:s9+$0x440] =	vst v0  }
0x35: {  	[tilespmem:s9+$0x450] =	vst v0  }
0x36: {  	[tilespmem:s9+$0x460] =	vst v0  }
0x37: {  	[spmem:s6] =	stream.linear.scatter [tilespmem:s25], [sflag:$0x4], $0x4000, $0x38;
	v63 =	vld [tilespmem:$0x0]  }
0x38: {  	_ =	swait.ge [sflag:s26], $0x4000  }
0x39: {  	[sflag:s26] =	ssyncset.done $0x0  }
0x3a: {  	s14 =	rddreg [dreg:$0xa];
	[sflag:s26] =	ssyncadd.s32 $0xFFFFC000  }
0x3b: {  	[spmem:s14] =	stream.linear.scatter [tilespmem:s25], [sflag:$0x4], $0x4000, $0x38;
	v63 =	vld [tilespmem:$0x0]  }
0x3c: {  	_ =	swait.ge [sflag:s26], $0x4000  }
0x3d: {  	[sflag:s26] =	ssyncset.done $0x0  }
0x3e: {  	s15 =	rddreg [dreg:$0xb];
	[sflag:s26] =	ssyncadd.s32 $0xFFFFC000  }
0x3f: {  	[spmem:s15] =	stream.linear.scatter [tilespmem:s25], [sflag:$0x4], $0x4000, $0x38;
	v63 =	vld [tilespmem:$0x0]  }
0x40: {  	_ =	swait.ge [sflag:s26], $0x4000  }
0x41: {  	[sflag:s26] =	ssyncset.done $0x0  }
0x42: {  	s10 =	rddreg [dreg:$0xc];
	[sflag:s26] =	ssyncadd.s32 $0xFFFFC000  }
0x43: {  	[spmem:s10] =	stream.linear.scatter [tilespmem:s25], [sflag:$0x4], $0x4000, $0x38;
	v63 =	vld [tilespmem:$0x0]  }
0x44: {  	_ =	swait.ge [sflag:s26], $0x4000  }
0x45: {  	[sflag:s26] =	ssyncset.done $0x0  }
0x46: {  	s11 =	rddreg [dreg:$0x4];
	[sflag:s26] =	ssyncadd.s32 $0xFFFFC000  }
0x47: {  	[spmem:s11] =	stream.linear.scatter [tilespmem:s25], [sflag:$0x4], $0x4000, $0x38;
	v63 =	vld [tilespmem:$0x0]  }
0x48: {  	_ =	swait.ge [sflag:s26], $0x4000  }
0x49: {  	[sflag:s26] =	ssyncset.done $0x0  }
0x4a: {  	[sflag:s26] =	ssyncadd.s32 $0xFFFFC000  }
0x4b: {  	[bflag:$0x0] =	sbarrier.arrive $0xFFFF  }
0x4c: {  	s11 =	simm.s32 $0x0;
	s12 =	rddreg [dreg:$0x5]  }
0x4d: {  	[tilespmem:s11], [sflag:$0x4] =	stream.linear.gather [hbm4b:s12+s11], $0x80, $0x38;
	v63 =	vld [tilespmem:$0x0]  }
0x4e: {  	_ =	swait.ge [sflag:s26], $0x80  }
0x4f: {  	[sflag:s26] =	ssyncset.done $0x0  }
0x50: {  	s10 =	simm.s32 $0x200;
	s13 =	rddreg [dreg:$0x6];
	[sflag:s26] =	ssyncadd.s32 $0xFFFFFF80  }
0x51: {  	[tilespmem:s10], [sflag:$0x4] =	stream.linear.gather [hbm4b:s13+s11], $0x80, $0x38;
	v63 =	vld [tilespmem:$0x0]  }
0x52: {  	_ =	swait.ge [sflag:s26], $0x80  }
0x53: {  	[sflag:s26] =	ssyncset.done $0x0  }
0x54: {  	[sflag:s26] =	ssyncadd.s32 $0xFFFFFF80  }
0x55: {  	[tilespmem:s25], [sflag:$0x1] =	stream.indirect.gather [hbm4b:s1+s29], $0x80, s11, s29, $0xb8;
	v63 =	vld [tilespmem:$0x0]  }
0x56: {  	s14 =	rddreg [dreg:$0x7]  }
0x57: {  	[tilespmem:s29], [sflag:$0x4] =	stream.linear.gather [hbm4b:s14+s11], $0x80, $0x38;
	v63 =	vld [tilespmem:$0x0]  }
0x58: {  	_ =	swait.ge [sflag:s26], $0x80  }
0x59: {  	[sflag:s26] =	ssyncset.done $0x0  }
0x5a: {  	s15 =	rddreg [dreg:$0x8];
	[sflag:s26] =	ssyncadd.s32 $0xFFFFFF80  }
0x5b: {  	[tilespmem:s30], [sflag:$0x4] =	stream.linear.gather [hbm4b:s15+s11], $0x80, $0x38;
	v63 =	vld [tilespmem:$0x0]  }
.Ltmp3:
0x5c: {  	_ = 	snop;
	(pc) =	sbr.rel .LBB2_4-.Ltmp3, $4  }
0x5d: {  	_ =	swait.ge [sflag:s26], $0x80  }
0x5e: {  	[sflag:s26] =	ssyncset.done $0x0  }
0x5f: {  	s9 =	simm.s32 $0x0;
	[sflag:s26] =	ssyncadd.s32 $0xFFFFFF80  }
0x60: {  	[tilespmem:s31], [sflag:$0x2] =	stream.indirect.gather [hbm4b:s1+s29], $0x80, s29, s29, $0xb8;
	v63 =	vld [tilespmem:$0x0]  }
.LBB2_7:
0x61: {  	s10 =	sadd.s32 s9, s20  }
0x62: {  	[tilespmem:s29], [sflag:$0x5] =	stream.linear.gather [hbm4b:s10+s3], $0x80, $0x38;
	v63 =	vld [tilespmem:$0x0]  }
0x63: {  	_ =	swait.ge [sflag:s0], $0x80  }
0x64: {  	[sflag:s0] =	ssyncset.done $0x0  }
0x65: {  	s15 =	sadd.s32 s9, s19;
	[sflag:s0] =	ssyncadd.s32 $0xFFFFFF80  }
0x66: {  	[tilespmem:s30], [sflag:$0x5] =	stream.linear.gather [hbm4b:s15+s3], $0x80, $0x38;
	v63 =	vld [tilespmem:$0x0]  }
0x67: {  	_ =	swait.ge [sflag:s0], $0x80  }
0x68: {  	[sflag:s0] =	ssyncset.done $0x0  }
0x69: {  	[sflag:s0] =	ssyncadd.s32 $0xFFFFFF80  }
0x6a: {  	_ =	swait.ge [sflag:s4], $0x4000  }
0x6b: {  	[sflag:s4] =	ssyncset.done $0x0  }
0x6c: {  	[sflag:s4] =	ssyncadd.s32 $0xFFFFC000  }
0x6d: {  	[tilespmem:s31], [sflag:$0x2] =	stream.indirect.gather [hbm4b:s1+s29], $0x80, s29, s29, $0xb8;
	v63 =	vld [tilespmem:$0x0]  }
.LBB2_8:
0x6e: {  	[spmem:s2] =	stream.indirect.scatter.add.f32 [tilespmem:s7], [sflag:$0x4], $0x80, s28, s29, $0xb8;
	v63 =	vld [tilespmem:$0x0]  }
0x6f: {  	_ =	swait.ge [sflag:s26], $0x4000  }
0x70: {  	[sflag:s26] =	ssyncset.done $0x0  }
0x71: {  	[sflag:s26] =	ssyncadd.s32 $0xFFFFC000  }
.LBB2_9:
0x72: {  	s9 =	sadd.s32 $0x30, s9  }
0x73: {  	p0 =	sne.s32 s18, s9  }
.Ltmp4:
0x74: {  	_ = 	snop;
	(pc) =	sbr.rel @!p0 .LBB2_10-.Ltmp4, $1  }
0x75: {  	_ =	sdelay $0x3  }
.LBB2_4:
0x76: {  	s10 =	smov.u32 s11;
	s11 =	sadd.s32 $0x2, s11  }
0x77: {  	p0 =	sge.u32 s11, s5  }
0x78: {  	s12 =	sadd.s32 @!p0 s9, s24;
	s13 =	simm.s32 @!p0 $0x0;
	s14 =	simm.s32 @!p0 $0x100  }
0x79: {  	[tilespmem:s14], [sflag:$0x5] =	stream.linear.gather @!p0 [hbm4b:s12+s13], $0x80, $0x38;
	v63 =	vld [tilespmem:$0x0]  }
0x7a: {  	s12 =	simm.s32 @!p0 $0x5  }
0x7b: {  	_ =	swait.ge @!p0 [sflag:s12], $0x80  }
0x7c: {  	[sflag:s12] =	ssyncset.done @!p0 $0x0  }
0x7d: {  	s15 =	simm.s32 @!p0 $0x300;
	s14 =	sadd.s32 @!p0 s9, s23;
	[sflag:s12] =	ssyncadd.s32 @!p0 $0xFFFFFF80  }
0x7e: {  	[tilespmem:s15], [sflag:$0x5] =	stream.linear.gather @!p0 [hbm4b:s14+s13], $0x80, $0x38;
	v63 =	vld [tilespmem:$0x0]  }
0x7f: {  	_ =	swait.ge @!p0 [sflag:s12], $0x80  }
0x80: {  	p1 =	sge.u32 s10, s5;
	[sflag:s12] =	ssyncset.done @!p0 $0x0  }
0x81: {  	p2 =	sge.u32 @!p1 s11, s5;
	[sflag:s12] =	ssyncadd.s32 @!p0 $0xFFFFFF80;
	s12 =	simm.s32 @!p1 $0x1  }
0x82: {  	p2 =	por p2, p1;
	_ =	swait.ge @!p1 [sflag:s12], $0x4000  }
0x83: {  	s11 =	simm.s32 @!p2 $0x80;
	[sflag:s12] =	ssyncset.done @!p1 $0x0  }
0x84: {  	s13 =	simm.s32 @!p2 $0x8400;
	[sflag:s12] =	ssyncadd.s32 @!p1 $0xFFFFC000;
	s12 =	simm.s32 @!p2 $0x100  }
0x85: {  	[tilespmem:s13], [sflag:$0x3] =	stream.indirect.gather @!p2 [hbm4b:s1+s11], $0x80, s12, s11, $0xb8;
	v63 =	vld [tilespmem:$0x0]  }
0x86: {  	s11 =	simm.s32 @!p1 $0x80;
	s12 =	simm.s32 @!p1 $0x200;
	s13 =	simm.s32 @!p1 $0x400  }
0x87: {  	[spmem:s2] =	stream.indirect.scatter.add.f32 @!p1 [tilespmem:s13], [sflag:$0x5], $0x80, s12, s11, $0xb8;
	v63 =	vld [tilespmem:$0x0]  }
0x88: {  	s12 =	simm.s32 @!p1 $0x5  }
0x89: {  	s11 =	sadd.s32 $0x3, s10;
	_ =	swait.ge @!p1 [sflag:s12], $0x4000  }
0x8a: {  	p2 =	sge.u32 s11, s5;
	[sflag:s12] =	ssyncset.done @!p1 $0x0  }
0x8b: {  	s13 =	simm.s32 @!p2 $0x0;
	[sflag:s12] =	ssyncadd.s32 @!p1 $0xFFFFC000;
	s12 =	sadd.s32 @!p2 s9, s22  }
0x8c: {  	[tilespmem:s13], [sflag:$0x5] =	stream.linear.gather @!p2 [hbm4b:s12+s13], $0x80, $0x38;
	v63 =	vld [tilespmem:$0x0]  }
0x8d: {  	s12 =	simm.s32 @!p2 $0x5  }
0x8e: {  	_ =	swait.ge @!p2 [sflag:s12], $0x80  }
0x8f: {  	[sflag:s12] =	ssyncset.done @!p2 $0x0  }
0x90: {  	s14 =	sadd.s32 @!p2 s9, s21;
	s15 =	simm.s32 @!p2 $0x200;
	[sflag:s12] =	ssyncadd.s32 @!p2 $0xFFFFFF80  }
0x91: {  	[tilespmem:s15], [sflag:$0x5] =	stream.linear.gather @!p2 [hbm4b:s14+s13], $0x80, $0x38;
	v63 =	vld [tilespmem:$0x0]  }
0x92: {  	_ =	swait.ge @!p2 [sflag:s12], $0x80  }
0x93: {  	p1 =	sge.u32 s10, s16;
	[sflag:s12] =	ssyncset.done @!p2 $0x0  }
0x94: {  	[sflag:s12] =	ssyncadd.s32 @!p2 $0xFFFFFF80;
	s12 =	simm.s32 @!p1 $0x2;
	p2 =	sge.u32 @!p1 s11, s5  }
0x95: {  	_ =	swait.ge @!p1 [sflag:s12], $0x4000;
	p2 =	por p2, p1  }
0x96: {  	[sflag:s12] =	ssyncset.done @!p1 $0x0;
	s13 =	simm.s32 @!p2 $0x0  }
0x97: {  	s14 =	simm.s32 @!p2 $0x400;
	[sflag:s12] =	ssyncadd.s32 @!p1 $0xFFFFC000;
	s12 =	simm.s32 @!p2 $0x80  }
0x98: {  	[tilespmem:s14], [sflag:$0x1] =	stream.indirect.gather @!p2 [hbm4b:s1+s12], $0x80, s13, s12, $0xb8;
	v63 =	vld [tilespmem:$0x0]  }
0x99: {  	s10 =	sadd.s32 $0x4, s10;
	s12 =	simm.s32 @!p1 $0x80  }
0x9a: {  	s13 =	simm.s32 @!p1 $0x280;
	s14 =	simm.s32 @!p1 $0x4400;
	p2 =	slt.u32 s10, s5  }
0x9b: {  	[spmem:s2] =	stream.indirect.scatter.add.f32 @!p1 [tilespmem:s14], [sflag:$0x5], $0x80, s13, s12, $0xb8;
	v63 =	vld [tilespmem:$0x0]  }
.Ltmp5:
0x9c: {  	_ = 	snop;
	(pc) =	sbr.rel @p2 .LBB2_7-.Ltmp5, $4  }
0x9d: {  	s12 =	simm.s32 @!p1 $0x5  }
0x9e: {  	_ =	swait.ge @!p1 [sflag:s12], $0x4000  }
0x9f: {  	[sflag:s12] =	ssyncset.done @!p1 $0x0  }
0xa0: {  	[sflag:s12] =	ssyncadd.s32 @!p1 $0xFFFFC000  }
.Ltmp6:
0xa1: {  	(pc) =	sbr.rel @p0 .LBB2_9-.Ltmp6, $1  }
0xa2: {  	_ =	sdelay $0x3  }
.Ltmp7:
0xa3: {  	(pc) =	sbr.rel .LBB2_8-.Ltmp7, $4  }
0xa4: {  	_ = 	snop  }
0xa5: {  	_ =	swait.ge [sflag:s4], $0x4000  }
0xa6: {  	[sflag:s4] =	ssyncset.done $0x0  }
0xa7: {  	[sflag:s4] =	ssyncadd.s32 $0xFFFFC000  }
.LBB2_11:
0xa8: {  	_ =	sfence.sel $0x180000  }
0xa9: {  	[bflag:$0x0] =	sbarrier.arrive $0xFFFF  }
0xaa: {  	_ =	strace $0x90000047  }
0xab: {  	s0 =	stileid.u32;
	[bflag:$0x2] =	sbarrier.arrive $0xFFFF  }
0xac: {  	p0 =	sne.s32 s0, $0x0;
	s0 =	rddreg [dreg:$0x3]  }
0xad: {  	s0 =	sadd.s32 @!p0 $0x100000, s0  }
0xae: {  	[sflag:s0] =	ssyncadd.tile.s32 @!p0 $0x1;
	_ =	shalt  }
.Lfunc_end2:
_tile_overlayer_lowered:
.L_overlay_start_2:
0xaf: {  	(tag) =	ssettag $0x2  }
0xb0: {  	s0 =	rddreg [dreg:$0x0];
	s2 =	stileid.u32  }
0xb1: {  	s1 =	rddreg [dreg:$0x1];
	p0 =	sne.s32 s2, $0x0  }
0xb2: {  	s3 =	rddreg [dreg:$0x2];
	[bflag:$0x3] =	sbarrier.arrive $0xFFFF;
	s2 =	simm.s32 @!p0 $0x1C04  }
0xb3: {  	[timem:s3], [sflag:s2] =	dma.local @!p0 [hbm:s0], s1  }
0xb4: {  	s0 =	simm.s32 @!p0 $0x4  }
0xb5: {  	_ =	swait.ge @!p0 [sflag:s0], s1  }
0xb6: {  	s1 =	ssub.s32 @!p0 $0x0, s1;
	[sflag:s0] =	ssyncset.done @!p0 $0x0  }
0xb7: {  	[sflag:s0] =	ssyncadd.s32 @!p0 s1  }
0xb8: {  	[bflag:$0x3] =	sbarrier.arrive $0xFFFF  }
0xb9: {  	_ =	shalt  }

// kernel: kernel.17.cloned.1.call-start
scs
__scs_entry_jumppad:
0x0: {  	(pc) =	sbr.rel $0x88, $3  }
0x1: {  	(tag) =	ssettag $0x0;
	lr =	simm.s32 $0x1  }
0x2: {  	[smem:$0x3F90] =	sst lr;
	_ =	strace $0xD0000000  }
0x3: {  	_ = 	snop  }
0x4: {  	_ = 	snop  }
0x5: {  	_ = 	snop  }
0x6: {  	_ = 	snop  }
0x7: {  	_ = 	snop  }
__scs_overlays_trampoline_lowered:
0x8: {  	[smem:$0x3F9F] =	sst s0  }
0x9: {  	[smem:$0x3FA0] =	sst s1  }
0xa: {  	[smem:$0x3FA1] =	sst s2  }
0xb: {  	[smem:$0x3FA2] =	sst s3  }
0xc: {  	[smem:$0x3FA3] =	sst s4  }
0xd: {  	[smem:$0x3FA4] =	sst s5  }
0xe: {  	[smem:$0x3FA5] =	sst s6  }
0xf: {  	[smem:$0x3FA6] =	sst s7  }
0x10: {  	[smem:$0x3FA7] =	sst s8  }
0x11: {  	[smem:$0x3FA8] =	sst s9;
	s0 =	simm.s32 @!p0 $0x0  }
0x12: {  	s1 =	sld [smem:$0x3F8E];
	s0 =	simm.s32 @p0 $0x1  }
0x13: {  	[smem:$0x3FA9] =	sst s0;
	s0 =	simm.s32 @!p1 $0x0  }
0x14: {  	s2 =	sld [smem:$0x3F8D];
	s0 =	simm.s32 @p1 $0x1  }
0x15: {  	[smem:$0x3FAA] =	sst s0;
	s0 =	simm.s32 @!p2 $0x0  }
0x16: {  	s3 =	sld [smem:$0x3FDB];
	s0 =	simm.s32 @p2 $0x1  }
0x17: {  	s4 =	simm.s32 $0x1BF5;
	[smem:$0x3FAC] =	sst s0  }
0x18: {  	s0 =	sld [smem:$0x3F8F];
	_ =	swait.ge [sflag:s4], $0x0  }
0x19: {  	s7 =	sld [smem:$0x3F90]  }
0x1a: {  	s8 =	sadd.s32 $0xFFFFE003, lr  }
0x1b: {  	s9 =	sadd.s32 $0xFFFFFEF7, lr;
	s5 =	simm.s32 $0xFFFFFFFF;
	p2 =	slt.u32 s8, $0xFFFFF086  }
0x1c: {  	p1 =	slt.u32 s9, $0xF7A;
	s5 =	simm.s32 @!p2 $0x0  }
0x1d: {  	s5 =	simm.s32 @p1 $0x1;
	p0 =	seq.s32 s7, s2  }
0x1e: {  	s7 =	smul.u32 @!p0 $0xF7A, s2;
	p2 =	seq.s32 @!p0 s5, $0x0  }
0x1f: {  	s9 =	smul.u32 $0xF7A, s1;
	s8 =	simm.s32 @!p0 $0x1BF5;
	p2 =	por !p2, p0  }
0x20: {  	[sflag:s8] =	ssyncset.s32 @!p0 $0xFFFFF086;
	s6 =	sadd.s32 @!p0 s3, s7;
	s7 =	simm.s32 @!p0 $0x108  }
0x21: {  	s3 =	sadd.s32 s3, s9;
	s6 =	sadd.s32 @!p0 $0x88, s6;
	s7 =	simm.s32 @p2 $0x1082  }
0x22: {  	[simem:s7], [sflag:s8] =	dma.local @!p0 [hbm:s6], $0xF7A  }
0x23: {  	s9 =	sor.u32 $0xD0000000, s2;
	s6 =	simm.s32 $0x108;
	_ =	swait.ge @!p0 [sflag:s8], $0x0  }
0x24: {  	s3 =	sadd.s32 $0x88, s3;
	s6 =	simm.s32 @!p1 $0x1082;
	[sflag:s4] =	ssyncset.s32 $0xFFFFF086  }
0x25: {  	[simem:s6], [sflag:s4] =	dma.local [hbm:s3], $0xF7A  }
0x26: {  	[smem:$0x3F90] =	sst s1;
	(tag) =	ssettag s2;
	_ =	strace s9  }
0x27: {  	s1 =	sld [smem:$0x3FA0]  }
0x28: {  	s2 =	sld [smem:$0x3FA1]  }
0x29: {  	s4 =	sld [smem:$0x3FA3]  }
0x2a: {  	p0 =	seq.s32 s5, $0x0;
	s5 =	sld [smem:$0x3FA4]  }
0x2b: {  	s6 =	sld [smem:$0x3FA5]  }
0x2c: {  	s7 =	sld [smem:$0x3FA6]  }
0x2d: {  	s3 =	simm.s32 $0x108;
	s8 =	sld [smem:$0x3FA7]  }
0x2e: {  	s3 =	simm.s32 @!p0 $0x1082;
	s9 =	sld [smem:$0x3FA8]  }
0x2f: {  	lr =	sadd.s32 s0, s3;
	s0 =	sld [smem:$0x3F9F]  }
0x30: {  	s3 =	sld [smem:$0x3FA2]  }
0x31: {  	[smem:$0x3FAB] =	sst s10  }
0x32: {  	s10 =	sld [smem:$0x3FA9];
	_ =	sdelay $0x3  }
0x33: {  	p0 =	seq.s32 s10, $0x1;
	s10 =	sld [smem:$0x3FAB];
	_ =	sdelay $0x3  }
0x34: {  	[smem:$0x3FAB] =	sst s10  }
0x35: {  	s10 =	sld [smem:$0x3FAA];
	_ =	sdelay $0x3  }
0x36: {  	p1 =	seq.s32 s10, $0x1;
	s10 =	sld [smem:$0x3FAB];
	_ =	sdelay $0x3  }
0x37: {  	[smem:$0x3FAB] =	sst s10  }
0x38: {  	s10 =	sld [smem:$0x3FAC]  }
0x39: {  	_ = 	snop;
	(pc) =	sbr.ind lr, $3  }
0x3a: {  	_ = 	snop  }
0x3b: {  	_ = 	snop  }
0x3c: {  	p2 =	seq.s32 s10, $0x1;
	s10 =	sld [smem:$0x3FAB]  }
0x3d: {  	_ =	shalt  }
0x3e: {  	_ =	shalt  }
0x3f: {  	_ =	shalt  }
0x40: {  	_ =	shalt  }
0x41: {  	_ =	shalt  }
0x42: {  	_ =	shalt  }
0x43: {  	_ =	shalt  }
0x44: {  	_ =	shalt  }
0x45: {  	_ =	shalt  }
0x46: {  	_ =	shalt  }
0x47: {  	_ =	shalt  }
0x48: {  	_ =	shalt  }
0x49: {  	_ =	shalt  }
0x4a: {  	_ =	shalt  }
0x4b: {  	_ =	shalt  }
0x4c: {  	_ =	shalt  }
0x4d: {  	_ =	shalt  }
0x4e: {  	_ =	shalt  }
0x4f: {  	_ =	shalt  }
0x50: {  	_ =	shalt  }
0x51: {  	_ =	shalt  }
0x52: {  	_ =	shalt  }
0x53: {  	_ =	shalt  }
0x54: {  	_ =	shalt  }
0x55: {  	_ =	shalt  }
0x56: {  	_ =	shalt  }
0x57: {  	_ =	shalt  }
0x58: {  	_ =	shalt  }
0x59: {  	_ =	shalt  }
0x5a: {  	_ =	shalt  }
0x5b: {  	_ =	shalt  }
0x5c: {  	_ =	shalt  }
0x5d: {  	_ =	shalt  }
0x5e: {  	_ =	shalt  }
0x5f: {  	_ =	shalt  }
0x60: {  	_ =	shalt  }
0x61: {  	_ =	shalt  }
0x62: {  	_ =	shalt  }
0x63: {  	_ =	shalt  }
0x64: {  	_ =	shalt  }
0x65: {  	_ =	shalt  }
0x66: {  	_ =	shalt  }
0x67: {  	_ =	shalt  }
0x68: {  	_ =	shalt  }
0x69: {  	_ =	shalt  }
0x6a: {  	_ =	shalt  }
0x6b: {  	_ =	shalt  }
0x6c: {  	_ =	shalt  }
0x6d: {  	_ =	shalt  }
0x6e: {  	_ =	shalt  }
0x6f: {  	_ =	shalt  }
0x70: {  	_ =	shalt  }
0x71: {  	_ =	shalt  }
0x72: {  	_ =	shalt  }
0x73: {  	_ =	shalt  }
0x74: {  	_ =	shalt  }
0x75: {  	_ =	shalt  }
0x76: {  	_ =	shalt  }
0x77: {  	_ =	shalt  }
0x78: {  	_ =	shalt  }
0x79: {  	_ =	shalt  }
0x7a: {  	_ =	shalt  }
0x7b: {  	_ =	shalt  }
0x7c: {  	_ =	shalt  }
0x7d: {  	_ =	shalt  }
0x7e: {  	_ =	shalt  }
0x7f: {  	_ =	shalt  }
0x80: {  	_ =	shalt  }
0x81: {  	_ =	shalt  }
0x82: {  	_ =	shalt  }
0x83: {  	_ =	shalt  }
0x84: {  	_ =	shalt  }
0x85: {  	_ =	shalt  }
0x86: {  	_ =	shalt  }
0x87: {  	_ =	shalt  }
.Lfunc_end0:
.L_simem_size_0:
called_computation.2_lowered:
.L_overlay_start_0:
0x88: {  	s2 =	sld [smem:$0x3FD9]  }
0x89: {  	s3 =	sld [smem:$0x3FFE];
	_ =	sdelay $0x1  }
0x8a: {  	s1 =	srdreg.scid  }
0x8b: {  	s0 =	sand.u32 $0x1, s1  }
0x8c: {  	s16 =	sshll.u32 s0, $0xA;
	s2 =	sadd.s32 s3, s2  }
0x8d: {  	s2 =	sadd.s32 s2, s16  }
0x8e: {  	[smem:$0x3FB7] =	sst s2  }
0x8f: {  	_ = 	snop  }
0x90: {  	(tm) =	ssettm $0x1  }
0x91: {  	s17 =	sld [smem:$0x3FFB];
	_ =	sdelay $0x3  }
0x92: {  	_ =	strace s17  }
0x93: {  	s2 =	sld [smem:$0x3FFC];
	_ =	sdelay $0x3  }
0x94: {  	_ =	strace s2  }
0x95: {  	s2 =	sld [smem:$0x3FFD];
	_ =	sdelay $0x3  }
0x96: {  	_ =	strace s2  }
0x97: {  	_ =	strace $0x8FFFFFFF  }
0x98: {  	s18 =	sld [smem:$0x3FDB];
	_ =	sdelay $0x1  }
0x99: {  	s19 =	simm.s32 $_scs_section_size  }
0x9a: {  	s4 =	simm.s32 $_size__tile_overlayer_lowered;
	s5 =	simm.s32 $_tile_overlayer_lowered  }
0x9b: {  	s22 =	simm.s32 $0x1BFF;
	s21 =	sshll.u32 s5, $0x1;
	s2 =	sadd.s32 s19, s18  }
0x9c: {  	s6 =	simm.s32 $0x0;
	s20 =	sshll.u32 s4, $0x1;
	s4 =	sadd.s32 s21, s2  }
0x9d: {  	[timem:s6], [sflag:s22] =	dma.local [hbm:s4], s20  }
0x9e: {  	_ =	swait.ge [sflag:s22], s20  }
0x9f: {  	s3 =	ssub.s32 $0x0, s20;
	[sflag:s22] =	ssyncset.done $0x0  }
0xa0: {  	[sflag:s22] =	ssyncadd.s32 s3;
	_ =	sdelay $0x1  }
0xa1: {  	s23 =	simm.s32 $0x1B8B  }
0xa2: {  	_ =	swait.ge [sflag:s23], $0x1  }
0xa3: {  	[sflag:s23] =	ssyncset.done $0x0  }
0xa4: {  	s25 =	simm.s32 $0x1B8E;
	s24 =	sld [smem:$0x3FFE];
	[sflag:s23] =	ssyncadd.s32 $0xFFFFFFFF  }
0xa5: {  	s26 =	simm.s32 $execute0_lowered;
	[smem:$0x3FD2] =	sst s25  }
0xa6: {  	s4 =	sshll.u32 s26, $0x1;
	_ =	strace $0x8000004C;
	[dreg:$0x1] =	wrdreg $0xFFFFFFFF  }
0xa7: {  	s28 =	simm.s32 $_size_execute0_lowered;
	s2 =	sadd.s32 s2, s4;
	[dreg:$0x0] =	wrdreg $0x0  }
0xa8: {  	s4 =	sshll.u32 s28, $0x1;
	[dreg:$0x2] =	wrdreg s2  }
0xa9: {  	[dreg:$0x3] =	wrdreg s4  }
0xaa: {  	[dreg:$0x4] =	wrdreg $0xC0  }
0xab: {  	_ =	task [dreg:s6], $0x5FFFF  }
0xac: {  	[dreg:$0x1] =	wrdreg $0xFFFFFFFF  }
0xad: {  	[dreg:$0x0] =	wrdreg $0x60  }
0xae: {  	[dreg:$0x2] =	wrdreg s24  }
0xaf: {  	[dreg:$0x3] =	wrdreg $0xC4000  }
0xb0: {  	[dreg:$0x4] =	wrdreg $0x9  }
0xb1: {  	_ =	task.clear_ibuf [dreg:s6], $0x5FFFF;
	_ =	strace $0x9000004C  }
0xb2: {  	s29 =	simm.s32 $0x9;
	_ =	strace $0x8000004E  }
0xb3: {  	_ =	swait.ge [sflag:s29], $0x1  }
0xb4: {  	[sflag:s29] =	ssyncadd.s32 $0xFFFFFFFF  }
0xb5: {  	_ =	strace $0x9000004E  }
0xb6: {  	_ =	sfence  }
0xb7: {  	s30 =	sld [smem:$0x0];
	_ =	sdelay $0x2  }
0xb8: {  	s31 =	sshll.u32 s1, $0xD;
	s1 =	sshrl.u32 s1, $0x2  }
0xb9: {  	s3 =	sand.u32 $0x4000, s31;
	s1 =	sadd.s32 s1, s30  }
0xba: {  	s0 =	sor.u32 s3, s0;
	s1 =	sshll.u32 s1, $0x11  }
0xbb: {  	s0 =	sor.u32 s1, s0  }
0xbc: {  	s0 =	sadd.s32 $0x8F2B, s0  }
0xbd: {  	[sflag:s0] =	ssyncadd.remote.s32 $0x1  }
0xbe: {  	_ =	sfence.sel $0xFFFF  }
0xbf: {  	[dreg:$0x0] =	wrdreg $0xFFFFFFFF;
	(pc) =	sbr.abs _section_cstart, $3  }
0xc0: {  	[dreg:$0x1] =	wrdreg $0xFFFFFFFF  }
0xc1: {  	_ =	task.clear_ibuf [dreg:s6], $0x2FFFF;
	_ =	strace $0x9FFFFFFF  }
0xc2: {  	(tm) =	ssettm $0x7FFFFFFF  }
0xc3: {  	_ =	shalt  }
tec
execute0_lowered:
.L_overlay_start_1:
0x0: {  	(tag) =	ssettag $0x1  }
0x1: {  	s0 =	rddreg [dreg:$0x0]  }
0x2: {  	s1 =	rddreg [dreg:$0x1]  }
0x3: {  	s2 =	simm.s32 $0x0;
	s5 =	srdreg.scid;
	s13 =	stileid.u32  }
0x4: {  	s29 =	simm.s32 $0x80;
	s30 =	simm.s32 $0x280;
	s31 =	simm.s32 $0x4400  }
0x5: {  	s28 =	simm.s32 $0x300;
	[smem:$0x7FF] =	sst s2;
	s4 =	sadd.s32 $0x18E00, s0  }
0x6: {  	s3 =	sadd.s32 $0xEE00, s0;
	s7 =	sadd.s32 $0x4E00, s0;
	s9 =	smul.u32 $0xB00, s13  }
0x7: {  	s5 =	sand.u32 $0x1, s5;
	s8 =	sadd.s32 $0x40000, s0;
	s11 =	smul.u32 $0x4F000, s13  }
0x8: {  	s0 =	sadd.s32 $0x67800, s0;
	s17 =	smul.u32 $0x2780, s13;
	_ =	strace $0x8000004D  }
0x9: {  	s6 =	ssub.s32 $0x2, s5;
	p0 =	seq.s32 s5, $0x0;
	s5 =	simm.s32 $0x8A  }
0xa: {  	s10 =	sshrl.u32 s6, $0x1;
	s9 =	sadd.s32 $0x45000, s9;
	s11 =	sshrl.u32 s11, $0x2  }
0xb: {  	s5 =	simm.s32 @!p0 $0x16;
	s10 =	ssub.s32 s6, s10;
	s6 =	smul.u32 $0x4500, s13  }
0xc: {  	s0 =	smov.u32 @p0 s8;
	s8 =	simm.s32 $0x0;
	s18 =	smul.u32 $0xAB, s5  }
0xd: {  	s16 =	sadd.s32 $0xFFFFFFFF, s5;
	s17 =	sadd.s32 s0, s17;
	s0 =	simm.s32 $0x5  }
0xe: {  	s10 =	smax.u32 s10, $0x1;
	s9 =	smov.u32 @p0 s6;
	s6 =	sadd.s32 s11, s1  }
0xf: {  	[dreg:$0x8] =	wrdreg s10;
	s11 =	sadd.s32 $0xFC00, s6;
	s9 =	sshrl.u32 s9, $0x3  }
0x10: {  	s21 =	sadd.s32 $0x4000, s6;
	s22 =	sadd.s32 $0x8000, s6;
	[dreg:$0x3] =	wrdreg s11  }
0x11: {  	s23 =	sadd.s32 $0xC000, s6;
	s12 =	sadd.s32 s3, s9;
	[dreg:$0x9] =	wrdreg s21  }
0x12: {  	s19 =	sadd.s32 s7, s9;
	s20 =	sor.u32 $0x10, s9;
	[dreg:$0xa] =	wrdreg s22  }
0x13: {  	s11 =	sadd.s32 $0x156, s18;
	[dreg:$0xb] =	wrdreg s23;
	s24 =	sadd.s32 $0x40, s9  }
0x14: {  	s25 =	sadd.s32 $0x30, s9;
	s26 =	sadd.s32 $0x20, s9;
	[dreg:$0x4] =	wrdreg s12  }
0x15: {  	[dreg:$0x5] =	wrdreg s19;
	s14 =	sadd.s32 s3, s20;
	s12 =	sadd.s32 s7, s20  }
.Ltmp0:
0x16: {  	s11 =	sshrl.u32 s11, $0x9;
	s19 =	sadd.s32 s24, s7;
	(pc) =	sbr.rel .LBB2_1-.Ltmp0, $4  }
0x17: {  	s20 =	sadd.s32 s24, s3;
	s21 =	sadd.s32 s25, s7;
	s22 =	sadd.s32 s25, s3  }
0x18: {  	s23 =	sadd.s32 s26, s7;
	s24 =	sadd.s32 s26, s3;
	s25 =	simm.s32 $0x400  }
0x19: {  	s26 =	simm.s32 $0x4;
	s3 =	simm.s32 $0x3;
	[dreg:$0x6] =	wrdreg s14  }
0x1a: {  	v0 =	vimm.f32 $0.0e+00;
	s7 =	simm.s32 $0x8400;
	[dreg:$0x7] =	wrdreg s12;
	s18 =	smul.u32 $0x30, s11  }
.LBB2_10:
0x1b: {  	s9 =	stileid.u32  }
0x1c: {  	s9 =	sshll.u32 s9, $0x6  }
0x1d: {  	[bflag:$0x0] =	sbarrier.arrive $0xFFFF;
	s10 =	sshrl.u32 s6, $0x3;
	s9 =	sor.u32 $0x1C04, s9  }
0x1e: {  	[hbm:s17], [sflag:s9] =	dma.local [spmem:s10], $0x2780  }
0x1f: {  	_ =	swait.ge [sflag:s26], $0x2780  }
0x20: {  	s8 =	sadd.s32 $0x1, s8;
	s15 =	rddreg [dreg:$0x8]  }
0x21: {  	p0 =	sne.s32 s8, s15  }
.Ltmp1:
0x22: {  	_ = 	snop;
	(pc) =	sbr.rel @!p0 .LBB2_11-.Ltmp1, $3  }
0x23: {  	_ =	sdelay $0x1  }
0x24: {  	[sflag:s26] =	ssyncset.done $0x0  }
0x25: {  	[sflag:s26] =	ssyncadd.s32 $0xFFFFD880  }
.LBB2_1:
0x26: {  	s9 =	simm.s32 $0x0;
	s10 =	simm.s32 $0x200  }
.LBB2_2:
0x27: {  	p0 =	sne.s32 s10, $0xFE00;
	[tilespmem:s9+$0x470] =	vst v0  }
0x28: {  	[tilespmem:s9+$0x400] =	vst v0  }
0x29: {  	[tilespmem:s9+$0x410] =	vst v0  }
.Ltmp2:
0x2a: {  	[tilespmem:s9+$0x420] =	vst v0;
	(pc) =	sbr.rel @p0 .LBB2_2-.Ltmp2, $4  }
0x2b: {  	[tilespmem:s9+$0x430] =	vst v0  }
0x2c: {  	[tilespmem:s9+$0x440] =	vst v0  }
0x2d: {  	[tilespmem:s9+$0x450] =	vst v0  }
0x2e: {  	[tilespmem:s9+$0x460] =	vst v0;
	s9 =	sshra.s32 s10, $0x2;
	s10 =	sadd.s32 $0x200, s10  }
0x2f: {  	[tilespmem:s9+$0x470] =	vst v0  }
0x30: {  	[tilespmem:s9+$0x400] =	vst v0  }
0x31: {  	[tilespmem:s9+$0x410] =	vst v0  }
0x32: {  	[tilespmem:s9+$0x420] =	vst v0  }
0x33: {  	[tilespmem:s9+$0x430] =	vst v0  }
0x34: {  	[tilespmem:s9+$0x440] =	vst v0  }
0x35: {  	[tilespmem:s9+$0x450] =	vst v0  }
0x36: {  	[tilespmem:s9+$0x460] =	vst v0  }
0x37: {  	[spmem:s6] =	stream.linear.scatter [tilespmem:s25], [sflag:$0x4], $0x4000, $0x38;
	v63 =	vld [tilespmem:$0x0]  }
0x38: {  	_ =	swait.ge [sflag:s26], $0x4000  }
0x39: {  	[sflag:s26] =	ssyncset.done $0x0  }
0x3a: {  	s14 =	rddreg [dreg:$0x9];
	[sflag:s26] =	ssyncadd.s32 $0xFFFFC000  }
0x3b: {  	[spmem:s14] =	stream.linear.scatter [tilespmem:s25], [sflag:$0x4], $0x4000, $0x38;
	v63 =	vld [tilespmem:$0x0]  }
0x3c: {  	_ =	swait.ge [sflag:s26], $0x4000  }
0x3d: {  	[sflag:s26] =	ssyncset.done $0x0  }
0x3e: {  	s15 =	rddreg [dreg:$0xa];
	[sflag:s26] =	ssyncadd.s32 $0xFFFFC000  }
0x3f: {  	[spmem:s15] =	stream.linear.scatter [tilespmem:s25], [sflag:$0x4], $0x4000, $0x38;
	v63 =	vld [tilespmem:$0x0]  }
0x40: {  	_ =	swait.ge [sflag:s26], $0x4000  }
0x41: {  	[sflag:s26] =	ssyncset.done $0x0  }
0x42: {  	s10 =	rddreg [dreg:$0xb];
	[sflag:s26] =	ssyncadd.s32 $0xFFFFC000  }
0x43: {  	[spmem:s10] =	stream.linear.scatter [tilespmem:s25], [sflag:$0x4], $0x4000, $0x38;
	v63 =	vld [tilespmem:$0x0]  }
0x44: {  	_ =	swait.ge [sflag:s26], $0x4000  }
0x45: {  	[sflag:s26] =	ssyncset.done $0x0  }
0x46: {  	s11 =	rddreg [dreg:$0x3];
	[sflag:s26] =	ssyncadd.s32 $0xFFFFC000  }
0x47: {  	[spmem:s11] =	stream.linear.scatter [tilespmem:s25], [sflag:$0x4], $0x4000, $0x38;
	v63 =	vld [tilespmem:$0x0]  }
0x48: {  	_ =	swait.ge [sflag:s26], $0x4000  }
0x49: {  	[sflag:s26] =	ssyncset.done $0x0  }
0x4a: {  	[sflag:s26] =	ssyncadd.s32 $0xFFFFC000  }
0x4b: {  	[bflag:$0x0] =	sbarrier.arrive $0xFFFF  }
0x4c: {  	s11 =	simm.s32 $0x0;
	s12 =	rddreg [dreg:$0x4]  }
0x4d: {  	[tilespmem:s11], [sflag:$0x4] =	stream.linear.gather [hbm4b:s12+s11], $0x80, $0x38;
	v63 =	vld [tilespmem:$0x0]  }
0x4e: {  	_ =	swait.ge [sflag:s26], $0x80  }
0x4f: {  	[sflag:s26] =	ssyncset.done $0x0  }
0x50: {  	s10 =	simm.s32 $0x200;
	s13 =	rddreg [dreg:$0x5];
	[sflag:s26] =	ssyncadd.s32 $0xFFFFFF80  }
0x51: {  	[tilespmem:s10], [sflag:$0x4] =	stream.linear.gather [hbm4b:s13+s11], $0x80, $0x38;
	v63 =	vld [tilespmem:$0x0]  }
0x52: {  	_ =	swait.ge [sflag:s26], $0x80  }
0x53: {  	[sflag:s26] =	ssyncset.done $0x0  }
0x54: {  	[sflag:s26] =	ssyncadd.s32 $0xFFFFFF80  }
0x55: {  	[tilespmem:s25], [sflag:$0x1] =	stream.indirect.gather [hbm4b:s4+s29], $0x80, s11, s29, $0xb8;
	v63 =	vld [tilespmem:$0x0]  }
0x56: {  	s14 =	rddreg [dreg:$0x6]  }
0x57: {  	[tilespmem:s29], [sflag:$0x4] =	stream.linear.gather [hbm4b:s14+s11], $0x80, $0x38;
	v63 =	vld [tilespmem:$0x0]  }
0x58: {  	_ =	swait.ge [sflag:s26], $0x80  }
0x59: {  	[sflag:s26] =	ssyncset.done $0x0  }
0x5a: {  	s15 =	rddreg [dreg:$0x7];
	[sflag:s26] =	ssyncadd.s32 $0xFFFFFF80  }
0x5b: {  	[tilespmem:s30], [sflag:$0x4] =	stream.linear.gather [hbm4b:s15+s11], $0x80, $0x38;
	v63 =	vld [tilespmem:$0x0]  }
.Ltmp3:
0x5c: {  	_ = 	snop;
	(pc) =	sbr.rel .LBB2_4-.Ltmp3, $4  }
0x5d: {  	_ =	swait.ge [sflag:s26], $0x80  }
0x5e: {  	[sflag:s26] =	ssyncset.done $0x0  }
0x5f: {  	s9 =	simm.s32 $0x0;
	[sflag:s26] =	ssyncadd.s32 $0xFFFFFF80  }
0x60: {  	[tilespmem:s31], [sflag:$0x2] =	stream.indirect.gather [hbm4b:s4+s29], $0x80, s29, s29, $0xb8;
	v63 =	vld [tilespmem:$0x0]  }
.LBB2_7:
0x61: {  	s10 =	sadd.s32 s9, s20  }
0x62: {  	[tilespmem:s29], [sflag:$0x5] =	stream.linear.gather [hbm4b:s10+s2], $0x80, $0x38;
	v63 =	vld [tilespmem:$0x0]  }
0x63: {  	_ =	swait.ge [sflag:s0], $0x80  }
0x64: {  	[sflag:s0] =	ssyncset.done $0x0  }
0x65: {  	s15 =	sadd.s32 s9, s19;
	[sflag:s0] =	ssyncadd.s32 $0xFFFFFF80  }
0x66: {  	[tilespmem:s30], [sflag:$0x5] =	stream.linear.gather [hbm4b:s15+s2], $0x80, $0x38;
	v63 =	vld [tilespmem:$0x0]  }
0x67: {  	_ =	swait.ge [sflag:s0], $0x80  }
0x68: {  	[sflag:s0] =	ssyncset.done $0x0  }
0x69: {  	[sflag:s0] =	ssyncadd.s32 $0xFFFFFF80  }
0x6a: {  	_ =	swait.ge [sflag:s3], $0x4000  }
0x6b: {  	[sflag:s3] =	ssyncset.done $0x0  }
0x6c: {  	[sflag:s3] =	ssyncadd.s32 $0xFFFFC000  }
0x6d: {  	[tilespmem:s31], [sflag:$0x2] =	stream.indirect.gather [hbm4b:s4+s29], $0x80, s29, s29, $0xb8;
	v63 =	vld [tilespmem:$0x0]  }
.LBB2_8:
0x6e: {  	[spmem:s1] =	stream.indirect.scatter.add.f32 [tilespmem:s7], [sflag:$0x4], $0x80, s28, s29, $0xb8;
	v63 =	vld [tilespmem:$0x0]  }
0x6f: {  	_ =	swait.ge [sflag:s26], $0x4000  }
0x70: {  	[sflag:s26] =	ssyncset.done $0x0  }
0x71: {  	[sflag:s26] =	ssyncadd.s32 $0xFFFFC000  }
.LBB2_9:
0x72: {  	s9 =	sadd.s32 $0x30, s9  }
0x73: {  	p0 =	sne.s32 s18, s9  }
.Ltmp4:
0x74: {  	_ = 	snop;
	(pc) =	sbr.rel @!p0 .LBB2_10-.Ltmp4, $1  }
0x75: {  	_ =	sdelay $0x3  }
.LBB2_4:
0x76: {  	s10 =	smov.u32 s11;
	s11 =	sadd.s32 $0x2, s11  }
0x77: {  	p0 =	sge.u32 s11, s5  }
0x78: {  	s12 =	sadd.s32 @!p0 s9, s24;
	s13 =	simm.s32 @!p0 $0x0;
	s14 =	simm.s32 @!p0 $0x100  }
0x79: {  	[tilespmem:s14], [sflag:$0x5] =	stream.linear.gather @!p0 [hbm4b:s12+s13], $0x80, $0x38;
	v63 =	vld [tilespmem:$0x0]  }
0x7a: {  	s12 =	simm.s32 @!p0 $0x5  }
0x7b: {  	_ =	swait.ge @!p0 [sflag:s12], $0x80  }
0x7c: {  	[sflag:s12] =	ssyncset.done @!p0 $0x0  }
0x7d: {  	s15 =	simm.s32 @!p0 $0x300;
	s14 =	sadd.s32 @!p0 s9, s23;
	[sflag:s12] =	ssyncadd.s32 @!p0 $0xFFFFFF80  }
0x7e: {  	[tilespmem:s15], [sflag:$0x5] =	stream.linear.gather @!p0 [hbm4b:s14+s13], $0x80, $0x38;
	v63 =	vld [tilespmem:$0x0]  }
0x7f: {  	_ =	swait.ge @!p0 [sflag:s12], $0x80  }
0x80: {  	p1 =	sge.u32 s10, s5;
	[sflag:s12] =	ssyncset.done @!p0 $0x0  }
0x81: {  	p2 =	sge.u32 @!p1 s11, s5;
	[sflag:s12] =	ssyncadd.s32 @!p0 $0xFFFFFF80;
	s12 =	simm.s32 @!p1 $0x1  }
0x82: {  	p2 =	por p2, p1;
	_ =	swait.ge @!p1 [sflag:s12], $0x4000  }
0x83: {  	s11 =	simm.s32 @!p2 $0x80;
	[sflag:s12] =	ssyncset.done @!p1 $0x0  }
0x84: {  	s13 =	simm.s32 @!p2 $0x8400;
	[sflag:s12] =	ssyncadd.s32 @!p1 $0xFFFFC000;
	s12 =	simm.s32 @!p2 $0x100  }
0x85: {  	[tilespmem:s13], [sflag:$0x3] =	stream.indirect.gather @!p2 [hbm4b:s4+s11], $0x80, s12, s11, $0xb8;
	v63 =	vld [tilespmem:$0x0]  }
0x86: {  	s11 =	simm.s32 @!p1 $0x80;
	s12 =	simm.s32 @!p1 $0x200;
	s13 =	simm.s32 @!p1 $0x400  }
0x87: {  	[spmem:s1] =	stream.indirect.scatter.add.f32 @!p1 [tilespmem:s13], [sflag:$0x5], $0x80, s12, s11, $0xb8;
	v63 =	vld [tilespmem:$0x0]  }
0x88: {  	s12 =	simm.s32 @!p1 $0x5  }
0x89: {  	s11 =	sadd.s32 $0x3, s10;
	_ =	swait.ge @!p1 [sflag:s12], $0x4000  }
0x8a: {  	p2 =	sge.u32 s11, s5;
	[sflag:s12] =	ssyncset.done @!p1 $0x0  }
0x8b: {  	s13 =	simm.s32 @!p2 $0x0;
	[sflag:s12] =	ssyncadd.s32 @!p1 $0xFFFFC000;
	s12 =	sadd.s32 @!p2 s9, s22  }
0x8c: {  	[tilespmem:s13], [sflag:$0x5] =	stream.linear.gather @!p2 [hbm4b:s12+s13], $0x80, $0x38;
	v63 =	vld [tilespmem:$0x0]  }
0x8d: {  	s12 =	simm.s32 @!p2 $0x5  }
0x8e: {  	_ =	swait.ge @!p2 [sflag:s12], $0x80  }
0x8f: {  	[sflag:s12] =	ssyncset.done @!p2 $0x0  }
0x90: {  	s14 =	sadd.s32 @!p2 s9, s21;
	s15 =	simm.s32 @!p2 $0x200;
	[sflag:s12] =	ssyncadd.s32 @!p2 $0xFFFFFF80  }
0x91: {  	[tilespmem:s15], [sflag:$0x5] =	stream.linear.gather @!p2 [hbm4b:s14+s13], $0x80, $0x38;
	v63 =	vld [tilespmem:$0x0]  }
0x92: {  	_ =	swait.ge @!p2 [sflag:s12], $0x80  }
0x93: {  	p1 =	sge.u32 s10, s16;
	[sflag:s12] =	ssyncset.done @!p2 $0x0  }
0x94: {  	[sflag:s12] =	ssyncadd.s32 @!p2 $0xFFFFFF80;
	s12 =	simm.s32 @!p1 $0x2;
	p2 =	sge.u32 @!p1 s11, s5  }
0x95: {  	_ =	swait.ge @!p1 [sflag:s12], $0x4000;
	p2 =	por p2, p1  }
0x96: {  	[sflag:s12] =	ssyncset.done @!p1 $0x0;
	s13 =	simm.s32 @!p2 $0x0  }
0x97: {  	s14 =	simm.s32 @!p2 $0x400;
	[sflag:s12] =	ssyncadd.s32 @!p1 $0xFFFFC000;
	s12 =	simm.s32 @!p2 $0x80  }
0x98: {  	[tilespmem:s14], [sflag:$0x1] =	stream.indirect.gather @!p2 [hbm4b:s4+s12], $0x80, s13, s12, $0xb8;
	v63 =	vld [tilespmem:$0x0]  }
0x99: {  	s10 =	sadd.s32 $0x4, s10;
	s12 =	simm.s32 @!p1 $0x80  }
0x9a: {  	s13 =	simm.s32 @!p1 $0x280;
	s14 =	simm.s32 @!p1 $0x4400;
	p2 =	slt.u32 s10, s5  }
0x9b: {  	[spmem:s1] =	stream.indirect.scatter.add.f32 @!p1 [tilespmem:s14], [sflag:$0x5], $0x80, s13, s12, $0xb8;
	v63 =	vld [tilespmem:$0x0]  }
.Ltmp5:
0x9c: {  	_ = 	snop;
	(pc) =	sbr.rel @p2 .LBB2_7-.Ltmp5, $4  }
0x9d: {  	s12 =	simm.s32 @!p1 $0x5  }
0x9e: {  	_ =	swait.ge @!p1 [sflag:s12], $0x4000  }
0x9f: {  	[sflag:s12] =	ssyncset.done @!p1 $0x0  }
0xa0: {  	[sflag:s12] =	ssyncadd.s32 @!p1 $0xFFFFC000  }
.Ltmp6:
0xa1: {  	(pc) =	sbr.rel @p0 .LBB2_9-.Ltmp6, $1  }
0xa2: {  	_ =	sdelay $0x3  }
.Ltmp7:
0xa3: {  	(pc) =	sbr.rel .LBB2_8-.Ltmp7, $4  }
0xa4: {  	_ = 	snop  }
0xa5: {  	_ =	swait.ge [sflag:s3], $0x4000  }
0xa6: {  	[sflag:s3] =	ssyncset.done $0x0  }
0xa7: {  	[sflag:s3] =	ssyncadd.s32 $0xFFFFC000  }
.LBB2_11:
0xa8: {  	_ =	sfence.sel $0x180000  }
0xa9: {  	[bflag:$0x0] =	sbarrier.arrive $0xFFFF  }
0xaa: {  	_ =	strace $0x9000004D  }
0xab: {  	s0 =	stileid.u32;
	[bflag:$0x2] =	sbarrier.arrive $0xFFFF  }
0xac: {  	p0 =	sne.s32 s0, $0x0;
	s0 =	rddreg [dreg:$0x2]  }
0xad: {  	s0 =	sadd.s32 @!p0 $0x100000, s0  }
0xae: {  	[sflag:s0] =	ssyncadd.tile.s32 @!p0 $0x1;
	_ =	shalt  }
.Lfunc_end2:
_tile_overlayer_lowered:
.L_overlay_start_2:
0xaf: {  	(tag) =	ssettag $0x2  }
0xb0: {  	s0 =	rddreg [dreg:$0x0];
	s2 =	stileid.u32  }
0xb1: {  	s1 =	rddreg [dreg:$0x1];
	p0 =	sne.s32 s2, $0x0  }
0xb2: {  	s3 =	rddreg [dreg:$0x2];
	[bflag:$0x3] =	sbarrier.arrive $0xFFFF;
	s2 =	simm.s32 @!p0 $0x1C04  }
0xb3: {  	[timem:s3], [sflag:s2] =	dma.local @!p0 [hbm:s0], s1  }
0xb4: {  	s0 =	simm.s32 @!p0 $0x4  }
0xb5: {  	_ =	swait.ge @!p0 [sflag:s0], s1  }
0xb6: {  	s1 =	ssub.s32 @!p0 $0x0, s1;
	[sflag:s0] =	ssyncset.done @!p0 $0x0  }
0xb7: {  	[sflag:s0] =	ssyncadd.s32 @!p0 s1  }
0xb8: {  	[bflag:$0x3] =	sbarrier.arrive $0xFFFF  }
0xb9: {  	_ =	shalt  }

// kernel: kernel.20.cloned.1.call-start
scs
__scs_entry_jumppad:
0x0: {  	(pc) =	sbr.rel $0x88, $3  }
0x1: {  	(tag) =	ssettag $0x0;
	lr =	simm.s32 $0x1  }
0x2: {  	[smem:$0x3F90] =	sst lr;
	_ =	strace $0xD0000000  }
0x3: {  	_ = 	snop  }
0x4: {  	_ = 	snop  }
0x5: {  	_ = 	snop  }
0x6: {  	_ = 	snop  }
0x7: {  	_ = 	snop  }
__scs_overlays_trampoline_lowered:
0x8: {  	[smem:$0x3F9F] =	sst s0  }
0x9: {  	[smem:$0x3FA0] =	sst s1  }
0xa: {  	[smem:$0x3FA1] =	sst s2  }
0xb: {  	[smem:$0x3FA2] =	sst s3  }
0xc: {  	[smem:$0x3FA3] =	sst s4  }
0xd: {  	[smem:$0x3FA4] =	sst s5  }
0xe: {  	[smem:$0x3FA5] =	sst s6  }
0xf: {  	[smem:$0x3FA6] =	sst s7  }
0x10: {  	[smem:$0x3FA7] =	sst s8  }
0x11: {  	[smem:$0x3FA8] =	sst s9;
	s0 =	simm.s32 @!p0 $0x0  }
0x12: {  	s1 =	sld [smem:$0x3F8E];
	s0 =	simm.s32 @p0 $0x1  }
0x13: {  	[smem:$0x3FA9] =	sst s0;
	s0 =	simm.s32 @!p1 $0x0  }
0x14: {  	s2 =	sld [smem:$0x3F8D];
	s0 =	simm.s32 @p1 $0x1  }
0x15: {  	[smem:$0x3FAA] =	sst s0;
	s0 =	simm.s32 @!p2 $0x0  }
0x16: {  	s3 =	sld [smem:$0x3FDB];
	s0 =	simm.s32 @p2 $0x1  }
0x17: {  	s4 =	simm.s32 $0x1BF5;
	[smem:$0x3FAC] =	sst s0  }
0x18: {  	s0 =	sld [smem:$0x3F8F];
	_ =	swait.ge [sflag:s4], $0x0  }
0x19: {  	s7 =	sld [smem:$0x3F90]  }
0x1a: {  	s8 =	sadd.s32 $0xFFFFE003, lr  }
0x1b: {  	s9 =	sadd.s32 $0xFFFFFEF7, lr;
	s5 =	simm.s32 $0xFFFFFFFF;
	p2 =	slt.u32 s8, $0xFFFFF086  }
0x1c: {  	p1 =	slt.u32 s9, $0xF7A;
	s5 =	simm.s32 @!p2 $0x0  }
0x1d: {  	s5 =	simm.s32 @p1 $0x1;
	p0 =	seq.s32 s7, s2  }
0x1e: {  	s7 =	smul.u32 @!p0 $0xF7A, s2;
	p2 =	seq.s32 @!p0 s5, $0x0  }
0x1f: {  	s9 =	smul.u32 $0xF7A, s1;
	s8 =	simm.s32 @!p0 $0x1BF5;
	p2 =	por !p2, p0  }
0x20: {  	[sflag:s8] =	ssyncset.s32 @!p0 $0xFFFFF086;
	s6 =	sadd.s32 @!p0 s3, s7;
	s7 =	simm.s32 @!p0 $0x108  }
0x21: {  	s3 =	sadd.s32 s3, s9;
	s6 =	sadd.s32 @!p0 $0x88, s6;
	s7 =	simm.s32 @p2 $0x1082  }
0x22: {  	[simem:s7], [sflag:s8] =	dma.local @!p0 [hbm:s6], $0xF7A  }
0x23: {  	s9 =	sor.u32 $0xD0000000, s2;
	s6 =	simm.s32 $0x108;
	_ =	swait.ge @!p0 [sflag:s8], $0x0  }
0x24: {  	s3 =	sadd.s32 $0x88, s3;
	s6 =	simm.s32 @!p1 $0x1082;
	[sflag:s4] =	ssyncset.s32 $0xFFFFF086  }
0x25: {  	[simem:s6], [sflag:s4] =	dma.local [hbm:s3], $0xF7A  }
0x26: {  	[smem:$0x3F90] =	sst s1;
	(tag) =	ssettag s2;
	_ =	strace s9  }
0x27: {  	s1 =	sld [smem:$0x3FA0]  }
0x28: {  	s2 =	sld [smem:$0x3FA1]  }
0x29: {  	s4 =	sld [smem:$0x3FA3]  }
0x2a: {  	p0 =	seq.s32 s5, $0x0;
	s5 =	sld [smem:$0x3FA4]  }
0x2b: {  	s6 =	sld [smem:$0x3FA5]  }
0x2c: {  	s7 =	sld [smem:$0x3FA6]  }
0x2d: {  	s3 =	simm.s32 $0x108;
	s8 =	sld [smem:$0x3FA7]  }
0x2e: {  	s3 =	simm.s32 @!p0 $0x1082;
	s9 =	sld [smem:$0x3FA8]  }
0x2f: {  	lr =	sadd.s32 s0, s3;
	s0 =	sld [smem:$0x3F9F]  }
0x30: {  	s3 =	sld [smem:$0x3FA2]  }
0x31: {  	[smem:$0x3FAB] =	sst s10  }
0x32: {  	s10 =	sld [smem:$0x3FA9];
	_ =	sdelay $0x3  }
0x33: {  	p0 =	seq.s32 s10, $0x1;
	s10 =	sld [smem:$0x3FAB];
	_ =	sdelay $0x3  }
0x34: {  	[smem:$0x3FAB] =	sst s10  }
0x35: {  	s10 =	sld [smem:$0x3FAA];
	_ =	sdelay $0x3  }
0x36: {  	p1 =	seq.s32 s10, $0x1;
	s10 =	sld [smem:$0x3FAB];
	_ =	sdelay $0x3  }
0x37: {  	[smem:$0x3FAB] =	sst s10  }
0x38: {  	s10 =	sld [smem:$0x3FAC]  }
0x39: {  	_ = 	snop;
	(pc) =	sbr.ind lr, $3  }
0x3a: {  	_ = 	snop  }
0x3b: {  	_ = 	snop  }
0x3c: {  	p2 =	seq.s32 s10, $0x1;
	s10 =	sld [smem:$0x3FAB]  }
0x3d: {  	_ =	shalt  }
0x3e: {  	_ =	shalt  }
0x3f: {  	_ =	shalt  }
0x40: {  	_ =	shalt  }
0x41: {  	_ =	shalt  }
0x42: {  	_ =	shalt  }
0x43: {  	_ =	shalt  }
0x44: {  	_ =	shalt  }
0x45: {  	_ =	shalt  }
0x46: {  	_ =	shalt  }
0x47: {  	_ =	shalt  }
0x48: {  	_ =	shalt  }
0x49: {  	_ =	shalt  }
0x4a: {  	_ =	shalt  }
0x4b: {  	_ =	shalt  }
0x4c: {  	_ =	shalt  }
0x4d: {  	_ =	shalt  }
0x4e: {  	_ =	shalt  }
0x4f: {  	_ =	shalt  }
0x50: {  	_ =	shalt  }
0x51: {  	_ =	shalt  }
0x52: {  	_ =	shalt  }
0x53: {  	_ =	shalt  }
0x54: {  	_ =	shalt  }
0x55: {  	_ =	shalt  }
0x56: {  	_ =	shalt  }
0x57: {  	_ =	shalt  }
0x58: {  	_ =	shalt  }
0x59: {  	_ =	shalt  }
0x5a: {  	_ =	shalt  }
0x5b: {  	_ =	shalt  }
0x5c: {  	_ =	shalt  }
0x5d: {  	_ =	shalt  }
0x5e: {  	_ =	shalt  }
0x5f: {  	_ =	shalt  }
0x60: {  	_ =	shalt  }
0x61: {  	_ =	shalt  }
0x62: {  	_ =	shalt  }
0x63: {  	_ =	shalt  }
0x64: {  	_ =	shalt  }
0x65: {  	_ =	shalt  }
0x66: {  	_ =	shalt  }
0x67: {  	_ =	shalt  }
0x68: {  	_ =	shalt  }
0x69: {  	_ =	shalt  }
0x6a: {  	_ =	shalt  }
0x6b: {  	_ =	shalt  }
0x6c: {  	_ =	shalt  }
0x6d: {  	_ =	shalt  }
0x6e: {  	_ =	shalt  }
0x6f: {  	_ =	shalt  }
0x70: {  	_ =	shalt  }
0x71: {  	_ =	shalt  }
0x72: {  	_ =	shalt  }
0x73: {  	_ =	shalt  }
0x74: {  	_ =	shalt  }
0x75: {  	_ =	shalt  }
0x76: {  	_ =	shalt  }
0x77: {  	_ =	shalt  }
0x78: {  	_ =	shalt  }
0x79: {  	_ =	shalt  }
0x7a: {  	_ =	shalt  }
0x7b: {  	_ =	shalt  }
0x7c: {  	_ =	shalt  }
0x7d: {  	_ =	shalt  }
0x7e: {  	_ =	shalt  }
0x7f: {  	_ =	shalt  }
0x80: {  	_ =	shalt  }
0x81: {  	_ =	shalt  }
0x82: {  	_ =	shalt  }
0x83: {  	_ =	shalt  }
0x84: {  	_ =	shalt  }
0x85: {  	_ =	shalt  }
0x86: {  	_ =	shalt  }
0x87: {  	_ =	shalt  }
.Lfunc_end0:
.L_simem_size_0:
called_computation.3_lowered:
.L_overlay_start_0:
0x88: {  	s2 =	sld [smem:$0x3FD9]  }
0x89: {  	s3 =	sld [smem:$0x3FFE];
	_ =	sdelay $0x1  }
0x8a: {  	s1 =	srdreg.scid  }
0x8b: {  	s0 =	sand.u32 $0x1, s1  }
0x8c: {  	s16 =	sshll.u32 s0, $0xA;
	s2 =	sadd.s32 s3, s2  }
0x8d: {  	s2 =	sadd.s32 s2, s16  }
0x8e: {  	[smem:$0x3FB7] =	sst s2  }
0x8f: {  	_ = 	snop  }
0x90: {  	(tm) =	ssettm $0x1  }
0x91: {  	s17 =	sld [smem:$0x3FFB];
	_ =	sdelay $0x3  }
0x92: {  	_ =	strace s17  }
0x93: {  	s2 =	sld [smem:$0x3FFC];
	_ =	sdelay $0x3  }
0x94: {  	_ =	strace s2  }
0x95: {  	s2 =	sld [smem:$0x3FFD];
	_ =	sdelay $0x3  }
0x96: {  	_ =	strace s2  }
0x97: {  	_ =	strace $0x8FFFFFFF  }
0x98: {  	s18 =	sld [smem:$0x3FDB];
	_ =	sdelay $0x1  }
0x99: {  	s19 =	simm.s32 $_scs_section_size  }
0x9a: {  	s4 =	simm.s32 $_size__tile_overlayer_lowered;
	s5 =	simm.s32 $_tile_overlayer_lowered  }
0x9b: {  	s22 =	simm.s32 $0x1BFF;
	s21 =	sshll.u32 s5, $0x1;
	s2 =	sadd.s32 s19, s18  }
0x9c: {  	s6 =	simm.s32 $0x0;
	s20 =	sshll.u32 s4, $0x1;
	s4 =	sadd.s32 s21, s2  }
0x9d: {  	[timem:s6], [sflag:s22] =	dma.local [hbm:s4], s20  }
0x9e: {  	_ =	swait.ge [sflag:s22], s20  }
0x9f: {  	s3 =	ssub.s32 $0x0, s20;
	[sflag:s22] =	ssyncset.done $0x0  }
0xa0: {  	[sflag:s22] =	ssyncadd.s32 s3;
	_ =	sdelay $0x1  }
0xa1: {  	s23 =	simm.s32 $0x1B8B  }
0xa2: {  	_ =	swait.ge [sflag:s23], $0x1  }
0xa3: {  	[sflag:s23] =	ssyncset.done $0x0  }
0xa4: {  	s25 =	simm.s32 $0x1B8E;
	s24 =	sld [smem:$0x3FFE];
	[sflag:s23] =	ssyncadd.s32 $0xFFFFFFFF  }
0xa5: {  	s26 =	simm.s32 $execute0_lowered;
	[smem:$0x3FD2] =	sst s25  }
0xa6: {  	s4 =	sshll.u32 s26, $0x1;
	_ =	strace $0x8000004F;
	[dreg:$0x1] =	wrdreg $0xFFFFFFFF  }
0xa7: {  	s28 =	simm.s32 $_size_execute0_lowered;
	s2 =	sadd.s32 s2, s4;
	[dreg:$0x0] =	wrdreg $0x0  }
0xa8: {  	s4 =	sshll.u32 s28, $0x1;
	[dreg:$0x2] =	wrdreg s2  }
0xa9: {  	[dreg:$0x3] =	wrdreg s4  }
0xaa: {  	[dreg:$0x4] =	wrdreg $0xC0  }
0xab: {  	_ =	task [dreg:s6], $0x5FFFF  }
0xac: {  	[dreg:$0x1] =	wrdreg $0xFFFFFFFF  }
0xad: {  	[dreg:$0x0] =	wrdreg $0x60  }
0xae: {  	[dreg:$0x2] =	wrdreg s24  }
0xaf: {  	[dreg:$0x3] =	wrdreg $0xC4000  }
0xb0: {  	[dreg:$0x4] =	wrdreg $0x9  }
0xb1: {  	_ =	task.clear_ibuf [dreg:s6], $0x5FFFF;
	_ =	strace $0x9000004F  }
0xb2: {  	s29 =	simm.s32 $0x9;
	_ =	strace $0x80000051  }
0xb3: {  	_ =	swait.ge [sflag:s29], $0x1  }
0xb4: {  	[sflag:s29] =	ssyncadd.s32 $0xFFFFFFFF  }
0xb5: {  	_ =	strace $0x90000051  }
0xb6: {  	_ =	sfence  }
0xb7: {  	s30 =	sld [smem:$0x0];
	_ =	sdelay $0x2  }
0xb8: {  	s31 =	sshll.u32 s1, $0xD;
	s1 =	sshrl.u32 s1, $0x2  }
0xb9: {  	s3 =	sand.u32 $0x4000, s31;
	s1 =	sadd.s32 s1, s30  }
0xba: {  	s0 =	sor.u32 s3, s0;
	s1 =	sshll.u32 s1, $0x11  }
0xbb: {  	s0 =	sor.u32 s1, s0  }
0xbc: {  	s0 =	sadd.s32 $0x8F2B, s0  }
0xbd: {  	[sflag:s0] =	ssyncadd.remote.s32 $0x1  }
0xbe: {  	_ =	sfence.sel $0xFFFF  }
0xbf: {  	[dreg:$0x0] =	wrdreg $0xFFFFFFFF;
	(pc) =	sbr.abs _section_cstart, $3  }
0xc0: {  	[dreg:$0x1] =	wrdreg $0xFFFFFFFF  }
0xc1: {  	_ =	task.clear_ibuf [dreg:s6], $0x2FFFF;
	_ =	strace $0x9FFFFFFF  }
0xc2: {  	(tm) =	ssettm $0x7FFFFFFF  }
0xc3: {  	_ =	shalt  }
tec
execute0_lowered:
.L_overlay_start_1:
0x0: {  	(tag) =	ssettag $0x1  }
0x1: {  	s0 =	rddreg [dreg:$0x0]  }
0x2: {  	s1 =	rddreg [dreg:$0x1]  }
0x3: {  	s2 =	simm.s32 $0x0;
	s5 =	srdreg.scid;
	s13 =	stileid.u32  }
0x4: {  	s29 =	simm.s32 $0x80;
	s30 =	simm.s32 $0x280;
	s31 =	simm.s32 $0x4400  }
0x5: {  	s28 =	simm.s32 $0x300;
	[smem:$0x7FF] =	sst s2;
	s4 =	sadd.s32 $0x18E00, s0  }
0x6: {  	s3 =	sadd.s32 $0xEE00, s0;
	s7 =	sadd.s32 $0x4E00, s0;
	s9 =	smul.u32 $0xB00, s13  }
0x7: {  	s5 =	sand.u32 $0x1, s5;
	s8 =	sadd.s32 $0x40000, s0;
	s11 =	smul.u32 $0x4F000, s13  }
0x8: {  	s0 =	sadd.s32 $0x67800, s0;
	s17 =	smul.u32 $0x2780, s13;
	_ =	strace $0x80000050  }
0x9: {  	s6 =	ssub.s32 $0x2, s5;
	p0 =	seq.s32 s5, $0x0;
	s5 =	simm.s32 $0x8A  }
0xa: {  	s10 =	sshrl.u32 s6, $0x1;
	s9 =	sadd.s32 $0x45000, s9;
	s11 =	sshrl.u32 s11, $0x2  }
0xb: {  	s5 =	simm.s32 @!p0 $0x16;
	s10 =	ssub.s32 s6, s10;
	s6 =	smul.u32 $0x4500, s13  }
0xc: {  	s0 =	smov.u32 @p0 s8;
	s8 =	simm.s32 $0x0;
	s18 =	smul.u32 $0xAB, s5  }
0xd: {  	s16 =	sadd.s32 $0xFFFFFFFF, s5;
	s17 =	sadd.s32 s0, s17;
	s0 =	simm.s32 $0x5  }
0xe: {  	s10 =	smax.u32 s10, $0x1;
	s9 =	smov.u32 @p0 s6;
	s6 =	sadd.s32 s11, s1  }
0xf: {  	[dreg:$0x8] =	wrdreg s10;
	s11 =	sadd.s32 $0xFC00, s6;
	s9 =	sshrl.u32 s9, $0x3  }
0x10: {  	s21 =	sadd.s32 $0x4000, s6;
	s22 =	sadd.s32 $0x8000, s6;
	[dreg:$0x3] =	wrdreg s11  }
0x11: {  	s23 =	sadd.s32 $0xC000, s6;
	s12 =	sadd.s32 s3, s9;
	[dreg:$0x9] =	wrdreg s21  }
0x12: {  	s19 =	sadd.s32 s7, s9;
	s20 =	sor.u32 $0x10, s9;
	[dreg:$0xa] =	wrdreg s22  }
0x13: {  	s11 =	sadd.s32 $0x156, s18;
	[dreg:$0xb] =	wrdreg s23;
	s24 =	sadd.s32 $0x40, s9  }
0x14: {  	s25 =	sadd.s32 $0x30, s9;
	s26 =	sadd.s32 $0x20, s9;
	[dreg:$0x4] =	wrdreg s12  }
0x15: {  	[dreg:$0x5] =	wrdreg s19;
	s14 =	sadd.s32 s3, s20;
	s12 =	sadd.s32 s7, s20  }
.Ltmp0:
0x16: {  	s11 =	sshrl.u32 s11, $0x9;
	s19 =	sadd.s32 s24, s7;
	(pc) =	sbr.rel .LBB2_1-.Ltmp0, $4  }
0x17: {  	s20 =	sadd.s32 s24, s3;
	s21 =	sadd.s32 s25, s7;
	s22 =	sadd.s32 s25, s3  }
0x18: {  	s23 =	sadd.s32 s26, s7;
	s24 =	sadd.s32 s26, s3;
	s25 =	simm.s32 $0x400  }
0x19: {  	s26 =	simm.s32 $0x4;
	s3 =	simm.s32 $0x3;
	[dreg:$0x6] =	wrdreg s14  }
0x1a: {  	v0 =	vimm.f32 $0.0e+00;
	s7 =	simm.s32 $0x8400;
	[dreg:$0x7] =	wrdreg s12;
	s18 =	smul.u32 $0x30, s11  }
.LBB2_10:
0x1b: {  	s9 =	stileid.u32  }
0x1c: {  	s9 =	sshll.u32 s9, $0x6  }
0x1d: {  	[bflag:$0x0] =	sbarrier.arrive $0xFFFF;
	s10 =	sshrl.u32 s6, $0x3;
	s9 =	sor.u32 $0x1C04, s9  }
0x1e: {  	[hbm:s17], [sflag:s9] =	dma.local [spmem:s10], $0x2780  }
0x1f: {  	_ =	swait.ge [sflag:s26], $0x2780  }
0x20: {  	s8 =	sadd.s32 $0x1, s8;
	s15 =	rddreg [dreg:$0x8]  }
0x21: {  	p0 =	sne.s32 s8, s15  }
.Ltmp1:
0x22: {  	_ = 	snop;
	(pc) =	sbr.rel @!p0 .LBB2_11-.Ltmp1, $3  }
0x23: {  	_ =	sdelay $0x1  }
0x24: {  	[sflag:s26] =	ssyncset.done $0x0  }
0x25: {  	[sflag:s26] =	ssyncadd.s32 $0xFFFFD880  }
.LBB2_1:
0x26: {  	s9 =	simm.s32 $0x0;
	s10 =	simm.s32 $0x200  }
.LBB2_2:
0x27: {  	p0 =	sne.s32 s10, $0xFE00;
	[tilespmem:s9+$0x470] =	vst v0  }
0x28: {  	[tilespmem:s9+$0x400] =	vst v0  }
0x29: {  	[tilespmem:s9+$0x410] =	vst v0  }
.Ltmp2:
0x2a: {  	[tilespmem:s9+$0x420] =	vst v0;
	(pc) =	sbr.rel @p0 .LBB2_2-.Ltmp2, $4  }
0x2b: {  	[tilespmem:s9+$0x430] =	vst v0  }
0x2c: {  	[tilespmem:s9+$0x440] =	vst v0  }
0x2d: {  	[tilespmem:s9+$0x450] =	vst v0  }
0x2e: {  	[tilespmem:s9+$0x460] =	vst v0;
	s9 =	sshra.s32 s10, $0x2;
	s10 =	sadd.s32 $0x200, s10  }
0x2f: {  	[tilespmem:s9+$0x470] =	vst v0  }
0x30: {  	[tilespmem:s9+$0x400] =	vst v0  }
0x31: {  	[tilespmem:s9+$0x410] =	vst v0  }
0x32: {  	[tilespmem:s9+$0x420] =	vst v0  }
0x33: {  	[tilespmem:s9+$0x430] =	vst v0  }
0x34: {  	[tilespmem:s9+$0x440] =	vst v0  }
0x35: {  	[tilespmem:s9+$0x450] =	vst v0  }
0x36: {  	[tilespmem:s9+$0x460] =	vst v0  }
0x37: {  	[spmem:s6] =	stream.linear.scatter [tilespmem:s25], [sflag:$0x4], $0x4000, $0x38;
	v63 =	vld [tilespmem:$0x0]  }
0x38: {  	_ =	swait.ge [sflag:s26], $0x4000  }
0x39: {  	[sflag:s26] =	ssyncset.done $0x0  }
0x3a: {  	s14 =	rddreg [dreg:$0x9];
	[sflag:s26] =	ssyncadd.s32 $0xFFFFC000  }
0x3b: {  	[spmem:s14] =	stream.linear.scatter [tilespmem:s25], [sflag:$0x4], $0x4000, $0x38;
	v63 =	vld [tilespmem:$0x0]  }
0x3c: {  	_ =	swait.ge [sflag:s26], $0x4000  }
0x3d: {  	[sflag:s26] =	ssyncset.done $0x0  }
0x3e: {  	s15 =	rddreg [dreg:$0xa];
	[sflag:s26] =	ssyncadd.s32 $0xFFFFC000  }
0x3f: {  	[spmem:s15] =	stream.linear.scatter [tilespmem:s25], [sflag:$0x4], $0x4000, $0x38;
	v63 =	vld [tilespmem:$0x0]  }
0x40: {  	_ =	swait.ge [sflag:s26], $0x4000  }
0x41: {  	[sflag:s26] =	ssyncset.done $0x0  }
0x42: {  	s10 =	rddreg [dreg:$0xb];
	[sflag:s26] =	ssyncadd.s32 $0xFFFFC000  }
0x43: {  	[spmem:s10] =	stream.linear.scatter [tilespmem:s25], [sflag:$0x4], $0x4000, $0x38;
	v63 =	vld [tilespmem:$0x0]  }
0x44: {  	_ =	swait.ge [sflag:s26], $0x4000  }
0x45: {  	[sflag:s26] =	ssyncset.done $0x0  }
0x46: {  	s11 =	rddreg [dreg:$0x3];
	[sflag:s26] =	ssyncadd.s32 $0xFFFFC000  }
0x47: {  	[spmem:s11] =	stream.linear.scatter [tilespmem:s25], [sflag:$0x4], $0x4000, $0x38;
	v63 =	vld [tilespmem:$0x0]  }
0x48: {  	_ =	swait.ge [sflag:s26], $0x4000  }
0x49: {  	[sflag:s26] =	ssyncset.done $0x0  }
0x4a: {  	[sflag:s26] =	ssyncadd.s32 $0xFFFFC000  }
0x4b: {  	[bflag:$0x0] =	sbarrier.arrive $0xFFFF  }
0x4c: {  	s11 =	simm.s32 $0x0;
	s12 =	rddreg [dreg:$0x4]  }
0x4d: {  	[tilespmem:s11], [sflag:$0x4] =	stream.linear.gather [hbm4b:s12+s11], $0x80, $0x38;
	v63 =	vld [tilespmem:$0x0]  }
0x4e: {  	_ =	swait.ge [sflag:s26], $0x80  }
0x4f: {  	[sflag:s26] =	ssyncset.done $0x0  }
0x50: {  	s10 =	simm.s32 $0x200;
	s13 =	rddreg [dreg:$0x5];
	[sflag:s26] =	ssyncadd.s32 $0xFFFFFF80  }
0x51: {  	[tilespmem:s10], [sflag:$0x4] =	stream.linear.gather [hbm4b:s13+s11], $0x80, $0x38;
	v63 =	vld [tilespmem:$0x0]  }
0x52: {  	_ =	swait.ge [sflag:s26], $0x80  }
0x53: {  	[sflag:s26] =	ssyncset.done $0x0  }
0x54: {  	[sflag:s26] =	ssyncadd.s32 $0xFFFFFF80  }
0x55: {  	[tilespmem:s25], [sflag:$0x1] =	stream.indirect.gather [hbm4b:s4+s29], $0x80, s11, s29, $0xb8;
	v63 =	vld [tilespmem:$0x0]  }
0x56: {  	s14 =	rddreg [dreg:$0x6]  }
0x57: {  	[tilespmem:s29], [sflag:$0x4] =	stream.linear.gather [hbm4b:s14+s11], $0x80, $0x38;
	v63 =	vld [tilespmem:$0x0]  }
0x58: {  	_ =	swait.ge [sflag:s26], $0x80  }
0x59: {  	[sflag:s26] =	ssyncset.done $0x0  }
0x5a: {  	s15 =	rddreg [dreg:$0x7];
	[sflag:s26] =	ssyncadd.s32 $0xFFFFFF80  }
0x5b: {  	[tilespmem:s30], [sflag:$0x4] =	stream.linear.gather [hbm4b:s15+s11], $0x80, $0x38;
	v63 =	vld [tilespmem:$0x0]  }
.Ltmp3:
0x5c: {  	_ = 	snop;
	(pc) =	sbr.rel .LBB2_4-.Ltmp3, $4  }
0x5d: {  	_ =	swait.ge [sflag:s26], $0x80  }
0x5e: {  	[sflag:s26] =	ssyncset.done $0x0  }
0x5f: {  	s9 =	simm.s32 $0x0;
	[sflag:s26] =	ssyncadd.s32 $0xFFFFFF80  }
0x60: {  	[tilespmem:s31], [sflag:$0x2] =	stream.indirect.gather [hbm4b:s4+s29], $0x80, s29, s29, $0xb8;
	v63 =	vld [tilespmem:$0x0]  }
.LBB2_7:
0x61: {  	s10 =	sadd.s32 s9, s20  }
0x62: {  	[tilespmem:s29], [sflag:$0x5] =	stream.linear.gather [hbm4b:s10+s2], $0x80, $0x38;
	v63 =	vld [tilespmem:$0x0]  }
0x63: {  	_ =	swait.ge [sflag:s0], $0x80  }
0x64: {  	[sflag:s0] =	ssyncset.done $0x0  }
0x65: {  	s15 =	sadd.s32 s9, s19;
	[sflag:s0] =	ssyncadd.s32 $0xFFFFFF80  }
0x66: {  	[tilespmem:s30], [sflag:$0x5] =	stream.linear.gather [hbm4b:s15+s2], $0x80, $0x38;
	v63 =	vld [tilespmem:$0x0]  }
0x67: {  	_ =	swait.ge [sflag:s0], $0x80  }
0x68: {  	[sflag:s0] =	ssyncset.done $0x0  }
0x69: {  	[sflag:s0] =	ssyncadd.s32 $0xFFFFFF80  }
0x6a: {  	_ =	swait.ge [sflag:s3], $0x4000  }
0x6b: {  	[sflag:s3] =	ssyncset.done $0x0  }
0x6c: {  	[sflag:s3] =	ssyncadd.s32 $0xFFFFC000  }
0x6d: {  	[tilespmem:s31], [sflag:$0x2] =	stream.indirect.gather [hbm4b:s4+s29], $0x80, s29, s29, $0xb8;
	v63 =	vld [tilespmem:$0x0]  }
.LBB2_8:
0x6e: {  	[spmem:s1] =	stream.indirect.scatter.add.f32 [tilespmem:s7], [sflag:$0x4], $0x80, s28, s29, $0xb8;
	v63 =	vld [tilespmem:$0x0]  }
0x6f: {  	_ =	swait.ge [sflag:s26], $0x4000  }
0x70: {  	[sflag:s26] =	ssyncset.done $0x0  }
0x71: {  	[sflag:s26] =	ssyncadd.s32 $0xFFFFC000  }
.LBB2_9:
0x72: {  	s9 =	sadd.s32 $0x30, s9  }
0x73: {  	p0 =	sne.s32 s18, s9  }
.Ltmp4:
0x74: {  	_ = 	snop;
	(pc) =	sbr.rel @!p0 .LBB2_10-.Ltmp4, $1  }
0x75: {  	_ =	sdelay $0x3  }
.LBB2_4:
0x76: {  	s10 =	smov.u32 s11;
	s11 =	sadd.s32 $0x2, s11  }
0x77: {  	p0 =	sge.u32 s11, s5  }
0x78: {  	s12 =	sadd.s32 @!p0 s9, s24;
	s13 =	simm.s32 @!p0 $0x0;
	s14 =	simm.s32 @!p0 $0x100  }
0x79: {  	[tilespmem:s14], [sflag:$0x5] =	stream.linear.gather @!p0 [hbm4b:s12+s13], $0x80, $0x38;
	v63 =	vld [tilespmem:$0x0]  }
0x7a: {  	s12 =	simm.s32 @!p0 $0x5  }
0x7b: {  	_ =	swait.ge @!p0 [sflag:s12], $0x80  }
0x7c: {  	[sflag:s12] =	ssyncset.done @!p0 $0x0  }
0x7d: {  	s15 =	simm.s32 @!p0 $0x300;
	s14 =	sadd.s32 @!p0 s9, s23;
	[sflag:s12] =	ssyncadd.s32 @!p0 $0xFFFFFF80  }
0x7e: {  	[tilespmem:s15], [sflag:$0x5] =	stream.linear.gather @!p0 [hbm4b:s14+s13], $0x80, $0x38;
	v63 =	vld [tilespmem:$0x0]  }
0x7f: {  	_ =	swait.ge @!p0 [sflag:s12], $0x80  }
0x80: {  	p1 =	sge.u32 s10, s5;
	[sflag:s12] =	ssyncset.done @!p0 $0x0  }
0x81: {  	p2 =	sge.u32 @!p1 s11, s5;
	[sflag:s12] =	ssyncadd.s32 @!p0 $0xFFFFFF80;
	s12 =	simm.s32 @!p1 $0x1  }
0x82: {  	p2 =	por p2, p1;
	_ =	swait.ge @!p1 [sflag:s12], $0x4000  }
0x83: {  	s11 =	simm.s32 @!p2 $0x80;
	[sflag:s12] =	ssyncset.done @!p1 $0x0  }
0x84: {  	s13 =	simm.s32 @!p2 $0x8400;
	[sflag:s12] =	ssyncadd.s32 @!p1 $0xFFFFC000;
	s12 =	simm.s32 @!p2 $0x100  }
0x85: {  	[tilespmem:s13], [sflag:$0x3] =	stream.indirect.gather @!p2 [hbm4b:s4+s11], $0x80, s12, s11, $0xb8;
	v63 =	vld [tilespmem:$0x0]  }
0x86: {  	s11 =	simm.s32 @!p1 $0x80;
	s12 =	simm.s32 @!p1 $0x200;
	s13 =	simm.s32 @!p1 $0x400  }
0x87: {  	[spmem:s1] =	stream.indirect.scatter.add.f32 @!p1 [tilespmem:s13], [sflag:$0x5], $0x80, s12, s11, $0xb8;
	v63 =	vld [tilespmem:$0x0]  }
0x88: {  	s12 =	simm.s32 @!p1 $0x5  }
0x89: {  	s11 =	sadd.s32 $0x3, s10;
	_ =	swait.ge @!p1 [sflag:s12], $0x4000  }
0x8a: {  	p2 =	sge.u32 s11, s5;
	[sflag:s12] =	ssyncset.done @!p1 $0x0  }
0x8b: {  	s13 =	simm.s32 @!p2 $0x0;
	[sflag:s12] =	ssyncadd.s32 @!p1 $0xFFFFC000;
	s12 =	sadd.s32 @!p2 s9, s22  }
0x8c: {  	[tilespmem:s13], [sflag:$0x5] =	stream.linear.gather @!p2 [hbm4b:s12+s13], $0x80, $0x38;
	v63 =	vld [tilespmem:$0x0]  }
0x8d: {  	s12 =	simm.s32 @!p2 $0x5  }
0x8e: {  	_ =	swait.ge @!p2 [sflag:s12], $0x80  }
0x8f: {  	[sflag:s12] =	ssyncset.done @!p2 $0x0  }
0x90: {  	s14 =	sadd.s32 @!p2 s9, s21;
	s15 =	simm.s32 @!p2 $0x200;
	[sflag:s12] =	ssyncadd.s32 @!p2 $0xFFFFFF80  }
0x91: {  	[tilespmem:s15], [sflag:$0x5] =	stream.linear.gather @!p2 [hbm4b:s14+s13], $0x80, $0x38;
	v63 =	vld [tilespmem:$0x0]  }
0x92: {  	_ =	swait.ge @!p2 [sflag:s12], $0x80  }
0x93: {  	p1 =	sge.u32 s10, s16;
	[sflag:s12] =	ssyncset.done @!p2 $0x0  }
0x94: {  	[sflag:s12] =	ssyncadd.s32 @!p2 $0xFFFFFF80;
	s12 =	simm.s32 @!p1 $0x2;
	p2 =	sge.u32 @!p1 s11, s5  }
0x95: {  	_ =	swait.ge @!p1 [sflag:s12], $0x4000;
	p2 =	por p2, p1  }
0x96: {  	[sflag:s12] =	ssyncset.done @!p1 $0x0;
	s13 =	simm.s32 @!p2 $0x0  }
0x97: {  	s14 =	simm.s32 @!p2 $0x400;
	[sflag:s12] =	ssyncadd.s32 @!p1 $0xFFFFC000;
	s12 =	simm.s32 @!p2 $0x80  }
0x98: {  	[tilespmem:s14], [sflag:$0x1] =	stream.indirect.gather @!p2 [hbm4b:s4+s12], $0x80, s13, s12, $0xb8;
	v63 =	vld [tilespmem:$0x0]  }
0x99: {  	s10 =	sadd.s32 $0x4, s10;
	s12 =	simm.s32 @!p1 $0x80  }
0x9a: {  	s13 =	simm.s32 @!p1 $0x280;
	s14 =	simm.s32 @!p1 $0x4400;
	p2 =	slt.u32 s10, s5  }
0x9b: {  	[spmem:s1] =	stream.indirect.scatter.add.f32 @!p1 [tilespmem:s14], [sflag:$0x5], $0x80, s13, s12, $0xb8;
	v63 =	vld [tilespmem:$0x0]  }
.Ltmp5:
0x9c: {  	_ = 	snop;
	(pc) =	sbr.rel @p2 .LBB2_7-.Ltmp5, $4  }
0x9d: {  	s12 =	simm.s32 @!p1 $0x5  }
0x9e: {  	_ =	swait.ge @!p1 [sflag:s12], $0x4000  }
0x9f: {  	[sflag:s12] =	ssyncset.done @!p1 $0x0  }
0xa0: {  	[sflag:s12] =	ssyncadd.s32 @!p1 $0xFFFFC000  }
.Ltmp6:
0xa1: {  	(pc) =	sbr.rel @p0 .LBB2_9-.Ltmp6, $1  }
0xa2: {  	_ =	sdelay $0x3  }
.Ltmp7:
0xa3: {  	(pc) =	sbr.rel .LBB2_8-.Ltmp7, $4  }
0xa4: {  	_ = 	snop  }
0xa5: {  	_ =	swait.ge [sflag:s3], $0x4000  }
0xa6: {  	[sflag:s3] =	ssyncset.done $0x0  }
0xa7: {  	[sflag:s3] =	ssyncadd.s32 $0xFFFFC000  }
.LBB2_11:
0xa8: {  	_ =	sfence.sel $0x180000  }
0xa9: {  	[bflag:$0x0] =	sbarrier.arrive $0xFFFF  }
0xaa: {  	_ =	strace $0x90000050  }
0xab: {  	s0 =	stileid.u32;
	[bflag:$0x2] =	sbarrier.arrive $0xFFFF  }
0xac: {  	p0 =	sne.s32 s0, $0x0;
	s0 =	rddreg [dreg:$0x2]  }
0xad: {  	s0 =	sadd.s32 @!p0 $0x100000, s0  }
0xae: {  	[sflag:s0] =	ssyncadd.tile.s32 @!p0 $0x1;
	_ =	shalt  }
.Lfunc_end2:
_tile_overlayer_lowered:
.L_overlay_start_2:
0xaf: {  	(tag) =	ssettag $0x2  }
0xb0: {  	s0 =	rddreg [dreg:$0x0];
	s2 =	stileid.u32  }
0xb1: {  	s1 =	rddreg [dreg:$0x1];
	p0 =	sne.s32 s2, $0x0  }
0xb2: {  	s3 =	rddreg [dreg:$0x2];
	[bflag:$0x3] =	sbarrier.arrive $0xFFFF;
	s2 =	simm.s32 @!p0 $0x1C04  }
0xb3: {  	[timem:s3], [sflag:s2] =	dma.local @!p0 [hbm:s0], s1  }
0xb4: {  	s0 =	simm.s32 @!p0 $0x4  }
0xb5: {  	_ =	swait.ge @!p0 [sflag:s0], s1  }
0xb6: {  	s1 =	ssub.s32 @!p0 $0x0, s1;
	[sflag:s0] =	ssyncset.done @!p0 $0x0  }
0xb7: {  	[sflag:s0] =	ssyncadd.s32 @!p0 s1  }
0xb8: {  	[bflag:$0x3] =	sbarrier.arrive $0xFFFF  }
0xb9: {  	_ =	shalt  }

</sc_bundles>
